<compile_context>
chip_gen: v7x
topology: tpu7x:2x2x1
jax: 0.10.2.dev20260603
libtpu: 0.0.44.dev20260713+nightly
codegen_flags: <defaults>
</compile_context>

<pallas_src>
import functools

import jax
import jax.numpy as jnp
from jax import lax
from jax.experimental import pallas as pl
from jax.experimental.pallas import tpu as pltpu
from jax.experimental.pallas import tpu_sc as plsc

NC = 2
NS = 16
NW = NC * NS
N = 10000
NPAD = 10240
D = 128
H = D // NC
E = 320000
EP = E // NS
K = 80
CHUNKS = EP // K
SUPC = 250
SUP = CHUNKS // SUPC
NBUF = 5
UNROLL = 10
INNER = SUPC // UNROLL
SLAG = 1
GLEAD = NBUF - SLAG
ROWS_PER_TILE = NPAD // NS


def _sc_segment_sum(x0, x1, src3d, dst3d, *, with_deg):
    mesh = plsc.VectorSubcoreMesh(core_axis_name="c", subcore_axis_name="s")

    out_type = [
        jax.ShapeDtypeStruct((NPAD, H), jnp.float32),
        jax.ShapeDtypeStruct((NPAD, H), jnp.float32),
    ]
    if with_deg:
        out_type.append(jax.ShapeDtypeStruct((NW * NPAD,), jnp.float32))

    scratch = [
        pltpu.VMEM_SHARED((NPAD, H), jnp.float32),
        pltpu.VMEM((SUPC, K), jnp.int32),
        pltpu.VMEM((SUPC, K), jnp.int32),
    ] + [pltpu.VMEM((K, H), jnp.float32) for _ in range(NBUF)] + [
        pltpu.VMEM((NPAD,), jnp.float32),
    ] + [pltpu.SemaphoreType.DMA for _ in range(2 * NBUF)]

    def body(x0_hbm, x1_hbm, src_hbm, dst_hbm, agg0_hbm, agg1_hbm, *rest):
        if with_deg:
            degp_hbm = rest[0]
            scr = rest[1:]
        else:
            scr = rest
        agg_sp = scr[0]
        src_v = scr[1]
        dst_v = scr[2]
        bufs = scr[3:3 + NBUF]
        deg_l = scr[3 + NBUF]
        gsem = scr[4 + NBUF:4 + 2 * NBUF]
        ssem = scr[4 + 2 * NBUF:4 + 3 * NBUF]
        rows_v = bufs[0]

        c = lax.axis_index("c")
        s = lax.axis_index("s")
        w = s * NC + c
        zeros16 = jnp.zeros((16,), jnp.float32)
        ones16 = jnp.ones((16,), jnp.float32)

        def zero_rb(i, carry):
            r = i // (H // 16)
            q = lax.rem(i, H // 16)
            rows_v[r, pl.ds(q * 16, 16)] = zeros16
            return carry
        lax.fori_loop(0, K * (H // 16), zero_rb, 0)
        for b in range(ROWS_PER_TILE // K):
            pltpu.sync_copy(rows_v, agg_sp.at[pl.ds(s * ROWS_PER_TILE + b * K, K)])

        if with_deg:
            def zero_deg(i, carry):
                deg_l[pl.ds(i * 16, 16)] = zeros16
                return carry
            lax.fori_loop(0, NPAD // 16, zero_deg, 0)

        plsc.subcore_barrier()

        def main_loop(xh):
            def super_chunk(g, carry):
                pltpu.sync_copy(src_hbm.at[s, pl.ds(g * SUPC, SUPC)], src_v)
                pltpu.sync_copy(dst_hbm.at[s, pl.ds(g * SUPC, SUPC)], dst_v)
                for r0 in range(GLEAD):
                    pltpu.async_copy(xh.at[src_v.at[r0]], bufs[r0], gsem[r0])

                def inner(p, carry2):
                    for b10 in range(UNROLL):
                        r = p * UNROLL + b10
                        B = b10 % NBUF
                        BF = (b10 + NBUF - SLAG) % NBUF
                        pltpu.make_async_copy(
                            xh.at[src_v.at[r]], bufs[B], gsem[B]).wait()
                        pltpu.async_copy(
                            bufs[B], agg_sp.at[dst_v.at[r]], ssem[B], add=True)
                        if b10 < SLAG:
                            @pl.when(p > 0)
                            def _():
                                pltpu.make_async_copy(
                                    bufs[BF], agg_sp.at[dst_v.at[r - SLAG]],
                                    ssem[BF]).wait()
                        else:
                            pltpu.make_async_copy(
                                bufs[BF], agg_sp.at[dst_v.at[r - SLAG]],
                                ssem[BF]).wait()
                        if b10 < UNROLL - GLEAD:
                            pltpu.async_copy(
                                xh.at[src_v.at[r + GLEAD]], bufs[BF],
                                gsem[BF])
                        else:
                            @pl.when(p < INNER - 1)
                            def _():
                                pltpu.async_copy(
                                    xh.at[src_v.at[r + GLEAD]], bufs[BF],
                                    gsem[BF])
                        if with_deg:
                            @pl.when(r // (SUPC // NC) == c)
                            def _():
                                for q in range(K // 16):
                                    idx = dst_v[r, pl.ds(q * 16, 16)]
                                    plsc.addupdate_scatter(deg_l, [idx],
                                                           ones16)
                    return carry2
                lax.fori_loop(0, INNER, inner, 0)
                for t in range(SLAG):
                    rt = SUPC - SLAG + t
                    BT = rt % NBUF
                    pltpu.make_async_copy(
                        bufs[BT], agg_sp.at[dst_v.at[rt]], ssem[BT]).wait()
                return carry
            lax.fori_loop(0, SUP, super_chunk, 0)

        @pl.when(c == 0)
        def _():
            main_loop(x0_hbm)
        @pl.when(c == 1)
        def _():
            main_loop(x1_hbm)

        if with_deg:
            pltpu.sync_copy(deg_l, degp_hbm.at[pl.ds(w * NPAD, NPAD)])

        plsc.subcore_barrier()

        for ci, agg_hbm in ((0, agg0_hbm), (1, agg1_hbm)):
            @pl.when(c == ci)
            def _(agg_hbm=agg_hbm):
                pltpu.sync_copy(
                    agg_sp.at[pl.ds(s * ROWS_PER_TILE, ROWS_PER_TILE)],
                    agg_hbm.at[pl.ds(s * ROWS_PER_TILE, ROWS_PER_TILE)],
                )

    f = pl.kernel(body, out_type=tuple(out_type), mesh=mesh,
                  scratch_types=scratch,
                  compiler_params=pltpu.CompilerParams(
                      needs_layout_passes=False,
                      use_tc_tiling_on_sc=False))
    return f(x0, x1, src3d, dst3d)


def _tc_recip_deg(deg_parts):
    def body(degp_ref, recip_ref):
        deg = jnp.sum(degp_ref[...], axis=0)
        recip_ref[...] = (1.0 / jnp.maximum(deg, 1.0))[:, None]

    return pl.pallas_call(
        body,
        out_shape=jax.ShapeDtypeStruct((NPAD, 1), jnp.float32),
    )(deg_parts)


def _tc_right(x0, x1, W_r, b):
    RB = 1000

    def body(x0_ref, x1_ref, wr_ref, b_ref, z_ref):
        xx = jnp.concatenate([x0_ref[...], x1_ref[...]], axis=1)
        z_ref[...] = (
            jnp.dot(xx, wr_ref[...], preferred_element_type=jnp.float32)
            + b_ref[...]
        )

    return pl.pallas_call(
        body,
        grid=(N // RB,),
        in_specs=[
            pl.BlockSpec((RB, H), lambda i: (i, 0)),
            pl.BlockSpec((RB, H), lambda i: (i, 0)),
            pl.BlockSpec((D, D), lambda i: (0, 0)),
            pl.BlockSpec((1, D), lambda i: (0, 0)),
        ],
        out_specs=pl.BlockSpec((RB, D), lambda i: (i, 0)),
        out_shape=jax.ShapeDtypeStruct((N, D), jnp.float32),
    )(x0, x1, W_r, b)


def _tc_left(agg0, agg1, recip, z, W_l, relu, split_out):
    RB = 1000

    def body(agg0_ref, agg1_ref, recip_ref, z_ref, wl_ref, *out_refs):
        agg = jnp.concatenate([agg0_ref[...], agg1_ref[...]], axis=1)
        mean = agg * recip_ref[...]
        out = (
            jnp.dot(mean, wl_ref[...], preferred_element_type=jnp.float32)
            + z_ref[...]
        )
        if relu:
            out = jnp.maximum(out, 0.0)
        if split_out:
            out_refs[0][...] = out[:, :H]
            out_refs[1][...] = out[:, H:]
        else:
            out_refs[0][...] = out

    if split_out:
        out_specs = [
            pl.BlockSpec((RB, H), lambda i: (i, 0)),
            pl.BlockSpec((RB, H), lambda i: (i, 0)),
        ]
        out_shape = [
            jax.ShapeDtypeStruct((N, H), jnp.float32),
            jax.ShapeDtypeStruct((N, H), jnp.float32),
        ]
    else:
        out_specs = pl.BlockSpec((RB, D), lambda i: (i, 0))
        out_shape = jax.ShapeDtypeStruct((N, D), jnp.float32)

    return pl.pallas_call(
        body,
        grid=(N // RB,),
        in_specs=[
            pl.BlockSpec((RB, H), lambda i: (i, 0)),
            pl.BlockSpec((RB, H), lambda i: (i, 0)),
            pl.BlockSpec((RB, 1), lambda i: (i, 0)),
            pl.BlockSpec((RB, D), lambda i: (i, 0)),
            pl.BlockSpec((D, D), lambda i: (0, 0)),
        ],
        out_specs=out_specs,
        out_shape=out_shape,
    )(agg0, agg1, recip, z, W_l)


@jax.jit
def kernel(x, edge_index, W1_l, b1_l, W1_r, W2_l, b2_l, W2_r):
    src = edge_index[0].astype(jnp.int32)
    dst = edge_index[1].astype(jnp.int32)
    src3d = src.reshape(NS, CHUNKS, K)
    dst3d = dst.reshape(NS, CHUNKS, K)
    x0 = x[:, :H]
    x1 = x[:, H:]

    z1 = _tc_right(x0, x1, W1_r, b1_l.reshape(1, D))
    agg1_0, agg1_1, deg_parts = _sc_segment_sum(
        x0, x1, src3d, dst3d, with_deg=True)
    recip = _tc_recip_deg(deg_parts.reshape(NW, NPAD))
    h0, h1 = _tc_left(agg1_0, agg1_1, recip, z1, W1_l, relu=True,
                      split_out=True)
    z2 = _tc_right(h0, h1, W2_r, b2_l.reshape(1, D))
    agg2_0, agg2_1 = _sc_segment_sum(h0, h1, src3d, dst3d, with_deg=False)
    return _tc_left(agg2_0, agg2_1, recip, z2, W2_l, relu=False,
                    split_out=False)

# --- scband reference (transcript-rebuilt; emitter-appended) ---
"""Pipeline reference for scband-gnn-74259984548159 (READ-ONLY COPY).

The authoritative reference and input builder live on the scoring server;
editing this copy changes nothing except your own understanding.
"""

import jax, jax.numpy as jnp
import numpy as np

N_NODES = 10000
N_EDGES = 320000
D_IN = 128
D_HID = 128
D_OUT = 128


def _glorot(key, shape):
    fan_in, fan_out = shape[0], shape[1]
    limit = np.sqrt(6.0 / (fan_in + fan_out))
    return jax.random.uniform(key, shape, dtype=jnp.float32, minval=-limit, maxval=limit)


def setup_inputs(seed: int = 0) -> dict:
    key = jax.random.key(seed)
    ks = jax.random.split(key, 8)
    x = jax.random.normal(ks[0], (N_NODES, D_IN), dtype=jnp.float32)
    edge_index = jax.random.randint(ks[1], (2, N_EDGES), 0, N_NODES, dtype=jnp.int64)
    # SAGEConv layer 1 params: lin_l (neighbor, with bias), lin_r (root, no bias)
    W1_l = _glorot(ks[2], (D_IN, D_HID))
    b1_l = jnp.zeros((D_HID,), dtype=jnp.float32)
    W1_r = _glorot(ks[3], (D_IN, D_HID))
    # SAGEConv layer 2 params
    W2_l = _glorot(ks[4], (D_HID, D_OUT))
    b2_l = jnp.zeros((D_OUT,), dtype=jnp.float32)
    W2_r = _glorot(ks[5], (D_HID, D_OUT))
    return {
        "x": x,
        "edge_index": edge_index,
        "W1_l": W1_l,
        "b1_l": b1_l,
        "W1_r": W1_r,
        "W2_l": W2_l,
        "b2_l": b2_l,
        "W2_r": W2_r,
    }


def _sage_conv(x_src, x_dst, src, dst, W_l, b_l, W_r, num_nodes):
    # message = x_src gathered at source nodes; mean-aggregated at destination nodes
    msg = jnp.take(x_src, src, axis=0)
    agg = jax.ops.segment_sum(msg, dst, num_segments=num_nodes)
    deg = jax.ops.segment_sum(jnp.ones((src.shape[0],), dtype=x_src.dtype), dst, num_segments=num_nodes)
    mean = agg / jnp.clip(deg, 1.0, None)[:, None]
    return mean @ W_l + b_l + x_dst @ W_r


def reference(x, edge_index, W1_l, b1_l, W1_r, W2_l, b2_l, W2_r):
    src = edge_index[0]
    dst = edge_index[1]
    n = x.shape[0]
    h = _sage_conv(x, x, src, dst, W1_l, b1_l, W1_r, n)
    h = jax.nn.relu(h)
    out = _sage_conv(h, h, src, dst, W2_l, b2_l, W2_r, n)
    # module is in training mode by default -> returns raw logits (no softmax)
    return out

if __name__ == "__main__":
    import jax
    _d = setup_inputs()
    print(jax.jit(kernel)(*tuple(_d.values())))

</pallas_src>

<mosaic_0001>
#map = affine_map<(d0, d1) -> (0, 0)>
#map1 = affine_map<(d0, d1) -> (0, 0, 0)>
#map2 = affine_map<(d0, d1) -> (0)>
module attributes {stable_mosaic.version = 14 : i64} {
  func.func @body(%arg0: i32, %arg1: i32, %arg2: memref<10000x64xf32, #tpu.memory_space<hbm>>, %arg3: memref<10000x64xf32, #tpu.memory_space<hbm>>, %arg4: memref<16x250x80xi32, #tpu.memory_space<hbm>>, %arg5: memref<16x250x80xi32, #tpu.memory_space<hbm>>, %arg6: memref<10240x64xf32, #tpu.memory_space<hbm>>, %arg7: memref<10240x64xf32, #tpu.memory_space<hbm>>, %arg8: memref<327680xf32, #tpu.memory_space<hbm>>, %arg9: memref<10240x64xf32, #tpu.memory_space<vmem_shared>>, %arg10: memref<250x80xi32, #tpu.memory_space<vmem>>, %arg11: memref<250x80xi32, #tpu.memory_space<vmem>>, %arg12: memref<80x64xf32, #tpu.memory_space<vmem>>, %arg13: memref<80x64xf32, #tpu.memory_space<vmem>>, %arg14: memref<80x64xf32, #tpu.memory_space<vmem>>, %arg15: memref<80x64xf32, #tpu.memory_space<vmem>>, %arg16: memref<80x64xf32, #tpu.memory_space<vmem>>, %arg17: memref<10240xf32, #tpu.memory_space<vmem>>, %arg18: memref<!tpu.dma_semaphore, #tpu.memory_space<semaphore_mem>>, %arg19: memref<!tpu.dma_semaphore, #tpu.memory_space<semaphore_mem>>, %arg20: memref<!tpu.dma_semaphore, #tpu.memory_space<semaphore_mem>>, %arg21: memref<!tpu.dma_semaphore, #tpu.memory_space<semaphore_mem>>, %arg22: memref<!tpu.dma_semaphore, #tpu.memory_space<semaphore_mem>>, %arg23: memref<!tpu.dma_semaphore, #tpu.memory_space<semaphore_mem>>, %arg24: memref<!tpu.dma_semaphore, #tpu.memory_space<semaphore_mem>>, %arg25: memref<!tpu.dma_semaphore, #tpu.memory_space<semaphore_mem>>, %arg26: memref<!tpu.dma_semaphore, #tpu.memory_space<semaphore_mem>>, %arg27: memref<!tpu.dma_semaphore, #tpu.memory_space<semaphore_mem>>) attributes {dimension_semantics = [#tpu.dimension_semantics<core_parallel>, #tpu.dimension_semantics<subcore_parallel>], iteration_bounds = array<i64: 2, 16>, scalar_prefetch = 0 : i64, scratch_operands = 19 : i64, tpu.core_type = #tpu.core_type<sc_vector_subcore>, window_params = [{transform_indices = #map}, {transform_indices = #map}, {transform_indices = #map1}, {transform_indices = #map1}, {transform_indices = #map}, {transform_indices = #map}, {transform_indices = #map2}]} {
    %mul3A = arith.constant 2 : i32
    %mul3A_0 = arith.muli %arg1, %mul3A : i32
    %add3A = arith.addi %mul3A_0, %arg0 : i32
    %broadcast_in_dim3A = arith.constant 0.000000e+00 : f32
    %broadcast_in_dim3A_1 = vector.broadcast %broadcast_in_dim3A : f32 to vector<16xf32>
    %broadcast_in_dim3A_2 = arith.constant 1.000000e+00 : f32
    %broadcast_in_dim3A_3 = vector.broadcast %broadcast_in_dim3A_2 : f32 to vector<16xf32>
    %scan3A = arith.constant 0 : i32
    %scan3A_4 = arith.constant 0 : i32
    %scan3A_5 = arith.constant 320 : i32
    %scan3A_6 = arith.addi %scan3A_4, %scan3A_5 : i32
    %scan3A_7 = arith.constant 1 : i32
    scf.for %scan3A_67 = %scan3A_4 to %scan3A_6 step %scan3A_7  : i32 {
      %jit3A = arith.constant 4 : i32
      %div3A = arith.divsi %scan3A_67, %jit3A : i32
      %sign3A = arith.constant 0 : i32
      %sign3A_68 = arith.cmpi sgt, %scan3A_67, %sign3A : i32
      %sign3A_69 = arith.extui %sign3A_68 : i1 to i32
      %sign3A_70 = arith.constant 0 : i32
      %sign3A_71 = arith.cmpi slt, %scan3A_67, %sign3A_70 : i32
      %sign3A_72 = arith.extui %sign3A_71 : i1 to i32
      %sign3A_73 = arith.subi %sign3A_69, %sign3A_72 : i32
      %sign3A_74 = arith.constant 0 : i32
      %sign3A_75 = arith.cmpi sgt, %jit3A, %sign3A_74 : i32
      %sign3A_76 = arith.extui %sign3A_75 : i1 to i32
      %sign3A_77 = arith.constant 0 : i32
      %sign3A_78 = arith.cmpi slt, %jit3A, %sign3A_77 : i32
      %sign3A_79 = arith.extui %sign3A_78 : i1 to i32
      %sign3A_80 = arith.subi %sign3A_76, %sign3A_79 : i32
      %ne3A = arith.cmpi ne, %sign3A_73, %sign3A_80 : i32
      %rem3A = arith.remsi %scan3A_67, %jit3A : i32
      %ne3A_81 = arith.constant 0 : i32
      %ne3A_82 = arith.cmpi ne, %rem3A, %ne3A_81 : i32
      %and3A = arith.andi %ne3A, %ne3A_82 : i1
      %sub3A = arith.constant 1 : i32
      %sub3A_83 = arith.subi %div3A, %sub3A : i32
      %select_n3A = arith.select %and3A, %sub3A_83, %div3A : i32
      %rem3A_84 = arith.constant 4 : i32
      %rem3A_85 = arith.remsi %scan3A_67, %rem3A_84 : i32
      %mul3A_86 = arith.constant 16 : i32
      %mul3A_87 = arith.muli %rem3A_85, %mul3A_86 : i32
      %swap3A = arith.index_cast %select_n3A : i32 to index
      %swap3A_88 = arith.index_cast %mul3A_87 : i32 to index
      %swap3A_89 = tpu.vector_load %arg12[%swap3A, %swap3A_88] {strides = array<i32>} : memref<80x64xf32, #tpu.memory_space<vmem>>, vector<16xf32>,
      tpu.vector_store %arg12[%swap3A, %swap3A_88], %broadcast_in_dim3A_1 {strides = array<i32>} : memref<80x64xf32, #tpu.memory_space<vmem>>, vector<16xf32>,
    }
    %scan3A_8 = arith.constant 320 : i32
    %mul3A_9 = arith.constant 640 : i32
    %mul3A_10 = arith.muli %arg1, %mul3A_9 : i32
    %add3A_11 = arith.constant 0 : i32
    %add3A_12 = arith.addi %mul3A_10, %add3A_11 : i32
    "tpu.region"() ({
      %run_scoped3A = tpu.sem_alloc : memref<!tpu.dma_semaphore, #tpu.memory_space<semaphore_mem>>
      %dma_start3A = arith.constant 0 : i32
      %dma_start3A_67 = tpu.memref_slice %arg9[%add3A_12, %dma_start3A] : memref<10240x64xf32, #tpu.memory_space<vmem_shared>> -> memref<80x64xf32, #tpu.memory_space<vmem_shared>>
      %dma_start3A_68 = arith.constant 0 : i32
      %dma_start3A_69 = tpu.memref_slice %arg9[%add3A_12, %dma_start3A_68] : memref<10240x64xf32, #tpu.memory_space<vmem_shared>> -> memref<80x64xf32, #tpu.memory_space<vmem_shared>>
      tpu.enqueue_dma source(%arg12 : memref<80x64xf32, #tpu.memory_space<vmem>>) target(%dma_start3A_69 : memref<80x64xf32, #tpu.memory_space<vmem_shared>>) target_semaphore(%run_scoped3A : memref<!tpu.dma_semaphore, #tpu.memory_space<semaphore_mem>>)
      %dma_wait3A = arith.constant 0 : i32
      %dma_wait3A_70 = tpu.memref_slice %arg9[%add3A_12, %dma_wait3A] : memref<10240x64xf32, #tpu.memory_space<vmem_shared>> -> memref<80x64xf32, #tpu.memory_space<vmem_shared>>
      %dma_wait3A_71 = arith.constant 0 : i32
      %dma_wait3A_72 = tpu.memref_slice %arg9[%add3A_12, %dma_wait3A_71] : memref<10240x64xf32, #tpu.memory_space<vmem_shared>> -> memref<80x64xf32, #tpu.memory_space<vmem_shared>>
      tpu.wait_dma2 semaphore(%run_scoped3A : memref<!tpu.dma_semaphore, #tpu.memory_space<semaphore_mem>>) src(%arg12 : memref<80x64xf32, #tpu.memory_space<vmem>>) dst(%dma_wait3A_72 : memref<80x64xf32, #tpu.memory_space<vmem_shared>>)
      tpu.yield
    }) : () -> ()
    %mul3A_13 = arith.constant 640 : i32
    %mul3A_14 = arith.muli %arg1, %mul3A_13 : i32
    %add3A_15 = arith.constant 80 : i32
    %add3A_16 = arith.addi %mul3A_14, %add3A_15 : i32
    "tpu.region"() ({
      %run_scoped3A = tpu.sem_alloc : memref<!tpu.dma_semaphore, #tpu.memory_space<semaphore_mem>>
      %dma_start3A = arith.constant 0 : i32
      %dma_start3A_67 = tpu.memref_slice %arg9[%add3A_16, %dma_start3A] : memref<10240x64xf32, #tpu.memory_space<vmem_shared>> -> memref<80x64xf32, #tpu.memory_space<vmem_shared>>
      %dma_start3A_68 = arith.constant 0 : i32
      %dma_start3A_69 = tpu.memref_slice %arg9[%add3A_16, %dma_start3A_68] : memref<10240x64xf32, #tpu.memory_space<vmem_shared>> -> memref<80x64xf32, #tpu.memory_space<vmem_shared>>
      tpu.enqueue_dma source(%arg12 : memref<80x64xf32, #tpu.memory_space<vmem>>) target(%dma_start3A_69 : memref<80x64xf32, #tpu.memory_space<vmem_shared>>) target_semaphore(%run_scoped3A : memref<!tpu.dma_semaphore, #tpu.memory_space<semaphore_mem>>)
      %dma_wait3A = arith.constant 0 : i32
      %dma_wait3A_70 = tpu.memref_slice %arg9[%add3A_16, %dma_wait3A] : memref<10240x64xf32, #tpu.memory_space<vmem_shared>> -> memref<80x64xf32, #tpu.memory_space<vmem_shared>>
      %dma_wait3A_71 = arith.constant 0 : i32
      %dma_wait3A_72 = tpu.memref_slice %arg9[%add3A_16, %dma_wait3A_71] : memref<10240x64xf32, #tpu.memory_space<vmem_shared>> -> memref<80x64xf32, #tpu.memory_space<vmem_shared>>
      tpu.wait_dma2 semaphore(%run_scoped3A : memref<!tpu.dma_semaphore, #tpu.memory_space<semaphore_mem>>) src(%arg12 : memref<80x64xf32, #tpu.memory_space<vmem>>) dst(%dma_wait3A_72 : memref<80x64xf32, #tpu.memory_space<vmem_shared>>)
      tpu.yield
    }) : () -> ()
    %mul3A_17 = arith.constant 640 : i32
    %mul3A_18 = arith.muli %arg1, %mul3A_17 : i32
    %add3A_19 = arith.constant 160 : i32
    %add3A_20 = arith.addi %mul3A_18, %add3A_19 : i32
    "tpu.region"() ({
      %run_scoped3A = tpu.sem_alloc : memref<!tpu.dma_semaphore, #tpu.memory_space<semaphore_mem>>
      %dma_start3A = arith.constant 0 : i32
      %dma_start3A_67 = tpu.memref_slice %arg9[%add3A_20, %dma_start3A] : memref<10240x64xf32, #tpu.memory_space<vmem_shared>> -> memref<80x64xf32, #tpu.memory_space<vmem_shared>>
      %dma_start3A_68 = arith.constant 0 : i32
      %dma_start3A_69 = tpu.memref_slice %arg9[%add3A_20, %dma_start3A_68] : memref<10240x64xf32, #tpu.memory_space<vmem_shared>> -> memref<80x64xf32, #tpu.memory_space<vmem_shared>>
      tpu.enqueue_dma source(%arg12 : memref<80x64xf32, #tpu.memory_space<vmem>>) target(%dma_start3A_69 : memref<80x64xf32, #tpu.memory_space<vmem_shared>>) target_semaphore(%run_scoped3A : memref<!tpu.dma_semaphore, #tpu.memory_space<semaphore_mem>>)
      %dma_wait3A = arith.constant 0 : i32
      %dma_wait3A_70 = tpu.memref_slice %arg9[%add3A_20, %dma_wait3A] : memref<10240x64xf32, #tpu.memory_space<vmem_shared>> -> memref<80x64xf32, #tpu.memory_space<vmem_shared>>
      %dma_wait3A_71 = arith.constant 0 : i32
      %dma_wait3A_72 = tpu.memref_slice %arg9[%add3A_20, %dma_wait3A_71] : memref<10240x64xf32, #tpu.memory_space<vmem_shared>> -> memref<80x64xf32, #tpu.memory_space<vmem_shared>>
      tpu.wait_dma2 semaphore(%run_scoped3A : memref<!tpu.dma_semaphore, #tpu.memory_space<semaphore_mem>>) src(%arg12 : memref<80x64xf32, #tpu.memory_space<vmem>>) dst(%dma_wait3A_72 : memref<80x64xf32, #tpu.memory_space<vmem_shared>>)
      tpu.yield
    }) : () -> ()
    %mul3A_21 = arith.constant 640 : i32
    %mul3A_22 = arith.muli %arg1, %mul3A_21 : i32
    %add3A_23 = arith.constant 240 : i32
    %add3A_24 = arith.addi %mul3A_22, %add3A_23 : i32
    "tpu.region"() ({
      %run_scoped3A = tpu.sem_alloc : memref<!tpu.dma_semaphore, #tpu.memory_space<semaphore_mem>>
      %dma_start3A = arith.constant 0 : i32
      %dma_start3A_67 = tpu.memref_slice %arg9[%add3A_24, %dma_start3A] : memref<10240x64xf32, #tpu.memory_space<vmem_shared>> -> memref<80x64xf32, #tpu.memory_space<vmem_shared>>
      %dma_start3A_68 = arith.constant 0 : i32
      %dma_start3A_69 = tpu.memref_slice %arg9[%add3A_24, %dma_start3A_68] : memref<10240x64xf32, #tpu.memory_space<vmem_shared>> -> memref<80x64xf32, #tpu.memory_space<vmem_shared>>
      tpu.enqueue_dma source(%arg12 : memref<80x64xf32, #tpu.memory_space<vmem>>) target(%dma_start3A_69 : memref<80x64xf32, #tpu.memory_space<vmem_shared>>) target_semaphore(%run_scoped3A : memref<!tpu.dma_semaphore, #tpu.memory_space<semaphore_mem>>)
      %dma_wait3A = arith.constant 0 : i32
      %dma_wait3A_70 = tpu.memref_slice %arg9[%add3A_24, %dma_wait3A] : memref<10240x64xf32, #tpu.memory_space<vmem_shared>> -> memref<80x64xf32, #tpu.memory_space<vmem_shared>>
      %dma_wait3A_71 = arith.constant 0 : i32
      %dma_wait3A_72 = tpu.memref_slice %arg9[%add3A_24, %dma_wait3A_71] : memref<10240x64xf32, #tpu.memory_space<vmem_shared>> -> memref<80x64xf32, #tpu.memory_space<vmem_shared>>
      tpu.wait_dma2 semaphore(%run_scoped3A : memref<!tpu.dma_semaphore, #tpu.memory_space<semaphore_mem>>) src(%arg12 : memref<80x64xf32, #tpu.memory_space<vmem>>) dst(%dma_wait3A_72 : memref<80x64xf32, #tpu.memory_space<vmem_shared>>)
      tpu.yield
    }) : () -> ()
    %mul3A_25 = arith.constant 640 : i32
    %mul3A_26 = arith.muli %arg1, %mul3A_25 : i32
    %add3A_27 = arith.constant 320 : i32
    %add3A_28 = arith.addi %mul3A_26, %add3A_27 : i32
    "tpu.region"() ({
      %run_scoped3A = tpu.sem_alloc : memref<!tpu.dma_semaphore, #tpu.memory_space<semaphore_mem>>
      %dma_start3A = arith.constant 0 : i32
      %dma_start3A_67 = tpu.memref_slice %arg9[%add3A_28, %dma_start3A] : memref<10240x64xf32, #tpu.memory_space<vmem_shared>> -> memref<80x64xf32, #tpu.memory_space<vmem_shared>>
      %dma_start3A_68 = arith.constant 0 : i32
      %dma_start3A_69 = tpu.memref_slice %arg9[%add3A_28, %dma_start3A_68] : memref<10240x64xf32, #tpu.memory_space<vmem_shared>> -> memref<80x64xf32, #tpu.memory_space<vmem_shared>>
      tpu.enqueue_dma source(%arg12 : memref<80x64xf32, #tpu.memory_space<vmem>>) target(%dma_start3A_69 : memref<80x64xf32, #tpu.memory_space<vmem_shared>>) target_semaphore(%run_scoped3A : memref<!tpu.dma_semaphore, #tpu.memory_space<semaphore_mem>>)
      %dma_wait3A = arith.constant 0 : i32
      %dma_wait3A_70 = tpu.memref_slice %arg9[%add3A_28, %dma_wait3A] : memref<10240x64xf32, #tpu.memory_space<vmem_shared>> -> memref<80x64xf32, #tpu.memory_space<vmem_shared>>
      %dma_wait3A_71 = arith.constant 0 : i32
      %dma_wait3A_72 = tpu.memref_slice %arg9[%add3A_28, %dma_wait3A_71] : memref<10240x64xf32, #tpu.memory_space<vmem_shared>> -> memref<80x64xf32, #tpu.memory_space<vmem_shared>>
      tpu.wait_dma2 semaphore(%run_scoped3A : memref<!tpu.dma_semaphore, #tpu.memory_space<semaphore_mem>>) src(%arg12 : memref<80x64xf32, #tpu.memory_space<vmem>>) dst(%dma_wait3A_72 : memref<80x64xf32, #tpu.memory_space<vmem_shared>>)
      tpu.yield
    }) : () -> ()
    %mul3A_29 = arith.constant 640 : i32
    %mul3A_30 = arith.muli %arg1, %mul3A_29 : i32
    %add3A_31 = arith.constant 400 : i32
    %add3A_32 = arith.addi %mul3A_30, %add3A_31 : i32
    "tpu.region"() ({
      %run_scoped3A = tpu.sem_alloc : memref<!tpu.dma_semaphore, #tpu.memory_space<semaphore_mem>>
      %dma_start3A = arith.constant 0 : i32
      %dma_start3A_67 = tpu.memref_slice %arg9[%add3A_32, %dma_start3A] : memref<10240x64xf32, #tpu.memory_space<vmem_shared>> -> memref<80x64xf32, #tpu.memory_space<vmem_shared>>
      %dma_start3A_68 = arith.constant 0 : i32
      %dma_start3A_69 = tpu.memref_slice %arg9[%add3A_32, %dma_start3A_68] : memref<10240x64xf32, #tpu.memory_space<vmem_shared>> -> memref<80x64xf32, #tpu.memory_space<vmem_shared>>
      tpu.enqueue_dma source(%arg12 : memref<80x64xf32, #tpu.memory_space<vmem>>) target(%dma_start3A_69 : memref<80x64xf32, #tpu.memory_space<vmem_shared>>) target_semaphore(%run_scoped3A : memref<!tpu.dma_semaphore, #tpu.memory_space<semaphore_mem>>)
      %dma_wait3A = arith.constant 0 : i32
      %dma_wait3A_70 = tpu.memref_slice %arg9[%add3A_32, %dma_wait3A] : memref<10240x64xf32, #tpu.memory_space<vmem_shared>> -> memref<80x64xf32, #tpu.memory_space<vmem_shared>>
      %dma_wait3A_71 = arith.constant 0 : i32
      %dma_wait3A_72 = tpu.memref_slice %arg9[%add3A_32, %dma_wait3A_71] : memref<10240x64xf32, #tpu.memory_space<vmem_shared>> -> memref<80x64xf32, #tpu.memory_space<vmem_shared>>
      tpu.wait_dma2 semaphore(%run_scoped3A : memref<!tpu.dma_semaphore, #tpu.memory_space<semaphore_mem>>) src(%arg12 : memref<80x64xf32, #tpu.memory_space<vmem>>) dst(%dma_wait3A_72 : memref<80x64xf32, #tpu.memory_space<vmem_shared>>)
      tpu.yield
    }) : () -> ()
    %mul3A_33 = arith.constant 640 : i32
    %mul3A_34 = arith.muli %arg1, %mul3A_33 : i32
    %add3A_35 = arith.constant 480 : i32
    %add3A_36 = arith.addi %mul3A_34, %add3A_35 : i32
    "tpu.region"() ({
      %run_scoped3A = tpu.sem_alloc : memref<!tpu.dma_semaphore, #tpu.memory_space<semaphore_mem>>
      %dma_start3A = arith.constant 0 : i32
      %dma_start3A_67 = tpu.memref_slice %arg9[%add3A_36, %dma_start3A] : memref<10240x64xf32, #tpu.memory_space<vmem_shared>> -> memref<80x64xf32, #tpu.memory_space<vmem_shared>>
      %dma_start3A_68 = arith.constant 0 : i32
      %dma_start3A_69 = tpu.memref_slice %arg9[%add3A_36, %dma_start3A_68] : memref<10240x64xf32, #tpu.memory_space<vmem_shared>> -> memref<80x64xf32, #tpu.memory_space<vmem_shared>>
      tpu.enqueue_dma source(%arg12 : memref<80x64xf32, #tpu.memory_space<vmem>>) target(%dma_start3A_69 : memref<80x64xf32, #tpu.memory_space<vmem_shared>>) target_semaphore(%run_scoped3A : memref<!tpu.dma_semaphore, #tpu.memory_space<semaphore_mem>>)
      %dma_wait3A = arith.constant 0 : i32
      %dma_wait3A_70 = tpu.memref_slice %arg9[%add3A_36, %dma_wait3A] : memref<10240x64xf32, #tpu.memory_space<vmem_shared>> -> memref<80x64xf32, #tpu.memory_space<vmem_shared>>
      %dma_wait3A_71 = arith.constant 0 : i32
      %dma_wait3A_72 = tpu.memref_slice %arg9[%add3A_36, %dma_wait3A_71] : memref<10240x64xf32, #tpu.memory_space<vmem_shared>> -> memref<80x64xf32, #tpu.memory_space<vmem_shared>>
      tpu.wait_dma2 semaphore(%run_scoped3A : memref<!tpu.dma_semaphore, #tpu.memory_space<semaphore_mem>>) src(%arg12 : memref<80x64xf32, #tpu.memory_space<vmem>>) dst(%dma_wait3A_72 : memref<80x64xf32, #tpu.memory_space<vmem_shared>>)
      tpu.yield
    }) : () -> ()
    %mul3A_37 = arith.constant 640 : i32
    %mul3A_38 = arith.muli %arg1, %mul3A_37 : i32
    %add3A_39 = arith.constant 560 : i32
    %add3A_40 = arith.addi %mul3A_38, %add3A_39 : i32
    "tpu.region"() ({
      %run_scoped3A = tpu.sem_alloc : memref<!tpu.dma_semaphore, #tpu.memory_space<semaphore_mem>>
      %dma_start3A = arith.constant 0 : i32
      %dma_start3A_67 = tpu.memref_slice %arg9[%add3A_40, %dma_start3A] : memref<10240x64xf32, #tpu.memory_space<vmem_shared>> -> memref<80x64xf32, #tpu.memory_space<vmem_shared>>
      %dma_start3A_68 = arith.constant 0 : i32
      %dma_start3A_69 = tpu.memref_slice %arg9[%add3A_40, %dma_start3A_68] : memref<10240x64xf32, #tpu.memory_space<vmem_shared>> -> memref<80x64xf32, #tpu.memory_space<vmem_shared>>
      tpu.enqueue_dma source(%arg12 : memref<80x64xf32, #tpu.memory_space<vmem>>) target(%dma_start3A_69 : memref<80x64xf32, #tpu.memory_space<vmem_shared>>) target_semaphore(%run_scoped3A : memref<!tpu.dma_semaphore, #tpu.memory_space<semaphore_mem>>)
      %dma_wait3A = arith.constant 0 : i32
      %dma_wait3A_70 = tpu.memref_slice %arg9[%add3A_40, %dma_wait3A] : memref<10240x64xf32, #tpu.memory_space<vmem_shared>> -> memref<80x64xf32, #tpu.memory_space<vmem_shared>>
      %dma_wait3A_71 = arith.constant 0 : i32
      %dma_wait3A_72 = tpu.memref_slice %arg9[%add3A_40, %dma_wait3A_71] : memref<10240x64xf32, #tpu.memory_space<vmem_shared>> -> memref<80x64xf32, #tpu.memory_space<vmem_shared>>
      tpu.wait_dma2 semaphore(%run_scoped3A : memref<!tpu.dma_semaphore, #tpu.memory_space<semaphore_mem>>) src(%arg12 : memref<80x64xf32, #tpu.memory_space<vmem>>) dst(%dma_wait3A_72 : memref<80x64xf32, #tpu.memory_space<vmem_shared>>)
      tpu.yield
    }) : () -> ()
    %scan3A_41 = arith.constant 0 : i32
    %scan3A_42 = arith.constant 0 : i32
    %scan3A_43 = arith.constant 640 : i32
    %scan3A_44 = arith.addi %scan3A_42, %scan3A_43 : i32
    %scan3A_45 = arith.constant 1 : i32
    scf.for %scan3A_67 = %scan3A_42 to %scan3A_44 step %scan3A_45  : i32 {
      %mul3A_68 = arith.constant 16 : i32
      %mul3A_69 = arith.muli %scan3A_67, %mul3A_68 : i32
      %swap3A = arith.index_cast %mul3A_69 : i32 to index
      %swap3A_70 = tpu.vector_load %arg17[%swap3A] {strides = array<i32>} : memref<10240xf32, #tpu.memory_space<vmem>>, vector<16xf32>,
      tpu.vector_store %arg17[%swap3A], %broadcast_in_dim3A_1 {strides = array<i32>} : memref<10240xf32, #tpu.memory_space<vmem>>, vector<16xf32>,
    }
    %scan3A_46 = arith.constant 640 : i32
    %barrier3A = arith.constant 0 : index
    tpu.barrier barrier_id(%barrier3A)
    %eq3A = arith.constant 0 : i32
    %eq3A_47 = arith.cmpi eq, %arg0, %eq3A : i32
    %convert_element_type3A = arith.extui %eq3A_47 : i1 to i32
    %cond3A = arith.constant 0 : i32
    %cond3A_48 = arith.cmpi ne, %convert_element_type3A, %cond3A : i32
    scf.if %cond3A_48 {
      %scan3A_67 = arith.constant 0 : i32
      %scan3A_68 = arith.constant 0 : i32
      %mul3A_69 = arith.constant 250 : i32
      %mul3A_70 = arith.muli %scan3A_68, %mul3A_69 : i32
      "tpu.region"() ({
        %run_scoped3A = tpu.sem_alloc : memref<!tpu.dma_semaphore, #tpu.memory_space<semaphore_mem>>
        %dma_start3A_113 = arith.constant 0 : i32
        %dma_start3A_114 = tpu.memref_slice %arg4[%arg1, %mul3A_70, %dma_start3A_113] : memref<16x250x80xi32, #tpu.memory_space<hbm>> -> memref<1x250x80xi32, #tpu.memory_space<hbm>>
        %dma_start3A_115 = tpu.memref_squeeze %dma_start3A_114 : memref<1x250x80xi32, #tpu.memory_space<hbm>> -> memref<250x80xi32, #tpu.memory_space<hbm>>
        %dma_start3A_116 = arith.constant 0 : i32
        %dma_start3A_117 = tpu.memref_slice %arg4[%arg1, %mul3A_70, %dma_start3A_116] : memref<16x250x80xi32, #tpu.memory_space<hbm>> -> memref<1x250x80xi32, #tpu.memory_space<hbm>>
        %dma_start3A_118 = tpu.memref_squeeze %dma_start3A_117 : memref<1x250x80xi32, #tpu.memory_space<hbm>> -> memref<250x80xi32, #tpu.memory_space<hbm>>
        tpu.enqueue_dma source(%dma_start3A_118 : memref<250x80xi32, #tpu.memory_space<hbm>>) target(%arg10 : memref<250x80xi32, #tpu.memory_space<vmem>>) target_semaphore(%run_scoped3A : memref<!tpu.dma_semaphore, #tpu.memory_space<semaphore_mem>>)
        %dma_wait3A_119 = arith.constant 0 : i32
        %dma_wait3A_120 = tpu.memref_slice %arg4[%arg1, %mul3A_70, %dma_wait3A_119] : memref<16x250x80xi32, #tpu.memory_space<hbm>> -> memref<1x250x80xi32, #tpu.memory_space<hbm>>
        %dma_wait3A_121 = tpu.memref_squeeze %dma_wait3A_120 : memref<1x250x80xi32, #tpu.memory_space<hbm>> -> memref<250x80xi32, #tpu.memory_space<hbm>>
        %dma_wait3A_122 = arith.constant 0 : i32
        %dma_wait3A_123 = tpu.memref_slice %arg4[%arg1, %mul3A_70, %dma_wait3A_122] : memref<16x250x80xi32, #tpu.memory_space<hbm>> -> memref<1x250x80xi32, #tpu.memory_space<hbm>>
        %dma_wait3A_124 = tpu.memref_squeeze %dma_wait3A_123 : memref<1x250x80xi32, #tpu.memory_space<hbm>> -> memref<250x80xi32, #tpu.memory_space<hbm>>
        tpu.wait_dma2 semaphore(%run_scoped3A : memref<!tpu.dma_semaphore, #tpu.memory_space<semaphore_mem>>) src(%dma_wait3A_124 : memref<250x80xi32, #tpu.memory_space<hbm>>) dst(%arg10 : memref<250x80xi32, #tpu.memory_space<vmem>>)
        tpu.yield
      }) : () -> ()
      %mul3A_71 = arith.constant 250 : i32
      %mul3A_72 = arith.muli %scan3A_68, %mul3A_71 : i32
      "tpu.region"() ({
        %run_scoped3A = tpu.sem_alloc : memref<!tpu.dma_semaphore, #tpu.memory_space<semaphore_mem>>
        %dma_start3A_113 = arith.constant 0 : i32
        %dma_start3A_114 = tpu.memref_slice %arg5[%arg1, %mul3A_72, %dma_start3A_113] : memref<16x250x80xi32, #tpu.memory_space<hbm>> -> memref<1x250x80xi32, #tpu.memory_space<hbm>>
        %dma_start3A_115 = tpu.memref_squeeze %dma_start3A_114 : memref<1x250x80xi32, #tpu.memory_space<hbm>> -> memref<250x80xi32, #tpu.memory_space<hbm>>
        %dma_start3A_116 = arith.constant 0 : i32
        %dma_start3A_117 = tpu.memref_slice %arg5[%arg1, %mul3A_72, %dma_start3A_116] : memref<16x250x80xi32, #tpu.memory_space<hbm>> -> memref<1x250x80xi32, #tpu.memory_space<hbm>>
        %dma_start3A_118 = tpu.memref_squeeze %dma_start3A_117 : memref<1x250x80xi32, #tpu.memory_space<hbm>> -> memref<250x80xi32, #tpu.memory_space<hbm>>
        tpu.enqueue_dma source(%dma_start3A_118 : memref<250x80xi32, #tpu.memory_space<hbm>>) target(%arg11 : memref<250x80xi32, #tpu.memory_space<vmem>>) target_semaphore(%run_scoped3A : memref<!tpu.dma_semaphore, #tpu.memory_space<semaphore_mem>>)
        %dma_wait3A_119 = arith.constant 0 : i32
        %dma_wait3A_120 = tpu.memref_slice %arg5[%arg1, %mul3A_72, %dma_wait3A_119] : memref<16x250x80xi32, #tpu.memory_space<hbm>> -> memref<1x250x80xi32, #tpu.memory_space<hbm>>
        %dma_wait3A_121 = tpu.memref_squeeze %dma_wait3A_120 : memref<1x250x80xi32, #tpu.memory_space<hbm>> -> memref<250x80xi32, #tpu.memory_space<hbm>>
        %dma_wait3A_122 = arith.constant 0 : i32
        %dma_wait3A_123 = tpu.memref_slice %arg5[%arg1, %mul3A_72, %dma_wait3A_122] : memref<16x250x80xi32, #tpu.memory_space<hbm>> -> memref<1x250x80xi32, #tpu.memory_space<hbm>>
        %dma_wait3A_124 = tpu.memref_squeeze %dma_wait3A_123 : memref<1x250x80xi32, #tpu.memory_space<hbm>> -> memref<250x80xi32, #tpu.memory_space<hbm>>
        tpu.wait_dma2 semaphore(%run_scoped3A : memref<!tpu.dma_semaphore, #tpu.memory_space<semaphore_mem>>) src(%dma_wait3A_124 : memref<250x80xi32, #tpu.memory_space<hbm>>) dst(%arg11 : memref<250x80xi32, #tpu.memory_space<vmem>>)
        tpu.yield
      }) : () -> ()
      %dma_start3A = arith.constant 0 : i32
      %dma_start3A_73 = arith.constant 0 : i32
      %dma_start3A_74 = tpu.memref_slice %arg10[%dma_start3A, %dma_start3A_73] : memref<250x80xi32, #tpu.memory_space<vmem>> -> memref<1x80xi32, #tpu.memory_space<vmem>>
      %dma_start3A_75 = tpu.memref_squeeze %dma_start3A_74 : memref<1x80xi32, #tpu.memory_space<vmem>> -> memref<80xi32, #tpu.memory_space<vmem>>
      %dma_start3A_76 = arith.constant 0 : i32
      %dma_start3A_77 = arith.constant 0 : i32
      %dma_start3A_78 = tpu.memref_slice %arg2[%dma_start3A_76, %dma_start3A_77] : memref<10000x64xf32, #tpu.memory_space<hbm>> -> memref<10000x64xf32, #tpu.memory_space<hbm>>
      tpu.enqueue_indirect_dma source(%dma_start3A_78 : memref<10000x64xf32, #tpu.memory_space<hbm>>) target(%arg12 : memref<80x64xf32, #tpu.memory_space<vmem>>) offsets(%dma_start3A_75 : memref<80xi32, #tpu.memory_space<vmem>>) semaphore(%arg18 : memref<!tpu.dma_semaphore, #tpu.memory_space<semaphore_mem>>)
      %dma_start3A_79 = arith.constant 1 : i32
      %dma_start3A_80 = arith.constant 0 : i32
      %dma_start3A_81 = tpu.memref_slice %arg10[%dma_start3A_79, %dma_start3A_80] : memref<250x80xi32, #tpu.memory_space<vmem>> -> memref<1x80xi32, #tpu.memory_space<vmem>>
      %dma_start3A_82 = tpu.memref_squeeze %dma_start3A_81 : memref<1x80xi32, #tpu.memory_space<vmem>> -> memref<80xi32, #tpu.memory_space<vmem>>
      %dma_start3A_83 = arith.constant 0 : i32
      %dma_start3A_84 = arith.constant 0 : i32
      %dma_start3A_85 = tpu.memref_slice %arg2[%dma_start3A_83, %dma_start3A_84] : memref<10000x64xf32, #tpu.memory_space<hbm>> -> memref<10000x64xf32, #tpu.memory_space<hbm>>
      tpu.enqueue_indirect_dma source(%dma_start3A_85 : memref<10000x64xf32, #tpu.memory_space<hbm>>) target(%arg13 : memref<80x64xf32, #tpu.memory_space<vmem>>) offsets(%dma_start3A_82 : memref<80xi32, #tpu.memory_space<vmem>>) semaphore(%arg19 : memref<!tpu.dma_semaphore, #tpu.memory_space<semaphore_mem>>)
      %dma_start3A_86 = arith.constant 2 : i32
      %dma_start3A_87 = arith.constant 0 : i32
      %dma_start3A_88 = tpu.memref_slice %arg10[%dma_start3A_86, %dma_start3A_87] : memref<250x80xi32, #tpu.memory_space<vmem>> -> memref<1x80xi32, #tpu.memory_space<vmem>>
      %dma_start3A_89 = tpu.memref_squeeze %dma_start3A_88 : memref<1x80xi32, #tpu.memory_space<vmem>> -> memref<80xi32, #tpu.memory_space<vmem>>
      %dma_start3A_90 = arith.constant 0 : i32
      %dma_start3A_91 = arith.constant 0 : i32
      %dma_start3A_92 = tpu.memref_slice %arg2[%dma_start3A_90, %dma_start3A_91] : memref<10000x64xf32, #tpu.memory_space<hbm>> -> memref<10000x64xf32, #tpu.memory_space<hbm>>
      tpu.enqueue_indirect_dma source(%dma_start3A_92 : memref<10000x64xf32, #tpu.memory_space<hbm>>) target(%arg14 : memref<80x64xf32, #tpu.memory_space<vmem>>) offsets(%dma_start3A_89 : memref<80xi32, #tpu.memory_space<vmem>>) semaphore(%arg20 : memref<!tpu.dma_semaphore, #tpu.memory_space<semaphore_mem>>)
      %dma_start3A_93 = arith.constant 3 : i32
      %dma_start3A_94 = arith.constant 0 : i32
      %dma_start3A_95 = tpu.memref_slice %arg10[%dma_start3A_93, %dma_start3A_94] : memref<250x80xi32, #tpu.memory_space<vmem>> -> memref<1x80xi32, #tpu.memory_space<vmem>>
      %dma_start3A_96 = tpu.memref_squeeze %dma_start3A_95 : memref<1x80xi32, #tpu.memory_space<vmem>> -> memref<80xi32, #tpu.memory_space<vmem>>
      %dma_start3A_97 = arith.constant 0 : i32
      %dma_start3A_98 = arith.constant 0 : i32
      %dma_start3A_99 = tpu.memref_slice %arg2[%dma_start3A_97, %dma_start3A_98] : memref<10000x64xf32, #tpu.memory_space<hbm>> -> memref<10000x64xf32, #tpu.memory_space<hbm>>
      tpu.enqueue_indirect_dma source(%dma_start3A_99 : memref<10000x64xf32, #tpu.memory_space<hbm>>) target(%arg15 : memref<80x64xf32, #tpu.memory_space<vmem>>) offsets(%dma_start3A_96 : memref<80xi32, #tpu.memory_space<vmem>>) semaphore(%arg21 : memref<!tpu.dma_semaphore, #tpu.memory_space<semaphore_mem>>)
      %scan3A_100 = arith.constant 0 : i32
      %scan3A_101 = arith.constant 0 : i32
      %scan3A_102 = arith.constant 25 : i32
      %scan3A_103 = arith.addi %scan3A_101, %scan3A_102 : i32
      %scan3A_104 = arith.constant 1 : i32
      scf.for %scan3A_113 = %scan3A_101 to %scan3A_103 step %scan3A_104  : i32 {
        %mul3A_114 = arith.constant 10 : i32
        %mul3A_115 = arith.muli %scan3A_113, %mul3A_114 : i32
        %add3A_116 = arith.constant 0 : i32
        %add3A_117 = arith.addi %mul3A_115, %add3A_116 : i32
        %dma_wait3A_118 = arith.constant 0 : i32
        %dma_wait3A_119 = tpu.memref_slice %arg10[%add3A_117, %dma_wait3A_118] : memref<250x80xi32, #tpu.memory_space<vmem>> -> memref<1x80xi32, #tpu.memory_space<vmem>>
        %dma_wait3A_120 = tpu.memref_squeeze %dma_wait3A_119 : memref<1x80xi32, #tpu.memory_space<vmem>> -> memref<80xi32, #tpu.memory_space<vmem>>
        %dma_wait3A_121 = arith.constant 0 : i32
        %dma_wait3A_122 = arith.constant 0 : i32
        %dma_wait3A_123 = tpu.memref_slice %arg2[%dma_wait3A_121, %dma_wait3A_122] : memref<10000x64xf32, #tpu.memory_space<hbm>> -> memref<10000x64xf32, #tpu.memory_space<hbm>>
        tpu.wait_indirect_dma semaphore(%arg18 : memref<!tpu.dma_semaphore, #tpu.memory_space<semaphore_mem>>) src(%dma_wait3A_123 : memref<10000x64xf32, #tpu.memory_space<hbm>>) dst(%arg12 : memref<80x64xf32, #tpu.memory_space<vmem>>)
        %dma_start3A_124 = arith.constant 0 : i32
        %dma_start3A_125 = tpu.memref_slice %arg11[%add3A_117, %dma_start3A_124] : memref<250x80xi32, #tpu.memory_space<vmem>> -> memref<1x80xi32, #tpu.memory_space<vmem>>
        %dma_start3A_126 = tpu.memref_squeeze %dma_start3A_125 : memref<1x80xi32, #tpu.memory_space<vmem>> -> memref<80xi32, #tpu.memory_space<vmem>>
        %dma_start3A_127 = arith.constant 0 : i32
        %dma_start3A_128 = arith.constant 0 : i32
        %dma_start3A_129 = tpu.memref_slice %arg9[%dma_start3A_127, %dma_start3A_128] : memref<10240x64xf32, #tpu.memory_space<vmem_shared>> -> memref<10240x64xf32, #tpu.memory_space<vmem_shared>>
        tpu.enqueue_indirect_dma source(%arg12 : memref<80x64xf32, #tpu.memory_space<vmem>>) target(%dma_start3A_129 : memref<10240x64xf32, #tpu.memory_space<vmem_shared>>) offsets(%dma_start3A_126 : memref<80xi32, #tpu.memory_space<vmem>>) semaphore(%arg23 : memref<!tpu.dma_semaphore, #tpu.memory_space<semaphore_mem>>) {add = true}
        %gt3A = arith.constant 0 : i32
        %gt3A_130 = arith.cmpi sgt, %scan3A_113, %gt3A : i32
        %convert_element_type3A_131 = arith.extui %gt3A_130 : i1 to i32
        %cond3A_132 = arith.constant 0 : i32
        %cond3A_133 = arith.cmpi ne, %convert_element_type3A_131, %cond3A_132 : i32
        scf.if %cond3A_133 {
          %sub3A_689 = arith.constant 1 : i32
          %sub3A_690 = arith.subi %add3A_117, %sub3A_689 : i32
          %dma_wait3A_691 = arith.constant 0 : i32
          %dma_wait3A_692 = tpu.memref_slice %arg11[%sub3A_690, %dma_wait3A_691] : memref<250x80xi32, #tpu.memory_space<vmem>> -> memref<1x80xi32, #tpu.memory_space<vmem>>
          %dma_wait3A_693 = tpu.memref_squeeze %dma_wait3A_692 : memref<1x80xi32, #tpu.memory_space<vmem>> -> memref<80xi32, #tpu.memory_space<vmem>>
          %dma_wait3A_694 = arith.constant 0 : i32
          %dma_wait3A_695 = arith.constant 0 : i32
          %dma_wait3A_696 = tpu.memref_slice %arg9[%dma_wait3A_694, %dma_wait3A_695] : memref<10240x64xf32, #tpu.memory_space<vmem_shared>> -> memref<10240x64xf32, #tpu.memory_space<vmem_shared>>
          tpu.wait_indirect_dma semaphore(%arg27 : memref<!tpu.dma_semaphore, #tpu.memory_space<semaphore_mem>>) src(%arg16 : memref<80x64xf32, #tpu.memory_space<vmem>>) dst(%dma_wait3A_696 : memref<10240x64xf32, #tpu.memory_space<vmem_shared>>)
        } else {
        }
        %add3A_134 = arith.constant 4 : i32
        %add3A_135 = arith.addi %add3A_117, %add3A_134 : i32
        %dma_start3A_136 = arith.constant 0 : i32
        %dma_start3A_137 = tpu.memref_slice %arg10[%add3A_135, %dma_start3A_136] : memref<250x80xi32, #tpu.memory_space<vmem>> -> memref<1x80xi32, #tpu.memory_space<vmem>>
        %dma_start3A_138 = tpu.memref_squeeze %dma_start3A_137 : memref<1x80xi32, #tpu.memory_space<vmem>> -> memref<80xi32, #tpu.memory_space<vmem>>
        %dma_start3A_139 = arith.constant 0 : i32
        %dma_start3A_140 = arith.constant 0 : i32
        %dma_start3A_141 = tpu.memref_slice %arg2[%dma_start3A_139, %dma_start3A_140] : memref<10000x64xf32, #tpu.memory_space<hbm>> -> memref<10000x64xf32, #tpu.memory_space<hbm>>
        tpu.enqueue_indirect_dma source(%dma_start3A_141 : memref<10000x64xf32, #tpu.memory_space<hbm>>) target(%arg16 : memref<80x64xf32, #tpu.memory_space<vmem>>) offsets(%dma_start3A_138 : memref<80xi32, #tpu.memory_space<vmem>>) semaphore(%arg22 : memref<!tpu.dma_semaphore, #tpu.memory_space<semaphore_mem>>)
        %jit3A = arith.constant 125 : i32
        %div3A = arith.divsi %add3A_117, %jit3A : i32
        %sign3A = arith.constant 0 : i32
        %sign3A_142 = arith.cmpi sgt, %add3A_117, %sign3A : i32
        %sign3A_143 = arith.extui %sign3A_142 : i1 to i32
        %sign3A_144 = arith.constant 0 : i32
        %sign3A_145 = arith.cmpi slt, %add3A_117, %sign3A_144 : i32
        %sign3A_146 = arith.extui %sign3A_145 : i1 to i32
        %sign3A_147 = arith.subi %sign3A_143, %sign3A_146 : i32
        %sign3A_148 = arith.constant 0 : i32
        %sign3A_149 = arith.cmpi sgt, %jit3A, %sign3A_148 : i32
        %sign3A_150 = arith.extui %sign3A_149 : i1 to i32
        %sign3A_151 = arith.constant 0 : i32
        %sign3A_152 = arith.cmpi slt, %jit3A, %sign3A_151 : i32
        %sign3A_153 = arith.extui %sign3A_152 : i1 to i32
        %sign3A_154 = arith.subi %sign3A_150, %sign3A_153 : i32
        %ne3A = arith.cmpi ne, %sign3A_147, %sign3A_154 : i32
        %rem3A = arith.remsi %add3A_117, %jit3A : i32
        %ne3A_155 = arith.constant 0 : i32
        %ne3A_156 = arith.cmpi ne, %rem3A, %ne3A_155 : i32
        %and3A = arith.andi %ne3A, %ne3A_156 : i1
        %sub3A = arith.constant 1 : i32
        %sub3A_157 = arith.subi %div3A, %sub3A : i32
        %select_n3A = arith.select %and3A, %sub3A_157, %div3A : i32
        %eq3A_158 = arith.cmpi eq, %select_n3A, %arg0 : i32
        %convert_element_type3A_159 = arith.extui %eq3A_158 : i1 to i32
        %cond3A_160 = arith.constant 0 : i32
        %cond3A_161 = arith.cmpi ne, %convert_element_type3A_159, %cond3A_160 : i32
        scf.if %cond3A_161 {
          %get3A = arith.index_cast %add3A_117 : i32 to index
          %get3A_689 = arith.constant 0 : index
          %get3A_690 = tpu.vector_load %arg11[%get3A, %get3A_689] {strides = array<i32>} : memref<250x80xi32, #tpu.memory_space<vmem>>, vector<16xi32>,
          tpu.vector_store_idx %arg17[%get3A_690], %broadcast_in_dim3A_3 {add = true} : memref<10240xf32, #tpu.memory_space<vmem>>[vector<16xi32>], vector<16xf32>,
          %get3A_691 = arith.index_cast %add3A_117 : i32 to index
          %get3A_692 = arith.constant 16 : index
          %get3A_693 = tpu.vector_load %arg11[%get3A_691, %get3A_692] {strides = array<i32>} : memref<250x80xi32, #tpu.memory_space<vmem>>, vector<16xi32>,
          tpu.vector_store_idx %arg17[%get3A_693], %broadcast_in_dim3A_3 {add = true} : memref<10240xf32, #tpu.memory_space<vmem>>[vector<16xi32>], vector<16xf32>,
          %get3A_694 = arith.index_cast %add3A_117 : i32 to index
          %get3A_695 = arith.constant 32 : index
          %get3A_696 = tpu.vector_load %arg11[%get3A_694, %get3A_695] {strides = array<i32>} : memref<250x80xi32, #tpu.memory_space<vmem>>, vector<16xi32>,
          tpu.vector_store_idx %arg17[%get3A_696], %broadcast_in_dim3A_3 {add = true} : memref<10240xf32, #tpu.memory_space<vmem>>[vector<16xi32>], vector<16xf32>,
          %get3A_697 = arith.index_cast %add3A_117 : i32 to index
          %get3A_698 = arith.constant 48 : index
          %get3A_699 = tpu.vector_load %arg11[%get3A_697, %get3A_698] {strides = array<i32>} : memref<250x80xi32, #tpu.memory_space<vmem>>, vector<16xi32>,
          tpu.vector_store_idx %arg17[%get3A_699], %broadcast_in_dim3A_3 {add = true} : memref<10240xf32, #tpu.memory_space<vmem>>[vector<16xi32>], vector<16xf32>,
          %get3A_700 = arith.index_cast %add3A_117 : i32 to index
          %get3A_701 = arith.constant 64 : index
          %get3A_702 = tpu.vector_load %arg11[%get3A_700, %get3A_701] {strides = array<i32>} : memref<250x80xi32, #tpu.memory_space<vmem>>, vector<16xi32>,
          tpu.vector_store_idx %arg17[%get3A_702], %broadcast_in_dim3A_3 {add = true} : memref<10240xf32, #tpu.memory_space<vmem>>[vector<16xi32>], vector<16xf32>,
        } else {
        }
        %mul3A_162 = arith.constant 10 : i32
        %mul3A_163 = arith.muli %scan3A_113, %mul3A_162 : i32
        %add3A_164 = arith.constant 1 : i32
        %add3A_165 = arith.addi %mul3A_163, %add3A_164 : i32
        %dma_wait3A_166 = arith.constant 0 : i32
        %dma_wait3A_167 = tpu.memref_slice %arg10[%add3A_165, %dma_wait3A_166] : memref<250x80xi32, #tpu.memory_space<vmem>> -> memref<1x80xi32, #tpu.memory_space<vmem>>
        %dma_wait3A_168 = tpu.memref_squeeze %dma_wait3A_167 : memref<1x80xi32, #tpu.memory_space<vmem>> -> memref<80xi32, #tpu.memory_space<vmem>>
        %dma_wait3A_169 = arith.constant 0 : i32
        %dma_wait3A_170 = arith.constant 0 : i32
        %dma_wait3A_171 = tpu.memref_slice %arg2[%dma_wait3A_169, %dma_wait3A_170] : memref<10000x64xf32, #tpu.memory_space<hbm>> -> memref<10000x64xf32, #tpu.memory_space<hbm>>
        tpu.wait_indirect_dma semaphore(%arg19 : memref<!tpu.dma_semaphore, #tpu.memory_space<semaphore_mem>>) src(%dma_wait3A_171 : memref<10000x64xf32, #tpu.memory_space<hbm>>) dst(%arg13 : memref<80x64xf32, #tpu.memory_space<vmem>>)
        %dma_start3A_172 = arith.constant 0 : i32
        %dma_start3A_173 = tpu.memref_slice %arg11[%add3A_165, %dma_start3A_172] : memref<250x80xi32, #tpu.memory_space<vmem>> -> memref<1x80xi32, #tpu.memory_space<vmem>>
        %dma_start3A_174 = tpu.memref_squeeze %dma_start3A_173 : memref<1x80xi32, #tpu.memory_space<vmem>> -> memref<80xi32, #tpu.memory_space<vmem>>
        %dma_start3A_175 = arith.constant 0 : i32
        %dma_start3A_176 = arith.constant 0 : i32
        %dma_start3A_177 = tpu.memref_slice %arg9[%dma_start3A_175, %dma_start3A_176] : memref<10240x64xf32, #tpu.memory_space<vmem_shared>> -> memref<10240x64xf32, #tpu.memory_space<vmem_shared>>
        tpu.enqueue_indirect_dma source(%arg13 : memref<80x64xf32, #tpu.memory_space<vmem>>) target(%dma_start3A_177 : memref<10240x64xf32, #tpu.memory_space<vmem_shared>>) offsets(%dma_start3A_174 : memref<80xi32, #tpu.memory_space<vmem>>) semaphore(%arg24 : memref<!tpu.dma_semaphore, #tpu.memory_space<semaphore_mem>>) {add = true}
        %sub3A_178 = arith.constant 1 : i32
        %sub3A_179 = arith.subi %add3A_165, %sub3A_178 : i32
        %dma_wait3A_180 = arith.constant 0 : i32
        %dma_wait3A_181 = tpu.memref_slice %arg11[%sub3A_179, %dma_wait3A_180] : memref<250x80xi32, #tpu.memory_space<vmem>> -> memref<1x80xi32, #tpu.memory_space<vmem>>
        %dma_wait3A_182 = tpu.memref_squeeze %dma_wait3A_181 : memref<1x80xi32, #tpu.memory_space<vmem>> -> memref<80xi32, #tpu.memory_space<vmem>>
        %dma_wait3A_183 = arith.constant 0 : i32
        %dma_wait3A_184 = arith.constant 0 : i32
        %dma_wait3A_185 = tpu.memref_slice %arg9[%dma_wait3A_183, %dma_wait3A_184] : memref<10240x64xf32, #tpu.memory_space<vmem_shared>> -> memref<10240x64xf32, #tpu.memory_space<vmem_shared>>
        tpu.wait_indirect_dma semaphore(%arg23 : memref<!tpu.dma_semaphore, #tpu.memory_space<semaphore_mem>>) src(%arg12 : memref<80x64xf32, #tpu.memory_space<vmem>>) dst(%dma_wait3A_185 : memref<10240x64xf32, #tpu.memory_space<vmem_shared>>)
        %add3A_186 = arith.constant 4 : i32
        %add3A_187 = arith.addi %add3A_165, %add3A_186 : i32
        %dma_start3A_188 = arith.constant 0 : i32
        %dma_start3A_189 = tpu.memref_slice %arg10[%add3A_187, %dma_start3A_188] : memref<250x80xi32, #tpu.memory_space<vmem>> -> memref<1x80xi32, #tpu.memory_space<vmem>>
        %dma_start3A_190 = tpu.memref_squeeze %dma_start3A_189 : memref<1x80xi32, #tpu.memory_space<vmem>> -> memref<80xi32, #tpu.memory_space<vmem>>
        %dma_start3A_191 = arith.constant 0 : i32
        %dma_start3A_192 = arith.constant 0 : i32
        %dma_start3A_193 = tpu.memref_slice %arg2[%dma_start3A_191, %dma_start3A_192] : memref<10000x64xf32, #tpu.memory_space<hbm>> -> memref<10000x64xf32, #tpu.memory_space<hbm>>
        tpu.enqueue_indirect_dma source(%dma_start3A_193 : memref<10000x64xf32, #tpu.memory_space<hbm>>) target(%arg12 : memref<80x64xf32, #tpu.memory_space<vmem>>) offsets(%dma_start3A_190 : memref<80xi32, #tpu.memory_space<vmem>>) semaphore(%arg18 : memref<!tpu.dma_semaphore, #tpu.memory_space<semaphore_mem>>)
        %jit3A_194 = arith.constant 125 : i32
        %div3A_195 = arith.divsi %add3A_165, %jit3A_194 : i32
        %sign3A_196 = arith.constant 0 : i32
        %sign3A_197 = arith.cmpi sgt, %add3A_165, %sign3A_196 : i32
        %sign3A_198 = arith.extui %sign3A_197 : i1 to i32
        %sign3A_199 = arith.constant 0 : i32
        %sign3A_200 = arith.cmpi slt, %add3A_165, %sign3A_199 : i32
        %sign3A_201 = arith.extui %sign3A_200 : i1 to i32
        %sign3A_202 = arith.subi %sign3A_198, %sign3A_201 : i32
        %sign3A_203 = arith.constant 0 : i32
        %sign3A_204 = arith.cmpi sgt, %jit3A_194, %sign3A_203 : i32
        %sign3A_205 = arith.extui %sign3A_204 : i1 to i32
        %sign3A_206 = arith.constant 0 : i32
        %sign3A_207 = arith.cmpi slt, %jit3A_194, %sign3A_206 : i32
        %sign3A_208 = arith.extui %sign3A_207 : i1 to i32
        %sign3A_209 = arith.subi %sign3A_205, %sign3A_208 : i32
        %ne3A_210 = arith.cmpi ne, %sign3A_202, %sign3A_209 : i32
        %rem3A_211 = arith.remsi %add3A_165, %jit3A_194 : i32
        %ne3A_212 = arith.constant 0 : i32
        %ne3A_213 = arith.cmpi ne, %rem3A_211, %ne3A_212 : i32
        %and3A_214 = arith.andi %ne3A_210, %ne3A_213 : i1
        %sub3A_215 = arith.constant 1 : i32
        %sub3A_216 = arith.subi %div3A_195, %sub3A_215 : i32
        %select_n3A_217 = arith.select %and3A_214, %sub3A_216, %div3A_195 : i32
        %eq3A_218 = arith.cmpi eq, %select_n3A_217, %arg0 : i32
        %convert_element_type3A_219 = arith.extui %eq3A_218 : i1 to i32
        %cond3A_220 = arith.constant 0 : i32
        %cond3A_221 = arith.cmpi ne, %convert_element_type3A_219, %cond3A_220 : i32
        scf.if %cond3A_221 {
          %get3A = arith.index_cast %add3A_165 : i32 to index
          %get3A_689 = arith.constant 0 : index
          %get3A_690 = tpu.vector_load %arg11[%get3A, %get3A_689] {strides = array<i32>} : memref<250x80xi32, #tpu.memory_space<vmem>>, vector<16xi32>,
          tpu.vector_store_idx %arg17[%get3A_690], %broadcast_in_dim3A_3 {add = true} : memref<10240xf32, #tpu.memory_space<vmem>>[vector<16xi32>], vector<16xf32>,
          %get3A_691 = arith.index_cast %add3A_165 : i32 to index
          %get3A_692 = arith.constant 16 : index
          %get3A_693 = tpu.vector_load %arg11[%get3A_691, %get3A_692] {strides = array<i32>} : memref<250x80xi32, #tpu.memory_space<vmem>>, vector<16xi32>,
          tpu.vector_store_idx %arg17[%get3A_693], %broadcast_in_dim3A_3 {add = true} : memref<10240xf32, #tpu.memory_space<vmem>>[vector<16xi32>], vector<16xf32>,
          %get3A_694 = arith.index_cast %add3A_165 : i32 to index
          %get3A_695 = arith.constant 32 : index
          %get3A_696 = tpu.vector_load %arg11[%get3A_694, %get3A_695] {strides = array<i32>} : memref<250x80xi32, #tpu.memory_space<vmem>>, vector<16xi32>,
          tpu.vector_store_idx %arg17[%get3A_696], %broadcast_in_dim3A_3 {add = true} : memref<10240xf32, #tpu.memory_space<vmem>>[vector<16xi32>], vector<16xf32>,
          %get3A_697 = arith.index_cast %add3A_165 : i32 to index
          %get3A_698 = arith.constant 48 : index
          %get3A_699 = tpu.vector_load %arg11[%get3A_697, %get3A_698] {strides = array<i32>} : memref<250x80xi32, #tpu.memory_space<vmem>>, vector<16xi32>,
          tpu.vector_store_idx %arg17[%get3A_699], %broadcast_in_dim3A_3 {add = true} : memref<10240xf32, #tpu.memory_space<vmem>>[vector<16xi32>], vector<16xf32>,
          %get3A_700 = arith.index_cast %add3A_165 : i32 to index
          %get3A_701 = arith.constant 64 : index
          %get3A_702 = tpu.vector_load %arg11[%get3A_700, %get3A_701] {strides = array<i32>} : memref<250x80xi32, #tpu.memory_space<vmem>>, vector<16xi32>,
          tpu.vector_store_idx %arg17[%get3A_702], %broadcast_in_dim3A_3 {add = true} : memref<10240xf32, #tpu.memory_space<vmem>>[vector<16xi32>], vector<16xf32>,
        } else {
        }
        %mul3A_222 = arith.constant 10 : i32
        %mul3A_223 = arith.muli %scan3A_113, %mul3A_222 : i32
        %add3A_224 = arith.constant 2 : i32
        %add3A_225 = arith.addi %mul3A_223, %add3A_224 : i32
        %dma_wait3A_226 = arith.constant 0 : i32
        %dma_wait3A_227 = tpu.memref_slice %arg10[%add3A_225, %dma_wait3A_226] : memref<250x80xi32, #tpu.memory_space<vmem>> -> memref<1x80xi32, #tpu.memory_space<vmem>>
        %dma_wait3A_228 = tpu.memref_squeeze %dma_wait3A_227 : memref<1x80xi32, #tpu.memory_space<vmem>> -> memref<80xi32, #tpu.memory_space<vmem>>
        %dma_wait3A_229 = arith.constant 0 : i32
        %dma_wait3A_230 = arith.constant 0 : i32
        %dma_wait3A_231 = tpu.memref_slice %arg2[%dma_wait3A_229, %dma_wait3A_230] : memref<10000x64xf32, #tpu.memory_space<hbm>> -> memref<10000x64xf32, #tpu.memory_space<hbm>>
        tpu.wait_indirect_dma semaphore(%arg20 : memref<!tpu.dma_semaphore, #tpu.memory_space<semaphore_mem>>) src(%dma_wait3A_231 : memref<10000x64xf32, #tpu.memory_space<hbm>>) dst(%arg14 : memref<80x64xf32, #tpu.memory_space<vmem>>)
        %dma_start3A_232 = arith.constant 0 : i32
        %dma_start3A_233 = tpu.memref_slice %arg11[%add3A_225, %dma_start3A_232] : memref<250x80xi32, #tpu.memory_space<vmem>> -> memref<1x80xi32, #tpu.memory_space<vmem>>
        %dma_start3A_234 = tpu.memref_squeeze %dma_start3A_233 : memref<1x80xi32, #tpu.memory_space<vmem>> -> memref<80xi32, #tpu.memory_space<vmem>>
        %dma_start3A_235 = arith.constant 0 : i32
        %dma_start3A_236 = arith.constant 0 : i32
        %dma_start3A_237 = tpu.memref_slice %arg9[%dma_start3A_235, %dma_start3A_236] : memref<10240x64xf32, #tpu.memory_space<vmem_shared>> -> memref<10240x64xf32, #tpu.memory_space<vmem_shared>>
        tpu.enqueue_indirect_dma source(%arg14 : memref<80x64xf32, #tpu.memory_space<vmem>>) target(%dma_start3A_237 : memref<10240x64xf32, #tpu.memory_space<vmem_shared>>) offsets(%dma_start3A_234 : memref<80xi32, #tpu.memory_space<vmem>>) semaphore(%arg25 : memref<!tpu.dma_semaphore, #tpu.memory_space<semaphore_mem>>) {add = true}
        %sub3A_238 = arith.constant 1 : i32
        %sub3A_239 = arith.subi %add3A_225, %sub3A_238 : i32
        %dma_wait3A_240 = arith.constant 0 : i32
        %dma_wait3A_241 = tpu.memref_slice %arg11[%sub3A_239, %dma_wait3A_240] : memref<250x80xi32, #tpu.memory_space<vmem>> -> memref<1x80xi32, #tpu.memory_space<vmem>>
        %dma_wait3A_242 = tpu.memref_squeeze %dma_wait3A_241 : memref<1x80xi32, #tpu.memory_space<vmem>> -> memref<80xi32, #tpu.memory_space<vmem>>
        %dma_wait3A_243 = arith.constant 0 : i32
        %dma_wait3A_244 = arith.constant 0 : i32
        %dma_wait3A_245 = tpu.memref_slice %arg9[%dma_wait3A_243, %dma_wait3A_244] : memref<10240x64xf32, #tpu.memory_space<vmem_shared>> -> memref<10240x64xf32, #tpu.memory_space<vmem_shared>>
        tpu.wait_indirect_dma semaphore(%arg24 : memref<!tpu.dma_semaphore, #tpu.memory_space<semaphore_mem>>) src(%arg13 : memref<80x64xf32, #tpu.memory_space<vmem>>) dst(%dma_wait3A_245 : memref<10240x64xf32, #tpu.memory_space<vmem_shared>>)
        %add3A_246 = arith.constant 4 : i32
        %add3A_247 = arith.addi %add3A_225, %add3A_246 : i32
        %dma_start3A_248 = arith.constant 0 : i32
        %dma_start3A_249 = tpu.memref_slice %arg10[%add3A_247, %dma_start3A_248] : memref<250x80xi32, #tpu.memory_space<vmem>> -> memref<1x80xi32, #tpu.memory_space<vmem>>
        %dma_start3A_250 = tpu.memref_squeeze %dma_start3A_249 : memref<1x80xi32, #tpu.memory_space<vmem>> -> memref<80xi32, #tpu.memory_space<vmem>>
        %dma_start3A_251 = arith.constant 0 : i32
        %dma_start3A_252 = arith.constant 0 : i32
        %dma_start3A_253 = tpu.memref_slice %arg2[%dma_start3A_251, %dma_start3A_252] : memref<10000x64xf32, #tpu.memory_space<hbm>> -> memref<10000x64xf32, #tpu.memory_space<hbm>>
        tpu.enqueue_indirect_dma source(%dma_start3A_253 : memref<10000x64xf32, #tpu.memory_space<hbm>>) target(%arg13 : memref<80x64xf32, #tpu.memory_space<vmem>>) offsets(%dma_start3A_250 : memref<80xi32, #tpu.memory_space<vmem>>) semaphore(%arg19 : memref<!tpu.dma_semaphore, #tpu.memory_space<semaphore_mem>>)
        %jit3A_254 = arith.constant 125 : i32
        %div3A_255 = arith.divsi %add3A_225, %jit3A_254 : i32
        %sign3A_256 = arith.constant 0 : i32
        %sign3A_257 = arith.cmpi sgt, %add3A_225, %sign3A_256 : i32
        %sign3A_258 = arith.extui %sign3A_257 : i1 to i32
        %sign3A_259 = arith.constant 0 : i32
        %sign3A_260 = arith.cmpi slt, %add3A_225, %sign3A_259 : i32
        %sign3A_261 = arith.extui %sign3A_260 : i1 to i32
        %sign3A_262 = arith.subi %sign3A_258, %sign3A_261 : i32
        %sign3A_263 = arith.constant 0 : i32
        %sign3A_264 = arith.cmpi sgt, %jit3A_254, %sign3A_263 : i32
        %sign3A_265 = arith.extui %sign3A_264 : i1 to i32
        %sign3A_266 = arith.constant 0 : i32
        %sign3A_267 = arith.cmpi slt, %jit3A_254, %sign3A_266 : i32
        %sign3A_268 = arith.extui %sign3A_267 : i1 to i32
        %sign3A_269 = arith.subi %sign3A_265, %sign3A_268 : i32
        %ne3A_270 = arith.cmpi ne, %sign3A_262, %sign3A_269 : i32
        %rem3A_271 = arith.remsi %add3A_225, %jit3A_254 : i32
        %ne3A_272 = arith.constant 0 : i32
        %ne3A_273 = arith.cmpi ne, %rem3A_271, %ne3A_272 : i32
        %and3A_274 = arith.andi %ne3A_270, %ne3A_273 : i1
        %sub3A_275 = arith.constant 1 : i32
        %sub3A_276 = arith.subi %div3A_255, %sub3A_275 : i32
        %select_n3A_277 = arith.select %and3A_274, %sub3A_276, %div3A_255 : i32
        %eq3A_278 = arith.cmpi eq, %select_n3A_277, %arg0 : i32
        %convert_element_type3A_279 = arith.extui %eq3A_278 : i1 to i32
        %cond3A_280 = arith.constant 0 : i32
        %cond3A_281 = arith.cmpi ne, %convert_element_type3A_279, %cond3A_280 : i32
        scf.if %cond3A_281 {
          %get3A = arith.index_cast %add3A_225 : i32 to index
          %get3A_689 = arith.constant 0 : index
          %get3A_690 = tpu.vector_load %arg11[%get3A, %get3A_689] {strides = array<i32>} : memref<250x80xi32, #tpu.memory_space<vmem>>, vector<16xi32>,
          tpu.vector_store_idx %arg17[%get3A_690], %broadcast_in_dim3A_3 {add = true} : memref<10240xf32, #tpu.memory_space<vmem>>[vector<16xi32>], vector<16xf32>,
          %get3A_691 = arith.index_cast %add3A_225 : i32 to index
          %get3A_692 = arith.constant 16 : index
          %get3A_693 = tpu.vector_load %arg11[%get3A_691, %get3A_692] {strides = array<i32>} : memref<250x80xi32, #tpu.memory_space<vmem>>, vector<16xi32>,
          tpu.vector_store_idx %arg17[%get3A_693], %broadcast_in_dim3A_3 {add = true} : memref<10240xf32, #tpu.memory_space<vmem>>[vector<16xi32>], vector<16xf32>,
          %get3A_694 = arith.index_cast %add3A_225 : i32 to index
          %get3A_695 = arith.constant 32 : index
          %get3A_696 = tpu.vector_load %arg11[%get3A_694, %get3A_695] {strides = array<i32>} : memref<250x80xi32, #tpu.memory_space<vmem>>, vector<16xi32>,
          tpu.vector_store_idx %arg17[%get3A_696], %broadcast_in_dim3A_3 {add = true} : memref<10240xf32, #tpu.memory_space<vmem>>[vector<16xi32>], vector<16xf32>,
          %get3A_697 = arith.index_cast %add3A_225 : i32 to index
          %get3A_698 = arith.constant 48 : index
          %get3A_699 = tpu.vector_load %arg11[%get3A_697, %get3A_698] {strides = array<i32>} : memref<250x80xi32, #tpu.memory_space<vmem>>, vector<16xi32>,
          tpu.vector_store_idx %arg17[%get3A_699], %broadcast_in_dim3A_3 {add = true} : memref<10240xf32, #tpu.memory_space<vmem>>[vector<16xi32>], vector<16xf32>,
          %get3A_700 = arith.index_cast %add3A_225 : i32 to index
          %get3A_701 = arith.constant 64 : index
          %get3A_702 = tpu.vector_load %arg11[%get3A_700, %get3A_701] {strides = array<i32>} : memref<250x80xi32, #tpu.memory_space<vmem>>, vector<16xi32>,
          tpu.vector_store_idx %arg17[%get3A_702], %broadcast_in_dim3A_3 {add = true} : memref<10240xf32, #tpu.memory_space<vmem>>[vector<16xi32>], vector<16xf32>,
        } else {
        }
        %mul3A_282 = arith.constant 10 : i32
        %mul3A_283 = arith.muli %scan3A_113, %mul3A_282 : i32
        %add3A_284 = arith.constant 3 : i32
        %add3A_285 = arith.addi %mul3A_283, %add3A_284 : i32
        %dma_wait3A_286 = arith.constant 0 : i32
        %dma_wait3A_287 = tpu.memref_slice %arg10[%add3A_285, %dma_wait3A_286] : memref<250x80xi32, #tpu.memory_space<vmem>> -> memref<1x80xi32, #tpu.memory_space<vmem>>
        %dma_wait3A_288 = tpu.memref_squeeze %dma_wait3A_287 : memref<1x80xi32, #tpu.memory_space<vmem>> -> memref<80xi32, #tpu.memory_space<vmem>>
        %dma_wait3A_289 = arith.constant 0 : i32
        %dma_wait3A_290 = arith.constant 0 : i32
        %dma_wait3A_291 = tpu.memref_slice %arg2[%dma_wait3A_289, %dma_wait3A_290] : memref<10000x64xf32, #tpu.memory_space<hbm>> -> memref<10000x64xf32, #tpu.memory_space<hbm>>
        tpu.wait_indirect_dma semaphore(%arg21 : memref<!tpu.dma_semaphore, #tpu.memory_space<semaphore_mem>>) src(%dma_wait3A_291 : memref<10000x64xf32, #tpu.memory_space<hbm>>) dst(%arg15 : memref<80x64xf32, #tpu.memory_space<vmem>>)
        %dma_start3A_292 = arith.constant 0 : i32
        %dma_start3A_293 = tpu.memref_slice %arg11[%add3A_285, %dma_start3A_292] : memref<250x80xi32, #tpu.memory_space<vmem>> -> memref<1x80xi32, #tpu.memory_space<vmem>>
        %dma_start3A_294 = tpu.memref_squeeze %dma_start3A_293 : memref<1x80xi32, #tpu.memory_space<vmem>> -> memref<80xi32, #tpu.memory_space<vmem>>
        %dma_start3A_295 = arith.constant 0 : i32
        %dma_start3A_296 = arith.constant 0 : i32
        %dma_start3A_297 = tpu.memref_slice %arg9[%dma_start3A_295, %dma_start3A_296] : memref<10240x64xf32, #tpu.memory_space<vmem_shared>> -> memref<10240x64xf32, #tpu.memory_space<vmem_shared>>
        tpu.enqueue_indirect_dma source(%arg15 : memref<80x64xf32, #tpu.memory_space<vmem>>) target(%dma_start3A_297 : memref<10240x64xf32, #tpu.memory_space<vmem_shared>>) offsets(%dma_start3A_294 : memref<80xi32, #tpu.memory_space<vmem>>) semaphore(%arg26 : memref<!tpu.dma_semaphore, #tpu.memory_space<semaphore_mem>>) {add = true}
        %sub3A_298 = arith.constant 1 : i32
        %sub3A_299 = arith.subi %add3A_285, %sub3A_298 : i32
        %dma_wait3A_300 = arith.constant 0 : i32
        %dma_wait3A_301 = tpu.memref_slice %arg11[%sub3A_299, %dma_wait3A_300] : memref<250x80xi32, #tpu.memory_space<vmem>> -> memref<1x80xi32, #tpu.memory_space<vmem>>
        %dma_wait3A_302 = tpu.memref_squeeze %dma_wait3A_301 : memref<1x80xi32, #tpu.memory_space<vmem>> -> memref<80xi32, #tpu.memory_space<vmem>>
        %dma_wait3A_303 = arith.constant 0 : i32
        %dma_wait3A_304 = arith.constant 0 : i32
        %dma_wait3A_305 = tpu.memref_slice %arg9[%dma_wait3A_303, %dma_wait3A_304] : memref<10240x64xf32, #tpu.memory_space<vmem_shared>> -> memref<10240x64xf32, #tpu.memory_space<vmem_shared>>
        tpu.wait_indirect_dma semaphore(%arg25 : memref<!tpu.dma_semaphore, #tpu.memory_space<semaphore_mem>>) src(%arg14 : memref<80x64xf32, #tpu.memory_space<vmem>>) dst(%dma_wait3A_305 : memref<10240x64xf32, #tpu.memory_space<vmem_shared>>)
        %add3A_306 = arith.constant 4 : i32
        %add3A_307 = arith.addi %add3A_285, %add3A_306 : i32
        %dma_start3A_308 = arith.constant 0 : i32
        %dma_start3A_309 = tpu.memref_slice %arg10[%add3A_307, %dma_start3A_308] : memref<250x80xi32, #tpu.memory_space<vmem>> -> memref<1x80xi32, #tpu.memory_space<vmem>>
        %dma_start3A_310 = tpu.memref_squeeze %dma_start3A_309 : memref<1x80xi32, #tpu.memory_space<vmem>> -> memref<80xi32, #tpu.memory_space<vmem>>
        %dma_start3A_311 = arith.constant 0 : i32
        %dma_start3A_312 = arith.constant 0 : i32
        %dma_start3A_313 = tpu.memref_slice %arg2[%dma_start3A_311, %dma_start3A_312] : memref<10000x64xf32, #tpu.memory_space<hbm>> -> memref<10000x64xf32, #tpu.memory_space<hbm>>
        tpu.enqueue_indirect_dma source(%dma_start3A_313 : memref<10000x64xf32, #tpu.memory_space<hbm>>) target(%arg14 : memref<80x64xf32, #tpu.memory_space<vmem>>) offsets(%dma_start3A_310 : memref<80xi32, #tpu.memory_space<vmem>>) semaphore(%arg20 : memref<!tpu.dma_semaphore, #tpu.memory_space<semaphore_mem>>)
        %jit3A_314 = arith.constant 125 : i32
        %div3A_315 = arith.divsi %add3A_285, %jit3A_314 : i32
        %sign3A_316 = arith.constant 0 : i32
        %sign3A_317 = arith.cmpi sgt, %add3A_285, %sign3A_316 : i32
        %sign3A_318 = arith.extui %sign3A_317 : i1 to i32
        %sign3A_319 = arith.constant 0 : i32
        %sign3A_320 = arith.cmpi slt, %add3A_285, %sign3A_319 : i32
        %sign3A_321 = arith.extui %sign3A_320 : i1 to i32
        %sign3A_322 = arith.subi %sign3A_318, %sign3A_321 : i32
        %sign3A_323 = arith.constant 0 : i32
        %sign3A_324 = arith.cmpi sgt, %jit3A_314, %sign3A_323 : i32
        %sign3A_325 = arith.extui %sign3A_324 : i1 to i32
        %sign3A_326 = arith.constant 0 : i32
        %sign3A_327 = arith.cmpi slt, %jit3A_314, %sign3A_326 : i32
        %sign3A_328 = arith.extui %sign3A_327 : i1 to i32
        %sign3A_329 = arith.subi %sign3A_325, %sign3A_328 : i32
        %ne3A_330 = arith.cmpi ne, %sign3A_322, %sign3A_329 : i32
        %rem3A_331 = arith.remsi %add3A_285, %jit3A_314 : i32
        %ne3A_332 = arith.constant 0 : i32
        %ne3A_333 = arith.cmpi ne, %rem3A_331, %ne3A_332 : i32
        %and3A_334 = arith.andi %ne3A_330, %ne3A_333 : i1
        %sub3A_335 = arith.constant 1 : i32
        %sub3A_336 = arith.subi %div3A_315, %sub3A_335 : i32
        %select_n3A_337 = arith.select %and3A_334, %sub3A_336, %div3A_315 : i32
        %eq3A_338 = arith.cmpi eq, %select_n3A_337, %arg0 : i32
        %convert_element_type3A_339 = arith.extui %eq3A_338 : i1 to i32
        %cond3A_340 = arith.constant 0 : i32
        %cond3A_341 = arith.cmpi ne, %convert_element_type3A_339, %cond3A_340 : i32
        scf.if %cond3A_341 {
          %get3A = arith.index_cast %add3A_285 : i32 to index
          %get3A_689 = arith.constant 0 : index
          %get3A_690 = tpu.vector_load %arg11[%get3A, %get3A_689] {strides = array<i32>} : memref<250x80xi32, #tpu.memory_space<vmem>>, vector<16xi32>,
          tpu.vector_store_idx %arg17[%get3A_690], %broadcast_in_dim3A_3 {add = true} : memref<10240xf32, #tpu.memory_space<vmem>>[vector<16xi32>], vector<16xf32>,
          %get3A_691 = arith.index_cast %add3A_285 : i32 to index
          %get3A_692 = arith.constant 16 : index
          %get3A_693 = tpu.vector_load %arg11[%get3A_691, %get3A_692] {strides = array<i32>} : memref<250x80xi32, #tpu.memory_space<vmem>>, vector<16xi32>,
          tpu.vector_store_idx %arg17[%get3A_693], %broadcast_in_dim3A_3 {add = true} : memref<10240xf32, #tpu.memory_space<vmem>>[vector<16xi32>], vector<16xf32>,
          %get3A_694 = arith.index_cast %add3A_285 : i32 to index
          %get3A_695 = arith.constant 32 : index
          %get3A_696 = tpu.vector_load %arg11[%get3A_694, %get3A_695] {strides = array<i32>} : memref<250x80xi32, #tpu.memory_space<vmem>>, vector<16xi32>,
          tpu.vector_store_idx %arg17[%get3A_696], %broadcast_in_dim3A_3 {add = true} : memref<10240xf32, #tpu.memory_space<vmem>>[vector<16xi32>], vector<16xf32>,
          %get3A_697 = arith.index_cast %add3A_285 : i32 to index
          %get3A_698 = arith.constant 48 : index
          %get3A_699 = tpu.vector_load %arg11[%get3A_697, %get3A_698] {strides = array<i32>} : memref<250x80xi32, #tpu.memory_space<vmem>>, vector<16xi32>,
          tpu.vector_store_idx %arg17[%get3A_699], %broadcast_in_dim3A_3 {add = true} : memref<10240xf32, #tpu.memory_space<vmem>>[vector<16xi32>], vector<16xf32>,
          %get3A_700 = arith.index_cast %add3A_285 : i32 to index
          %get3A_701 = arith.constant 64 : index
          %get3A_702 = tpu.vector_load %arg11[%get3A_700, %get3A_701] {strides = array<i32>} : memref<250x80xi32, #tpu.memory_space<vmem>>, vector<16xi32>,
          tpu.vector_store_idx %arg17[%get3A_702], %broadcast_in_dim3A_3 {add = true} : memref<10240xf32, #tpu.memory_space<vmem>>[vector<16xi32>], vector<16xf32>,
        } else {
        }
        %mul3A_342 = arith.constant 10 : i32
        %mul3A_343 = arith.muli %scan3A_113, %mul3A_342 : i32
        %add3A_344 = arith.constant 4 : i32
        %add3A_345 = arith.addi %mul3A_343, %add3A_344 : i32
        %dma_wait3A_346 = arith.constant 0 : i32
        %dma_wait3A_347 = tpu.memref_slice %arg10[%add3A_345, %dma_wait3A_346] : memref<250x80xi32, #tpu.memory_space<vmem>> -> memref<1x80xi32, #tpu.memory_space<vmem>>
        %dma_wait3A_348 = tpu.memref_squeeze %dma_wait3A_347 : memref<1x80xi32, #tpu.memory_space<vmem>> -> memref<80xi32, #tpu.memory_space<vmem>>
        %dma_wait3A_349 = arith.constant 0 : i32
        %dma_wait3A_350 = arith.constant 0 : i32
        %dma_wait3A_351 = tpu.memref_slice %arg2[%dma_wait3A_349, %dma_wait3A_350] : memref<10000x64xf32, #tpu.memory_space<hbm>> -> memref<10000x64xf32, #tpu.memory_space<hbm>>
        tpu.wait_indirect_dma semaphore(%arg22 : memref<!tpu.dma_semaphore, #tpu.memory_space<semaphore_mem>>) src(%dma_wait3A_351 : memref<10000x64xf32, #tpu.memory_space<hbm>>) dst(%arg16 : memref<80x64xf32, #tpu.memory_space<vmem>>)
        %dma_start3A_352 = arith.constant 0 : i32
        %dma_start3A_353 = tpu.memref_slice %arg11[%add3A_345, %dma_start3A_352] : memref<250x80xi32, #tpu.memory_space<vmem>> -> memref<1x80xi32, #tpu.memory_space<vmem>>
        %dma_start3A_354 = tpu.memref_squeeze %dma_start3A_353 : memref<1x80xi32, #tpu.memory_space<vmem>> -> memref<80xi32, #tpu.memory_space<vmem>>
        %dma_start3A_355 = arith.constant 0 : i32
        %dma_start3A_356 = arith.constant 0 : i32
        %dma_start3A_357 = tpu.memref_slice %arg9[%dma_start3A_355, %dma_start3A_356] : memref<10240x64xf32, #tpu.memory_space<vmem_shared>> -> memref<10240x64xf32, #tpu.memory_space<vmem_shared>>
        tpu.enqueue_indirect_dma source(%arg16 : memref<80x64xf32, #tpu.memory_space<vmem>>) target(%dma_start3A_357 : memref<10240x64xf32, #tpu.memory_space<vmem_shared>>) offsets(%dma_start3A_354 : memref<80xi32, #tpu.memory_space<vmem>>) semaphore(%arg27 : memref<!tpu.dma_semaphore, #tpu.memory_space<semaphore_mem>>) {add = true}
        %sub3A_358 = arith.constant 1 : i32
        %sub3A_359 = arith.subi %add3A_345, %sub3A_358 : i32
        %dma_wait3A_360 = arith.constant 0 : i32
        %dma_wait3A_361 = tpu.memref_slice %arg11[%sub3A_359, %dma_wait3A_360] : memref<250x80xi32, #tpu.memory_space<vmem>> -> memref<1x80xi32, #tpu.memory_space<vmem>>
        %dma_wait3A_362 = tpu.memref_squeeze %dma_wait3A_361 : memref<1x80xi32, #tpu.memory_space<vmem>> -> memref<80xi32, #tpu.memory_space<vmem>>
        %dma_wait3A_363 = arith.constant 0 : i32
        %dma_wait3A_364 = arith.constant 0 : i32
        %dma_wait3A_365 = tpu.memref_slice %arg9[%dma_wait3A_363, %dma_wait3A_364] : memref<10240x64xf32, #tpu.memory_space<vmem_shared>> -> memref<10240x64xf32, #tpu.memory_space<vmem_shared>>
        tpu.wait_indirect_dma semaphore(%arg26 : memref<!tpu.dma_semaphore, #tpu.memory_space<semaphore_mem>>) src(%arg15 : memref<80x64xf32, #tpu.memory_space<vmem>>) dst(%dma_wait3A_365 : memref<10240x64xf32, #tpu.memory_space<vmem_shared>>)
        %add3A_366 = arith.constant 4 : i32
        %add3A_367 = arith.addi %add3A_345, %add3A_366 : i32
        %dma_start3A_368 = arith.constant 0 : i32
        %dma_start3A_369 = tpu.memref_slice %arg10[%add3A_367, %dma_start3A_368] : memref<250x80xi32, #tpu.memory_space<vmem>> -> memref<1x80xi32, #tpu.memory_space<vmem>>
        %dma_start3A_370 = tpu.memref_squeeze %dma_start3A_369 : memref<1x80xi32, #tpu.memory_space<vmem>> -> memref<80xi32, #tpu.memory_space<vmem>>
        %dma_start3A_371 = arith.constant 0 : i32
        %dma_start3A_372 = arith.constant 0 : i32
        %dma_start3A_373 = tpu.memref_slice %arg2[%dma_start3A_371, %dma_start3A_372] : memref<10000x64xf32, #tpu.memory_space<hbm>> -> memref<10000x64xf32, #tpu.memory_space<hbm>>
        tpu.enqueue_indirect_dma source(%dma_start3A_373 : memref<10000x64xf32, #tpu.memory_space<hbm>>) target(%arg15 : memref<80x64xf32, #tpu.memory_space<vmem>>) offsets(%dma_start3A_370 : memref<80xi32, #tpu.memory_space<vmem>>) semaphore(%arg21 : memref<!tpu.dma_semaphore, #tpu.memory_space<semaphore_mem>>)
        %jit3A_374 = arith.constant 125 : i32
        %div3A_375 = arith.divsi %add3A_345, %jit3A_374 : i32
        %sign3A_376 = arith.constant 0 : i32
        %sign3A_377 = arith.cmpi sgt, %add3A_345, %sign3A_376 : i32
        %sign3A_378 = arith.extui %sign3A_377 : i1 to i32
        %sign3A_379 = arith.constant 0 : i32
        %sign3A_380 = arith.cmpi slt, %add3A_345, %sign3A_379 : i32
        %sign3A_381 = arith.extui %sign3A_380 : i1 to i32
        %sign3A_382 = arith.subi %sign3A_378, %sign3A_381 : i32
        %sign3A_383 = arith.constant 0 : i32
        %sign3A_384 = arith.cmpi sgt, %jit3A_374, %sign3A_383 : i32
        %sign3A_385 = arith.extui %sign3A_384 : i1 to i32
        %sign3A_386 = arith.constant 0 : i32
        %sign3A_387 = arith.cmpi slt, %jit3A_374, %sign3A_386 : i32
        %sign3A_388 = arith.extui %sign3A_387 : i1 to i32
        %sign3A_389 = arith.subi %sign3A_385, %sign3A_388 : i32
        %ne3A_390 = arith.cmpi ne, %sign3A_382, %sign3A_389 : i32
        %rem3A_391 = arith.remsi %add3A_345, %jit3A_374 : i32
        %ne3A_392 = arith.constant 0 : i32
        %ne3A_393 = arith.cmpi ne, %rem3A_391, %ne3A_392 : i32
        %and3A_394 = arith.andi %ne3A_390, %ne3A_393 : i1
        %sub3A_395 = arith.constant 1 : i32
        %sub3A_396 = arith.subi %div3A_375, %sub3A_395 : i32
        %select_n3A_397 = arith.select %and3A_394, %sub3A_396, %div3A_375 : i32
        %eq3A_398 = arith.cmpi eq, %select_n3A_397, %arg0 : i32
        %convert_element_type3A_399 = arith.extui %eq3A_398 : i1 to i32
        %cond3A_400 = arith.constant 0 : i32
        %cond3A_401 = arith.cmpi ne, %convert_element_type3A_399, %cond3A_400 : i32
        scf.if %cond3A_401 {
          %get3A = arith.index_cast %add3A_345 : i32 to index
          %get3A_689 = arith.constant 0 : index
          %get3A_690 = tpu.vector_load %arg11[%get3A, %get3A_689] {strides = array<i32>} : memref<250x80xi32, #tpu.memory_space<vmem>>, vector<16xi32>,
          tpu.vector_store_idx %arg17[%get3A_690], %broadcast_in_dim3A_3 {add = true} : memref<10240xf32, #tpu.memory_space<vmem>>[vector<16xi32>], vector<16xf32>,
          %get3A_691 = arith.index_cast %add3A_345 : i32 to index
          %get3A_692 = arith.constant 16 : index
          %get3A_693 = tpu.vector_load %arg11[%get3A_691, %get3A_692] {strides = array<i32>} : memref<250x80xi32, #tpu.memory_space<vmem>>, vector<16xi32>,
          tpu.vector_store_idx %arg17[%get3A_693], %broadcast_in_dim3A_3 {add = true} : memref<10240xf32, #tpu.memory_space<vmem>>[vector<16xi32>], vector<16xf32>,
          %get3A_694 = arith.index_cast %add3A_345 : i32 to index
          %get3A_695 = arith.constant 32 : index
          %get3A_696 = tpu.vector_load %arg11[%get3A_694, %get3A_695] {strides = array<i32>} : memref<250x80xi32, #tpu.memory_space<vmem>>, vector<16xi32>,
          tpu.vector_store_idx %arg17[%get3A_696], %broadcast_in_dim3A_3 {add = true} : memref<10240xf32, #tpu.memory_space<vmem>>[vector<16xi32>], vector<16xf32>,
          %get3A_697 = arith.index_cast %add3A_345 : i32 to index
          %get3A_698 = arith.constant 48 : index
          %get3A_699 = tpu.vector_load %arg11[%get3A_697, %get3A_698] {strides = array<i32>} : memref<250x80xi32, #tpu.memory_space<vmem>>, vector<16xi32>,
          tpu.vector_store_idx %arg17[%get3A_699], %broadcast_in_dim3A_3 {add = true} : memref<10240xf32, #tpu.memory_space<vmem>>[vector<16xi32>], vector<16xf32>,
          %get3A_700 = arith.index_cast %add3A_345 : i32 to index
          %get3A_701 = arith.constant 64 : index
          %get3A_702 = tpu.vector_load %arg11[%get3A_700, %get3A_701] {strides = array<i32>} : memref<250x80xi32, #tpu.memory_space<vmem>>, vector<16xi32>,
          tpu.vector_store_idx %arg17[%get3A_702], %broadcast_in_dim3A_3 {add = true} : memref<10240xf32, #tpu.memory_space<vmem>>[vector<16xi32>], vector<16xf32>,
        } else {
        }
        %mul3A_402 = arith.constant 10 : i32
        %mul3A_403 = arith.muli %scan3A_113, %mul3A_402 : i32
        %add3A_404 = arith.constant 5 : i32
        %add3A_405 = arith.addi %mul3A_403, %add3A_404 : i32
        %dma_wait3A_406 = arith.constant 0 : i32
        %dma_wait3A_407 = tpu.memref_slice %arg10[%add3A_405, %dma_wait3A_406] : memref<250x80xi32, #tpu.memory_space<vmem>> -> memref<1x80xi32, #tpu.memory_space<vmem>>
        %dma_wait3A_408 = tpu.memref_squeeze %dma_wait3A_407 : memref<1x80xi32, #tpu.memory_space<vmem>> -> memref<80xi32, #tpu.memory_space<vmem>>
        %dma_wait3A_409 = arith.constant 0 : i32
        %dma_wait3A_410 = arith.constant 0 : i32
        %dma_wait3A_411 = tpu.memref_slice %arg2[%dma_wait3A_409, %dma_wait3A_410] : memref<10000x64xf32, #tpu.memory_space<hbm>> -> memref<10000x64xf32, #tpu.memory_space<hbm>>
        tpu.wait_indirect_dma semaphore(%arg18 : memref<!tpu.dma_semaphore, #tpu.memory_space<semaphore_mem>>) src(%dma_wait3A_411 : memref<10000x64xf32, #tpu.memory_space<hbm>>) dst(%arg12 : memref<80x64xf32, #tpu.memory_space<vmem>>)
        %dma_start3A_412 = arith.constant 0 : i32
        %dma_start3A_413 = tpu.memref_slice %arg11[%add3A_405, %dma_start3A_412] : memref<250x80xi32, #tpu.memory_space<vmem>> -> memref<1x80xi32, #tpu.memory_space<vmem>>
        %dma_start3A_414 = tpu.memref_squeeze %dma_start3A_413 : memref<1x80xi32, #tpu.memory_space<vmem>> -> memref<80xi32, #tpu.memory_space<vmem>>
        %dma_start3A_415 = arith.constant 0 : i32
        %dma_start3A_416 = arith.constant 0 : i32
        %dma_start3A_417 = tpu.memref_slice %arg9[%dma_start3A_415, %dma_start3A_416] : memref<10240x64xf32, #tpu.memory_space<vmem_shared>> -> memref<10240x64xf32, #tpu.memory_space<vmem_shared>>
        tpu.enqueue_indirect_dma source(%arg12 : memref<80x64xf32, #tpu.memory_space<vmem>>) target(%dma_start3A_417 : memref<10240x64xf32, #tpu.memory_space<vmem_shared>>) offsets(%dma_start3A_414 : memref<80xi32, #tpu.memory_space<vmem>>) semaphore(%arg23 : memref<!tpu.dma_semaphore, #tpu.memory_space<semaphore_mem>>) {add = true}
        %sub3A_418 = arith.constant 1 : i32
        %sub3A_419 = arith.subi %add3A_405, %sub3A_418 : i32
        %dma_wait3A_420 = arith.constant 0 : i32
        %dma_wait3A_421 = tpu.memref_slice %arg11[%sub3A_419, %dma_wait3A_420] : memref<250x80xi32, #tpu.memory_space<vmem>> -> memref<1x80xi32, #tpu.memory_space<vmem>>
        %dma_wait3A_422 = tpu.memref_squeeze %dma_wait3A_421 : memref<1x80xi32, #tpu.memory_space<vmem>> -> memref<80xi32, #tpu.memory_space<vmem>>
        %dma_wait3A_423 = arith.constant 0 : i32
        %dma_wait3A_424 = arith.constant 0 : i32
        %dma_wait3A_425 = tpu.memref_slice %arg9[%dma_wait3A_423, %dma_wait3A_424] : memref<10240x64xf32, #tpu.memory_space<vmem_shared>> -> memref<10240x64xf32, #tpu.memory_space<vmem_shared>>
        tpu.wait_indirect_dma semaphore(%arg27 : memref<!tpu.dma_semaphore, #tpu.memory_space<semaphore_mem>>) src(%arg16 : memref<80x64xf32, #tpu.memory_space<vmem>>) dst(%dma_wait3A_425 : memref<10240x64xf32, #tpu.memory_space<vmem_shared>>)
        %add3A_426 = arith.constant 4 : i32
        %add3A_427 = arith.addi %add3A_405, %add3A_426 : i32
        %dma_start3A_428 = arith.constant 0 : i32
        %dma_start3A_429 = tpu.memref_slice %arg10[%add3A_427, %dma_start3A_428] : memref<250x80xi32, #tpu.memory_space<vmem>> -> memref<1x80xi32, #tpu.memory_space<vmem>>
        %dma_start3A_430 = tpu.memref_squeeze %dma_start3A_429 : memref<1x80xi32, #tpu.memory_space<vmem>> -> memref<80xi32, #tpu.memory_space<vmem>>
        %dma_start3A_431 = arith.constant 0 : i32
        %dma_start3A_432 = arith.constant 0 : i32
        %dma_start3A_433 = tpu.memref_slice %arg2[%dma_start3A_431, %dma_start3A_432] : memref<10000x64xf32, #tpu.memory_space<hbm>> -> memref<10000x64xf32, #tpu.memory_space<hbm>>
        tpu.enqueue_indirect_dma source(%dma_start3A_433 : memref<10000x64xf32, #tpu.memory_space<hbm>>) target(%arg16 : memref<80x64xf32, #tpu.memory_space<vmem>>) offsets(%dma_start3A_430 : memref<80xi32, #tpu.memory_space<vmem>>) semaphore(%arg22 : memref<!tpu.dma_semaphore, #tpu.memory_space<semaphore_mem>>)
        %jit3A_434 = arith.constant 125 : i32
        %div3A_435 = arith.divsi %add3A_405, %jit3A_434 : i32
        %sign3A_436 = arith.constant 0 : i32
        %sign3A_437 = arith.cmpi sgt, %add3A_405, %sign3A_436 : i32
        %sign3A_438 = arith.extui %sign3A_437 : i1 to i32
        %sign3A_439 = arith.constant 0 : i32
        %sign3A_440 = arith.cmpi slt, %add3A_405, %sign3A_439 : i32
        %sign3A_441 = arith.extui %sign3A_440 : i1 to i32
        %sign3A_442 = arith.subi %sign3A_438, %sign3A_441 : i32
        %sign3A_443 = arith.constant 0 : i32
        %sign3A_444 = arith.cmpi sgt, %jit3A_434, %sign3A_443 : i32
        %sign3A_445 = arith.extui %sign3A_444 : i1 to i32
        %sign3A_446 = arith.constant 0 : i32
        %sign3A_447 = arith.cmpi slt, %jit3A_434, %sign3A_446 : i32
        %sign3A_448 = arith.extui %sign3A_447 : i1 to i32
        %sign3A_449 = arith.subi %sign3A_445, %sign3A_448 : i32
        %ne3A_450 = arith.cmpi ne, %sign3A_442, %sign3A_449 : i32
        %rem3A_451 = arith.remsi %add3A_405, %jit3A_434 : i32
        %ne3A_452 = arith.constant 0 : i32
        %ne3A_453 = arith.cmpi ne, %rem3A_451, %ne3A_452 : i32
        %and3A_454 = arith.andi %ne3A_450, %ne3A_453 : i1
        %sub3A_455 = arith.constant 1 : i32
        %sub3A_456 = arith.subi %div3A_435, %sub3A_455 : i32
        %select_n3A_457 = arith.select %and3A_454, %sub3A_456, %div3A_435 : i32
        %eq3A_458 = arith.cmpi eq, %select_n3A_457, %arg0 : i32
        %convert_element_type3A_459 = arith.extui %eq3A_458 : i1 to i32
        %cond3A_460 = arith.constant 0 : i32
        %cond3A_461 = arith.cmpi ne, %convert_element_type3A_459, %cond3A_460 : i32
        scf.if %cond3A_461 {
          %get3A = arith.index_cast %add3A_405 : i32 to index
          %get3A_689 = arith.constant 0 : index
          %get3A_690 = tpu.vector_load %arg11[%get3A, %get3A_689] {strides = array<i32>} : memref<250x80xi32, #tpu.memory_space<vmem>>, vector<16xi32>,
          tpu.vector_store_idx %arg17[%get3A_690], %broadcast_in_dim3A_3 {add = true} : memref<10240xf32, #tpu.memory_space<vmem>>[vector<16xi32>], vector<16xf32>,
          %get3A_691 = arith.index_cast %add3A_405 : i32 to index
          %get3A_692 = arith.constant 16 : index
          %get3A_693 = tpu.vector_load %arg11[%get3A_691, %get3A_692] {strides = array<i32>} : memref<250x80xi32, #tpu.memory_space<vmem>>, vector<16xi32>,
          tpu.vector_store_idx %arg17[%get3A_693], %broadcast_in_dim3A_3 {add = true} : memref<10240xf32, #tpu.memory_space<vmem>>[vector<16xi32>], vector<16xf32>,
          %get3A_694 = arith.index_cast %add3A_405 : i32 to index
          %get3A_695 = arith.constant 32 : index
          %get3A_696 = tpu.vector_load %arg11[%get3A_694, %get3A_695] {strides = array<i32>} : memref<250x80xi32, #tpu.memory_space<vmem>>, vector<16xi32>,
          tpu.vector_store_idx %arg17[%get3A_696], %broadcast_in_dim3A_3 {add = true} : memref<10240xf32, #tpu.memory_space<vmem>>[vector<16xi32>], vector<16xf32>,
          %get3A_697 = arith.index_cast %add3A_405 : i32 to index
          %get3A_698 = arith.constant 48 : index
          %get3A_699 = tpu.vector_load %arg11[%get3A_697, %get3A_698] {strides = array<i32>} : memref<250x80xi32, #tpu.memory_space<vmem>>, vector<16xi32>,
          tpu.vector_store_idx %arg17[%get3A_699], %broadcast_in_dim3A_3 {add = true} : memref<10240xf32, #tpu.memory_space<vmem>>[vector<16xi32>], vector<16xf32>,
          %get3A_700 = arith.index_cast %add3A_405 : i32 to index
          %get3A_701 = arith.constant 64 : index
          %get3A_702 = tpu.vector_load %arg11[%get3A_700, %get3A_701] {strides = array<i32>} : memref<250x80xi32, #tpu.memory_space<vmem>>, vector<16xi32>,
          tpu.vector_store_idx %arg17[%get3A_702], %broadcast_in_dim3A_3 {add = true} : memref<10240xf32, #tpu.memory_space<vmem>>[vector<16xi32>], vector<16xf32>,
        } else {
        }
        %mul3A_462 = arith.constant 10 : i32
        %mul3A_463 = arith.muli %scan3A_113, %mul3A_462 : i32
        %add3A_464 = arith.constant 6 : i32
        %add3A_465 = arith.addi %mul3A_463, %add3A_464 : i32
        %dma_wait3A_466 = arith.constant 0 : i32
        %dma_wait3A_467 = tpu.memref_slice %arg10[%add3A_465, %dma_wait3A_466] : memref<250x80xi32, #tpu.memory_space<vmem>> -> memref<1x80xi32, #tpu.memory_space<vmem>>
        %dma_wait3A_468 = tpu.memref_squeeze %dma_wait3A_467 : memref<1x80xi32, #tpu.memory_space<vmem>> -> memref<80xi32, #tpu.memory_space<vmem>>
        %dma_wait3A_469 = arith.constant 0 : i32
        %dma_wait3A_470 = arith.constant 0 : i32
        %dma_wait3A_471 = tpu.memref_slice %arg2[%dma_wait3A_469, %dma_wait3A_470] : memref<10000x64xf32, #tpu.memory_space<hbm>> -> memref<10000x64xf32, #tpu.memory_space<hbm>>
        tpu.wait_indirect_dma semaphore(%arg19 : memref<!tpu.dma_semaphore, #tpu.memory_space<semaphore_mem>>) src(%dma_wait3A_471 : memref<10000x64xf32, #tpu.memory_space<hbm>>) dst(%arg13 : memref<80x64xf32, #tpu.memory_space<vmem>>)
        %dma_start3A_472 = arith.constant 0 : i32
        %dma_start3A_473 = tpu.memref_slice %arg11[%add3A_465, %dma_start3A_472] : memref<250x80xi32, #tpu.memory_space<vmem>> -> memref<1x80xi32, #tpu.memory_space<vmem>>
        %dma_start3A_474 = tpu.memref_squeeze %dma_start3A_473 : memref<1x80xi32, #tpu.memory_space<vmem>> -> memref<80xi32, #tpu.memory_space<vmem>>
        %dma_start3A_475 = arith.constant 0 : i32
        %dma_start3A_476 = arith.constant 0 : i32
        %dma_start3A_477 = tpu.memref_slice %arg9[%dma_start3A_475, %dma_start3A_476] : memref<10240x64xf32, #tpu.memory_space<vmem_shared>> -> memref<10240x64xf32, #tpu.memory_space<vmem_shared>>
        tpu.enqueue_indirect_dma source(%arg13 : memref<80x64xf32, #tpu.memory_space<vmem>>) target(%dma_start3A_477 : memref<10240x64xf32, #tpu.memory_space<vmem_shared>>) offsets(%dma_start3A_474 : memref<80xi32, #tpu.memory_space<vmem>>) semaphore(%arg24 : memref<!tpu.dma_semaphore, #tpu.memory_space<semaphore_mem>>) {add = true}
        %sub3A_478 = arith.constant 1 : i32
        %sub3A_479 = arith.subi %add3A_465, %sub3A_478 : i32
        %dma_wait3A_480 = arith.constant 0 : i32
        %dma_wait3A_481 = tpu.memref_slice %arg11[%sub3A_479, %dma_wait3A_480] : memref<250x80xi32, #tpu.memory_space<vmem>> -> memref<1x80xi32, #tpu.memory_space<vmem>>
        %dma_wait3A_482 = tpu.memref_squeeze %dma_wait3A_481 : memref<1x80xi32, #tpu.memory_space<vmem>> -> memref<80xi32, #tpu.memory_space<vmem>>
        %dma_wait3A_483 = arith.constant 0 : i32
        %dma_wait3A_484 = arith.constant 0 : i32
        %dma_wait3A_485 = tpu.memref_slice %arg9[%dma_wait3A_483, %dma_wait3A_484] : memref<10240x64xf32, #tpu.memory_space<vmem_shared>> -> memref<10240x64xf32, #tpu.memory_space<vmem_shared>>
        tpu.wait_indirect_dma semaphore(%arg23 : memref<!tpu.dma_semaphore, #tpu.memory_space<semaphore_mem>>) src(%arg12 : memref<80x64xf32, #tpu.memory_space<vmem>>) dst(%dma_wait3A_485 : memref<10240x64xf32, #tpu.memory_space<vmem_shared>>)
        %lt3A = arith.constant 24 : i32
        %lt3A_486 = arith.cmpi slt, %scan3A_113, %lt3A : i32
        %convert_element_type3A_487 = arith.extui %lt3A_486 : i1 to i32
        %cond3A_488 = arith.constant 0 : i32
        %cond3A_489 = arith.cmpi ne, %convert_element_type3A_487, %cond3A_488 : i32
        scf.if %cond3A_489 {
          %add3A_689 = arith.constant 4 : i32
          %add3A_690 = arith.addi %add3A_465, %add3A_689 : i32
          %dma_start3A_691 = arith.constant 0 : i32
          %dma_start3A_692 = tpu.memref_slice %arg10[%add3A_690, %dma_start3A_691] : memref<250x80xi32, #tpu.memory_space<vmem>> -> memref<1x80xi32, #tpu.memory_space<vmem>>
          %dma_start3A_693 = tpu.memref_squeeze %dma_start3A_692 : memref<1x80xi32, #tpu.memory_space<vmem>> -> memref<80xi32, #tpu.memory_space<vmem>>
          %dma_start3A_694 = arith.constant 0 : i32
          %dma_start3A_695 = arith.constant 0 : i32
          %dma_start3A_696 = tpu.memref_slice %arg2[%dma_start3A_694, %dma_start3A_695] : memref<10000x64xf32, #tpu.memory_space<hbm>> -> memref<10000x64xf32, #tpu.memory_space<hbm>>
          tpu.enqueue_indirect_dma source(%dma_start3A_696 : memref<10000x64xf32, #tpu.memory_space<hbm>>) target(%arg12 : memref<80x64xf32, #tpu.memory_space<vmem>>) offsets(%dma_start3A_693 : memref<80xi32, #tpu.memory_space<vmem>>) semaphore(%arg18 : memref<!tpu.dma_semaphore, #tpu.memory_space<semaphore_mem>>)
        } else {
        }
        %jit3A_490 = arith.constant 125 : i32
        %div3A_491 = arith.divsi %add3A_465, %jit3A_490 : i32
        %sign3A_492 = arith.constant 0 : i32
        %sign3A_493 = arith.cmpi sgt, %add3A_465, %sign3A_492 : i32
        %sign3A_494 = arith.extui %sign3A_493 : i1 to i32
        %sign3A_495 = arith.constant 0 : i32
        %sign3A_496 = arith.cmpi slt, %add3A_465, %sign3A_495 : i32
        %sign3A_497 = arith.extui %sign3A_496 : i1 to i32
        %sign3A_498 = arith.subi %sign3A_494, %sign3A_497 : i32
        %sign3A_499 = arith.constant 0 : i32
        %sign3A_500 = arith.cmpi sgt, %jit3A_490, %sign3A_499 : i32
        %sign3A_501 = arith.extui %sign3A_500 : i1 to i32
        %sign3A_502 = arith.constant 0 : i32
        %sign3A_503 = arith.cmpi slt, %jit3A_490, %sign3A_502 : i32
        %sign3A_504 = arith.extui %sign3A_503 : i1 to i32
        %sign3A_505 = arith.subi %sign3A_501, %sign3A_504 : i32
        %ne3A_506 = arith.cmpi ne, %sign3A_498, %sign3A_505 : i32
        %rem3A_507 = arith.remsi %add3A_465, %jit3A_490 : i32
        %ne3A_508 = arith.constant 0 : i32
        %ne3A_509 = arith.cmpi ne, %rem3A_507, %ne3A_508 : i32
        %and3A_510 = arith.andi %ne3A_506, %ne3A_509 : i1
        %sub3A_511 = arith.constant 1 : i32
        %sub3A_512 = arith.subi %div3A_491, %sub3A_511 : i32
        %select_n3A_513 = arith.select %and3A_510, %sub3A_512, %div3A_491 : i32
        %eq3A_514 = arith.cmpi eq, %select_n3A_513, %arg0 : i32
        %convert_element_type3A_515 = arith.extui %eq3A_514 : i1 to i32
        %cond3A_516 = arith.constant 0 : i32
        %cond3A_517 = arith.cmpi ne, %convert_element_type3A_515, %cond3A_516 : i32
        scf.if %cond3A_517 {
          %get3A = arith.index_cast %add3A_465 : i32 to index
          %get3A_689 = arith.constant 0 : index
          %get3A_690 = tpu.vector_load %arg11[%get3A, %get3A_689] {strides = array<i32>} : memref<250x80xi32, #tpu.memory_space<vmem>>, vector<16xi32>,
          tpu.vector_store_idx %arg17[%get3A_690], %broadcast_in_dim3A_3 {add = true} : memref<10240xf32, #tpu.memory_space<vmem>>[vector<16xi32>], vector<16xf32>,
          %get3A_691 = arith.index_cast %add3A_465 : i32 to index
          %get3A_692 = arith.constant 16 : index
          %get3A_693 = tpu.vector_load %arg11[%get3A_691, %get3A_692] {strides = array<i32>} : memref<250x80xi32, #tpu.memory_space<vmem>>, vector<16xi32>,
          tpu.vector_store_idx %arg17[%get3A_693], %broadcast_in_dim3A_3 {add = true} : memref<10240xf32, #tpu.memory_space<vmem>>[vector<16xi32>], vector<16xf32>,
          %get3A_694 = arith.index_cast %add3A_465 : i32 to index
          %get3A_695 = arith.constant 32 : index
          %get3A_696 = tpu.vector_load %arg11[%get3A_694, %get3A_695] {strides = array<i32>} : memref<250x80xi32, #tpu.memory_space<vmem>>, vector<16xi32>,
          tpu.vector_store_idx %arg17[%get3A_696], %broadcast_in_dim3A_3 {add = true} : memref<10240xf32, #tpu.memory_space<vmem>>[vector<16xi32>], vector<16xf32>,
          %get3A_697 = arith.index_cast %add3A_465 : i32 to index
          %get3A_698 = arith.constant 48 : index
          %get3A_699 = tpu.vector_load %arg11[%get3A_697, %get3A_698] {strides = array<i32>} : memref<250x80xi32, #tpu.memory_space<vmem>>, vector<16xi32>,
          tpu.vector_store_idx %arg17[%get3A_699], %broadcast_in_dim3A_3 {add = true} : memref<10240xf32, #tpu.memory_space<vmem>>[vector<16xi32>], vector<16xf32>,
          %get3A_700 = arith.index_cast %add3A_465 : i32 to index
          %get3A_701 = arith.constant 64 : index
          %get3A_702 = tpu.vector_load %arg11[%get3A_700, %get3A_701] {strides = array<i32>} : memref<250x80xi32, #tpu.memory_space<vmem>>, vector<16xi32>,
          tpu.vector_store_idx %arg17[%get3A_702], %broadcast_in_dim3A_3 {add = true} : memref<10240xf32, #tpu.memory_space<vmem>>[vector<16xi32>], vector<16xf32>,
        } else {
        }
        %mul3A_518 = arith.constant 10 : i32
        %mul3A_519 = arith.muli %scan3A_113, %mul3A_518 : i32
        %add3A_520 = arith.constant 7 : i32
        %add3A_521 = arith.addi %mul3A_519, %add3A_520 : i32
        %dma_wait3A_522 = arith.constant 0 : i32
        %dma_wait3A_523 = tpu.memref_slice %arg10[%add3A_521, %dma_wait3A_522] : memref<250x80xi32, #tpu.memory_space<vmem>> -> memref<1x80xi32, #tpu.memory_space<vmem>>
        %dma_wait3A_524 = tpu.memref_squeeze %dma_wait3A_523 : memref<1x80xi32, #tpu.memory_space<vmem>> -> memref<80xi32, #tpu.memory_space<vmem>>
        %dma_wait3A_525 = arith.constant 0 : i32
        %dma_wait3A_526 = arith.constant 0 : i32
        %dma_wait3A_527 = tpu.memref_slice %arg2[%dma_wait3A_525, %dma_wait3A_526] : memref<10000x64xf32, #tpu.memory_space<hbm>> -> memref<10000x64xf32, #tpu.memory_space<hbm>>
        tpu.wait_indirect_dma semaphore(%arg20 : memref<!tpu.dma_semaphore, #tpu.memory_space<semaphore_mem>>) src(%dma_wait3A_527 : memref<10000x64xf32, #tpu.memory_space<hbm>>) dst(%arg14 : memref<80x64xf32, #tpu.memory_space<vmem>>)
        %dma_start3A_528 = arith.constant 0 : i32
        %dma_start3A_529 = tpu.memref_slice %arg11[%add3A_521, %dma_start3A_528] : memref<250x80xi32, #tpu.memory_space<vmem>> -> memref<1x80xi32, #tpu.memory_space<vmem>>
        %dma_start3A_530 = tpu.memref_squeeze %dma_start3A_529 : memref<1x80xi32, #tpu.memory_space<vmem>> -> memref<80xi32, #tpu.memory_space<vmem>>
        %dma_start3A_531 = arith.constant 0 : i32
        %dma_start3A_532 = arith.constant 0 : i32
        %dma_start3A_533 = tpu.memref_slice %arg9[%dma_start3A_531, %dma_start3A_532] : memref<10240x64xf32, #tpu.memory_space<vmem_shared>> -> memref<10240x64xf32, #tpu.memory_space<vmem_shared>>
        tpu.enqueue_indirect_dma source(%arg14 : memref<80x64xf32, #tpu.memory_space<vmem>>) target(%dma_start3A_533 : memref<10240x64xf32, #tpu.memory_space<vmem_shared>>) offsets(%dma_start3A_530 : memref<80xi32, #tpu.memory_space<vmem>>) semaphore(%arg25 : memref<!tpu.dma_semaphore, #tpu.memory_space<semaphore_mem>>) {add = true}
        %sub3A_534 = arith.constant 1 : i32
        %sub3A_535 = arith.subi %add3A_521, %sub3A_534 : i32
        %dma_wait3A_536 = arith.constant 0 : i32
        %dma_wait3A_537 = tpu.memref_slice %arg11[%sub3A_535, %dma_wait3A_536] : memref<250x80xi32, #tpu.memory_space<vmem>> -> memref<1x80xi32, #tpu.memory_space<vmem>>
        %dma_wait3A_538 = tpu.memref_squeeze %dma_wait3A_537 : memref<1x80xi32, #tpu.memory_space<vmem>> -> memref<80xi32, #tpu.memory_space<vmem>>
        %dma_wait3A_539 = arith.constant 0 : i32
        %dma_wait3A_540 = arith.constant 0 : i32
        %dma_wait3A_541 = tpu.memref_slice %arg9[%dma_wait3A_539, %dma_wait3A_540] : memref<10240x64xf32, #tpu.memory_space<vmem_shared>> -> memref<10240x64xf32, #tpu.memory_space<vmem_shared>>
        tpu.wait_indirect_dma semaphore(%arg24 : memref<!tpu.dma_semaphore, #tpu.memory_space<semaphore_mem>>) src(%arg13 : memref<80x64xf32, #tpu.memory_space<vmem>>) dst(%dma_wait3A_541 : memref<10240x64xf32, #tpu.memory_space<vmem_shared>>)
        %lt3A_542 = arith.constant 24 : i32
        %lt3A_543 = arith.cmpi slt, %scan3A_113, %lt3A_542 : i32
        %convert_element_type3A_544 = arith.extui %lt3A_543 : i1 to i32
        %cond3A_545 = arith.constant 0 : i32
        %cond3A_546 = arith.cmpi ne, %convert_element_type3A_544, %cond3A_545 : i32
        scf.if %cond3A_546 {
          %add3A_689 = arith.constant 4 : i32
          %add3A_690 = arith.addi %add3A_521, %add3A_689 : i32
          %dma_start3A_691 = arith.constant 0 : i32
          %dma_start3A_692 = tpu.memref_slice %arg10[%add3A_690, %dma_start3A_691] : memref<250x80xi32, #tpu.memory_space<vmem>> -> memref<1x80xi32, #tpu.memory_space<vmem>>
          %dma_start3A_693 = tpu.memref_squeeze %dma_start3A_692 : memref<1x80xi32, #tpu.memory_space<vmem>> -> memref<80xi32, #tpu.memory_space<vmem>>
          %dma_start3A_694 = arith.constant 0 : i32
          %dma_start3A_695 = arith.constant 0 : i32
          %dma_start3A_696 = tpu.memref_slice %arg2[%dma_start3A_694, %dma_start3A_695] : memref<10000x64xf32, #tpu.memory_space<hbm>> -> memref<10000x64xf32, #tpu.memory_space<hbm>>
          tpu.enqueue_indirect_dma source(%dma_start3A_696 : memref<10000x64xf32, #tpu.memory_space<hbm>>) target(%arg13 : memref<80x64xf32, #tpu.memory_space<vmem>>) offsets(%dma_start3A_693 : memref<80xi32, #tpu.memory_space<vmem>>) semaphore(%arg19 : memref<!tpu.dma_semaphore, #tpu.memory_space<semaphore_mem>>)
        } else {
        }
        %jit3A_547 = arith.constant 125 : i32
        %div3A_548 = arith.divsi %add3A_521, %jit3A_547 : i32
        %sign3A_549 = arith.constant 0 : i32
        %sign3A_550 = arith.cmpi sgt, %add3A_521, %sign3A_549 : i32
        %sign3A_551 = arith.extui %sign3A_550 : i1 to i32
        %sign3A_552 = arith.constant 0 : i32
        %sign3A_553 = arith.cmpi slt, %add3A_521, %sign3A_552 : i32
        %sign3A_554 = arith.extui %sign3A_553 : i1 to i32
        %sign3A_555 = arith.subi %sign3A_551, %sign3A_554 : i32
        %sign3A_556 = arith.constant 0 : i32
        %sign3A_557 = arith.cmpi sgt, %jit3A_547, %sign3A_556 : i32
        %sign3A_558 = arith.extui %sign3A_557 : i1 to i32
        %sign3A_559 = arith.constant 0 : i32
        %sign3A_560 = arith.cmpi slt, %jit3A_547, %sign3A_559 : i32
        %sign3A_561 = arith.extui %sign3A_560 : i1 to i32
        %sign3A_562 = arith.subi %sign3A_558, %sign3A_561 : i32
        %ne3A_563 = arith.cmpi ne, %sign3A_555, %sign3A_562 : i32
        %rem3A_564 = arith.remsi %add3A_521, %jit3A_547 : i32
        %ne3A_565 = arith.constant 0 : i32
        %ne3A_566 = arith.cmpi ne, %rem3A_564, %ne3A_565 : i32
        %and3A_567 = arith.andi %ne3A_563, %ne3A_566 : i1
        %sub3A_568 = arith.constant 1 : i32
        %sub3A_569 = arith.subi %div3A_548, %sub3A_568 : i32
        %select_n3A_570 = arith.select %and3A_567, %sub3A_569, %div3A_548 : i32
        %eq3A_571 = arith.cmpi eq, %select_n3A_570, %arg0 : i32
        %convert_element_type3A_572 = arith.extui %eq3A_571 : i1 to i32
        %cond3A_573 = arith.constant 0 : i32
        %cond3A_574 = arith.cmpi ne, %convert_element_type3A_572, %cond3A_573 : i32
        scf.if %cond3A_574 {
          %get3A = arith.index_cast %add3A_521 : i32 to index
          %get3A_689 = arith.constant 0 : index
          %get3A_690 = tpu.vector_load %arg11[%get3A, %get3A_689] {strides = array<i32>} : memref<250x80xi32, #tpu.memory_space<vmem>>, vector<16xi32>,
          tpu.vector_store_idx %arg17[%get3A_690], %broadcast_in_dim3A_3 {add = true} : memref<10240xf32, #tpu.memory_space<vmem>>[vector<16xi32>], vector<16xf32>,
          %get3A_691 = arith.index_cast %add3A_521 : i32 to index
          %get3A_692 = arith.constant 16 : index
          %get3A_693 = tpu.vector_load %arg11[%get3A_691, %get3A_692] {strides = array<i32>} : memref<250x80xi32, #tpu.memory_space<vmem>>, vector<16xi32>,
          tpu.vector_store_idx %arg17[%get3A_693], %broadcast_in_dim3A_3 {add = true} : memref<10240xf32, #tpu.memory_space<vmem>>[vector<16xi32>], vector<16xf32>,
          %get3A_694 = arith.index_cast %add3A_521 : i32 to index
          %get3A_695 = arith.constant 32 : index
          %get3A_696 = tpu.vector_load %arg11[%get3A_694, %get3A_695] {strides = array<i32>} : memref<250x80xi32, #tpu.memory_space<vmem>>, vector<16xi32>,
          tpu.vector_store_idx %arg17[%get3A_696], %broadcast_in_dim3A_3 {add = true} : memref<10240xf32, #tpu.memory_space<vmem>>[vector<16xi32>], vector<16xf32>,
          %get3A_697 = arith.index_cast %add3A_521 : i32 to index
          %get3A_698 = arith.constant 48 : index
          %get3A_699 = tpu.vector_load %arg11[%get3A_697, %get3A_698] {strides = array<i32>} : memref<250x80xi32, #tpu.memory_space<vmem>>, vector<16xi32>,
          tpu.vector_store_idx %arg17[%get3A_699], %broadcast_in_dim3A_3 {add = true} : memref<10240xf32, #tpu.memory_space<vmem>>[vector<16xi32>], vector<16xf32>,
          %get3A_700 = arith.index_cast %add3A_521 : i32 to index
          %get3A_701 = arith.constant 64 : index
          %get3A_702 = tpu.vector_load %arg11[%get3A_700, %get3A_701] {strides = array<i32>} : memref<250x80xi32, #tpu.memory_space<vmem>>, vector<16xi32>,
          tpu.vector_store_idx %arg17[%get3A_702], %broadcast_in_dim3A_3 {add = true} : memref<10240xf32, #tpu.memory_space<vmem>>[vector<16xi32>], vector<16xf32>,
        } else {
        }
        %mul3A_575 = arith.constant 10 : i32
        %mul3A_576 = arith.muli %scan3A_113, %mul3A_575 : i32
        %add3A_577 = arith.constant 8 : i32
        %add3A_578 = arith.addi %mul3A_576, %add3A_577 : i32
        %dma_wait3A_579 = arith.constant 0 : i32
        %dma_wait3A_580 = tpu.memref_slice %arg10[%add3A_578, %dma_wait3A_579] : memref<250x80xi32, #tpu.memory_space<vmem>> -> memref<1x80xi32, #tpu.memory_space<vmem>>
        %dma_wait3A_581 = tpu.memref_squeeze %dma_wait3A_580 : memref<1x80xi32, #tpu.memory_space<vmem>> -> memref<80xi32, #tpu.memory_space<vmem>>
        %dma_wait3A_582 = arith.constant 0 : i32
        %dma_wait3A_583 = arith.constant 0 : i32
        %dma_wait3A_584 = tpu.memref_slice %arg2[%dma_wait3A_582, %dma_wait3A_583] : memref<10000x64xf32, #tpu.memory_space<hbm>> -> memref<10000x64xf32, #tpu.memory_space<hbm>>
        tpu.wait_indirect_dma semaphore(%arg21 : memref<!tpu.dma_semaphore, #tpu.memory_space<semaphore_mem>>) src(%dma_wait3A_584 : memref<10000x64xf32, #tpu.memory_space<hbm>>) dst(%arg15 : memref<80x64xf32, #tpu.memory_space<vmem>>)
        %dma_start3A_585 = arith.constant 0 : i32
        %dma_start3A_586 = tpu.memref_slice %arg11[%add3A_578, %dma_start3A_585] : memref<250x80xi32, #tpu.memory_space<vmem>> -> memref<1x80xi32, #tpu.memory_space<vmem>>
        %dma_start3A_587 = tpu.memref_squeeze %dma_start3A_586 : memref<1x80xi32, #tpu.memory_space<vmem>> -> memref<80xi32, #tpu.memory_space<vmem>>
        %dma_start3A_588 = arith.constant 0 : i32
        %dma_start3A_589 = arith.constant 0 : i32
        %dma_start3A_590 = tpu.memref_slice %arg9[%dma_start3A_588, %dma_start3A_589] : memref<10240x64xf32, #tpu.memory_space<vmem_shared>> -> memref<10240x64xf32, #tpu.memory_space<vmem_shared>>
        tpu.enqueue_indirect_dma source(%arg15 : memref<80x64xf32, #tpu.memory_space<vmem>>) target(%dma_start3A_590 : memref<10240x64xf32, #tpu.memory_space<vmem_shared>>) offsets(%dma_start3A_587 : memref<80xi32, #tpu.memory_space<vmem>>) semaphore(%arg26 : memref<!tpu.dma_semaphore, #tpu.memory_space<semaphore_mem>>) {add = true}
        %sub3A_591 = arith.constant 1 : i32
        %sub3A_592 = arith.subi %add3A_578, %sub3A_591 : i32
        %dma_wait3A_593 = arith.constant 0 : i32
        %dma_wait3A_594 = tpu.memref_slice %arg11[%sub3A_592, %dma_wait3A_593] : memref<250x80xi32, #tpu.memory_space<vmem>> -> memref<1x80xi32, #tpu.memory_space<vmem>>
        %dma_wait3A_595 = tpu.memref_squeeze %dma_wait3A_594 : memref<1x80xi32, #tpu.memory_space<vmem>> -> memref<80xi32, #tpu.memory_space<vmem>>
        %dma_wait3A_596 = arith.constant 0 : i32
        %dma_wait3A_597 = arith.constant 0 : i32
        %dma_wait3A_598 = tpu.memref_slice %arg9[%dma_wait3A_596, %dma_wait3A_597] : memref<10240x64xf32, #tpu.memory_space<vmem_shared>> -> memref<10240x64xf32, #tpu.memory_space<vmem_shared>>
        tpu.wait_indirect_dma semaphore(%arg25 : memref<!tpu.dma_semaphore, #tpu.memory_space<semaphore_mem>>) src(%arg14 : memref<80x64xf32, #tpu.memory_space<vmem>>) dst(%dma_wait3A_598 : memref<10240x64xf32, #tpu.memory_space<vmem_shared>>)
        %lt3A_599 = arith.constant 24 : i32
        %lt3A_600 = arith.cmpi slt, %scan3A_113, %lt3A_599 : i32
        %convert_element_type3A_601 = arith.extui %lt3A_600 : i1 to i32
        %cond3A_602 = arith.constant 0 : i32
        %cond3A_603 = arith.cmpi ne, %convert_element_type3A_601, %cond3A_602 : i32
        scf.if %cond3A_603 {
          %add3A_689 = arith.constant 4 : i32
          %add3A_690 = arith.addi %add3A_578, %add3A_689 : i32
          %dma_start3A_691 = arith.constant 0 : i32
          %dma_start3A_692 = tpu.memref_slice %arg10[%add3A_690, %dma_start3A_691] : memref<250x80xi32, #tpu.memory_space<vmem>> -> memref<1x80xi32, #tpu.memory_space<vmem>>
          %dma_start3A_693 = tpu.memref_squeeze %dma_start3A_692 : memref<1x80xi32, #tpu.memory_space<vmem>> -> memref<80xi32, #tpu.memory_space<vmem>>
          %dma_start3A_694 = arith.constant 0 : i32
          %dma_start3A_695 = arith.constant 0 : i32
          %dma_start3A_696 = tpu.memref_slice %arg2[%dma_start3A_694, %dma_start3A_695] : memref<10000x64xf32, #tpu.memory_space<hbm>> -> memref<10000x64xf32, #tpu.memory_space<hbm>>
          tpu.enqueue_indirect_dma source(%dma_start3A_696 : memref<10000x64xf32, #tpu.memory_space<hbm>>) target(%arg14 : memref<80x64xf32, #tpu.memory_space<vmem>>) offsets(%dma_start3A_693 : memref<80xi32, #tpu.memory_space<vmem>>) semaphore(%arg20 : memref<!tpu.dma_semaphore, #tpu.memory_space<semaphore_mem>>)
        } else {
        }
        %jit3A_604 = arith.constant 125 : i32
        %div3A_605 = arith.divsi %add3A_578, %jit3A_604 : i32
        %sign3A_606 = arith.constant 0 : i32
        %sign3A_607 = arith.cmpi sgt, %add3A_578, %sign3A_606 : i32
        %sign3A_608 = arith.extui %sign3A_607 : i1 to i32
        %sign3A_609 = arith.constant 0 : i32
        %sign3A_610 = arith.cmpi slt, %add3A_578, %sign3A_609 : i32
        %sign3A_611 = arith.extui %sign3A_610 : i1 to i32
        %sign3A_612 = arith.subi %sign3A_608, %sign3A_611 : i32
        %sign3A_613 = arith.constant 0 : i32
        %sign3A_614 = arith.cmpi sgt, %jit3A_604, %sign3A_613 : i32
        %sign3A_615 = arith.extui %sign3A_614 : i1 to i32
        %sign3A_616 = arith.constant 0 : i32
        %sign3A_617 = arith.cmpi slt, %jit3A_604, %sign3A_616 : i32
        %sign3A_618 = arith.extui %sign3A_617 : i1 to i32
        %sign3A_619 = arith.subi %sign3A_615, %sign3A_618 : i32
        %ne3A_620 = arith.cmpi ne, %sign3A_612, %sign3A_619 : i32
        %rem3A_621 = arith.remsi %add3A_578, %jit3A_604 : i32
        %ne3A_622 = arith.constant 0 : i32
        %ne3A_623 = arith.cmpi ne, %rem3A_621, %ne3A_622 : i32
        %and3A_624 = arith.andi %ne3A_620, %ne3A_623 : i1
        %sub3A_625 = arith.constant 1 : i32
        %sub3A_626 = arith.subi %div3A_605, %sub3A_625 : i32
        %select_n3A_627 = arith.select %and3A_624, %sub3A_626, %div3A_605 : i32
        %eq3A_628 = arith.cmpi eq, %select_n3A_627, %arg0 : i32
        %convert_element_type3A_629 = arith.extui %eq3A_628 : i1 to i32
        %cond3A_630 = arith.constant 0 : i32
        %cond3A_631 = arith.cmpi ne, %convert_element_type3A_629, %cond3A_630 : i32
        scf.if %cond3A_631 {
          %get3A = arith.index_cast %add3A_578 : i32 to index
          %get3A_689 = arith.constant 0 : index
          %get3A_690 = tpu.vector_load %arg11[%get3A, %get3A_689] {strides = array<i32>} : memref<250x80xi32, #tpu.memory_space<vmem>>, vector<16xi32>,
          tpu.vector_store_idx %arg17[%get3A_690], %broadcast_in_dim3A_3 {add = true} : memref<10240xf32, #tpu.memory_space<vmem>>[vector<16xi32>], vector<16xf32>,
          %get3A_691 = arith.index_cast %add3A_578 : i32 to index
          %get3A_692 = arith.constant 16 : index
          %get3A_693 = tpu.vector_load %arg11[%get3A_691, %get3A_692] {strides = array<i32>} : memref<250x80xi32, #tpu.memory_space<vmem>>, vector<16xi32>,
          tpu.vector_store_idx %arg17[%get3A_693], %broadcast_in_dim3A_3 {add = true} : memref<10240xf32, #tpu.memory_space<vmem>>[vector<16xi32>], vector<16xf32>,
          %get3A_694 = arith.index_cast %add3A_578 : i32 to index
          %get3A_695 = arith.constant 32 : index
          %get3A_696 = tpu.vector_load %arg11[%get3A_694, %get3A_695] {strides = array<i32>} : memref<250x80xi32, #tpu.memory_space<vmem>>, vector<16xi32>,
          tpu.vector_store_idx %arg17[%get3A_696], %broadcast_in_dim3A_3 {add = true} : memref<10240xf32, #tpu.memory_space<vmem>>[vector<16xi32>], vector<16xf32>,
          %get3A_697 = arith.index_cast %add3A_578 : i32 to index
          %get3A_698 = arith.constant 48 : index
          %get3A_699 = tpu.vector_load %arg11[%get3A_697, %get3A_698] {strides = array<i32>} : memref<250x80xi32, #tpu.memory_space<vmem>>, vector<16xi32>,
          tpu.vector_store_idx %arg17[%get3A_699], %broadcast_in_dim3A_3 {add = true} : memref<10240xf32, #tpu.memory_space<vmem>>[vector<16xi32>], vector<16xf32>,
          %get3A_700 = arith.index_cast %add3A_578 : i32 to index
          %get3A_701 = arith.constant 64 : index
          %get3A_702 = tpu.vector_load %arg11[%get3A_700, %get3A_701] {strides = array<i32>} : memref<250x80xi32, #tpu.memory_space<vmem>>, vector<16xi32>,
          tpu.vector_store_idx %arg17[%get3A_702], %broadcast_in_dim3A_3 {add = true} : memref<10240xf32, #tpu.memory_space<vmem>>[vector<16xi32>], vector<16xf32>,
        } else {
        }
        %mul3A_632 = arith.constant 10 : i32
        %mul3A_633 = arith.muli %scan3A_113, %mul3A_632 : i32
        %add3A_634 = arith.constant 9 : i32
        %add3A_635 = arith.addi %mul3A_633, %add3A_634 : i32
        %dma_wait3A_636 = arith.constant 0 : i32
        %dma_wait3A_637 = tpu.memref_slice %arg10[%add3A_635, %dma_wait3A_636] : memref<250x80xi32, #tpu.memory_space<vmem>> -> memref<1x80xi32, #tpu.memory_space<vmem>>
        %dma_wait3A_638 = tpu.memref_squeeze %dma_wait3A_637 : memref<1x80xi32, #tpu.memory_space<vmem>> -> memref<80xi32, #tpu.memory_space<vmem>>
        %dma_wait3A_639 = arith.constant 0 : i32
        %dma_wait3A_640 = arith.constant 0 : i32
        %dma_wait3A_641 = tpu.memref_slice %arg2[%dma_wait3A_639, %dma_wait3A_640] : memref<10000x64xf32, #tpu.memory_space<hbm>> -> memref<10000x64xf32, #tpu.memory_space<hbm>>
        tpu.wait_indirect_dma semaphore(%arg22 : memref<!tpu.dma_semaphore, #tpu.memory_space<semaphore_mem>>) src(%dma_wait3A_641 : memref<10000x64xf32, #tpu.memory_space<hbm>>) dst(%arg16 : memref<80x64xf32, #tpu.memory_space<vmem>>)
        %dma_start3A_642 = arith.constant 0 : i32
        %dma_start3A_643 = tpu.memref_slice %arg11[%add3A_635, %dma_start3A_642] : memref<250x80xi32, #tpu.memory_space<vmem>> -> memref<1x80xi32, #tpu.memory_space<vmem>>
        %dma_start3A_644 = tpu.memref_squeeze %dma_start3A_643 : memref<1x80xi32, #tpu.memory_space<vmem>> -> memref<80xi32, #tpu.memory_space<vmem>>
        %dma_start3A_645 = arith.constant 0 : i32
        %dma_start3A_646 = arith.constant 0 : i32
        %dma_start3A_647 = tpu.memref_slice %arg9[%dma_start3A_645, %dma_start3A_646] : memref<10240x64xf32, #tpu.memory_space<vmem_shared>> -> memref<10240x64xf32, #tpu.memory_space<vmem_shared>>
        tpu.enqueue_indirect_dma source(%arg16 : memref<80x64xf32, #tpu.memory_space<vmem>>) target(%dma_start3A_647 : memref<10240x64xf32, #tpu.memory_space<vmem_shared>>) offsets(%dma_start3A_644 : memref<80xi32, #tpu.memory_space<vmem>>) semaphore(%arg27 : memref<!tpu.dma_semaphore, #tpu.memory_space<semaphore_mem>>) {add = true}
        %sub3A_648 = arith.constant 1 : i32
        %sub3A_649 = arith.subi %add3A_635, %sub3A_648 : i32
        %dma_wait3A_650 = arith.constant 0 : i32
        %dma_wait3A_651 = tpu.memref_slice %arg11[%sub3A_649, %dma_wait3A_650] : memref<250x80xi32, #tpu.memory_space<vmem>> -> memref<1x80xi32, #tpu.memory_space<vmem>>
        %dma_wait3A_652 = tpu.memref_squeeze %dma_wait3A_651 : memref<1x80xi32, #tpu.memory_space<vmem>> -> memref<80xi32, #tpu.memory_space<vmem>>
        %dma_wait3A_653 = arith.constant 0 : i32
        %dma_wait3A_654 = arith.constant 0 : i32
        %dma_wait3A_655 = tpu.memref_slice %arg9[%dma_wait3A_653, %dma_wait3A_654] : memref<10240x64xf32, #tpu.memory_space<vmem_shared>> -> memref<10240x64xf32, #tpu.memory_space<vmem_shared>>
        tpu.wait_indirect_dma semaphore(%arg26 : memref<!tpu.dma_semaphore, #tpu.memory_space<semaphore_mem>>) src(%arg15 : memref<80x64xf32, #tpu.memory_space<vmem>>) dst(%dma_wait3A_655 : memref<10240x64xf32, #tpu.memory_space<vmem_shared>>)
        %lt3A_656 = arith.constant 24 : i32
        %lt3A_657 = arith.cmpi slt, %scan3A_113, %lt3A_656 : i32
        %convert_element_type3A_658 = arith.extui %lt3A_657 : i1 to i32
        %cond3A_659 = arith.constant 0 : i32
        %cond3A_660 = arith.cmpi ne, %convert_element_type3A_658, %cond3A_659 : i32
        scf.if %cond3A_660 {
          %add3A_689 = arith.constant 4 : i32
          %add3A_690 = arith.addi %add3A_635, %add3A_689 : i32
          %dma_start3A_691 = arith.constant 0 : i32
          %dma_start3A_692 = tpu.memref_slice %arg10[%add3A_690, %dma_start3A_691] : memref<250x80xi32, #tpu.memory_space<vmem>> -> memref<1x80xi32, #tpu.memory_space<vmem>>
          %dma_start3A_693 = tpu.memref_squeeze %dma_start3A_692 : memref<1x80xi32, #tpu.memory_space<vmem>> -> memref<80xi32, #tpu.memory_space<vmem>>
          %dma_start3A_694 = arith.constant 0 : i32
          %dma_start3A_695 = arith.constant 0 : i32
          %dma_start3A_696 = tpu.memref_slice %arg2[%dma_start3A_694, %dma_start3A_695] : memref<10000x64xf32, #tpu.memory_space<hbm>> -> memref<10000x64xf32, #tpu.memory_space<hbm>>
          tpu.enqueue_indirect_dma source(%dma_start3A_696 : memref<10000x64xf32, #tpu.memory_space<hbm>>) target(%arg15 : memref<80x64xf32, #tpu.memory_space<vmem>>) offsets(%dma_start3A_693 : memref<80xi32, #tpu.memory_space<vmem>>) semaphore(%arg21 : memref<!tpu.dma_semaphore, #tpu.memory_space<semaphore_mem>>)
        } else {
        }
        %jit3A_661 = arith.constant 125 : i32
        %div3A_662 = arith.divsi %add3A_635, %jit3A_661 : i32
        %sign3A_663 = arith.constant 0 : i32
        %sign3A_664 = arith.cmpi sgt, %add3A_635, %sign3A_663 : i32
        %sign3A_665 = arith.extui %sign3A_664 : i1 to i32
        %sign3A_666 = arith.constant 0 : i32
        %sign3A_667 = arith.cmpi slt, %add3A_635, %sign3A_666 : i32
        %sign3A_668 = arith.extui %sign3A_667 : i1 to i32
        %sign3A_669 = arith.subi %sign3A_665, %sign3A_668 : i32
        %sign3A_670 = arith.constant 0 : i32
        %sign3A_671 = arith.cmpi sgt, %jit3A_661, %sign3A_670 : i32
        %sign3A_672 = arith.extui %sign3A_671 : i1 to i32
        %sign3A_673 = arith.constant 0 : i32
        %sign3A_674 = arith.cmpi slt, %jit3A_661, %sign3A_673 : i32
        %sign3A_675 = arith.extui %sign3A_674 : i1 to i32
        %sign3A_676 = arith.subi %sign3A_672, %sign3A_675 : i32
        %ne3A_677 = arith.cmpi ne, %sign3A_669, %sign3A_676 : i32
        %rem3A_678 = arith.remsi %add3A_635, %jit3A_661 : i32
        %ne3A_679 = arith.constant 0 : i32
        %ne3A_680 = arith.cmpi ne, %rem3A_678, %ne3A_679 : i32
        %and3A_681 = arith.andi %ne3A_677, %ne3A_680 : i1
        %sub3A_682 = arith.constant 1 : i32
        %sub3A_683 = arith.subi %div3A_662, %sub3A_682 : i32
        %select_n3A_684 = arith.select %and3A_681, %sub3A_683, %div3A_662 : i32
        %eq3A_685 = arith.cmpi eq, %select_n3A_684, %arg0 : i32
        %convert_element_type3A_686 = arith.extui %eq3A_685 : i1 to i32
        %cond3A_687 = arith.constant 0 : i32
        %cond3A_688 = arith.cmpi ne, %convert_element_type3A_686, %cond3A_687 : i32
        scf.if %cond3A_688 {
          %get3A = arith.index_cast %add3A_635 : i32 to index
          %get3A_689 = arith.constant 0 : index
          %get3A_690 = tpu.vector_load %arg11[%get3A, %get3A_689] {strides = array<i32>} : memref<250x80xi32, #tpu.memory_space<vmem>>, vector<16xi32>,
          tpu.vector_store_idx %arg17[%get3A_690], %broadcast_in_dim3A_3 {add = true} : memref<10240xf32, #tpu.memory_space<vmem>>[vector<16xi32>], vector<16xf32>,
          %get3A_691 = arith.index_cast %add3A_635 : i32 to index
          %get3A_692 = arith.constant 16 : index
          %get3A_693 = tpu.vector_load %arg11[%get3A_691, %get3A_692] {strides = array<i32>} : memref<250x80xi32, #tpu.memory_space<vmem>>, vector<16xi32>,
          tpu.vector_store_idx %arg17[%get3A_693], %broadcast_in_dim3A_3 {add = true} : memref<10240xf32, #tpu.memory_space<vmem>>[vector<16xi32>], vector<16xf32>,
          %get3A_694 = arith.index_cast %add3A_635 : i32 to index
          %get3A_695 = arith.constant 32 : index
          %get3A_696 = tpu.vector_load %arg11[%get3A_694, %get3A_695] {strides = array<i32>} : memref<250x80xi32, #tpu.memory_space<vmem>>, vector<16xi32>,
          tpu.vector_store_idx %arg17[%get3A_696], %broadcast_in_dim3A_3 {add = true} : memref<10240xf32, #tpu.memory_space<vmem>>[vector<16xi32>], vector<16xf32>,
          %get3A_697 = arith.index_cast %add3A_635 : i32 to index
          %get3A_698 = arith.constant 48 : index
          %get3A_699 = tpu.vector_load %arg11[%get3A_697, %get3A_698] {strides = array<i32>} : memref<250x80xi32, #tpu.memory_space<vmem>>, vector<16xi32>,
          tpu.vector_store_idx %arg17[%get3A_699], %broadcast_in_dim3A_3 {add = true} : memref<10240xf32, #tpu.memory_space<vmem>>[vector<16xi32>], vector<16xf32>,
          %get3A_700 = arith.index_cast %add3A_635 : i32 to index
          %get3A_701 = arith.constant 64 : index
          %get3A_702 = tpu.vector_load %arg11[%get3A_700, %get3A_701] {strides = array<i32>} : memref<250x80xi32, #tpu.memory_space<vmem>>, vector<16xi32>,
          tpu.vector_store_idx %arg17[%get3A_702], %broadcast_in_dim3A_3 {add = true} : memref<10240xf32, #tpu.memory_space<vmem>>[vector<16xi32>], vector<16xf32>,
        } else {
        }
      }
      %scan3A_105 = arith.constant 25 : i32
      %dma_wait3A = arith.constant 249 : i32
      %dma_wait3A_106 = arith.constant 0 : i32
      %dma_wait3A_107 = tpu.memref_slice %arg11[%dma_wait3A, %dma_wait3A_106] : memref<250x80xi32, #tpu.memory_space<vmem>> -> memref<1x80xi32, #tpu.memory_space<vmem>>
      %dma_wait3A_108 = tpu.memref_squeeze %dma_wait3A_107 : memref<1x80xi32, #tpu.memory_space<vmem>> -> memref<80xi32, #tpu.memory_space<vmem>>
      %dma_wait3A_109 = arith.constant 0 : i32
      %dma_wait3A_110 = arith.constant 0 : i32
      %dma_wait3A_111 = tpu.memref_slice %arg9[%dma_wait3A_109, %dma_wait3A_110] : memref<10240x64xf32, #tpu.memory_space<vmem_shared>> -> memref<10240x64xf32, #tpu.memory_space<vmem_shared>>
      tpu.wait_indirect_dma semaphore(%arg27 : memref<!tpu.dma_semaphore, #tpu.memory_space<semaphore_mem>>) src(%arg16 : memref<80x64xf32, #tpu.memory_space<vmem>>) dst(%dma_wait3A_111 : memref<10240x64xf32, #tpu.memory_space<vmem_shared>>)
      %scan3A_112 = arith.constant 1 : i32
    } else {
    }
    %eq3A_49 = arith.constant 1 : i32
    %eq3A_50 = arith.cmpi eq, %arg0, %eq3A_49 : i32
    %convert_element_type3A_51 = arith.extui %eq3A_50 : i1 to i32
    %cond3A_52 = arith.constant 0 : i32
    %cond3A_53 = arith.cmpi ne, %convert_element_type3A_51, %cond3A_52 : i32
    scf.if %cond3A_53 {
      %scan3A_67 = arith.constant 0 : i32
      %scan3A_68 = arith.constant 0 : i32
      %mul3A_69 = arith.constant 250 : i32
      %mul3A_70 = arith.muli %scan3A_68, %mul3A_69 : i32
      "tpu.region"() ({
        %run_scoped3A = tpu.sem_alloc : memref<!tpu.dma_semaphore, #tpu.memory_space<semaphore_mem>>
        %dma_start3A_113 = arith.constant 0 : i32
        %dma_start3A_114 = tpu.memref_slice %arg4[%arg1, %mul3A_70, %dma_start3A_113] : memref<16x250x80xi32, #tpu.memory_space<hbm>> -> memref<1x250x80xi32, #tpu.memory_space<hbm>>
        %dma_start3A_115 = tpu.memref_squeeze %dma_start3A_114 : memref<1x250x80xi32, #tpu.memory_space<hbm>> -> memref<250x80xi32, #tpu.memory_space<hbm>>
        %dma_start3A_116 = arith.constant 0 : i32
        %dma_start3A_117 = tpu.memref_slice %arg4[%arg1, %mul3A_70, %dma_start3A_116] : memref<16x250x80xi32, #tpu.memory_space<hbm>> -> memref<1x250x80xi32, #tpu.memory_space<hbm>>
        %dma_start3A_118 = tpu.memref_squeeze %dma_start3A_117 : memref<1x250x80xi32, #tpu.memory_space<hbm>> -> memref<250x80xi32, #tpu.memory_space<hbm>>
        tpu.enqueue_dma source(%dma_start3A_118 : memref<250x80xi32, #tpu.memory_space<hbm>>) target(%arg10 : memref<250x80xi32, #tpu.memory_space<vmem>>) target_semaphore(%run_scoped3A : memref<!tpu.dma_semaphore, #tpu.memory_space<semaphore_mem>>)
        %dma_wait3A_119 = arith.constant 0 : i32
        %dma_wait3A_120 = tpu.memref_slice %arg4[%arg1, %mul3A_70, %dma_wait3A_119] : memref<16x250x80xi32, #tpu.memory_space<hbm>> -> memref<1x250x80xi32, #tpu.memory_space<hbm>>
        %dma_wait3A_121 = tpu.memref_squeeze %dma_wait3A_120 : memref<1x250x80xi32, #tpu.memory_space<hbm>> -> memref<250x80xi32, #tpu.memory_space<hbm>>
        %dma_wait3A_122 = arith.constant 0 : i32
        %dma_wait3A_123 = tpu.memref_slice %arg4[%arg1, %mul3A_70, %dma_wait3A_122] : memref<16x250x80xi32, #tpu.memory_space<hbm>> -> memref<1x250x80xi32, #tpu.memory_space<hbm>>
        %dma_wait3A_124 = tpu.memref_squeeze %dma_wait3A_123 : memref<1x250x80xi32, #tpu.memory_space<hbm>> -> memref<250x80xi32, #tpu.memory_space<hbm>>
        tpu.wait_dma2 semaphore(%run_scoped3A : memref<!tpu.dma_semaphore, #tpu.memory_space<semaphore_mem>>) src(%dma_wait3A_124 : memref<250x80xi32, #tpu.memory_space<hbm>>) dst(%arg10 : memref<250x80xi32, #tpu.memory_space<vmem>>)
        tpu.yield
      }) : () -> ()
      %mul3A_71 = arith.constant 250 : i32
      %mul3A_72 = arith.muli %scan3A_68, %mul3A_71 : i32
      "tpu.region"() ({
        %run_scoped3A = tpu.sem_alloc : memref<!tpu.dma_semaphore, #tpu.memory_space<semaphore_mem>>
        %dma_start3A_113 = arith.constant 0 : i32
        %dma_start3A_114 = tpu.memref_slice %arg5[%arg1, %mul3A_72, %dma_start3A_113] : memref<16x250x80xi32, #tpu.memory_space<hbm>> -> memref<1x250x80xi32, #tpu.memory_space<hbm>>
        %dma_start3A_115 = tpu.memref_squeeze %dma_start3A_114 : memref<1x250x80xi32, #tpu.memory_space<hbm>> -> memref<250x80xi32, #tpu.memory_space<hbm>>
        %dma_start3A_116 = arith.constant 0 : i32
        %dma_start3A_117 = tpu.memref_slice %arg5[%arg1, %mul3A_72, %dma_start3A_116] : memref<16x250x80xi32, #tpu.memory_space<hbm>> -> memref<1x250x80xi32, #tpu.memory_space<hbm>>
        %dma_start3A_118 = tpu.memref_squeeze %dma_start3A_117 : memref<1x250x80xi32, #tpu.memory_space<hbm>> -> memref<250x80xi32, #tpu.memory_space<hbm>>
        tpu.enqueue_dma source(%dma_start3A_118 : memref<250x80xi32, #tpu.memory_space<hbm>>) target(%arg11 : memref<250x80xi32, #tpu.memory_space<vmem>>) target_semaphore(%run_scoped3A : memref<!tpu.dma_semaphore, #tpu.memory_space<semaphore_mem>>)
        %dma_wait3A_119 = arith.constant 0 : i32
        %dma_wait3A_120 = tpu.memref_slice %arg5[%arg1, %mul3A_72, %dma_wait3A_119] : memref<16x250x80xi32, #tpu.memory_space<hbm>> -> memref<1x250x80xi32, #tpu.memory_space<hbm>>
        %dma_wait3A_121 = tpu.memref_squeeze %dma_wait3A_120 : memref<1x250x80xi32, #tpu.memory_space<hbm>> -> memref<250x80xi32, #tpu.memory_space<hbm>>
        %dma_wait3A_122 = arith.constant 0 : i32
        %dma_wait3A_123 = tpu.memref_slice %arg5[%arg1, %mul3A_72, %dma_wait3A_122] : memref<16x250x80xi32, #tpu.memory_space<hbm>> -> memref<1x250x80xi32, #tpu.memory_space<hbm>>
        %dma_wait3A_124 = tpu.memref_squeeze %dma_wait3A_123 : memref<1x250x80xi32, #tpu.memory_space<hbm>> -> memref<250x80xi32, #tpu.memory_space<hbm>>
        tpu.wait_dma2 semaphore(%run_scoped3A : memref<!tpu.dma_semaphore, #tpu.memory_space<semaphore_mem>>) src(%dma_wait3A_124 : memref<250x80xi32, #tpu.memory_space<hbm>>) dst(%arg11 : memref<250x80xi32, #tpu.memory_space<vmem>>)
        tpu.yield
      }) : () -> ()
      %dma_start3A = arith.constant 0 : i32
      %dma_start3A_73 = arith.constant 0 : i32
      %dma_start3A_74 = tpu.memref_slice %arg10[%dma_start3A, %dma_start3A_73] : memref<250x80xi32, #tpu.memory_space<vmem>> -> memref<1x80xi32, #tpu.memory_space<vmem>>
      %dma_start3A_75 = tpu.memref_squeeze %dma_start3A_74 : memref<1x80xi32, #tpu.memory_space<vmem>> -> memref<80xi32, #tpu.memory_space<vmem>>
      %dma_start3A_76 = arith.constant 0 : i32
      %dma_start3A_77 = arith.constant 0 : i32
      %dma_start3A_78 = tpu.memref_slice %arg3[%dma_start3A_76, %dma_start3A_77] : memref<10000x64xf32, #tpu.memory_space<hbm>> -> memref<10000x64xf32, #tpu.memory_space<hbm>>
      tpu.enqueue_indirect_dma source(%dma_start3A_78 : memref<10000x64xf32, #tpu.memory_space<hbm>>) target(%arg12 : memref<80x64xf32, #tpu.memory_space<vmem>>) offsets(%dma_start3A_75 : memref<80xi32, #tpu.memory_space<vmem>>) semaphore(%arg18 : memref<!tpu.dma_semaphore, #tpu.memory_space<semaphore_mem>>)
      %dma_start3A_79 = arith.constant 1 : i32
      %dma_start3A_80 = arith.constant 0 : i32
      %dma_start3A_81 = tpu.memref_slice %arg10[%dma_start3A_79, %dma_start3A_80] : memref<250x80xi32, #tpu.memory_space<vmem>> -> memref<1x80xi32, #tpu.memory_space<vmem>>
      %dma_start3A_82 = tpu.memref_squeeze %dma_start3A_81 : memref<1x80xi32, #tpu.memory_space<vmem>> -> memref<80xi32, #tpu.memory_space<vmem>>
      %dma_start3A_83 = arith.constant 0 : i32
      %dma_start3A_84 = arith.constant 0 : i32
      %dma_start3A_85 = tpu.memref_slice %arg3[%dma_start3A_83, %dma_start3A_84] : memref<10000x64xf32, #tpu.memory_space<hbm>> -> memref<10000x64xf32, #tpu.memory_space<hbm>>
      tpu.enqueue_indirect_dma source(%dma_start3A_85 : memref<10000x64xf32, #tpu.memory_space<hbm>>) target(%arg13 : memref<80x64xf32, #tpu.memory_space<vmem>>) offsets(%dma_start3A_82 : memref<80xi32, #tpu.memory_space<vmem>>) semaphore(%arg19 : memref<!tpu.dma_semaphore, #tpu.memory_space<semaphore_mem>>)
      %dma_start3A_86 = arith.constant 2 : i32
      %dma_start3A_87 = arith.constant 0 : i32
      %dma_start3A_88 = tpu.memref_slice %arg10[%dma_start3A_86, %dma_start3A_87] : memref<250x80xi32, #tpu.memory_space<vmem>> -> memref<1x80xi32, #tpu.memory_space<vmem>>
      %dma_start3A_89 = tpu.memref_squeeze %dma_start3A_88 : memref<1x80xi32, #tpu.memory_space<vmem>> -> memref<80xi32, #tpu.memory_space<vmem>>
      %dma_start3A_90 = arith.constant 0 : i32
      %dma_start3A_91 = arith.constant 0 : i32
      %dma_start3A_92 = tpu.memref_slice %arg3[%dma_start3A_90, %dma_start3A_91] : memref<10000x64xf32, #tpu.memory_space<hbm>> -> memref<10000x64xf32, #tpu.memory_space<hbm>>
      tpu.enqueue_indirect_dma source(%dma_start3A_92 : memref<10000x64xf32, #tpu.memory_space<hbm>>) target(%arg14 : memref<80x64xf32, #tpu.memory_space<vmem>>) offsets(%dma_start3A_89 : memref<80xi32, #tpu.memory_space<vmem>>) semaphore(%arg20 : memref<!tpu.dma_semaphore, #tpu.memory_space<semaphore_mem>>)
      %dma_start3A_93 = arith.constant 3 : i32
      %dma_start3A_94 = arith.constant 0 : i32
      %dma_start3A_95 = tpu.memref_slice %arg10[%dma_start3A_93, %dma_start3A_94] : memref<250x80xi32, #tpu.memory_space<vmem>> -> memref<1x80xi32, #tpu.memory_space<vmem>>
      %dma_start3A_96 = tpu.memref_squeeze %dma_start3A_95 : memref<1x80xi32, #tpu.memory_space<vmem>> -> memref<80xi32, #tpu.memory_space<vmem>>
      %dma_start3A_97 = arith.constant 0 : i32
      %dma_start3A_98 = arith.constant 0 : i32
      %dma_start3A_99 = tpu.memref_slice %arg3[%dma_start3A_97, %dma_start3A_98] : memref<10000x64xf32, #tpu.memory_space<hbm>> -> memref<10000x64xf32, #tpu.memory_space<hbm>>
      tpu.enqueue_indirect_dma source(%dma_start3A_99 : memref<10000x64xf32, #tpu.memory_space<hbm>>) target(%arg15 : memref<80x64xf32, #tpu.memory_space<vmem>>) offsets(%dma_start3A_96 : memref<80xi32, #tpu.memory_space<vmem>>) semaphore(%arg21 : memref<!tpu.dma_semaphore, #tpu.memory_space<semaphore_mem>>)
      %scan3A_100 = arith.constant 0 : i32
      %scan3A_101 = arith.constant 0 : i32
      %scan3A_102 = arith.constant 25 : i32
      %scan3A_103 = arith.addi %scan3A_101, %scan3A_102 : i32
      %scan3A_104 = arith.constant 1 : i32
      scf.for %scan3A_113 = %scan3A_101 to %scan3A_103 step %scan3A_104  : i32 {
        %mul3A_114 = arith.constant 10 : i32
        %mul3A_115 = arith.muli %scan3A_113, %mul3A_114 : i32
        %add3A_116 = arith.constant 0 : i32
        %add3A_117 = arith.addi %mul3A_115, %add3A_116 : i32
        %dma_wait3A_118 = arith.constant 0 : i32
        %dma_wait3A_119 = tpu.memref_slice %arg10[%add3A_117, %dma_wait3A_118] : memref<250x80xi32, #tpu.memory_space<vmem>> -> memref<1x80xi32, #tpu.memory_space<vmem>>
        %dma_wait3A_120 = tpu.memref_squeeze %dma_wait3A_119 : memref<1x80xi32, #tpu.memory_space<vmem>> -> memref<80xi32, #tpu.memory_space<vmem>>
        %dma_wait3A_121 = arith.constant 0 : i32
        %dma_wait3A_122 = arith.constant 0 : i32
        %dma_wait3A_123 = tpu.memref_slice %arg3[%dma_wait3A_121, %dma_wait3A_122] : memref<10000x64xf32, #tpu.memory_space<hbm>> -> memref<10000x64xf32, #tpu.memory_space<hbm>>
        tpu.wait_indirect_dma semaphore(%arg18 : memref<!tpu.dma_semaphore, #tpu.memory_space<semaphore_mem>>) src(%dma_wait3A_123 : memref<10000x64xf32, #tpu.memory_space<hbm>>) dst(%arg12 : memref<80x64xf32, #tpu.memory_space<vmem>>)
        %dma_start3A_124 = arith.constant 0 : i32
        %dma_start3A_125 = tpu.memref_slice %arg11[%add3A_117, %dma_start3A_124] : memref<250x80xi32, #tpu.memory_space<vmem>> -> memref<1x80xi32, #tpu.memory_space<vmem>>
        %dma_start3A_126 = tpu.memref_squeeze %dma_start3A_125 : memref<1x80xi32, #tpu.memory_space<vmem>> -> memref<80xi32, #tpu.memory_space<vmem>>
        %dma_start3A_127 = arith.constant 0 : i32
        %dma_start3A_128 = arith.constant 0 : i32
        %dma_start3A_129 = tpu.memref_slice %arg9[%dma_start3A_127, %dma_start3A_128] : memref<10240x64xf32, #tpu.memory_space<vmem_shared>> -> memref<10240x64xf32, #tpu.memory_space<vmem_shared>>
        tpu.enqueue_indirect_dma source(%arg12 : memref<80x64xf32, #tpu.memory_space<vmem>>) target(%dma_start3A_129 : memref<10240x64xf32, #tpu.memory_space<vmem_shared>>) offsets(%dma_start3A_126 : memref<80xi32, #tpu.memory_space<vmem>>) semaphore(%arg23 : memref<!tpu.dma_semaphore, #tpu.memory_space<semaphore_mem>>) {add = true}
        %gt3A = arith.constant 0 : i32
        %gt3A_130 = arith.cmpi sgt, %scan3A_113, %gt3A : i32
        %convert_element_type3A_131 = arith.extui %gt3A_130 : i1 to i32
        %cond3A_132 = arith.constant 0 : i32
        %cond3A_133 = arith.cmpi ne, %convert_element_type3A_131, %cond3A_132 : i32
        scf.if %cond3A_133 {
          %sub3A_689 = arith.constant 1 : i32
          %sub3A_690 = arith.subi %add3A_117, %sub3A_689 : i32
          %dma_wait3A_691 = arith.constant 0 : i32
          %dma_wait3A_692 = tpu.memref_slice %arg11[%sub3A_690, %dma_wait3A_691] : memref<250x80xi32, #tpu.memory_space<vmem>> -> memref<1x80xi32, #tpu.memory_space<vmem>>
          %dma_wait3A_693 = tpu.memref_squeeze %dma_wait3A_692 : memref<1x80xi32, #tpu.memory_space<vmem>> -> memref<80xi32, #tpu.memory_space<vmem>>
          %dma_wait3A_694 = arith.constant 0 : i32
          %dma_wait3A_695 = arith.constant 0 : i32
          %dma_wait3A_696 = tpu.memref_slice %arg9[%dma_wait3A_694, %dma_wait3A_695] : memref<10240x64xf32, #tpu.memory_space<vmem_shared>> -> memref<10240x64xf32, #tpu.memory_space<vmem_shared>>
          tpu.wait_indirect_dma semaphore(%arg27 : memref<!tpu.dma_semaphore, #tpu.memory_space<semaphore_mem>>) src(%arg16 : memref<80x64xf32, #tpu.memory_space<vmem>>) dst(%dma_wait3A_696 : memref<10240x64xf32, #tpu.memory_space<vmem_shared>>)
        } else {
        }
        %add3A_134 = arith.constant 4 : i32
        %add3A_135 = arith.addi %add3A_117, %add3A_134 : i32
        %dma_start3A_136 = arith.constant 0 : i32
        %dma_start3A_137 = tpu.memref_slice %arg10[%add3A_135, %dma_start3A_136] : memref<250x80xi32, #tpu.memory_space<vmem>> -> memref<1x80xi32, #tpu.memory_space<vmem>>
        %dma_start3A_138 = tpu.memref_squeeze %dma_start3A_137 : memref<1x80xi32, #tpu.memory_space<vmem>> -> memref<80xi32, #tpu.memory_space<vmem>>
        %dma_start3A_139 = arith.constant 0 : i32
        %dma_start3A_140 = arith.constant 0 : i32
        %dma_start3A_141 = tpu.memref_slice %arg3[%dma_start3A_139, %dma_start3A_140] : memref<10000x64xf32, #tpu.memory_space<hbm>> -> memref<10000x64xf32, #tpu.memory_space<hbm>>
        tpu.enqueue_indirect_dma source(%dma_start3A_141 : memref<10000x64xf32, #tpu.memory_space<hbm>>) target(%arg16 : memref<80x64xf32, #tpu.memory_space<vmem>>) offsets(%dma_start3A_138 : memref<80xi32, #tpu.memory_space<vmem>>) semaphore(%arg22 : memref<!tpu.dma_semaphore, #tpu.memory_space<semaphore_mem>>)
        %jit3A = arith.constant 125 : i32
        %div3A = arith.divsi %add3A_117, %jit3A : i32
        %sign3A = arith.constant 0 : i32
        %sign3A_142 = arith.cmpi sgt, %add3A_117, %sign3A : i32
        %sign3A_143 = arith.extui %sign3A_142 : i1 to i32
        %sign3A_144 = arith.constant 0 : i32
        %sign3A_145 = arith.cmpi slt, %add3A_117, %sign3A_144 : i32
        %sign3A_146 = arith.extui %sign3A_145 : i1 to i32
        %sign3A_147 = arith.subi %sign3A_143, %sign3A_146 : i32
        %sign3A_148 = arith.constant 0 : i32
        %sign3A_149 = arith.cmpi sgt, %jit3A, %sign3A_148 : i32
        %sign3A_150 = arith.extui %sign3A_149 : i1 to i32
        %sign3A_151 = arith.constant 0 : i32
        %sign3A_152 = arith.cmpi slt, %jit3A, %sign3A_151 : i32
        %sign3A_153 = arith.extui %sign3A_152 : i1 to i32
        %sign3A_154 = arith.subi %sign3A_150, %sign3A_153 : i32
        %ne3A = arith.cmpi ne, %sign3A_147, %sign3A_154 : i32
        %rem3A = arith.remsi %add3A_117, %jit3A : i32
        %ne3A_155 = arith.constant 0 : i32
        %ne3A_156 = arith.cmpi ne, %rem3A, %ne3A_155 : i32
        %and3A = arith.andi %ne3A, %ne3A_156 : i1
        %sub3A = arith.constant 1 : i32
        %sub3A_157 = arith.subi %div3A, %sub3A : i32
        %select_n3A = arith.select %and3A, %sub3A_157, %div3A : i32
        %eq3A_158 = arith.cmpi eq, %select_n3A, %arg0 : i32
        %convert_element_type3A_159 = arith.extui %eq3A_158 : i1 to i32
        %cond3A_160 = arith.constant 0 : i32
        %cond3A_161 = arith.cmpi ne, %convert_element_type3A_159, %cond3A_160 : i32
        scf.if %cond3A_161 {
          %get3A = arith.index_cast %add3A_117 : i32 to index
          %get3A_689 = arith.constant 0 : index
          %get3A_690 = tpu.vector_load %arg11[%get3A, %get3A_689] {strides = array<i32>} : memref<250x80xi32, #tpu.memory_space<vmem>>, vector<16xi32>,
          tpu.vector_store_idx %arg17[%get3A_690], %broadcast_in_dim3A_3 {add = true} : memref<10240xf32, #tpu.memory_space<vmem>>[vector<16xi32>], vector<16xf32>,
          %get3A_691 = arith.index_cast %add3A_117 : i32 to index
          %get3A_692 = arith.constant 16 : index
          %get3A_693 = tpu.vector_load %arg11[%get3A_691, %get3A_692] {strides = array<i32>} : memref<250x80xi32, #tpu.memory_space<vmem>>, vector<16xi32>,
          tpu.vector_store_idx %arg17[%get3A_693], %broadcast_in_dim3A_3 {add = true} : memref<10240xf32, #tpu.memory_space<vmem>>[vector<16xi32>], vector<16xf32>,
          %get3A_694 = arith.index_cast %add3A_117 : i32 to index
          %get3A_695 = arith.constant 32 : index
          %get3A_696 = tpu.vector_load %arg11[%get3A_694, %get3A_695] {strides = array<i32>} : memref<250x80xi32, #tpu.memory_space<vmem>>, vector<16xi32>,
          tpu.vector_store_idx %arg17[%get3A_696], %broadcast_in_dim3A_3 {add = true} : memref<10240xf32, #tpu.memory_space<vmem>>[vector<16xi32>], vector<16xf32>,
          %get3A_697 = arith.index_cast %add3A_117 : i32 to index
          %get3A_698 = arith.constant 48 : index
          %get3A_699 = tpu.vector_load %arg11[%get3A_697, %get3A_698] {strides = array<i32>} : memref<250x80xi32, #tpu.memory_space<vmem>>, vector<16xi32>,
          tpu.vector_store_idx %arg17[%get3A_699], %broadcast_in_dim3A_3 {add = true} : memref<10240xf32, #tpu.memory_space<vmem>>[vector<16xi32>], vector<16xf32>,
          %get3A_700 = arith.index_cast %add3A_117 : i32 to index
          %get3A_701 = arith.constant 64 : index
          %get3A_702 = tpu.vector_load %arg11[%get3A_700, %get3A_701] {strides = array<i32>} : memref<250x80xi32, #tpu.memory_space<vmem>>, vector<16xi32>,
          tpu.vector_store_idx %arg17[%get3A_702], %broadcast_in_dim3A_3 {add = true} : memref<10240xf32, #tpu.memory_space<vmem>>[vector<16xi32>], vector<16xf32>,
        } else {
        }
        %mul3A_162 = arith.constant 10 : i32
        %mul3A_163 = arith.muli %scan3A_113, %mul3A_162 : i32
        %add3A_164 = arith.constant 1 : i32
        %add3A_165 = arith.addi %mul3A_163, %add3A_164 : i32
        %dma_wait3A_166 = arith.constant 0 : i32
        %dma_wait3A_167 = tpu.memref_slice %arg10[%add3A_165, %dma_wait3A_166] : memref<250x80xi32, #tpu.memory_space<vmem>> -> memref<1x80xi32, #tpu.memory_space<vmem>>
        %dma_wait3A_168 = tpu.memref_squeeze %dma_wait3A_167 : memref<1x80xi32, #tpu.memory_space<vmem>> -> memref<80xi32, #tpu.memory_space<vmem>>
        %dma_wait3A_169 = arith.constant 0 : i32
        %dma_wait3A_170 = arith.constant 0 : i32
        %dma_wait3A_171 = tpu.memref_slice %arg3[%dma_wait3A_169, %dma_wait3A_170] : memref<10000x64xf32, #tpu.memory_space<hbm>> -> memref<10000x64xf32, #tpu.memory_space<hbm>>
        tpu.wait_indirect_dma semaphore(%arg19 : memref<!tpu.dma_semaphore, #tpu.memory_space<semaphore_mem>>) src(%dma_wait3A_171 : memref<10000x64xf32, #tpu.memory_space<hbm>>) dst(%arg13 : memref<80x64xf32, #tpu.memory_space<vmem>>)
        %dma_start3A_172 = arith.constant 0 : i32
        %dma_start3A_173 = tpu.memref_slice %arg11[%add3A_165, %dma_start3A_172] : memref<250x80xi32, #tpu.memory_space<vmem>> -> memref<1x80xi32, #tpu.memory_space<vmem>>
        %dma_start3A_174 = tpu.memref_squeeze %dma_start3A_173 : memref<1x80xi32, #tpu.memory_space<vmem>> -> memref<80xi32, #tpu.memory_space<vmem>>
        %dma_start3A_175 = arith.constant 0 : i32
        %dma_start3A_176 = arith.constant 0 : i32
        %dma_start3A_177 = tpu.memref_slice %arg9[%dma_start3A_175, %dma_start3A_176] : memref<10240x64xf32, #tpu.memory_space<vmem_shared>> -> memref<10240x64xf32, #tpu.memory_space<vmem_shared>>
        tpu.enqueue_indirect_dma source(%arg13 : memref<80x64xf32, #tpu.memory_space<vmem>>) target(%dma_start3A_177 : memref<10240x64xf32, #tpu.memory_space<vmem_shared>>) offsets(%dma_start3A_174 : memref<80xi32, #tpu.memory_space<vmem>>) semaphore(%arg24 : memref<!tpu.dma_semaphore, #tpu.memory_space<semaphore_mem>>) {add = true}
        %sub3A_178 = arith.constant 1 : i32
        %sub3A_179 = arith.subi %add3A_165, %sub3A_178 : i32
        %dma_wait3A_180 = arith.constant 0 : i32
        %dma_wait3A_181 = tpu.memref_slice %arg11[%sub3A_179, %dma_wait3A_180] : memref<250x80xi32, #tpu.memory_space<vmem>> -> memref<1x80xi32, #tpu.memory_space<vmem>>
        %dma_wait3A_182 = tpu.memref_squeeze %dma_wait3A_181 : memref<1x80xi32, #tpu.memory_space<vmem>> -> memref<80xi32, #tpu.memory_space<vmem>>
        %dma_wait3A_183 = arith.constant 0 : i32
        %dma_wait3A_184 = arith.constant 0 : i32
        %dma_wait3A_185 = tpu.memref_slice %arg9[%dma_wait3A_183, %dma_wait3A_184] : memref<10240x64xf32, #tpu.memory_space<vmem_shared>> -> memref<10240x64xf32, #tpu.memory_space<vmem_shared>>
        tpu.wait_indirect_dma semaphore(%arg23 : memref<!tpu.dma_semaphore, #tpu.memory_space<semaphore_mem>>) src(%arg12 : memref<80x64xf32, #tpu.memory_space<vmem>>) dst(%dma_wait3A_185 : memref<10240x64xf32, #tpu.memory_space<vmem_shared>>)
        %add3A_186 = arith.constant 4 : i32
        %add3A_187 = arith.addi %add3A_165, %add3A_186 : i32
        %dma_start3A_188 = arith.constant 0 : i32
        %dma_start3A_189 = tpu.memref_slice %arg10[%add3A_187, %dma_start3A_188] : memref<250x80xi32, #tpu.memory_space<vmem>> -> memref<1x80xi32, #tpu.memory_space<vmem>>
        %dma_start3A_190 = tpu.memref_squeeze %dma_start3A_189 : memref<1x80xi32, #tpu.memory_space<vmem>> -> memref<80xi32, #tpu.memory_space<vmem>>
        %dma_start3A_191 = arith.constant 0 : i32
        %dma_start3A_192 = arith.constant 0 : i32
        %dma_start3A_193 = tpu.memref_slice %arg3[%dma_start3A_191, %dma_start3A_192] : memref<10000x64xf32, #tpu.memory_space<hbm>> -> memref<10000x64xf32, #tpu.memory_space<hbm>>
        tpu.enqueue_indirect_dma source(%dma_start3A_193 : memref<10000x64xf32, #tpu.memory_space<hbm>>) target(%arg12 : memref<80x64xf32, #tpu.memory_space<vmem>>) offsets(%dma_start3A_190 : memref<80xi32, #tpu.memory_space<vmem>>) semaphore(%arg18 : memref<!tpu.dma_semaphore, #tpu.memory_space<semaphore_mem>>)
        %jit3A_194 = arith.constant 125 : i32
        %div3A_195 = arith.divsi %add3A_165, %jit3A_194 : i32
        %sign3A_196 = arith.constant 0 : i32
        %sign3A_197 = arith.cmpi sgt, %add3A_165, %sign3A_196 : i32
        %sign3A_198 = arith.extui %sign3A_197 : i1 to i32
        %sign3A_199 = arith.constant 0 : i32
        %sign3A_200 = arith.cmpi slt, %add3A_165, %sign3A_199 : i32
        %sign3A_201 = arith.extui %sign3A_200 : i1 to i32
        %sign3A_202 = arith.subi %sign3A_198, %sign3A_201 : i32
        %sign3A_203 = arith.constant 0 : i32
        %sign3A_204 = arith.cmpi sgt, %jit3A_194, %sign3A_203 : i32
        %sign3A_205 = arith.extui %sign3A_204 : i1 to i32
        %sign3A_206 = arith.constant 0 : i32
        %sign3A_207 = arith.cmpi slt, %jit3A_194, %sign3A_206 : i32
        %sign3A_208 = arith.extui %sign3A_207 : i1 to i32
        %sign3A_209 = arith.subi %sign3A_205, %sign3A_208 : i32
        %ne3A_210 = arith.cmpi ne, %sign3A_202, %sign3A_209 : i32
        %rem3A_211 = arith.remsi %add3A_165, %jit3A_194 : i32
        %ne3A_212 = arith.constant 0 : i32
        %ne3A_213 = arith.cmpi ne, %rem3A_211, %ne3A_212 : i32
        %and3A_214 = arith.andi %ne3A_210, %ne3A_213 : i1
        %sub3A_215 = arith.constant 1 : i32
        %sub3A_216 = arith.subi %div3A_195, %sub3A_215 : i32
        %select_n3A_217 = arith.select %and3A_214, %sub3A_216, %div3A_195 : i32
        %eq3A_218 = arith.cmpi eq, %select_n3A_217, %arg0 : i32
        %convert_element_type3A_219 = arith.extui %eq3A_218 : i1 to i32
        %cond3A_220 = arith.constant 0 : i32
        %cond3A_221 = arith.cmpi ne, %convert_element_type3A_219, %cond3A_220 : i32
        scf.if %cond3A_221 {
          %get3A = arith.index_cast %add3A_165 : i32 to index
          %get3A_689 = arith.constant 0 : index
          %get3A_690 = tpu.vector_load %arg11[%get3A, %get3A_689] {strides = array<i32>} : memref<250x80xi32, #tpu.memory_space<vmem>>, vector<16xi32>,
          tpu.vector_store_idx %arg17[%get3A_690], %broadcast_in_dim3A_3 {add = true} : memref<10240xf32, #tpu.memory_space<vmem>>[vector<16xi32>], vector<16xf32>,
          %get3A_691 = arith.index_cast %add3A_165 : i32 to index
          %get3A_692 = arith.constant 16 : index
          %get3A_693 = tpu.vector_load %arg11[%get3A_691, %get3A_692] {strides = array<i32>} : memref<250x80xi32, #tpu.memory_space<vmem>>, vector<16xi32>,
          tpu.vector_store_idx %arg17[%get3A_693], %broadcast_in_dim3A_3 {add = true} : memref<10240xf32, #tpu.memory_space<vmem>>[vector<16xi32>], vector<16xf32>,
          %get3A_694 = arith.index_cast %add3A_165 : i32 to index
          %get3A_695 = arith.constant 32 : index
          %get3A_696 = tpu.vector_load %arg11[%get3A_694, %get3A_695] {strides = array<i32>} : memref<250x80xi32, #tpu.memory_space<vmem>>, vector<16xi32>,
          tpu.vector_store_idx %arg17[%get3A_696], %broadcast_in_dim3A_3 {add = true} : memref<10240xf32, #tpu.memory_space<vmem>>[vector<16xi32>], vector<16xf32>,
          %get3A_697 = arith.index_cast %add3A_165 : i32 to index
          %get3A_698 = arith.constant 48 : index
          %get3A_699 = tpu.vector_load %arg11[%get3A_697, %get3A_698] {strides = array<i32>} : memref<250x80xi32, #tpu.memory_space<vmem>>, vector<16xi32>,
          tpu.vector_store_idx %arg17[%get3A_699], %broadcast_in_dim3A_3 {add = true} : memref<10240xf32, #tpu.memory_space<vmem>>[vector<16xi32>], vector<16xf32>,
          %get3A_700 = arith.index_cast %add3A_165 : i32 to index
          %get3A_701 = arith.constant 64 : index
          %get3A_702 = tpu.vector_load %arg11[%get3A_700, %get3A_701] {strides = array<i32>} : memref<250x80xi32, #tpu.memory_space<vmem>>, vector<16xi32>,
          tpu.vector_store_idx %arg17[%get3A_702], %broadcast_in_dim3A_3 {add = true} : memref<10240xf32, #tpu.memory_space<vmem>>[vector<16xi32>], vector<16xf32>,
        } else {
        }
        %mul3A_222 = arith.constant 10 : i32
        %mul3A_223 = arith.muli %scan3A_113, %mul3A_222 : i32
        %add3A_224 = arith.constant 2 : i32
        %add3A_225 = arith.addi %mul3A_223, %add3A_224 : i32
        %dma_wait3A_226 = arith.constant 0 : i32
        %dma_wait3A_227 = tpu.memref_slice %arg10[%add3A_225, %dma_wait3A_226] : memref<250x80xi32, #tpu.memory_space<vmem>> -> memref<1x80xi32, #tpu.memory_space<vmem>>
        %dma_wait3A_228 = tpu.memref_squeeze %dma_wait3A_227 : memref<1x80xi32, #tpu.memory_space<vmem>> -> memref<80xi32, #tpu.memory_space<vmem>>
        %dma_wait3A_229 = arith.constant 0 : i32
        %dma_wait3A_230 = arith.constant 0 : i32
        %dma_wait3A_231 = tpu.memref_slice %arg3[%dma_wait3A_229, %dma_wait3A_230] : memref<10000x64xf32, #tpu.memory_space<hbm>> -> memref<10000x64xf32, #tpu.memory_space<hbm>>
        tpu.wait_indirect_dma semaphore(%arg20 : memref<!tpu.dma_semaphore, #tpu.memory_space<semaphore_mem>>) src(%dma_wait3A_231 : memref<10000x64xf32, #tpu.memory_space<hbm>>) dst(%arg14 : memref<80x64xf32, #tpu.memory_space<vmem>>)
        %dma_start3A_232 = arith.constant 0 : i32
        %dma_start3A_233 = tpu.memref_slice %arg11[%add3A_225, %dma_start3A_232] : memref<250x80xi32, #tpu.memory_space<vmem>> -> memref<1x80xi32, #tpu.memory_space<vmem>>
        %dma_start3A_234 = tpu.memref_squeeze %dma_start3A_233 : memref<1x80xi32, #tpu.memory_space<vmem>> -> memref<80xi32, #tpu.memory_space<vmem>>
        %dma_start3A_235 = arith.constant 0 : i32
        %dma_start3A_236 = arith.constant 0 : i32
        %dma_start3A_237 = tpu.memref_slice %arg9[%dma_start3A_235, %dma_start3A_236] : memref<10240x64xf32, #tpu.memory_space<vmem_shared>> -> memref<10240x64xf32, #tpu.memory_space<vmem_shared>>
        tpu.enqueue_indirect_dma source(%arg14 : memref<80x64xf32, #tpu.memory_space<vmem>>) target(%dma_start3A_237 : memref<10240x64xf32, #tpu.memory_space<vmem_shared>>) offsets(%dma_start3A_234 : memref<80xi32, #tpu.memory_space<vmem>>) semaphore(%arg25 : memref<!tpu.dma_semaphore, #tpu.memory_space<semaphore_mem>>) {add = true}
        %sub3A_238 = arith.constant 1 : i32
        %sub3A_239 = arith.subi %add3A_225, %sub3A_238 : i32
        %dma_wait3A_240 = arith.constant 0 : i32
        %dma_wait3A_241 = tpu.memref_slice %arg11[%sub3A_239, %dma_wait3A_240] : memref<250x80xi32, #tpu.memory_space<vmem>> -> memref<1x80xi32, #tpu.memory_space<vmem>>
        %dma_wait3A_242 = tpu.memref_squeeze %dma_wait3A_241 : memref<1x80xi32, #tpu.memory_space<vmem>> -> memref<80xi32, #tpu.memory_space<vmem>>
        %dma_wait3A_243 = arith.constant 0 : i32
        %dma_wait3A_244 = arith.constant 0 : i32
        %dma_wait3A_245 = tpu.memref_slice %arg9[%dma_wait3A_243, %dma_wait3A_244] : memref<10240x64xf32, #tpu.memory_space<vmem_shared>> -> memref<10240x64xf32, #tpu.memory_space<vmem_shared>>
        tpu.wait_indirect_dma semaphore(%arg24 : memref<!tpu.dma_semaphore, #tpu.memory_space<semaphore_mem>>) src(%arg13 : memref<80x64xf32, #tpu.memory_space<vmem>>) dst(%dma_wait3A_245 : memref<10240x64xf32, #tpu.memory_space<vmem_shared>>)
        %add3A_246 = arith.constant 4 : i32
        %add3A_247 = arith.addi %add3A_225, %add3A_246 : i32
        %dma_start3A_248 = arith.constant 0 : i32
        %dma_start3A_249 = tpu.memref_slice %arg10[%add3A_247, %dma_start3A_248] : memref<250x80xi32, #tpu.memory_space<vmem>> -> memref<1x80xi32, #tpu.memory_space<vmem>>
        %dma_start3A_250 = tpu.memref_squeeze %dma_start3A_249 : memref<1x80xi32, #tpu.memory_space<vmem>> -> memref<80xi32, #tpu.memory_space<vmem>>
        %dma_start3A_251 = arith.constant 0 : i32
        %dma_start3A_252 = arith.constant 0 : i32
        %dma_start3A_253 = tpu.memref_slice %arg3[%dma_start3A_251, %dma_start3A_252] : memref<10000x64xf32, #tpu.memory_space<hbm>> -> memref<10000x64xf32, #tpu.memory_space<hbm>>
        tpu.enqueue_indirect_dma source(%dma_start3A_253 : memref<10000x64xf32, #tpu.memory_space<hbm>>) target(%arg13 : memref<80x64xf32, #tpu.memory_space<vmem>>) offsets(%dma_start3A_250 : memref<80xi32, #tpu.memory_space<vmem>>) semaphore(%arg19 : memref<!tpu.dma_semaphore, #tpu.memory_space<semaphore_mem>>)
        %jit3A_254 = arith.constant 125 : i32
        %div3A_255 = arith.divsi %add3A_225, %jit3A_254 : i32
        %sign3A_256 = arith.constant 0 : i32
        %sign3A_257 = arith.cmpi sgt, %add3A_225, %sign3A_256 : i32
        %sign3A_258 = arith.extui %sign3A_257 : i1 to i32
        %sign3A_259 = arith.constant 0 : i32
        %sign3A_260 = arith.cmpi slt, %add3A_225, %sign3A_259 : i32
        %sign3A_261 = arith.extui %sign3A_260 : i1 to i32
        %sign3A_262 = arith.subi %sign3A_258, %sign3A_261 : i32
        %sign3A_263 = arith.constant 0 : i32
        %sign3A_264 = arith.cmpi sgt, %jit3A_254, %sign3A_263 : i32
        %sign3A_265 = arith.extui %sign3A_264 : i1 to i32
        %sign3A_266 = arith.constant 0 : i32
        %sign3A_267 = arith.cmpi slt, %jit3A_254, %sign3A_266 : i32
        %sign3A_268 = arith.extui %sign3A_267 : i1 to i32
        %sign3A_269 = arith.subi %sign3A_265, %sign3A_268 : i32
        %ne3A_270 = arith.cmpi ne, %sign3A_262, %sign3A_269 : i32
        %rem3A_271 = arith.remsi %add3A_225, %jit3A_254 : i32
        %ne3A_272 = arith.constant 0 : i32
        %ne3A_273 = arith.cmpi ne, %rem3A_271, %ne3A_272 : i32
        %and3A_274 = arith.andi %ne3A_270, %ne3A_273 : i1
        %sub3A_275 = arith.constant 1 : i32
        %sub3A_276 = arith.subi %div3A_255, %sub3A_275 : i32
        %select_n3A_277 = arith.select %and3A_274, %sub3A_276, %div3A_255 : i32
        %eq3A_278 = arith.cmpi eq, %select_n3A_277, %arg0 : i32
        %convert_element_type3A_279 = arith.extui %eq3A_278 : i1 to i32
        %cond3A_280 = arith.constant 0 : i32
        %cond3A_281 = arith.cmpi ne, %convert_element_type3A_279, %cond3A_280 : i32
        scf.if %cond3A_281 {
          %get3A = arith.index_cast %add3A_225 : i32 to index
          %get3A_689 = arith.constant 0 : index
          %get3A_690 = tpu.vector_load %arg11[%get3A, %get3A_689] {strides = array<i32>} : memref<250x80xi32, #tpu.memory_space<vmem>>, vector<16xi32>,
          tpu.vector_store_idx %arg17[%get3A_690], %broadcast_in_dim3A_3 {add = true} : memref<10240xf32, #tpu.memory_space<vmem>>[vector<16xi32>], vector<16xf32>,
          %get3A_691 = arith.index_cast %add3A_225 : i32 to index
          %get3A_692 = arith.constant 16 : index
          %get3A_693 = tpu.vector_load %arg11[%get3A_691, %get3A_692] {strides = array<i32>} : memref<250x80xi32, #tpu.memory_space<vmem>>, vector<16xi32>,
          tpu.vector_store_idx %arg17[%get3A_693], %broadcast_in_dim3A_3 {add = true} : memref<10240xf32, #tpu.memory_space<vmem>>[vector<16xi32>], vector<16xf32>,
          %get3A_694 = arith.index_cast %add3A_225 : i32 to index
          %get3A_695 = arith.constant 32 : index
          %get3A_696 = tpu.vector_load %arg11[%get3A_694, %get3A_695] {strides = array<i32>} : memref<250x80xi32, #tpu.memory_space<vmem>>, vector<16xi32>,
          tpu.vector_store_idx %arg17[%get3A_696], %broadcast_in_dim3A_3 {add = true} : memref<10240xf32, #tpu.memory_space<vmem>>[vector<16xi32>], vector<16xf32>,
          %get3A_697 = arith.index_cast %add3A_225 : i32 to index
          %get3A_698 = arith.constant 48 : index
          %get3A_699 = tpu.vector_load %arg11[%get3A_697, %get3A_698] {strides = array<i32>} : memref<250x80xi32, #tpu.memory_space<vmem>>, vector<16xi32>,
          tpu.vector_store_idx %arg17[%get3A_699], %broadcast_in_dim3A_3 {add = true} : memref<10240xf32, #tpu.memory_space<vmem>>[vector<16xi32>], vector<16xf32>,
          %get3A_700 = arith.index_cast %add3A_225 : i32 to index
          %get3A_701 = arith.constant 64 : index
          %get3A_702 = tpu.vector_load %arg11[%get3A_700, %get3A_701] {strides = array<i32>} : memref<250x80xi32, #tpu.memory_space<vmem>>, vector<16xi32>,
          tpu.vector_store_idx %arg17[%get3A_702], %broadcast_in_dim3A_3 {add = true} : memref<10240xf32, #tpu.memory_space<vmem>>[vector<16xi32>], vector<16xf32>,
        } else {
        }
        %mul3A_282 = arith.constant 10 : i32
        %mul3A_283 = arith.muli %scan3A_113, %mul3A_282 : i32
        %add3A_284 = arith.constant 3 : i32
        %add3A_285 = arith.addi %mul3A_283, %add3A_284 : i32
        %dma_wait3A_286 = arith.constant 0 : i32
        %dma_wait3A_287 = tpu.memref_slice %arg10[%add3A_285, %dma_wait3A_286] : memref<250x80xi32, #tpu.memory_space<vmem>> -> memref<1x80xi32, #tpu.memory_space<vmem>>
        %dma_wait3A_288 = tpu.memref_squeeze %dma_wait3A_287 : memref<1x80xi32, #tpu.memory_space<vmem>> -> memref<80xi32, #tpu.memory_space<vmem>>
        %dma_wait3A_289 = arith.constant 0 : i32
        %dma_wait3A_290 = arith.constant 0 : i32
        %dma_wait3A_291 = tpu.memref_slice %arg3[%dma_wait3A_289, %dma_wait3A_290] : memref<10000x64xf32, #tpu.memory_space<hbm>> -> memref<10000x64xf32, #tpu.memory_space<hbm>>
        tpu.wait_indirect_dma semaphore(%arg21 : memref<!tpu.dma_semaphore, #tpu.memory_space<semaphore_mem>>) src(%dma_wait3A_291 : memref<10000x64xf32, #tpu.memory_space<hbm>>) dst(%arg15 : memref<80x64xf32, #tpu.memory_space<vmem>>)
        %dma_start3A_292 = arith.constant 0 : i32
        %dma_start3A_293 = tpu.memref_slice %arg11[%add3A_285, %dma_start3A_292] : memref<250x80xi32, #tpu.memory_space<vmem>> -> memref<1x80xi32, #tpu.memory_space<vmem>>
        %dma_start3A_294 = tpu.memref_squeeze %dma_start3A_293 : memref<1x80xi32, #tpu.memory_space<vmem>> -> memref<80xi32, #tpu.memory_space<vmem>>
        %dma_start3A_295 = arith.constant 0 : i32
        %dma_start3A_296 = arith.constant 0 : i32
        %dma_start3A_297 = tpu.memref_slice %arg9[%dma_start3A_295, %dma_start3A_296] : memref<10240x64xf32, #tpu.memory_space<vmem_shared>> -> memref<10240x64xf32, #tpu.memory_space<vmem_shared>>
        tpu.enqueue_indirect_dma source(%arg15 : memref<80x64xf32, #tpu.memory_space<vmem>>) target(%dma_start3A_297 : memref<10240x64xf32, #tpu.memory_space<vmem_shared>>) offsets(%dma_start3A_294 : memref<80xi32, #tpu.memory_space<vmem>>) semaphore(%arg26 : memref<!tpu.dma_semaphore, #tpu.memory_space<semaphore_mem>>) {add = true}
        %sub3A_298 = arith.constant 1 : i32
        %sub3A_299 = arith.subi %add3A_285, %sub3A_298 : i32
        %dma_wait3A_300 = arith.constant 0 : i32
        %dma_wait3A_301 = tpu.memref_slice %arg11[%sub3A_299, %dma_wait3A_300] : memref<250x80xi32, #tpu.memory_space<vmem>> -> memref<1x80xi32, #tpu.memory_space<vmem>>
        %dma_wait3A_302 = tpu.memref_squeeze %dma_wait3A_301 : memref<1x80xi32, #tpu.memory_space<vmem>> -> memref<80xi32, #tpu.memory_space<vmem>>
        %dma_wait3A_303 = arith.constant 0 : i32
        %dma_wait3A_304 = arith.constant 0 : i32
        %dma_wait3A_305 = tpu.memref_slice %arg9[%dma_wait3A_303, %dma_wait3A_304] : memref<10240x64xf32, #tpu.memory_space<vmem_shared>> -> memref<10240x64xf32, #tpu.memory_space<vmem_shared>>
        tpu.wait_indirect_dma semaphore(%arg25 : memref<!tpu.dma_semaphore, #tpu.memory_space<semaphore_mem>>) src(%arg14 : memref<80x64xf32, #tpu.memory_space<vmem>>) dst(%dma_wait3A_305 : memref<10240x64xf32, #tpu.memory_space<vmem_shared>>)
        %add3A_306 = arith.constant 4 : i32
        %add3A_307 = arith.addi %add3A_285, %add3A_306 : i32
        %dma_start3A_308 = arith.constant 0 : i32
        %dma_start3A_309 = tpu.memref_slice %arg10[%add3A_307, %dma_start3A_308] : memref<250x80xi32, #tpu.memory_space<vmem>> -> memref<1x80xi32, #tpu.memory_space<vmem>>
        %dma_start3A_310 = tpu.memref_squeeze %dma_start3A_309 : memref<1x80xi32, #tpu.memory_space<vmem>> -> memref<80xi32, #tpu.memory_space<vmem>>
        %dma_start3A_311 = arith.constant 0 : i32
        %dma_start3A_312 = arith.constant 0 : i32
        %dma_start3A_313 = tpu.memref_slice %arg3[%dma_start3A_311, %dma_start3A_312] : memref<10000x64xf32, #tpu.memory_space<hbm>> -> memref<10000x64xf32, #tpu.memory_space<hbm>>
        tpu.enqueue_indirect_dma source(%dma_start3A_313 : memref<10000x64xf32, #tpu.memory_space<hbm>>) target(%arg14 : memref<80x64xf32, #tpu.memory_space<vmem>>) offsets(%dma_start3A_310 : memref<80xi32, #tpu.memory_space<vmem>>) semaphore(%arg20 : memref<!tpu.dma_semaphore, #tpu.memory_space<semaphore_mem>>)
        %jit3A_314 = arith.constant 125 : i32
        %div3A_315 = arith.divsi %add3A_285, %jit3A_314 : i32
        %sign3A_316 = arith.constant 0 : i32
        %sign3A_317 = arith.cmpi sgt, %add3A_285, %sign3A_316 : i32
        %sign3A_318 = arith.extui %sign3A_317 : i1 to i32
        %sign3A_319 = arith.constant 0 : i32
        %sign3A_320 = arith.cmpi slt, %add3A_285, %sign3A_319 : i32
        %sign3A_321 = arith.extui %sign3A_320 : i1 to i32
        %sign3A_322 = arith.subi %sign3A_318, %sign3A_321 : i32
        %sign3A_323 = arith.constant 0 : i32
        %sign3A_324 = arith.cmpi sgt, %jit3A_314, %sign3A_323 : i32
        %sign3A_325 = arith.extui %sign3A_324 : i1 to i32
        %sign3A_326 = arith.constant 0 : i32
        %sign3A_327 = arith.cmpi slt, %jit3A_314, %sign3A_326 : i32
        %sign3A_328 = arith.extui %sign3A_327 : i1 to i32
        %sign3A_329 = arith.subi %sign3A_325, %sign3A_328 : i32
        %ne3A_330 = arith.cmpi ne, %sign3A_322, %sign3A_329 : i32
        %rem3A_331 = arith.remsi %add3A_285, %jit3A_314 : i32
        %ne3A_332 = arith.constant 0 : i32
        %ne3A_333 = arith.cmpi ne, %rem3A_331, %ne3A_332 : i32
        %and3A_334 = arith.andi %ne3A_330, %ne3A_333 : i1
        %sub3A_335 = arith.constant 1 : i32
        %sub3A_336 = arith.subi %div3A_315, %sub3A_335 : i32
        %select_n3A_337 = arith.select %and3A_334, %sub3A_336, %div3A_315 : i32
        %eq3A_338 = arith.cmpi eq, %select_n3A_337, %arg0 : i32
        %convert_element_type3A_339 = arith.extui %eq3A_338 : i1 to i32
        %cond3A_340 = arith.constant 0 : i32
        %cond3A_341 = arith.cmpi ne, %convert_element_type3A_339, %cond3A_340 : i32
        scf.if %cond3A_341 {
          %get3A = arith.index_cast %add3A_285 : i32 to index
          %get3A_689 = arith.constant 0 : index
          %get3A_690 = tpu.vector_load %arg11[%get3A, %get3A_689] {strides = array<i32>} : memref<250x80xi32, #tpu.memory_space<vmem>>, vector<16xi32>,
          tpu.vector_store_idx %arg17[%get3A_690], %broadcast_in_dim3A_3 {add = true} : memref<10240xf32, #tpu.memory_space<vmem>>[vector<16xi32>], vector<16xf32>,
          %get3A_691 = arith.index_cast %add3A_285 : i32 to index
          %get3A_692 = arith.constant 16 : index
          %get3A_693 = tpu.vector_load %arg11[%get3A_691, %get3A_692] {strides = array<i32>} : memref<250x80xi32, #tpu.memory_space<vmem>>, vector<16xi32>,
          tpu.vector_store_idx %arg17[%get3A_693], %broadcast_in_dim3A_3 {add = true} : memref<10240xf32, #tpu.memory_space<vmem>>[vector<16xi32>], vector<16xf32>,
          %get3A_694 = arith.index_cast %add3A_285 : i32 to index
          %get3A_695 = arith.constant 32 : index
          %get3A_696 = tpu.vector_load %arg11[%get3A_694, %get3A_695] {strides = array<i32>} : memref<250x80xi32, #tpu.memory_space<vmem>>, vector<16xi32>,
          tpu.vector_store_idx %arg17[%get3A_696], %broadcast_in_dim3A_3 {add = true} : memref<10240xf32, #tpu.memory_space<vmem>>[vector<16xi32>], vector<16xf32>,
          %get3A_697 = arith.index_cast %add3A_285 : i32 to index
          %get3A_698 = arith.constant 48 : index
          %get3A_699 = tpu.vector_load %arg11[%get3A_697, %get3A_698] {strides = array<i32>} : memref<250x80xi32, #tpu.memory_space<vmem>>, vector<16xi32>,
          tpu.vector_store_idx %arg17[%get3A_699], %broadcast_in_dim3A_3 {add = true} : memref<10240xf32, #tpu.memory_space<vmem>>[vector<16xi32>], vector<16xf32>,
          %get3A_700 = arith.index_cast %add3A_285 : i32 to index
          %get3A_701 = arith.constant 64 : index
          %get3A_702 = tpu.vector_load %arg11[%get3A_700, %get3A_701] {strides = array<i32>} : memref<250x80xi32, #tpu.memory_space<vmem>>, vector<16xi32>,
          tpu.vector_store_idx %arg17[%get3A_702], %broadcast_in_dim3A_3 {add = true} : memref<10240xf32, #tpu.memory_space<vmem>>[vector<16xi32>], vector<16xf32>,
        } else {
        }
        %mul3A_342 = arith.constant 10 : i32
        %mul3A_343 = arith.muli %scan3A_113, %mul3A_342 : i32
        %add3A_344 = arith.constant 4 : i32
        %add3A_345 = arith.addi %mul3A_343, %add3A_344 : i32
        %dma_wait3A_346 = arith.constant 0 : i32
        %dma_wait3A_347 = tpu.memref_slice %arg10[%add3A_345, %dma_wait3A_346] : memref<250x80xi32, #tpu.memory_space<vmem>> -> memref<1x80xi32, #tpu.memory_space<vmem>>
        %dma_wait3A_348 = tpu.memref_squeeze %dma_wait3A_347 : memref<1x80xi32, #tpu.memory_space<vmem>> -> memref<80xi32, #tpu.memory_space<vmem>>
        %dma_wait3A_349 = arith.constant 0 : i32
        %dma_wait3A_350 = arith.constant 0 : i32
        %dma_wait3A_351 = tpu.memref_slice %arg3[%dma_wait3A_349, %dma_wait3A_350] : memref<10000x64xf32, #tpu.memory_space<hbm>> -> memref<10000x64xf32, #tpu.memory_space<hbm>>
        tpu.wait_indirect_dma semaphore(%arg22 : memref<!tpu.dma_semaphore, #tpu.memory_space<semaphore_mem>>) src(%dma_wait3A_351 : memref<10000x64xf32, #tpu.memory_space<hbm>>) dst(%arg16 : memref<80x64xf32, #tpu.memory_space<vmem>>)
        %dma_start3A_352 = arith.constant 0 : i32
        %dma_start3A_353 = tpu.memref_slice %arg11[%add3A_345, %dma_start3A_352] : memref<250x80xi32, #tpu.memory_space<vmem>> -> memref<1x80xi32, #tpu.memory_space<vmem>>
        %dma_start3A_354 = tpu.memref_squeeze %dma_start3A_353 : memref<1x80xi32, #tpu.memory_space<vmem>> -> memref<80xi32, #tpu.memory_space<vmem>>
        %dma_start3A_355 = arith.constant 0 : i32
        %dma_start3A_356 = arith.constant 0 : i32
        %dma_start3A_357 = tpu.memref_slice %arg9[%dma_start3A_355, %dma_start3A_356] : memref<10240x64xf32, #tpu.memory_space<vmem_shared>> -> memref<10240x64xf32, #tpu.memory_space<vmem_shared>>
        tpu.enqueue_indirect_dma source(%arg16 : memref<80x64xf32, #tpu.memory_space<vmem>>) target(%dma_start3A_357 : memref<10240x64xf32, #tpu.memory_space<vmem_shared>>) offsets(%dma_start3A_354 : memref<80xi32, #tpu.memory_space<vmem>>) semaphore(%arg27 : memref<!tpu.dma_semaphore, #tpu.memory_space<semaphore_mem>>) {add = true}
        %sub3A_358 = arith.constant 1 : i32
        %sub3A_359 = arith.subi %add3A_345, %sub3A_358 : i32
        %dma_wait3A_360 = arith.constant 0 : i32
        %dma_wait3A_361 = tpu.memref_slice %arg11[%sub3A_359, %dma_wait3A_360] : memref<250x80xi32, #tpu.memory_space<vmem>> -> memref<1x80xi32, #tpu.memory_space<vmem>>
        %dma_wait3A_362 = tpu.memref_squeeze %dma_wait3A_361 : memref<1x80xi32, #tpu.memory_space<vmem>> -> memref<80xi32, #tpu.memory_space<vmem>>
        %dma_wait3A_363 = arith.constant 0 : i32
        %dma_wait3A_364 = arith.constant 0 : i32
        %dma_wait3A_365 = tpu.memref_slice %arg9[%dma_wait3A_363, %dma_wait3A_364] : memref<10240x64xf32, #tpu.memory_space<vmem_shared>> -> memref<10240x64xf32, #tpu.memory_space<vmem_shared>>
        tpu.wait_indirect_dma semaphore(%arg26 : memref<!tpu.dma_semaphore, #tpu.memory_space<semaphore_mem>>) src(%arg15 : memref<80x64xf32, #tpu.memory_space<vmem>>) dst(%dma_wait3A_365 : memref<10240x64xf32, #tpu.memory_space<vmem_shared>>)
        %add3A_366 = arith.constant 4 : i32
        %add3A_367 = arith.addi %add3A_345, %add3A_366 : i32
        %dma_start3A_368 = arith.constant 0 : i32
        %dma_start3A_369 = tpu.memref_slice %arg10[%add3A_367, %dma_start3A_368] : memref<250x80xi32, #tpu.memory_space<vmem>> -> memref<1x80xi32, #tpu.memory_space<vmem>>
        %dma_start3A_370 = tpu.memref_squeeze %dma_start3A_369 : memref<1x80xi32, #tpu.memory_space<vmem>> -> memref<80xi32, #tpu.memory_space<vmem>>
        %dma_start3A_371 = arith.constant 0 : i32
        %dma_start3A_372 = arith.constant 0 : i32
        %dma_start3A_373 = tpu.memref_slice %arg3[%dma_start3A_371, %dma_start3A_372] : memref<10000x64xf32, #tpu.memory_space<hbm>> -> memref<10000x64xf32, #tpu.memory_space<hbm>>
        tpu.enqueue_indirect_dma source(%dma_start3A_373 : memref<10000x64xf32, #tpu.memory_space<hbm>>) target(%arg15 : memref<80x64xf32, #tpu.memory_space<vmem>>) offsets(%dma_start3A_370 : memref<80xi32, #tpu.memory_space<vmem>>) semaphore(%arg21 : memref<!tpu.dma_semaphore, #tpu.memory_space<semaphore_mem>>)
        %jit3A_374 = arith.constant 125 : i32
        %div3A_375 = arith.divsi %add3A_345, %jit3A_374 : i32
        %sign3A_376 = arith.constant 0 : i32
        %sign3A_377 = arith.cmpi sgt, %add3A_345, %sign3A_376 : i32
        %sign3A_378 = arith.extui %sign3A_377 : i1 to i32
        %sign3A_379 = arith.constant 0 : i32
        %sign3A_380 = arith.cmpi slt, %add3A_345, %sign3A_379 : i32
        %sign3A_381 = arith.extui %sign3A_380 : i1 to i32
        %sign3A_382 = arith.subi %sign3A_378, %sign3A_381 : i32
        %sign3A_383 = arith.constant 0 : i32
        %sign3A_384 = arith.cmpi sgt, %jit3A_374, %sign3A_383 : i32
        %sign3A_385 = arith.extui %sign3A_384 : i1 to i32
        %sign3A_386 = arith.constant 0 : i32
        %sign3A_387 = arith.cmpi slt, %jit3A_374, %sign3A_386 : i32
        %sign3A_388 = arith.extui %sign3A_387 : i1 to i32
        %sign3A_389 = arith.subi %sign3A_385, %sign3A_388 : i32
        %ne3A_390 = arith.cmpi ne, %sign3A_382, %sign3A_389 : i32
        %rem3A_391 = arith.remsi %add3A_345, %jit3A_374 : i32
        %ne3A_392 = arith.constant 0 : i32
        %ne3A_393 = arith.cmpi ne, %rem3A_391, %ne3A_392 : i32
        %and3A_394 = arith.andi %ne3A_390, %ne3A_393 : i1
        %sub3A_395 = arith.constant 1 : i32
        %sub3A_396 = arith.subi %div3A_375, %sub3A_395 : i32
        %select_n3A_397 = arith.select %and3A_394, %sub3A_396, %div3A_375 : i32
        %eq3A_398 = arith.cmpi eq, %select_n3A_397, %arg0 : i32
        %convert_element_type3A_399 = arith.extui %eq3A_398 : i1 to i32
        %cond3A_400 = arith.constant 0 : i32
        %cond3A_401 = arith.cmpi ne, %convert_element_type3A_399, %cond3A_400 : i32
        scf.if %cond3A_401 {
          %get3A = arith.index_cast %add3A_345 : i32 to index
          %get3A_689 = arith.constant 0 : index
          %get3A_690 = tpu.vector_load %arg11[%get3A, %get3A_689] {strides = array<i32>} : memref<250x80xi32, #tpu.memory_space<vmem>>, vector<16xi32>,
          tpu.vector_store_idx %arg17[%get3A_690], %broadcast_in_dim3A_3 {add = true} : memref<10240xf32, #tpu.memory_space<vmem>>[vector<16xi32>], vector<16xf32>,
          %get3A_691 = arith.index_cast %add3A_345 : i32 to index
          %get3A_692 = arith.constant 16 : index
          %get3A_693 = tpu.vector_load %arg11[%get3A_691, %get3A_692] {strides = array<i32>} : memref<250x80xi32, #tpu.memory_space<vmem>>, vector<16xi32>,
          tpu.vector_store_idx %arg17[%get3A_693], %broadcast_in_dim3A_3 {add = true} : memref<10240xf32, #tpu.memory_space<vmem>>[vector<16xi32>], vector<16xf32>,
          %get3A_694 = arith.index_cast %add3A_345 : i32 to index
          %get3A_695 = arith.constant 32 : index
          %get3A_696 = tpu.vector_load %arg11[%get3A_694, %get3A_695] {strides = array<i32>} : memref<250x80xi32, #tpu.memory_space<vmem>>, vector<16xi32>,
          tpu.vector_store_idx %arg17[%get3A_696], %broadcast_in_dim3A_3 {add = true} : memref<10240xf32, #tpu.memory_space<vmem>>[vector<16xi32>], vector<16xf32>,
          %get3A_697 = arith.index_cast %add3A_345 : i32 to index
          %get3A_698 = arith.constant 48 : index
          %get3A_699 = tpu.vector_load %arg11[%get3A_697, %get3A_698] {strides = array<i32>} : memref<250x80xi32, #tpu.memory_space<vmem>>, vector<16xi32>,
          tpu.vector_store_idx %arg17[%get3A_699], %broadcast_in_dim3A_3 {add = true} : memref<10240xf32, #tpu.memory_space<vmem>>[vector<16xi32>], vector<16xf32>,
          %get3A_700 = arith.index_cast %add3A_345 : i32 to index
          %get3A_701 = arith.constant 64 : index
          %get3A_702 = tpu.vector_load %arg11[%get3A_700, %get3A_701] {strides = array<i32>} : memref<250x80xi32, #tpu.memory_space<vmem>>, vector<16xi32>,
          tpu.vector_store_idx %arg17[%get3A_702], %broadcast_in_dim3A_3 {add = true} : memref<10240xf32, #tpu.memory_space<vmem>>[vector<16xi32>], vector<16xf32>,
        } else {
        }
        %mul3A_402 = arith.constant 10 : i32
        %mul3A_403 = arith.muli %scan3A_113, %mul3A_402 : i32
        %add3A_404 = arith.constant 5 : i32
        %add3A_405 = arith.addi %mul3A_403, %add3A_404 : i32
        %dma_wait3A_406 = arith.constant 0 : i32
        %dma_wait3A_407 = tpu.memref_slice %arg10[%add3A_405, %dma_wait3A_406] : memref<250x80xi32, #tpu.memory_space<vmem>> -> memref<1x80xi32, #tpu.memory_space<vmem>>
        %dma_wait3A_408 = tpu.memref_squeeze %dma_wait3A_407 : memref<1x80xi32, #tpu.memory_space<vmem>> -> memref<80xi32, #tpu.memory_space<vmem>>
        %dma_wait3A_409 = arith.constant 0 : i32
        %dma_wait3A_410 = arith.constant 0 : i32
        %dma_wait3A_411 = tpu.memref_slice %arg3[%dma_wait3A_409, %dma_wait3A_410] : memref<10000x64xf32, #tpu.memory_space<hbm>> -> memref<10000x64xf32, #tpu.memory_space<hbm>>
        tpu.wait_indirect_dma semaphore(%arg18 : memref<!tpu.dma_semaphore, #tpu.memory_space<semaphore_mem>>) src(%dma_wait3A_411 : memref<10000x64xf32, #tpu.memory_space<hbm>>) dst(%arg12 : memref<80x64xf32, #tpu.memory_space<vmem>>)
        %dma_start3A_412 = arith.constant 0 : i32
        %dma_start3A_413 = tpu.memref_slice %arg11[%add3A_405, %dma_start3A_412] : memref<250x80xi32, #tpu.memory_space<vmem>> -> memref<1x80xi32, #tpu.memory_space<vmem>>
        %dma_start3A_414 = tpu.memref_squeeze %dma_start3A_413 : memref<1x80xi32, #tpu.memory_space<vmem>> -> memref<80xi32, #tpu.memory_space<vmem>>
        %dma_start3A_415 = arith.constant 0 : i32
        %dma_start3A_416 = arith.constant 0 : i32
        %dma_start3A_417 = tpu.memref_slice %arg9[%dma_start3A_415, %dma_start3A_416] : memref<10240x64xf32, #tpu.memory_space<vmem_shared>> -> memref<10240x64xf32, #tpu.memory_space<vmem_shared>>
        tpu.enqueue_indirect_dma source(%arg12 : memref<80x64xf32, #tpu.memory_space<vmem>>) target(%dma_start3A_417 : memref<10240x64xf32, #tpu.memory_space<vmem_shared>>) offsets(%dma_start3A_414 : memref<80xi32, #tpu.memory_space<vmem>>) semaphore(%arg23 : memref<!tpu.dma_semaphore, #tpu.memory_space<semaphore_mem>>) {add = true}
        %sub3A_418 = arith.constant 1 : i32
        %sub3A_419 = arith.subi %add3A_405, %sub3A_418 : i32
        %dma_wait3A_420 = arith.constant 0 : i32
        %dma_wait3A_421 = tpu.memref_slice %arg11[%sub3A_419, %dma_wait3A_420] : memref<250x80xi32, #tpu.memory_space<vmem>> -> memref<1x80xi32, #tpu.memory_space<vmem>>
        %dma_wait3A_422 = tpu.memref_squeeze %dma_wait3A_421 : memref<1x80xi32, #tpu.memory_space<vmem>> -> memref<80xi32, #tpu.memory_space<vmem>>
        %dma_wait3A_423 = arith.constant 0 : i32
        %dma_wait3A_424 = arith.constant 0 : i32
        %dma_wait3A_425 = tpu.memref_slice %arg9[%dma_wait3A_423, %dma_wait3A_424] : memref<10240x64xf32, #tpu.memory_space<vmem_shared>> -> memref<10240x64xf32, #tpu.memory_space<vmem_shared>>
        tpu.wait_indirect_dma semaphore(%arg27 : memref<!tpu.dma_semaphore, #tpu.memory_space<semaphore_mem>>) src(%arg16 : memref<80x64xf32, #tpu.memory_space<vmem>>) dst(%dma_wait3A_425 : memref<10240x64xf32, #tpu.memory_space<vmem_shared>>)
        %add3A_426 = arith.constant 4 : i32
        %add3A_427 = arith.addi %add3A_405, %add3A_426 : i32
        %dma_start3A_428 = arith.constant 0 : i32
        %dma_start3A_429 = tpu.memref_slice %arg10[%add3A_427, %dma_start3A_428] : memref<250x80xi32, #tpu.memory_space<vmem>> -> memref<1x80xi32, #tpu.memory_space<vmem>>
        %dma_start3A_430 = tpu.memref_squeeze %dma_start3A_429 : memref<1x80xi32, #tpu.memory_space<vmem>> -> memref<80xi32, #tpu.memory_space<vmem>>
        %dma_start3A_431 = arith.constant 0 : i32
        %dma_start3A_432 = arith.constant 0 : i32
        %dma_start3A_433 = tpu.memref_slice %arg3[%dma_start3A_431, %dma_start3A_432] : memref<10000x64xf32, #tpu.memory_space<hbm>> -> memref<10000x64xf32, #tpu.memory_space<hbm>>
        tpu.enqueue_indirect_dma source(%dma_start3A_433 : memref<10000x64xf32, #tpu.memory_space<hbm>>) target(%arg16 : memref<80x64xf32, #tpu.memory_space<vmem>>) offsets(%dma_start3A_430 : memref<80xi32, #tpu.memory_space<vmem>>) semaphore(%arg22 : memref<!tpu.dma_semaphore, #tpu.memory_space<semaphore_mem>>)
        %jit3A_434 = arith.constant 125 : i32
        %div3A_435 = arith.divsi %add3A_405, %jit3A_434 : i32
        %sign3A_436 = arith.constant 0 : i32
        %sign3A_437 = arith.cmpi sgt, %add3A_405, %sign3A_436 : i32
        %sign3A_438 = arith.extui %sign3A_437 : i1 to i32
        %sign3A_439 = arith.constant 0 : i32
        %sign3A_440 = arith.cmpi slt, %add3A_405, %sign3A_439 : i32
        %sign3A_441 = arith.extui %sign3A_440 : i1 to i32
        %sign3A_442 = arith.subi %sign3A_438, %sign3A_441 : i32
        %sign3A_443 = arith.constant 0 : i32
        %sign3A_444 = arith.cmpi sgt, %jit3A_434, %sign3A_443 : i32
        %sign3A_445 = arith.extui %sign3A_444 : i1 to i32
        %sign3A_446 = arith.constant 0 : i32
        %sign3A_447 = arith.cmpi slt, %jit3A_434, %sign3A_446 : i32
        %sign3A_448 = arith.extui %sign3A_447 : i1 to i32
        %sign3A_449 = arith.subi %sign3A_445, %sign3A_448 : i32
        %ne3A_450 = arith.cmpi ne, %sign3A_442, %sign3A_449 : i32
        %rem3A_451 = arith.remsi %add3A_405, %jit3A_434 : i32
        %ne3A_452 = arith.constant 0 : i32
        %ne3A_453 = arith.cmpi ne, %rem3A_451, %ne3A_452 : i32
        %and3A_454 = arith.andi %ne3A_450, %ne3A_453 : i1
        %sub3A_455 = arith.constant 1 : i32
        %sub3A_456 = arith.subi %div3A_435, %sub3A_455 : i32
        %select_n3A_457 = arith.select %and3A_454, %sub3A_456, %div3A_435 : i32
        %eq3A_458 = arith.cmpi eq, %select_n3A_457, %arg0 : i32
        %convert_element_type3A_459 = arith.extui %eq3A_458 : i1 to i32
        %cond3A_460 = arith.constant 0 : i32
        %cond3A_461 = arith.cmpi ne, %convert_element_type3A_459, %cond3A_460 : i32
        scf.if %cond3A_461 {
          %get3A = arith.index_cast %add3A_405 : i32 to index
          %get3A_689 = arith.constant 0 : index
          %get3A_690 = tpu.vector_load %arg11[%get3A, %get3A_689] {strides = array<i32>} : memref<250x80xi32, #tpu.memory_space<vmem>>, vector<16xi32>,
          tpu.vector_store_idx %arg17[%get3A_690], %broadcast_in_dim3A_3 {add = true} : memref<10240xf32, #tpu.memory_space<vmem>>[vector<16xi32>], vector<16xf32>,
          %get3A_691 = arith.index_cast %add3A_405 : i32 to index
          %get3A_692 = arith.constant 16 : index
          %get3A_693 = tpu.vector_load %arg11[%get3A_691, %get3A_692] {strides = array<i32>} : memref<250x80xi32, #tpu.memory_space<vmem>>, vector<16xi32>,
          tpu.vector_store_idx %arg17[%get3A_693], %broadcast_in_dim3A_3 {add = true} : memref<10240xf32, #tpu.memory_space<vmem>>[vector<16xi32>], vector<16xf32>,
          %get3A_694 = arith.index_cast %add3A_405 : i32 to index
          %get3A_695 = arith.constant 32 : index
          %get3A_696 = tpu.vector_load %arg11[%get3A_694, %get3A_695] {strides = array<i32>} : memref<250x80xi32, #tpu.memory_space<vmem>>, vector<16xi32>,
          tpu.vector_store_idx %arg17[%get3A_696], %broadcast_in_dim3A_3 {add = true} : memref<10240xf32, #tpu.memory_space<vmem>>[vector<16xi32>], vector<16xf32>,
          %get3A_697 = arith.index_cast %add3A_405 : i32 to index
          %get3A_698 = arith.constant 48 : index
          %get3A_699 = tpu.vector_load %arg11[%get3A_697, %get3A_698] {strides = array<i32>} : memref<250x80xi32, #tpu.memory_space<vmem>>, vector<16xi32>,
          tpu.vector_store_idx %arg17[%get3A_699], %broadcast_in_dim3A_3 {add = true} : memref<10240xf32, #tpu.memory_space<vmem>>[vector<16xi32>], vector<16xf32>,
          %get3A_700 = arith.index_cast %add3A_405 : i32 to index
          %get3A_701 = arith.constant 64 : index
          %get3A_702 = tpu.vector_load %arg11[%get3A_700, %get3A_701] {strides = array<i32>} : memref<250x80xi32, #tpu.memory_space<vmem>>, vector<16xi32>,
          tpu.vector_store_idx %arg17[%get3A_702], %broadcast_in_dim3A_3 {add = true} : memref<10240xf32, #tpu.memory_space<vmem>>[vector<16xi32>], vector<16xf32>,
        } else {
        }
        %mul3A_462 = arith.constant 10 : i32
        %mul3A_463 = arith.muli %scan3A_113, %mul3A_462 : i32
        %add3A_464 = arith.constant 6 : i32
        %add3A_465 = arith.addi %mul3A_463, %add3A_464 : i32
        %dma_wait3A_466 = arith.constant 0 : i32
        %dma_wait3A_467 = tpu.memref_slice %arg10[%add3A_465, %dma_wait3A_466] : memref<250x80xi32, #tpu.memory_space<vmem>> -> memref<1x80xi32, #tpu.memory_space<vmem>>
        %dma_wait3A_468 = tpu.memref_squeeze %dma_wait3A_467 : memref<1x80xi32, #tpu.memory_space<vmem>> -> memref<80xi32, #tpu.memory_space<vmem>>
        %dma_wait3A_469 = arith.constant 0 : i32
        %dma_wait3A_470 = arith.constant 0 : i32
        %dma_wait3A_471 = tpu.memref_slice %arg3[%dma_wait3A_469, %dma_wait3A_470] : memref<10000x64xf32, #tpu.memory_space<hbm>> -> memref<10000x64xf32, #tpu.memory_space<hbm>>
        tpu.wait_indirect_dma semaphore(%arg19 : memref<!tpu.dma_semaphore, #tpu.memory_space<semaphore_mem>>) src(%dma_wait3A_471 : memref<10000x64xf32, #tpu.memory_space<hbm>>) dst(%arg13 : memref<80x64xf32, #tpu.memory_space<vmem>>)
        %dma_start3A_472 = arith.constant 0 : i32
        %dma_start3A_473 = tpu.memref_slice %arg11[%add3A_465, %dma_start3A_472] : memref<250x80xi32, #tpu.memory_space<vmem>> -> memref<1x80xi32, #tpu.memory_space<vmem>>
        %dma_start3A_474 = tpu.memref_squeeze %dma_start3A_473 : memref<1x80xi32, #tpu.memory_space<vmem>> -> memref<80xi32, #tpu.memory_space<vmem>>
        %dma_start3A_475 = arith.constant 0 : i32
        %dma_start3A_476 = arith.constant 0 : i32
        %dma_start3A_477 = tpu.memref_slice %arg9[%dma_start3A_475, %dma_start3A_476] : memref<10240x64xf32, #tpu.memory_space<vmem_shared>> -> memref<10240x64xf32, #tpu.memory_space<vmem_shared>>
        tpu.enqueue_indirect_dma source(%arg13 : memref<80x64xf32, #tpu.memory_space<vmem>>) target(%dma_start3A_477 : memref<10240x64xf32, #tpu.memory_space<vmem_shared>>) offsets(%dma_start3A_474 : memref<80xi32, #tpu.memory_space<vmem>>) semaphore(%arg24 : memref<!tpu.dma_semaphore, #tpu.memory_space<semaphore_mem>>) {add = true}
        %sub3A_478 = arith.constant 1 : i32
        %sub3A_479 = arith.subi %add3A_465, %sub3A_478 : i32
        %dma_wait3A_480 = arith.constant 0 : i32
        %dma_wait3A_481 = tpu.memref_slice %arg11[%sub3A_479, %dma_wait3A_480] : memref<250x80xi32, #tpu.memory_space<vmem>> -> memref<1x80xi32, #tpu.memory_space<vmem>>
        %dma_wait3A_482 = tpu.memref_squeeze %dma_wait3A_481 : memref<1x80xi32, #tpu.memory_space<vmem>> -> memref<80xi32, #tpu.memory_space<vmem>>
        %dma_wait3A_483 = arith.constant 0 : i32
        %dma_wait3A_484 = arith.constant 0 : i32
        %dma_wait3A_485 = tpu.memref_slice %arg9[%dma_wait3A_483, %dma_wait3A_484] : memref<10240x64xf32, #tpu.memory_space<vmem_shared>> -> memref<10240x64xf32, #tpu.memory_space<vmem_shared>>
        tpu.wait_indirect_dma semaphore(%arg23 : memref<!tpu.dma_semaphore, #tpu.memory_space<semaphore_mem>>) src(%arg12 : memref<80x64xf32, #tpu.memory_space<vmem>>) dst(%dma_wait3A_485 : memref<10240x64xf32, #tpu.memory_space<vmem_shared>>)
        %lt3A = arith.constant 24 : i32
        %lt3A_486 = arith.cmpi slt, %scan3A_113, %lt3A : i32
        %convert_element_type3A_487 = arith.extui %lt3A_486 : i1 to i32
        %cond3A_488 = arith.constant 0 : i32
        %cond3A_489 = arith.cmpi ne, %convert_element_type3A_487, %cond3A_488 : i32
        scf.if %cond3A_489 {
          %add3A_689 = arith.constant 4 : i32
          %add3A_690 = arith.addi %add3A_465, %add3A_689 : i32
          %dma_start3A_691 = arith.constant 0 : i32
          %dma_start3A_692 = tpu.memref_slice %arg10[%add3A_690, %dma_start3A_691] : memref<250x80xi32, #tpu.memory_space<vmem>> -> memref<1x80xi32, #tpu.memory_space<vmem>>
          %dma_start3A_693 = tpu.memref_squeeze %dma_start3A_692 : memref<1x80xi32, #tpu.memory_space<vmem>> -> memref<80xi32, #tpu.memory_space<vmem>>
          %dma_start3A_694 = arith.constant 0 : i32
          %dma_start3A_695 = arith.constant 0 : i32
          %dma_start3A_696 = tpu.memref_slice %arg3[%dma_start3A_694, %dma_start3A_695] : memref<10000x64xf32, #tpu.memory_space<hbm>> -> memref<10000x64xf32, #tpu.memory_space<hbm>>
          tpu.enqueue_indirect_dma source(%dma_start3A_696 : memref<10000x64xf32, #tpu.memory_space<hbm>>) target(%arg12 : memref<80x64xf32, #tpu.memory_space<vmem>>) offsets(%dma_start3A_693 : memref<80xi32, #tpu.memory_space<vmem>>) semaphore(%arg18 : memref<!tpu.dma_semaphore, #tpu.memory_space<semaphore_mem>>)
        } else {
        }
        %jit3A_490 = arith.constant 125 : i32
        %div3A_491 = arith.divsi %add3A_465, %jit3A_490 : i32
        %sign3A_492 = arith.constant 0 : i32
        %sign3A_493 = arith.cmpi sgt, %add3A_465, %sign3A_492 : i32
        %sign3A_494 = arith.extui %sign3A_493 : i1 to i32
        %sign3A_495 = arith.constant 0 : i32
        %sign3A_496 = arith.cmpi slt, %add3A_465, %sign3A_495 : i32
        %sign3A_497 = arith.extui %sign3A_496 : i1 to i32
        %sign3A_498 = arith.subi %sign3A_494, %sign3A_497 : i32
        %sign3A_499 = arith.constant 0 : i32
        %sign3A_500 = arith.cmpi sgt, %jit3A_490, %sign3A_499 : i32
        %sign3A_501 = arith.extui %sign3A_500 : i1 to i32
        %sign3A_502 = arith.constant 0 : i32
        %sign3A_503 = arith.cmpi slt, %jit3A_490, %sign3A_502 : i32
        %sign3A_504 = arith.extui %sign3A_503 : i1 to i32
        %sign3A_505 = arith.subi %sign3A_501, %sign3A_504 : i32
        %ne3A_506 = arith.cmpi ne, %sign3A_498, %sign3A_505 : i32
        %rem3A_507 = arith.remsi %add3A_465, %jit3A_490 : i32
        %ne3A_508 = arith.constant 0 : i32
        %ne3A_509 = arith.cmpi ne, %rem3A_507, %ne3A_508 : i32
        %and3A_510 = arith.andi %ne3A_506, %ne3A_509 : i1
        %sub3A_511 = arith.constant 1 : i32
        %sub3A_512 = arith.subi %div3A_491, %sub3A_511 : i32
        %select_n3A_513 = arith.select %and3A_510, %sub3A_512, %div3A_491 : i32
        %eq3A_514 = arith.cmpi eq, %select_n3A_513, %arg0 : i32
        %convert_element_type3A_515 = arith.extui %eq3A_514 : i1 to i32
        %cond3A_516 = arith.constant 0 : i32
        %cond3A_517 = arith.cmpi ne, %convert_element_type3A_515, %cond3A_516 : i32
        scf.if %cond3A_517 {
          %get3A = arith.index_cast %add3A_465 : i32 to index
          %get3A_689 = arith.constant 0 : index
          %get3A_690 = tpu.vector_load %arg11[%get3A, %get3A_689] {strides = array<i32>} : memref<250x80xi32, #tpu.memory_space<vmem>>, vector<16xi32>,
          tpu.vector_store_idx %arg17[%get3A_690], %broadcast_in_dim3A_3 {add = true} : memref<10240xf32, #tpu.memory_space<vmem>>[vector<16xi32>], vector<16xf32>,
          %get3A_691 = arith.index_cast %add3A_465 : i32 to index
          %get3A_692 = arith.constant 16 : index
          %get3A_693 = tpu.vector_load %arg11[%get3A_691, %get3A_692] {strides = array<i32>} : memref<250x80xi32, #tpu.memory_space<vmem>>, vector<16xi32>,
          tpu.vector_store_idx %arg17[%get3A_693], %broadcast_in_dim3A_3 {add = true} : memref<10240xf32, #tpu.memory_space<vmem>>[vector<16xi32>], vector<16xf32>,
          %get3A_694 = arith.index_cast %add3A_465 : i32 to index
          %get3A_695 = arith.constant 32 : index
          %get3A_696 = tpu.vector_load %arg11[%get3A_694, %get3A_695] {strides = array<i32>} : memref<250x80xi32, #tpu.memory_space<vmem>>, vector<16xi32>,
          tpu.vector_store_idx %arg17[%get3A_696], %broadcast_in_dim3A_3 {add = true} : memref<10240xf32, #tpu.memory_space<vmem>>[vector<16xi32>], vector<16xf32>,
          %get3A_697 = arith.index_cast %add3A_465 : i32 to index
          %get3A_698 = arith.constant 48 : index
          %get3A_699 = tpu.vector_load %arg11[%get3A_697, %get3A_698] {strides = array<i32>} : memref<250x80xi32, #tpu.memory_space<vmem>>, vector<16xi32>,
          tpu.vector_store_idx %arg17[%get3A_699], %broadcast_in_dim3A_3 {add = true} : memref<10240xf32, #tpu.memory_space<vmem>>[vector<16xi32>], vector<16xf32>,
          %get3A_700 = arith.index_cast %add3A_465 : i32 to index
          %get3A_701 = arith.constant 64 : index
          %get3A_702 = tpu.vector_load %arg11[%get3A_700, %get3A_701] {strides = array<i32>} : memref<250x80xi32, #tpu.memory_space<vmem>>, vector<16xi32>,
          tpu.vector_store_idx %arg17[%get3A_702], %broadcast_in_dim3A_3 {add = true} : memref<10240xf32, #tpu.memory_space<vmem>>[vector<16xi32>], vector<16xf32>,
        } else {
        }
        %mul3A_518 = arith.constant 10 : i32
        %mul3A_519 = arith.muli %scan3A_113, %mul3A_518 : i32
        %add3A_520 = arith.constant 7 : i32
        %add3A_521 = arith.addi %mul3A_519, %add3A_520 : i32
        %dma_wait3A_522 = arith.constant 0 : i32
        %dma_wait3A_523 = tpu.memref_slice %arg10[%add3A_521, %dma_wait3A_522] : memref<250x80xi32, #tpu.memory_space<vmem>> -> memref<1x80xi32, #tpu.memory_space<vmem>>
        %dma_wait3A_524 = tpu.memref_squeeze %dma_wait3A_523 : memref<1x80xi32, #tpu.memory_space<vmem>> -> memref<80xi32, #tpu.memory_space<vmem>>
        %dma_wait3A_525 = arith.constant 0 : i32
        %dma_wait3A_526 = arith.constant 0 : i32
        %dma_wait3A_527 = tpu.memref_slice %arg3[%dma_wait3A_525, %dma_wait3A_526] : memref<10000x64xf32, #tpu.memory_space<hbm>> -> memref<10000x64xf32, #tpu.memory_space<hbm>>
        tpu.wait_indirect_dma semaphore(%arg20 : memref<!tpu.dma_semaphore, #tpu.memory_space<semaphore_mem>>) src(%dma_wait3A_527 : memref<10000x64xf32, #tpu.memory_space<hbm>>) dst(%arg14 : memref<80x64xf32, #tpu.memory_space<vmem>>)
        %dma_start3A_528 = arith.constant 0 : i32
        %dma_start3A_529 = tpu.memref_slice %arg11[%add3A_521, %dma_start3A_528] : memref<250x80xi32, #tpu.memory_space<vmem>> -> memref<1x80xi32, #tpu.memory_space<vmem>>
        %dma_start3A_530 = tpu.memref_squeeze %dma_start3A_529 : memref<1x80xi32, #tpu.memory_space<vmem>> -> memref<80xi32, #tpu.memory_space<vmem>>
        %dma_start3A_531 = arith.constant 0 : i32
        %dma_start3A_532 = arith.constant 0 : i32
        %dma_start3A_533 = tpu.memref_slice %arg9[%dma_start3A_531, %dma_start3A_532] : memref<10240x64xf32, #tpu.memory_space<vmem_shared>> -> memref<10240x64xf32, #tpu.memory_space<vmem_shared>>
        tpu.enqueue_indirect_dma source(%arg14 : memref<80x64xf32, #tpu.memory_space<vmem>>) target(%dma_start3A_533 : memref<10240x64xf32, #tpu.memory_space<vmem_shared>>) offsets(%dma_start3A_530 : memref<80xi32, #tpu.memory_space<vmem>>) semaphore(%arg25 : memref<!tpu.dma_semaphore, #tpu.memory_space<semaphore_mem>>) {add = true}
        %sub3A_534 = arith.constant 1 : i32
        %sub3A_535 = arith.subi %add3A_521, %sub3A_534 : i32
        %dma_wait3A_536 = arith.constant 0 : i32
        %dma_wait3A_537 = tpu.memref_slice %arg11[%sub3A_535, %dma_wait3A_536] : memref<250x80xi32, #tpu.memory_space<vmem>> -> memref<1x80xi32, #tpu.memory_space<vmem>>
        %dma_wait3A_538 = tpu.memref_squeeze %dma_wait3A_537 : memref<1x80xi32, #tpu.memory_space<vmem>> -> memref<80xi32, #tpu.memory_space<vmem>>
        %dma_wait3A_539 = arith.constant 0 : i32
        %dma_wait3A_540 = arith.constant 0 : i32
        %dma_wait3A_541 = tpu.memref_slice %arg9[%dma_wait3A_539, %dma_wait3A_540] : memref<10240x64xf32, #tpu.memory_space<vmem_shared>> -> memref<10240x64xf32, #tpu.memory_space<vmem_shared>>
        tpu.wait_indirect_dma semaphore(%arg24 : memref<!tpu.dma_semaphore, #tpu.memory_space<semaphore_mem>>) src(%arg13 : memref<80x64xf32, #tpu.memory_space<vmem>>) dst(%dma_wait3A_541 : memref<10240x64xf32, #tpu.memory_space<vmem_shared>>)
        %lt3A_542 = arith.constant 24 : i32
        %lt3A_543 = arith.cmpi slt, %scan3A_113, %lt3A_542 : i32
        %convert_element_type3A_544 = arith.extui %lt3A_543 : i1 to i32
        %cond3A_545 = arith.constant 0 : i32
        %cond3A_546 = arith.cmpi ne, %convert_element_type3A_544, %cond3A_545 : i32
        scf.if %cond3A_546 {
          %add3A_689 = arith.constant 4 : i32
          %add3A_690 = arith.addi %add3A_521, %add3A_689 : i32
          %dma_start3A_691 = arith.constant 0 : i32
          %dma_start3A_692 = tpu.memref_slice %arg10[%add3A_690, %dma_start3A_691] : memref<250x80xi32, #tpu.memory_space<vmem>> -> memref<1x80xi32, #tpu.memory_space<vmem>>
          %dma_start3A_693 = tpu.memref_squeeze %dma_start3A_692 : memref<1x80xi32, #tpu.memory_space<vmem>> -> memref<80xi32, #tpu.memory_space<vmem>>
          %dma_start3A_694 = arith.constant 0 : i32
          %dma_start3A_695 = arith.constant 0 : i32
          %dma_start3A_696 = tpu.memref_slice %arg3[%dma_start3A_694, %dma_start3A_695] : memref<10000x64xf32, #tpu.memory_space<hbm>> -> memref<10000x64xf32, #tpu.memory_space<hbm>>
          tpu.enqueue_indirect_dma source(%dma_start3A_696 : memref<10000x64xf32, #tpu.memory_space<hbm>>) target(%arg13 : memref<80x64xf32, #tpu.memory_space<vmem>>) offsets(%dma_start3A_693 : memref<80xi32, #tpu.memory_space<vmem>>) semaphore(%arg19 : memref<!tpu.dma_semaphore, #tpu.memory_space<semaphore_mem>>)
        } else {
        }
        %jit3A_547 = arith.constant 125 : i32
        %div3A_548 = arith.divsi %add3A_521, %jit3A_547 : i32
        %sign3A_549 = arith.constant 0 : i32
        %sign3A_550 = arith.cmpi sgt, %add3A_521, %sign3A_549 : i32
        %sign3A_551 = arith.extui %sign3A_550 : i1 to i32
        %sign3A_552 = arith.constant 0 : i32
        %sign3A_553 = arith.cmpi slt, %add3A_521, %sign3A_552 : i32
        %sign3A_554 = arith.extui %sign3A_553 : i1 to i32
        %sign3A_555 = arith.subi %sign3A_551, %sign3A_554 : i32
        %sign3A_556 = arith.constant 0 : i32
        %sign3A_557 = arith.cmpi sgt, %jit3A_547, %sign3A_556 : i32
        %sign3A_558 = arith.extui %sign3A_557 : i1 to i32
        %sign3A_559 = arith.constant 0 : i32
        %sign3A_560 = arith.cmpi slt, %jit3A_547, %sign3A_559 : i32
        %sign3A_561 = arith.extui %sign3A_560 : i1 to i32
        %sign3A_562 = arith.subi %sign3A_558, %sign3A_561 : i32
        %ne3A_563 = arith.cmpi ne, %sign3A_555, %sign3A_562 : i32
        %rem3A_564 = arith.remsi %add3A_521, %jit3A_547 : i32
        %ne3A_565 = arith.constant 0 : i32
        %ne3A_566 = arith.cmpi ne, %rem3A_564, %ne3A_565 : i32
        %and3A_567 = arith.andi %ne3A_563, %ne3A_566 : i1
        %sub3A_568 = arith.constant 1 : i32
        %sub3A_569 = arith.subi %div3A_548, %sub3A_568 : i32
        %select_n3A_570 = arith.select %and3A_567, %sub3A_569, %div3A_548 : i32
        %eq3A_571 = arith.cmpi eq, %select_n3A_570, %arg0 : i32
        %convert_element_type3A_572 = arith.extui %eq3A_571 : i1 to i32
        %cond3A_573 = arith.constant 0 : i32
        %cond3A_574 = arith.cmpi ne, %convert_element_type3A_572, %cond3A_573 : i32
        scf.if %cond3A_574 {
          %get3A = arith.index_cast %add3A_521 : i32 to index
          %get3A_689 = arith.constant 0 : index
          %get3A_690 = tpu.vector_load %arg11[%get3A, %get3A_689] {strides = array<i32>} : memref<250x80xi32, #tpu.memory_space<vmem>>, vector<16xi32>,
          tpu.vector_store_idx %arg17[%get3A_690], %broadcast_in_dim3A_3 {add = true} : memref<10240xf32, #tpu.memory_space<vmem>>[vector<16xi32>], vector<16xf32>,
          %get3A_691 = arith.index_cast %add3A_521 : i32 to index
          %get3A_692 = arith.constant 16 : index
          %get3A_693 = tpu.vector_load %arg11[%get3A_691, %get3A_692] {strides = array<i32>} : memref<250x80xi32, #tpu.memory_space<vmem>>, vector<16xi32>,
          tpu.vector_store_idx %arg17[%get3A_693], %broadcast_in_dim3A_3 {add = true} : memref<10240xf32, #tpu.memory_space<vmem>>[vector<16xi32>], vector<16xf32>,
          %get3A_694 = arith.index_cast %add3A_521 : i32 to index
          %get3A_695 = arith.constant 32 : index
          %get3A_696 = tpu.vector_load %arg11[%get3A_694, %get3A_695] {strides = array<i32>} : memref<250x80xi32, #tpu.memory_space<vmem>>, vector<16xi32>,
          tpu.vector_store_idx %arg17[%get3A_696], %broadcast_in_dim3A_3 {add = true} : memref<10240xf32, #tpu.memory_space<vmem>>[vector<16xi32>], vector<16xf32>,
          %get3A_697 = arith.index_cast %add3A_521 : i32 to index
          %get3A_698 = arith.constant 48 : index
          %get3A_699 = tpu.vector_load %arg11[%get3A_697, %get3A_698] {strides = array<i32>} : memref<250x80xi32, #tpu.memory_space<vmem>>, vector<16xi32>,
          tpu.vector_store_idx %arg17[%get3A_699], %broadcast_in_dim3A_3 {add = true} : memref<10240xf32, #tpu.memory_space<vmem>>[vector<16xi32>], vector<16xf32>,
          %get3A_700 = arith.index_cast %add3A_521 : i32 to index
          %get3A_701 = arith.constant 64 : index
          %get3A_702 = tpu.vector_load %arg11[%get3A_700, %get3A_701] {strides = array<i32>} : memref<250x80xi32, #tpu.memory_space<vmem>>, vector<16xi32>,
          tpu.vector_store_idx %arg17[%get3A_702], %broadcast_in_dim3A_3 {add = true} : memref<10240xf32, #tpu.memory_space<vmem>>[vector<16xi32>], vector<16xf32>,
        } else {
        }
        %mul3A_575 = arith.constant 10 : i32
        %mul3A_576 = arith.muli %scan3A_113, %mul3A_575 : i32
        %add3A_577 = arith.constant 8 : i32
        %add3A_578 = arith.addi %mul3A_576, %add3A_577 : i32
        %dma_wait3A_579 = arith.constant 0 : i32
        %dma_wait3A_580 = tpu.memref_slice %arg10[%add3A_578, %dma_wait3A_579] : memref<250x80xi32, #tpu.memory_space<vmem>> -> memref<1x80xi32, #tpu.memory_space<vmem>>
        %dma_wait3A_581 = tpu.memref_squeeze %dma_wait3A_580 : memref<1x80xi32, #tpu.memory_space<vmem>> -> memref<80xi32, #tpu.memory_space<vmem>>
        %dma_wait3A_582 = arith.constant 0 : i32
        %dma_wait3A_583 = arith.constant 0 : i32
        %dma_wait3A_584 = tpu.memref_slice %arg3[%dma_wait3A_582, %dma_wait3A_583] : memref<10000x64xf32, #tpu.memory_space<hbm>> -> memref<10000x64xf32, #tpu.memory_space<hbm>>
        tpu.wait_indirect_dma semaphore(%arg21 : memref<!tpu.dma_semaphore, #tpu.memory_space<semaphore_mem>>) src(%dma_wait3A_584 : memref<10000x64xf32, #tpu.memory_space<hbm>>) dst(%arg15 : memref<80x64xf32, #tpu.memory_space<vmem>>)
        %dma_start3A_585 = arith.constant 0 : i32
        %dma_start3A_586 = tpu.memref_slice %arg11[%add3A_578, %dma_start3A_585] : memref<250x80xi32, #tpu.memory_space<vmem>> -> memref<1x80xi32, #tpu.memory_space<vmem>>
        %dma_start3A_587 = tpu.memref_squeeze %dma_start3A_586 : memref<1x80xi32, #tpu.memory_space<vmem>> -> memref<80xi32, #tpu.memory_space<vmem>>
        %dma_start3A_588 = arith.constant 0 : i32
        %dma_start3A_589 = arith.constant 0 : i32
        %dma_start3A_590 = tpu.memref_slice %arg9[%dma_start3A_588, %dma_start3A_589] : memref<10240x64xf32, #tpu.memory_space<vmem_shared>> -> memref<10240x64xf32, #tpu.memory_space<vmem_shared>>
        tpu.enqueue_indirect_dma source(%arg15 : memref<80x64xf32, #tpu.memory_space<vmem>>) target(%dma_start3A_590 : memref<10240x64xf32, #tpu.memory_space<vmem_shared>>) offsets(%dma_start3A_587 : memref<80xi32, #tpu.memory_space<vmem>>) semaphore(%arg26 : memref<!tpu.dma_semaphore, #tpu.memory_space<semaphore_mem>>) {add = true}
        %sub3A_591 = arith.constant 1 : i32
        %sub3A_592 = arith.subi %add3A_578, %sub3A_591 : i32
        %dma_wait3A_593 = arith.constant 0 : i32
        %dma_wait3A_594 = tpu.memref_slice %arg11[%sub3A_592, %dma_wait3A_593] : memref<250x80xi32, #tpu.memory_space<vmem>> -> memref<1x80xi32, #tpu.memory_space<vmem>>
        %dma_wait3A_595 = tpu.memref_squeeze %dma_wait3A_594 : memref<1x80xi32, #tpu.memory_space<vmem>> -> memref<80xi32, #tpu.memory_space<vmem>>
        %dma_wait3A_596 = arith.constant 0 : i32
        %dma_wait3A_597 = arith.constant 0 : i32
        %dma_wait3A_598 = tpu.memref_slice %arg9[%dma_wait3A_596, %dma_wait3A_597] : memref<10240x64xf32, #tpu.memory_space<vmem_shared>> -> memref<10240x64xf32, #tpu.memory_space<vmem_shared>>
        tpu.wait_indirect_dma semaphore(%arg25 : memref<!tpu.dma_semaphore, #tpu.memory_space<semaphore_mem>>) src(%arg14 : memref<80x64xf32, #tpu.memory_space<vmem>>) dst(%dma_wait3A_598 : memref<10240x64xf32, #tpu.memory_space<vmem_shared>>)
        %lt3A_599 = arith.constant 24 : i32
        %lt3A_600 = arith.cmpi slt, %scan3A_113, %lt3A_599 : i32
        %convert_element_type3A_601 = arith.extui %lt3A_600 : i1 to i32
        %cond3A_602 = arith.constant 0 : i32
        %cond3A_603 = arith.cmpi ne, %convert_element_type3A_601, %cond3A_602 : i32
        scf.if %cond3A_603 {
          %add3A_689 = arith.constant 4 : i32
          %add3A_690 = arith.addi %add3A_578, %add3A_689 : i32
          %dma_start3A_691 = arith.constant 0 : i32
          %dma_start3A_692 = tpu.memref_slice %arg10[%add3A_690, %dma_start3A_691] : memref<250x80xi32, #tpu.memory_space<vmem>> -> memref<1x80xi32, #tpu.memory_space<vmem>>
          %dma_start3A_693 = tpu.memref_squeeze %dma_start3A_692 : memref<1x80xi32, #tpu.memory_space<vmem>> -> memref<80xi32, #tpu.memory_space<vmem>>
          %dma_start3A_694 = arith.constant 0 : i32
          %dma_start3A_695 = arith.constant 0 : i32
          %dma_start3A_696 = tpu.memref_slice %arg3[%dma_start3A_694, %dma_start3A_695] : memref<10000x64xf32, #tpu.memory_space<hbm>> -> memref<10000x64xf32, #tpu.memory_space<hbm>>
          tpu.enqueue_indirect_dma source(%dma_start3A_696 : memref<10000x64xf32, #tpu.memory_space<hbm>>) target(%arg14 : memref<80x64xf32, #tpu.memory_space<vmem>>) offsets(%dma_start3A_693 : memref<80xi32, #tpu.memory_space<vmem>>) semaphore(%arg20 : memref<!tpu.dma_semaphore, #tpu.memory_space<semaphore_mem>>)
        } else {
        }
        %jit3A_604 = arith.constant 125 : i32
        %div3A_605 = arith.divsi %add3A_578, %jit3A_604 : i32
        %sign3A_606 = arith.constant 0 : i32
        %sign3A_607 = arith.cmpi sgt, %add3A_578, %sign3A_606 : i32
        %sign3A_608 = arith.extui %sign3A_607 : i1 to i32
        %sign3A_609 = arith.constant 0 : i32
        %sign3A_610 = arith.cmpi slt, %add3A_578, %sign3A_609 : i32
        %sign3A_611 = arith.extui %sign3A_610 : i1 to i32
        %sign3A_612 = arith.subi %sign3A_608, %sign3A_611 : i32
        %sign3A_613 = arith.constant 0 : i32
        %sign3A_614 = arith.cmpi sgt, %jit3A_604, %sign3A_613 : i32
        %sign3A_615 = arith.extui %sign3A_614 : i1 to i32
        %sign3A_616 = arith.constant 0 : i32
        %sign3A_617 = arith.cmpi slt, %jit3A_604, %sign3A_616 : i32
        %sign3A_618 = arith.extui %sign3A_617 : i1 to i32
        %sign3A_619 = arith.subi %sign3A_615, %sign3A_618 : i32
        %ne3A_620 = arith.cmpi ne, %sign3A_612, %sign3A_619 : i32
        %rem3A_621 = arith.remsi %add3A_578, %jit3A_604 : i32
        %ne3A_622 = arith.constant 0 : i32
        %ne3A_623 = arith.cmpi ne, %rem3A_621, %ne3A_622 : i32
        %and3A_624 = arith.andi %ne3A_620, %ne3A_623 : i1
        %sub3A_625 = arith.constant 1 : i32
        %sub3A_626 = arith.subi %div3A_605, %sub3A_625 : i32
        %select_n3A_627 = arith.select %and3A_624, %sub3A_626, %div3A_605 : i32
        %eq3A_628 = arith.cmpi eq, %select_n3A_627, %arg0 : i32
        %convert_element_type3A_629 = arith.extui %eq3A_628 : i1 to i32
        %cond3A_630 = arith.constant 0 : i32
        %cond3A_631 = arith.cmpi ne, %convert_element_type3A_629, %cond3A_630 : i32
        scf.if %cond3A_631 {
          %get3A = arith.index_cast %add3A_578 : i32 to index
          %get3A_689 = arith.constant 0 : index
          %get3A_690 = tpu.vector_load %arg11[%get3A, %get3A_689] {strides = array<i32>} : memref<250x80xi32, #tpu.memory_space<vmem>>, vector<16xi32>,
          tpu.vector_store_idx %arg17[%get3A_690], %broadcast_in_dim3A_3 {add = true} : memref<10240xf32, #tpu.memory_space<vmem>>[vector<16xi32>], vector<16xf32>,
          %get3A_691 = arith.index_cast %add3A_578 : i32 to index
          %get3A_692 = arith.constant 16 : index
          %get3A_693 = tpu.vector_load %arg11[%get3A_691, %get3A_692] {strides = array<i32>} : memref<250x80xi32, #tpu.memory_space<vmem>>, vector<16xi32>,
          tpu.vector_store_idx %arg17[%get3A_693], %broadcast_in_dim3A_3 {add = true} : memref<10240xf32, #tpu.memory_space<vmem>>[vector<16xi32>], vector<16xf32>,
          %get3A_694 = arith.index_cast %add3A_578 : i32 to index
          %get3A_695 = arith.constant 32 : index
          %get3A_696 = tpu.vector_load %arg11[%get3A_694, %get3A_695] {strides = array<i32>} : memref<250x80xi32, #tpu.memory_space<vmem>>, vector<16xi32>,
          tpu.vector_store_idx %arg17[%get3A_696], %broadcast_in_dim3A_3 {add = true} : memref<10240xf32, #tpu.memory_space<vmem>>[vector<16xi32>], vector<16xf32>,
          %get3A_697 = arith.index_cast %add3A_578 : i32 to index
          %get3A_698 = arith.constant 48 : index
          %get3A_699 = tpu.vector_load %arg11[%get3A_697, %get3A_698] {strides = array<i32>} : memref<250x80xi32, #tpu.memory_space<vmem>>, vector<16xi32>,
          tpu.vector_store_idx %arg17[%get3A_699], %broadcast_in_dim3A_3 {add = true} : memref<10240xf32, #tpu.memory_space<vmem>>[vector<16xi32>], vector<16xf32>,
          %get3A_700 = arith.index_cast %add3A_578 : i32 to index
          %get3A_701 = arith.constant 64 : index
          %get3A_702 = tpu.vector_load %arg11[%get3A_700, %get3A_701] {strides = array<i32>} : memref<250x80xi32, #tpu.memory_space<vmem>>, vector<16xi32>,
          tpu.vector_store_idx %arg17[%get3A_702], %broadcast_in_dim3A_3 {add = true} : memref<10240xf32, #tpu.memory_space<vmem>>[vector<16xi32>], vector<16xf32>,
        } else {
        }
        %mul3A_632 = arith.constant 10 : i32
        %mul3A_633 = arith.muli %scan3A_113, %mul3A_632 : i32
        %add3A_634 = arith.constant 9 : i32
        %add3A_635 = arith.addi %mul3A_633, %add3A_634 : i32
        %dma_wait3A_636 = arith.constant 0 : i32
        %dma_wait3A_637 = tpu.memref_slice %arg10[%add3A_635, %dma_wait3A_636] : memref<250x80xi32, #tpu.memory_space<vmem>> -> memref<1x80xi32, #tpu.memory_space<vmem>>
        %dma_wait3A_638 = tpu.memref_squeeze %dma_wait3A_637 : memref<1x80xi32, #tpu.memory_space<vmem>> -> memref<80xi32, #tpu.memory_space<vmem>>
        %dma_wait3A_639 = arith.constant 0 : i32
        %dma_wait3A_640 = arith.constant 0 : i32
        %dma_wait3A_641 = tpu.memref_slice %arg3[%dma_wait3A_639, %dma_wait3A_640] : memref<10000x64xf32, #tpu.memory_space<hbm>> -> memref<10000x64xf32, #tpu.memory_space<hbm>>
        tpu.wait_indirect_dma semaphore(%arg22 : memref<!tpu.dma_semaphore, #tpu.memory_space<semaphore_mem>>) src(%dma_wait3A_641 : memref<10000x64xf32, #tpu.memory_space<hbm>>) dst(%arg16 : memref<80x64xf32, #tpu.memory_space<vmem>>)
        %dma_start3A_642 = arith.constant 0 : i32
        %dma_start3A_643 = tpu.memref_slice %arg11[%add3A_635, %dma_start3A_642] : memref<250x80xi32, #tpu.memory_space<vmem>> -> memref<1x80xi32, #tpu.memory_space<vmem>>
        %dma_start3A_644 = tpu.memref_squeeze %dma_start3A_643 : memref<1x80xi32, #tpu.memory_space<vmem>> -> memref<80xi32, #tpu.memory_space<vmem>>
        %dma_start3A_645 = arith.constant 0 : i32
        %dma_start3A_646 = arith.constant 0 : i32
        %dma_start3A_647 = tpu.memref_slice %arg9[%dma_start3A_645, %dma_start3A_646] : memref<10240x64xf32, #tpu.memory_space<vmem_shared>> -> memref<10240x64xf32, #tpu.memory_space<vmem_shared>>
        tpu.enqueue_indirect_dma source(%arg16 : memref<80x64xf32, #tpu.memory_space<vmem>>) target(%dma_start3A_647 : memref<10240x64xf32, #tpu.memory_space<vmem_shared>>) offsets(%dma_start3A_644 : memref<80xi32, #tpu.memory_space<vmem>>) semaphore(%arg27 : memref<!tpu.dma_semaphore, #tpu.memory_space<semaphore_mem>>) {add = true}
        %sub3A_648 = arith.constant 1 : i32
        %sub3A_649 = arith.subi %add3A_635, %sub3A_648 : i32
        %dma_wait3A_650 = arith.constant 0 : i32
        %dma_wait3A_651 = tpu.memref_slice %arg11[%sub3A_649, %dma_wait3A_650] : memref<250x80xi32, #tpu.memory_space<vmem>> -> memref<1x80xi32, #tpu.memory_space<vmem>>
        %dma_wait3A_652 = tpu.memref_squeeze %dma_wait3A_651 : memref<1x80xi32, #tpu.memory_space<vmem>> -> memref<80xi32, #tpu.memory_space<vmem>>
        %dma_wait3A_653 = arith.constant 0 : i32
        %dma_wait3A_654 = arith.constant 0 : i32
        %dma_wait3A_655 = tpu.memref_slice %arg9[%dma_wait3A_653, %dma_wait3A_654] : memref<10240x64xf32, #tpu.memory_space<vmem_shared>> -> memref<10240x64xf32, #tpu.memory_space<vmem_shared>>
        tpu.wait_indirect_dma semaphore(%arg26 : memref<!tpu.dma_semaphore, #tpu.memory_space<semaphore_mem>>) src(%arg15 : memref<80x64xf32, #tpu.memory_space<vmem>>) dst(%dma_wait3A_655 : memref<10240x64xf32, #tpu.memory_space<vmem_shared>>)
        %lt3A_656 = arith.constant 24 : i32
        %lt3A_657 = arith.cmpi slt, %scan3A_113, %lt3A_656 : i32
        %convert_element_type3A_658 = arith.extui %lt3A_657 : i1 to i32
        %cond3A_659 = arith.constant 0 : i32
        %cond3A_660 = arith.cmpi ne, %convert_element_type3A_658, %cond3A_659 : i32
        scf.if %cond3A_660 {
          %add3A_689 = arith.constant 4 : i32
          %add3A_690 = arith.addi %add3A_635, %add3A_689 : i32
          %dma_start3A_691 = arith.constant 0 : i32
          %dma_start3A_692 = tpu.memref_slice %arg10[%add3A_690, %dma_start3A_691] : memref<250x80xi32, #tpu.memory_space<vmem>> -> memref<1x80xi32, #tpu.memory_space<vmem>>
          %dma_start3A_693 = tpu.memref_squeeze %dma_start3A_692 : memref<1x80xi32, #tpu.memory_space<vmem>> -> memref<80xi32, #tpu.memory_space<vmem>>
          %dma_start3A_694 = arith.constant 0 : i32
          %dma_start3A_695 = arith.constant 0 : i32
          %dma_start3A_696 = tpu.memref_slice %arg3[%dma_start3A_694, %dma_start3A_695] : memref<10000x64xf32, #tpu.memory_space<hbm>> -> memref<10000x64xf32, #tpu.memory_space<hbm>>
          tpu.enqueue_indirect_dma source(%dma_start3A_696 : memref<10000x64xf32, #tpu.memory_space<hbm>>) target(%arg15 : memref<80x64xf32, #tpu.memory_space<vmem>>) offsets(%dma_start3A_693 : memref<80xi32, #tpu.memory_space<vmem>>) semaphore(%arg21 : memref<!tpu.dma_semaphore, #tpu.memory_space<semaphore_mem>>)
        } else {
        }
        %jit3A_661 = arith.constant 125 : i32
        %div3A_662 = arith.divsi %add3A_635, %jit3A_661 : i32
        %sign3A_663 = arith.constant 0 : i32
        %sign3A_664 = arith.cmpi sgt, %add3A_635, %sign3A_663 : i32
        %sign3A_665 = arith.extui %sign3A_664 : i1 to i32
        %sign3A_666 = arith.constant 0 : i32
        %sign3A_667 = arith.cmpi slt, %add3A_635, %sign3A_666 : i32
        %sign3A_668 = arith.extui %sign3A_667 : i1 to i32
        %sign3A_669 = arith.subi %sign3A_665, %sign3A_668 : i32
        %sign3A_670 = arith.constant 0 : i32
        %sign3A_671 = arith.cmpi sgt, %jit3A_661, %sign3A_670 : i32
        %sign3A_672 = arith.extui %sign3A_671 : i1 to i32
        %sign3A_673 = arith.constant 0 : i32
        %sign3A_674 = arith.cmpi slt, %jit3A_661, %sign3A_673 : i32
        %sign3A_675 = arith.extui %sign3A_674 : i1 to i32
        %sign3A_676 = arith.subi %sign3A_672, %sign3A_675 : i32
        %ne3A_677 = arith.cmpi ne, %sign3A_669, %sign3A_676 : i32
        %rem3A_678 = arith.remsi %add3A_635, %jit3A_661 : i32
        %ne3A_679 = arith.constant 0 : i32
        %ne3A_680 = arith.cmpi ne, %rem3A_678, %ne3A_679 : i32
        %and3A_681 = arith.andi %ne3A_677, %ne3A_680 : i1
        %sub3A_682 = arith.constant 1 : i32
        %sub3A_683 = arith.subi %div3A_662, %sub3A_682 : i32
        %select_n3A_684 = arith.select %and3A_681, %sub3A_683, %div3A_662 : i32
        %eq3A_685 = arith.cmpi eq, %select_n3A_684, %arg0 : i32
        %convert_element_type3A_686 = arith.extui %eq3A_685 : i1 to i32
        %cond3A_687 = arith.constant 0 : i32
        %cond3A_688 = arith.cmpi ne, %convert_element_type3A_686, %cond3A_687 : i32
        scf.if %cond3A_688 {
          %get3A = arith.index_cast %add3A_635 : i32 to index
          %get3A_689 = arith.constant 0 : index
          %get3A_690 = tpu.vector_load %arg11[%get3A, %get3A_689] {strides = array<i32>} : memref<250x80xi32, #tpu.memory_space<vmem>>, vector<16xi32>,
          tpu.vector_store_idx %arg17[%get3A_690], %broadcast_in_dim3A_3 {add = true} : memref<10240xf32, #tpu.memory_space<vmem>>[vector<16xi32>], vector<16xf32>,
          %get3A_691 = arith.index_cast %add3A_635 : i32 to index
          %get3A_692 = arith.constant 16 : index
          %get3A_693 = tpu.vector_load %arg11[%get3A_691, %get3A_692] {strides = array<i32>} : memref<250x80xi32, #tpu.memory_space<vmem>>, vector<16xi32>,
          tpu.vector_store_idx %arg17[%get3A_693], %broadcast_in_dim3A_3 {add = true} : memref<10240xf32, #tpu.memory_space<vmem>>[vector<16xi32>], vector<16xf32>,
          %get3A_694 = arith.index_cast %add3A_635 : i32 to index
          %get3A_695 = arith.constant 32 : index
          %get3A_696 = tpu.vector_load %arg11[%get3A_694, %get3A_695] {strides = array<i32>} : memref<250x80xi32, #tpu.memory_space<vmem>>, vector<16xi32>,
          tpu.vector_store_idx %arg17[%get3A_696], %broadcast_in_dim3A_3 {add = true} : memref<10240xf32, #tpu.memory_space<vmem>>[vector<16xi32>], vector<16xf32>,
          %get3A_697 = arith.index_cast %add3A_635 : i32 to index
          %get3A_698 = arith.constant 48 : index
          %get3A_699 = tpu.vector_load %arg11[%get3A_697, %get3A_698] {strides = array<i32>} : memref<250x80xi32, #tpu.memory_space<vmem>>, vector<16xi32>,
          tpu.vector_store_idx %arg17[%get3A_699], %broadcast_in_dim3A_3 {add = true} : memref<10240xf32, #tpu.memory_space<vmem>>[vector<16xi32>], vector<16xf32>,
          %get3A_700 = arith.index_cast %add3A_635 : i32 to index
          %get3A_701 = arith.constant 64 : index
          %get3A_702 = tpu.vector_load %arg11[%get3A_700, %get3A_701] {strides = array<i32>} : memref<250x80xi32, #tpu.memory_space<vmem>>, vector<16xi32>,
          tpu.vector_store_idx %arg17[%get3A_702], %broadcast_in_dim3A_3 {add = true} : memref<10240xf32, #tpu.memory_space<vmem>>[vector<16xi32>], vector<16xf32>,
        } else {
        }
      }
      %scan3A_105 = arith.constant 25 : i32
      %dma_wait3A = arith.constant 249 : i32
      %dma_wait3A_106 = arith.constant 0 : i32
      %dma_wait3A_107 = tpu.memref_slice %arg11[%dma_wait3A, %dma_wait3A_106] : memref<250x80xi32, #tpu.memory_space<vmem>> -> memref<1x80xi32, #tpu.memory_space<vmem>>
      %dma_wait3A_108 = tpu.memref_squeeze %dma_wait3A_107 : memref<1x80xi32, #tpu.memory_space<vmem>> -> memref<80xi32, #tpu.memory_space<vmem>>
      %dma_wait3A_109 = arith.constant 0 : i32
      %dma_wait3A_110 = arith.constant 0 : i32
      %dma_wait3A_111 = tpu.memref_slice %arg9[%dma_wait3A_109, %dma_wait3A_110] : memref<10240x64xf32, #tpu.memory_space<vmem_shared>> -> memref<10240x64xf32, #tpu.memory_space<vmem_shared>>
      tpu.wait_indirect_dma semaphore(%arg27 : memref<!tpu.dma_semaphore, #tpu.memory_space<semaphore_mem>>) src(%arg16 : memref<80x64xf32, #tpu.memory_space<vmem>>) dst(%dma_wait3A_111 : memref<10240x64xf32, #tpu.memory_space<vmem_shared>>)
      %scan3A_112 = arith.constant 1 : i32
    } else {
    }
    %mul3A_54 = arith.constant 10240 : i32
    %mul3A_55 = arith.muli %add3A, %mul3A_54 : i32
    "tpu.region"() ({
      %run_scoped3A = tpu.sem_alloc : memref<!tpu.dma_semaphore, #tpu.memory_space<semaphore_mem>>
      %dma_start3A = tpu.memref_slice %arg8[%mul3A_55] : memref<327680xf32, #tpu.memory_space<hbm>> -> memref<10240xf32, #tpu.memory_space<hbm>>
      %dma_start3A_67 = tpu.memref_slice %arg8[%mul3A_55] : memref<327680xf32, #tpu.memory_space<hbm>> -> memref<10240xf32, #tpu.memory_space<hbm>>
      tpu.enqueue_dma source(%arg17 : memref<10240xf32, #tpu.memory_space<vmem>>) target(%dma_start3A_67 : memref<10240xf32, #tpu.memory_space<hbm>>) target_semaphore(%run_scoped3A : memref<!tpu.dma_semaphore, #tpu.memory_space<semaphore_mem>>)
      %dma_wait3A = tpu.memref_slice %arg8[%mul3A_55] : memref<327680xf32, #tpu.memory_space<hbm>> -> memref<10240xf32, #tpu.memory_space<hbm>>
      %dma_wait3A_68 = tpu.memref_slice %arg8[%mul3A_55] : memref<327680xf32, #tpu.memory_space<hbm>> -> memref<10240xf32, #tpu.memory_space<hbm>>
      tpu.wait_dma2 semaphore(%run_scoped3A : memref<!tpu.dma_semaphore, #tpu.memory_space<semaphore_mem>>) src(%arg17 : memref<10240xf32, #tpu.memory_space<vmem>>) dst(%dma_wait3A_68 : memref<10240xf32, #tpu.memory_space<hbm>>)
      tpu.yield
    }) : () -> ()
    %barrier3A_56 = arith.constant 0 : index
    tpu.barrier barrier_id(%barrier3A_56)
    %eq3A_57 = arith.constant 0 : i32
    %eq3A_58 = arith.cmpi eq, %arg0, %eq3A_57 : i32
    %convert_element_type3A_59 = arith.extui %eq3A_58 : i1 to i32
    %cond3A_60 = arith.constant 0 : i32
    %cond3A_61 = arith.cmpi ne, %convert_element_type3A_59, %cond3A_60 : i32
    scf.if %cond3A_61 {
      %mul3A_67 = arith.constant 640 : i32
      %mul3A_68 = arith.muli %arg1, %mul3A_67 : i32
      %mul3A_69 = arith.constant 640 : i32
      %mul3A_70 = arith.muli %arg1, %mul3A_69 : i32
      "tpu.region"() ({
        %run_scoped3A = tpu.sem_alloc : memref<!tpu.dma_semaphore, #tpu.memory_space<semaphore_mem>>
        %dma_start3A = arith.constant 0 : i32
        %dma_start3A_71 = tpu.memref_slice %arg6[%mul3A_70, %dma_start3A] : memref<10240x64xf32, #tpu.memory_space<hbm>> -> memref<640x64xf32, #tpu.memory_space<hbm>>
        %dma_start3A_72 = arith.constant 0 : i32
        %dma_start3A_73 = tpu.memref_slice %arg9[%mul3A_68, %dma_start3A_72] : memref<10240x64xf32, #tpu.memory_space<vmem_shared>> -> memref<640x64xf32, #tpu.memory_space<vmem_shared>>
        tpu.enqueue_dma source(%dma_start3A_73 : memref<640x64xf32, #tpu.memory_space<vmem_shared>>) target(%dma_start3A_71 : memref<640x64xf32, #tpu.memory_space<hbm>>) target_semaphore(%run_scoped3A : memref<!tpu.dma_semaphore, #tpu.memory_space<semaphore_mem>>)
        %dma_wait3A = arith.constant 0 : i32
        %dma_wait3A_74 = tpu.memref_slice %arg6[%mul3A_70, %dma_wait3A] : memref<10240x64xf32, #tpu.memory_space<hbm>> -> memref<640x64xf32, #tpu.memory_space<hbm>>
        %dma_wait3A_75 = arith.constant 0 : i32
        %dma_wait3A_76 = tpu.memref_slice %arg9[%mul3A_68, %dma_wait3A_75] : memref<10240x64xf32, #tpu.memory_space<vmem_shared>> -> memref<640x64xf32, #tpu.memory_space<vmem_shared>>
        tpu.wait_dma2 semaphore(%run_scoped3A : memref<!tpu.dma_semaphore, #tpu.memory_space<semaphore_mem>>) src(%dma_wait3A_76 : memref<640x64xf32, #tpu.memory_space<vmem_shared>>) dst(%dma_wait3A_74 : memref<640x64xf32, #tpu.memory_space<hbm>>)
        tpu.yield
      }) : () -> ()
    } else {
    }
    %eq3A_62 = arith.constant 1 : i32
    %eq3A_63 = arith.cmpi eq, %arg0, %eq3A_62 : i32
    %convert_element_type3A_64 = arith.extui %eq3A_63 : i1 to i32
    %cond3A_65 = arith.constant 0 : i32
    %cond3A_66 = arith.cmpi ne, %convert_element_type3A_64, %cond3A_65 : i32
    scf.if %cond3A_66 {
      %mul3A_67 = arith.constant 640 : i32
      %mul3A_68 = arith.muli %arg1, %mul3A_67 : i32
      %mul3A_69 = arith.constant 640 : i32
      %mul3A_70 = arith.muli %arg1, %mul3A_69 : i32
      "tpu.region"() ({
        %run_scoped3A = tpu.sem_alloc : memref<!tpu.dma_semaphore, #tpu.memory_space<semaphore_mem>>
        %dma_start3A = arith.constant 0 : i32
        %dma_start3A_71 = tpu.memref_slice %arg7[%mul3A_70, %dma_start3A] : memref<10240x64xf32, #tpu.memory_space<hbm>> -> memref<640x64xf32, #tpu.memory_space<hbm>>
        %dma_start3A_72 = arith.constant 0 : i32
        %dma_start3A_73 = tpu.memref_slice %arg9[%mul3A_68, %dma_start3A_72] : memref<10240x64xf32, #tpu.memory_space<vmem_shared>> -> memref<640x64xf32, #tpu.memory_space<vmem_shared>>
        tpu.enqueue_dma source(%dma_start3A_73 : memref<640x64xf32, #tpu.memory_space<vmem_shared>>) target(%dma_start3A_71 : memref<640x64xf32, #tpu.memory_space<hbm>>) target_semaphore(%run_scoped3A : memref<!tpu.dma_semaphore, #tpu.memory_space<semaphore_mem>>)
        %dma_wait3A = arith.constant 0 : i32
        %dma_wait3A_74 = tpu.memref_slice %arg7[%mul3A_70, %dma_wait3A] : memref<10240x64xf32, #tpu.memory_space<hbm>> -> memref<640x64xf32, #tpu.memory_space<hbm>>
        %dma_wait3A_75 = arith.constant 0 : i32
        %dma_wait3A_76 = tpu.memref_slice %arg9[%mul3A_68, %dma_wait3A_75] : memref<10240x64xf32, #tpu.memory_space<vmem_shared>> -> memref<640x64xf32, #tpu.memory_space<vmem_shared>>
        tpu.wait_dma2 semaphore(%run_scoped3A : memref<!tpu.dma_semaphore, #tpu.memory_space<semaphore_mem>>) src(%dma_wait3A_76 : memref<640x64xf32, #tpu.memory_space<vmem_shared>>) dst(%dma_wait3A_74 : memref<640x64xf32, #tpu.memory_space<hbm>>)
        tpu.yield
      }) : () -> ()
    } else {
    }
    return
  }
}

#map = affine_map<(d0, d1) -> (0, 0)>
#map1 = affine_map<(d0, d1) -> (0, 0, 0)>
module attributes {stable_mosaic.version = 14 : i64} {
  func.func @body(%arg0: i32, %arg1: i32, %arg2: memref<10000x64xf32, #tpu.memory_space<hbm>>, %arg3: memref<10000x64xf32, #tpu.memory_space<hbm>>, %arg4: memref<16x250x80xi32, #tpu.memory_space<hbm>>, %arg5: memref<16x250x80xi32, #tpu.memory_space<hbm>>, %arg6: memref<10240x64xf32, #tpu.memory_space<hbm>>, %arg7: memref<10240x64xf32, #tpu.memory_space<hbm>>, %arg8: memref<10240x64xf32, #tpu.memory_space<vmem_shared>>, %arg9: memref<250x80xi32, #tpu.memory_space<vmem>>, %arg10: memref<250x80xi32, #tpu.memory_space<vmem>>, %arg11: memref<80x64xf32, #tpu.memory_space<vmem>>, %arg12: memref<80x64xf32, #tpu.memory_space<vmem>>, %arg13: memref<80x64xf32, #tpu.memory_space<vmem>>, %arg14: memref<80x64xf32, #tpu.memory_space<vmem>>, %arg15: memref<80x64xf32, #tpu.memory_space<vmem>>, %arg16: memref<10240xf32, #tpu.memory_space<vmem>>, %arg17: memref<!tpu.dma_semaphore, #tpu.memory_space<semaphore_mem>>, %arg18: memref<!tpu.dma_semaphore, #tpu.memory_space<semaphore_mem>>, %arg19: memref<!tpu.dma_semaphore, #tpu.memory_space<semaphore_mem>>, %arg20: memref<!tpu.dma_semaphore, #tpu.memory_space<semaphore_mem>>, %arg21: memref<!tpu.dma_semaphore, #tpu.memory_space<semaphore_mem>>, %arg22: memref<!tpu.dma_semaphore, #tpu.memory_space<semaphore_mem>>, %arg23: memref<!tpu.dma_semaphore, #tpu.memory_space<semaphore_mem>>, %arg24: memref<!tpu.dma_semaphore, #tpu.memory_space<semaphore_mem>>, %arg25: memref<!tpu.dma_semaphore, #tpu.memory_space<semaphore_mem>>, %arg26: memref<!tpu.dma_semaphore, #tpu.memory_space<semaphore_mem>>) attributes {dimension_semantics = [#tpu.dimension_semantics<core_parallel>, #tpu.dimension_semantics<subcore_parallel>], iteration_bounds = array<i64: 2, 16>, scalar_prefetch = 0 : i64, scratch_operands = 19 : i64, tpu.core_type = #tpu.core_type<sc_vector_subcore>, window_params = [{transform_indices = #map}, {transform_indices = #map}, {transform_indices = #map1}, {transform_indices = #map1}, {transform_indices = #map}, {transform_indices = #map}]} {
    %mul3A = arith.constant 2 : i32
    %mul3A_0 = arith.muli %arg1, %mul3A : i32
    %add3A = arith.addi %mul3A_0, %arg0 : i32
    %broadcast_in_dim3A = arith.constant 0.000000e+00 : f32
    %broadcast_in_dim3A_1 = vector.broadcast %broadcast_in_dim3A : f32 to vector<16xf32>
    %broadcast_in_dim3A_2 = arith.constant 1.000000e+00 : f32
    %broadcast_in_dim3A_3 = vector.broadcast %broadcast_in_dim3A_2 : f32 to vector<16xf32>
    %scan3A = arith.constant 0 : i32
    %scan3A_4 = arith.constant 0 : i32
    %scan3A_5 = arith.constant 320 : i32
    %scan3A_6 = arith.addi %scan3A_4, %scan3A_5 : i32
    %scan3A_7 = arith.constant 1 : i32
    scf.for %scan3A_59 = %scan3A_4 to %scan3A_6 step %scan3A_7  : i32 {
      %jit3A = arith.constant 4 : i32
      %div3A = arith.divsi %scan3A_59, %jit3A : i32
      %sign3A = arith.constant 0 : i32
      %sign3A_60 = arith.cmpi sgt, %scan3A_59, %sign3A : i32
      %sign3A_61 = arith.extui %sign3A_60 : i1 to i32
      %sign3A_62 = arith.constant 0 : i32
      %sign3A_63 = arith.cmpi slt, %scan3A_59, %sign3A_62 : i32
      %sign3A_64 = arith.extui %sign3A_63 : i1 to i32
      %sign3A_65 = arith.subi %sign3A_61, %sign3A_64 : i32
      %sign3A_66 = arith.constant 0 : i32
      %sign3A_67 = arith.cmpi sgt, %jit3A, %sign3A_66 : i32
      %sign3A_68 = arith.extui %sign3A_67 : i1 to i32
      %sign3A_69 = arith.constant 0 : i32
      %sign3A_70 = arith.cmpi slt, %jit3A, %sign3A_69 : i32
      %sign3A_71 = arith.extui %sign3A_70 : i1 to i32
      %sign3A_72 = arith.subi %sign3A_68, %sign3A_71 : i32
      %ne3A = arith.cmpi ne, %sign3A_65, %sign3A_72 : i32
      %rem3A = arith.remsi %scan3A_59, %jit3A : i32
      %ne3A_73 = arith.constant 0 : i32
      %ne3A_74 = arith.cmpi ne, %rem3A, %ne3A_73 : i32
      %and3A = arith.andi %ne3A, %ne3A_74 : i1
      %sub3A = arith.constant 1 : i32
      %sub3A_75 = arith.subi %div3A, %sub3A : i32
      %select_n3A = arith.select %and3A, %sub3A_75, %div3A : i32
      %rem3A_76 = arith.constant 4 : i32
      %rem3A_77 = arith.remsi %scan3A_59, %rem3A_76 : i32
      %mul3A_78 = arith.constant 16 : i32
      %mul3A_79 = arith.muli %rem3A_77, %mul3A_78 : i32
      %swap3A = arith.index_cast %select_n3A : i32 to index
      %swap3A_80 = arith.index_cast %mul3A_79 : i32 to index
      %swap3A_81 = tpu.vector_load %arg11[%swap3A, %swap3A_80] {strides = array<i32>} : memref<80x64xf32, #tpu.memory_space<vmem>>, vector<16xf32>,
      tpu.vector_store %arg11[%swap3A, %swap3A_80], %broadcast_in_dim3A_1 {strides = array<i32>} : memref<80x64xf32, #tpu.memory_space<vmem>>, vector<16xf32>,
    }
    %scan3A_8 = arith.constant 320 : i32
    %mul3A_9 = arith.constant 640 : i32
    %mul3A_10 = arith.muli %arg1, %mul3A_9 : i32
    %add3A_11 = arith.constant 0 : i32
    %add3A_12 = arith.addi %mul3A_10, %add3A_11 : i32
    "tpu.region"() ({
      %run_scoped3A = tpu.sem_alloc : memref<!tpu.dma_semaphore, #tpu.memory_space<semaphore_mem>>
      %dma_start3A = arith.constant 0 : i32
      %dma_start3A_59 = tpu.memref_slice %arg8[%add3A_12, %dma_start3A] : memref<10240x64xf32, #tpu.memory_space<vmem_shared>> -> memref<80x64xf32, #tpu.memory_space<vmem_shared>>
      %dma_start3A_60 = arith.constant 0 : i32
      %dma_start3A_61 = tpu.memref_slice %arg8[%add3A_12, %dma_start3A_60] : memref<10240x64xf32, #tpu.memory_space<vmem_shared>> -> memref<80x64xf32, #tpu.memory_space<vmem_shared>>
      tpu.enqueue_dma source(%arg11 : memref<80x64xf32, #tpu.memory_space<vmem>>) target(%dma_start3A_61 : memref<80x64xf32, #tpu.memory_space<vmem_shared>>) target_semaphore(%run_scoped3A : memref<!tpu.dma_semaphore, #tpu.memory_space<semaphore_mem>>)
      %dma_wait3A = arith.constant 0 : i32
      %dma_wait3A_62 = tpu.memref_slice %arg8[%add3A_12, %dma_wait3A] : memref<10240x64xf32, #tpu.memory_space<vmem_shared>> -> memref<80x64xf32, #tpu.memory_space<vmem_shared>>
      %dma_wait3A_63 = arith.constant 0 : i32
      %dma_wait3A_64 = tpu.memref_slice %arg8[%add3A_12, %dma_wait3A_63] : memref<10240x64xf32, #tpu.memory_space<vmem_shared>> -> memref<80x64xf32, #tpu.memory_space<vmem_shared>>
      tpu.wait_dma2 semaphore(%run_scoped3A : memref<!tpu.dma_semaphore, #tpu.memory_space<semaphore_mem>>) src(%arg11 : memref<80x64xf32, #tpu.memory_space<vmem>>) dst(%dma_wait3A_64 : memref<80x64xf32, #tpu.memory_space<vmem_shared>>)
      tpu.yield
    }) : () -> ()
    %mul3A_13 = arith.constant 640 : i32
    %mul3A_14 = arith.muli %arg1, %mul3A_13 : i32
    %add3A_15 = arith.constant 80 : i32
    %add3A_16 = arith.addi %mul3A_14, %add3A_15 : i32
    "tpu.region"() ({
      %run_scoped3A = tpu.sem_alloc : memref<!tpu.dma_semaphore, #tpu.memory_space<semaphore_mem>>
      %dma_start3A = arith.constant 0 : i32
      %dma_start3A_59 = tpu.memref_slice %arg8[%add3A_16, %dma_start3A] : memref<10240x64xf32, #tpu.memory_space<vmem_shared>> -> memref<80x64xf32, #tpu.memory_space<vmem_shared>>
      %dma_start3A_60 = arith.constant 0 : i32
      %dma_start3A_61 = tpu.memref_slice %arg8[%add3A_16, %dma_start3A_60] : memref<10240x64xf32, #tpu.memory_space<vmem_shared>> -> memref<80x64xf32, #tpu.memory_space<vmem_shared>>
      tpu.enqueue_dma source(%arg11 : memref<80x64xf32, #tpu.memory_space<vmem>>) target(%dma_start3A_61 : memref<80x64xf32, #tpu.memory_space<vmem_shared>>) target_semaphore(%run_scoped3A : memref<!tpu.dma_semaphore, #tpu.memory_space<semaphore_mem>>)
      %dma_wait3A = arith.constant 0 : i32
      %dma_wait3A_62 = tpu.memref_slice %arg8[%add3A_16, %dma_wait3A] : memref<10240x64xf32, #tpu.memory_space<vmem_shared>> -> memref<80x64xf32, #tpu.memory_space<vmem_shared>>
      %dma_wait3A_63 = arith.constant 0 : i32
      %dma_wait3A_64 = tpu.memref_slice %arg8[%add3A_16, %dma_wait3A_63] : memref<10240x64xf32, #tpu.memory_space<vmem_shared>> -> memref<80x64xf32, #tpu.memory_space<vmem_shared>>
      tpu.wait_dma2 semaphore(%run_scoped3A : memref<!tpu.dma_semaphore, #tpu.memory_space<semaphore_mem>>) src(%arg11 : memref<80x64xf32, #tpu.memory_space<vmem>>) dst(%dma_wait3A_64 : memref<80x64xf32, #tpu.memory_space<vmem_shared>>)
      tpu.yield
    }) : () -> ()
    %mul3A_17 = arith.constant 640 : i32
    %mul3A_18 = arith.muli %arg1, %mul3A_17 : i32
    %add3A_19 = arith.constant 160 : i32
    %add3A_20 = arith.addi %mul3A_18, %add3A_19 : i32
    "tpu.region"() ({
      %run_scoped3A = tpu.sem_alloc : memref<!tpu.dma_semaphore, #tpu.memory_space<semaphore_mem>>
      %dma_start3A = arith.constant 0 : i32
      %dma_start3A_59 = tpu.memref_slice %arg8[%add3A_20, %dma_start3A] : memref<10240x64xf32, #tpu.memory_space<vmem_shared>> -> memref<80x64xf32, #tpu.memory_space<vmem_shared>>
      %dma_start3A_60 = arith.constant 0 : i32
      %dma_start3A_61 = tpu.memref_slice %arg8[%add3A_20, %dma_start3A_60] : memref<10240x64xf32, #tpu.memory_space<vmem_shared>> -> memref<80x64xf32, #tpu.memory_space<vmem_shared>>
      tpu.enqueue_dma source(%arg11 : memref<80x64xf32, #tpu.memory_space<vmem>>) target(%dma_start3A_61 : memref<80x64xf32, #tpu.memory_space<vmem_shared>>) target_semaphore(%run_scoped3A : memref<!tpu.dma_semaphore, #tpu.memory_space<semaphore_mem>>)
      %dma_wait3A = arith.constant 0 : i32
      %dma_wait3A_62 = tpu.memref_slice %arg8[%add3A_20, %dma_wait3A] : memref<10240x64xf32, #tpu.memory_space<vmem_shared>> -> memref<80x64xf32, #tpu.memory_space<vmem_shared>>
      %dma_wait3A_63 = arith.constant 0 : i32
      %dma_wait3A_64 = tpu.memref_slice %arg8[%add3A_20, %dma_wait3A_63] : memref<10240x64xf32, #tpu.memory_space<vmem_shared>> -> memref<80x64xf32, #tpu.memory_space<vmem_shared>>
      tpu.wait_dma2 semaphore(%run_scoped3A : memref<!tpu.dma_semaphore, #tpu.memory_space<semaphore_mem>>) src(%arg11 : memref<80x64xf32, #tpu.memory_space<vmem>>) dst(%dma_wait3A_64 : memref<80x64xf32, #tpu.memory_space<vmem_shared>>)
      tpu.yield
    }) : () -> ()
    %mul3A_21 = arith.constant 640 : i32
    %mul3A_22 = arith.muli %arg1, %mul3A_21 : i32
    %add3A_23 = arith.constant 240 : i32
    %add3A_24 = arith.addi %mul3A_22, %add3A_23 : i32
    "tpu.region"() ({
      %run_scoped3A = tpu.sem_alloc : memref<!tpu.dma_semaphore, #tpu.memory_space<semaphore_mem>>
      %dma_start3A = arith.constant 0 : i32
      %dma_start3A_59 = tpu.memref_slice %arg8[%add3A_24, %dma_start3A] : memref<10240x64xf32, #tpu.memory_space<vmem_shared>> -> memref<80x64xf32, #tpu.memory_space<vmem_shared>>
      %dma_start3A_60 = arith.constant 0 : i32
      %dma_start3A_61 = tpu.memref_slice %arg8[%add3A_24, %dma_start3A_60] : memref<10240x64xf32, #tpu.memory_space<vmem_shared>> -> memref<80x64xf32, #tpu.memory_space<vmem_shared>>
      tpu.enqueue_dma source(%arg11 : memref<80x64xf32, #tpu.memory_space<vmem>>) target(%dma_start3A_61 : memref<80x64xf32, #tpu.memory_space<vmem_shared>>) target_semaphore(%run_scoped3A : memref<!tpu.dma_semaphore, #tpu.memory_space<semaphore_mem>>)
      %dma_wait3A = arith.constant 0 : i32
      %dma_wait3A_62 = tpu.memref_slice %arg8[%add3A_24, %dma_wait3A] : memref<10240x64xf32, #tpu.memory_space<vmem_shared>> -> memref<80x64xf32, #tpu.memory_space<vmem_shared>>
      %dma_wait3A_63 = arith.constant 0 : i32
      %dma_wait3A_64 = tpu.memref_slice %arg8[%add3A_24, %dma_wait3A_63] : memref<10240x64xf32, #tpu.memory_space<vmem_shared>> -> memref<80x64xf32, #tpu.memory_space<vmem_shared>>
      tpu.wait_dma2 semaphore(%run_scoped3A : memref<!tpu.dma_semaphore, #tpu.memory_space<semaphore_mem>>) src(%arg11 : memref<80x64xf32, #tpu.memory_space<vmem>>) dst(%dma_wait3A_64 : memref<80x64xf32, #tpu.memory_space<vmem_shared>>)
      tpu.yield
    }) : () -> ()
    %mul3A_25 = arith.constant 640 : i32
    %mul3A_26 = arith.muli %arg1, %mul3A_25 : i32
    %add3A_27 = arith.constant 320 : i32
    %add3A_28 = arith.addi %mul3A_26, %add3A_27 : i32
    "tpu.region"() ({
      %run_scoped3A = tpu.sem_alloc : memref<!tpu.dma_semaphore, #tpu.memory_space<semaphore_mem>>
      %dma_start3A = arith.constant 0 : i32
      %dma_start3A_59 = tpu.memref_slice %arg8[%add3A_28, %dma_start3A] : memref<10240x64xf32, #tpu.memory_space<vmem_shared>> -> memref<80x64xf32, #tpu.memory_space<vmem_shared>>
      %dma_start3A_60 = arith.constant 0 : i32
      %dma_start3A_61 = tpu.memref_slice %arg8[%add3A_28, %dma_start3A_60] : memref<10240x64xf32, #tpu.memory_space<vmem_shared>> -> memref<80x64xf32, #tpu.memory_space<vmem_shared>>
      tpu.enqueue_dma source(%arg11 : memref<80x64xf32, #tpu.memory_space<vmem>>) target(%dma_start3A_61 : memref<80x64xf32, #tpu.memory_space<vmem_shared>>) target_semaphore(%run_scoped3A : memref<!tpu.dma_semaphore, #tpu.memory_space<semaphore_mem>>)
      %dma_wait3A = arith.constant 0 : i32
      %dma_wait3A_62 = tpu.memref_slice %arg8[%add3A_28, %dma_wait3A] : memref<10240x64xf32, #tpu.memory_space<vmem_shared>> -> memref<80x64xf32, #tpu.memory_space<vmem_shared>>
      %dma_wait3A_63 = arith.constant 0 : i32
      %dma_wait3A_64 = tpu.memref_slice %arg8[%add3A_28, %dma_wait3A_63] : memref<10240x64xf32, #tpu.memory_space<vmem_shared>> -> memref<80x64xf32, #tpu.memory_space<vmem_shared>>
      tpu.wait_dma2 semaphore(%run_scoped3A : memref<!tpu.dma_semaphore, #tpu.memory_space<semaphore_mem>>) src(%arg11 : memref<80x64xf32, #tpu.memory_space<vmem>>) dst(%dma_wait3A_64 : memref<80x64xf32, #tpu.memory_space<vmem_shared>>)
      tpu.yield
    }) : () -> ()
    %mul3A_29 = arith.constant 640 : i32
    %mul3A_30 = arith.muli %arg1, %mul3A_29 : i32
    %add3A_31 = arith.constant 400 : i32
    %add3A_32 = arith.addi %mul3A_30, %add3A_31 : i32
    "tpu.region"() ({
      %run_scoped3A = tpu.sem_alloc : memref<!tpu.dma_semaphore, #tpu.memory_space<semaphore_mem>>
      %dma_start3A = arith.constant 0 : i32
      %dma_start3A_59 = tpu.memref_slice %arg8[%add3A_32, %dma_start3A] : memref<10240x64xf32, #tpu.memory_space<vmem_shared>> -> memref<80x64xf32, #tpu.memory_space<vmem_shared>>
      %dma_start3A_60 = arith.constant 0 : i32
      %dma_start3A_61 = tpu.memref_slice %arg8[%add3A_32, %dma_start3A_60] : memref<10240x64xf32, #tpu.memory_space<vmem_shared>> -> memref<80x64xf32, #tpu.memory_space<vmem_shared>>
      tpu.enqueue_dma source(%arg11 : memref<80x64xf32, #tpu.memory_space<vmem>>) target(%dma_start3A_61 : memref<80x64xf32, #tpu.memory_space<vmem_shared>>) target_semaphore(%run_scoped3A : memref<!tpu.dma_semaphore, #tpu.memory_space<semaphore_mem>>)
      %dma_wait3A = arith.constant 0 : i32
      %dma_wait3A_62 = tpu.memref_slice %arg8[%add3A_32, %dma_wait3A] : memref<10240x64xf32, #tpu.memory_space<vmem_shared>> -> memref<80x64xf32, #tpu.memory_space<vmem_shared>>
      %dma_wait3A_63 = arith.constant 0 : i32
      %dma_wait3A_64 = tpu.memref_slice %arg8[%add3A_32, %dma_wait3A_63] : memref<10240x64xf32, #tpu.memory_space<vmem_shared>> -> memref<80x64xf32, #tpu.memory_space<vmem_shared>>
      tpu.wait_dma2 semaphore(%run_scoped3A : memref<!tpu.dma_semaphore, #tpu.memory_space<semaphore_mem>>) src(%arg11 : memref<80x64xf32, #tpu.memory_space<vmem>>) dst(%dma_wait3A_64 : memref<80x64xf32, #tpu.memory_space<vmem_shared>>)
      tpu.yield
    }) : () -> ()
    %mul3A_33 = arith.constant 640 : i32
    %mul3A_34 = arith.muli %arg1, %mul3A_33 : i32
    %add3A_35 = arith.constant 480 : i32
    %add3A_36 = arith.addi %mul3A_34, %add3A_35 : i32
    "tpu.region"() ({
      %run_scoped3A = tpu.sem_alloc : memref<!tpu.dma_semaphore, #tpu.memory_space<semaphore_mem>>
      %dma_start3A = arith.constant 0 : i32
      %dma_start3A_59 = tpu.memref_slice %arg8[%add3A_36, %dma_start3A] : memref<10240x64xf32, #tpu.memory_space<vmem_shared>> -> memref<80x64xf32, #tpu.memory_space<vmem_shared>>
      %dma_start3A_60 = arith.constant 0 : i32
      %dma_start3A_61 = tpu.memref_slice %arg8[%add3A_36, %dma_start3A_60] : memref<10240x64xf32, #tpu.memory_space<vmem_shared>> -> memref<80x64xf32, #tpu.memory_space<vmem_shared>>
      tpu.enqueue_dma source(%arg11 : memref<80x64xf32, #tpu.memory_space<vmem>>) target(%dma_start3A_61 : memref<80x64xf32, #tpu.memory_space<vmem_shared>>) target_semaphore(%run_scoped3A : memref<!tpu.dma_semaphore, #tpu.memory_space<semaphore_mem>>)
      %dma_wait3A = arith.constant 0 : i32
      %dma_wait3A_62 = tpu.memref_slice %arg8[%add3A_36, %dma_wait3A] : memref<10240x64xf32, #tpu.memory_space<vmem_shared>> -> memref<80x64xf32, #tpu.memory_space<vmem_shared>>
      %dma_wait3A_63 = arith.constant 0 : i32
      %dma_wait3A_64 = tpu.memref_slice %arg8[%add3A_36, %dma_wait3A_63] : memref<10240x64xf32, #tpu.memory_space<vmem_shared>> -> memref<80x64xf32, #tpu.memory_space<vmem_shared>>
      tpu.wait_dma2 semaphore(%run_scoped3A : memref<!tpu.dma_semaphore, #tpu.memory_space<semaphore_mem>>) src(%arg11 : memref<80x64xf32, #tpu.memory_space<vmem>>) dst(%dma_wait3A_64 : memref<80x64xf32, #tpu.memory_space<vmem_shared>>)
      tpu.yield
    }) : () -> ()
    %mul3A_37 = arith.constant 640 : i32
    %mul3A_38 = arith.muli %arg1, %mul3A_37 : i32
    %add3A_39 = arith.constant 560 : i32
    %add3A_40 = arith.addi %mul3A_38, %add3A_39 : i32
    "tpu.region"() ({
      %run_scoped3A = tpu.sem_alloc : memref<!tpu.dma_semaphore, #tpu.memory_space<semaphore_mem>>
      %dma_start3A = arith.constant 0 : i32
      %dma_start3A_59 = tpu.memref_slice %arg8[%add3A_40, %dma_start3A] : memref<10240x64xf32, #tpu.memory_space<vmem_shared>> -> memref<80x64xf32, #tpu.memory_space<vmem_shared>>
      %dma_start3A_60 = arith.constant 0 : i32
      %dma_start3A_61 = tpu.memref_slice %arg8[%add3A_40, %dma_start3A_60] : memref<10240x64xf32, #tpu.memory_space<vmem_shared>> -> memref<80x64xf32, #tpu.memory_space<vmem_shared>>
      tpu.enqueue_dma source(%arg11 : memref<80x64xf32, #tpu.memory_space<vmem>>) target(%dma_start3A_61 : memref<80x64xf32, #tpu.memory_space<vmem_shared>>) target_semaphore(%run_scoped3A : memref<!tpu.dma_semaphore, #tpu.memory_space<semaphore_mem>>)
      %dma_wait3A = arith.constant 0 : i32
      %dma_wait3A_62 = tpu.memref_slice %arg8[%add3A_40, %dma_wait3A] : memref<10240x64xf32, #tpu.memory_space<vmem_shared>> -> memref<80x64xf32, #tpu.memory_space<vmem_shared>>
      %dma_wait3A_63 = arith.constant 0 : i32
      %dma_wait3A_64 = tpu.memref_slice %arg8[%add3A_40, %dma_wait3A_63] : memref<10240x64xf32, #tpu.memory_space<vmem_shared>> -> memref<80x64xf32, #tpu.memory_space<vmem_shared>>
      tpu.wait_dma2 semaphore(%run_scoped3A : memref<!tpu.dma_semaphore, #tpu.memory_space<semaphore_mem>>) src(%arg11 : memref<80x64xf32, #tpu.memory_space<vmem>>) dst(%dma_wait3A_64 : memref<80x64xf32, #tpu.memory_space<vmem_shared>>)
      tpu.yield
    }) : () -> ()
    %barrier3A = arith.constant 0 : index
    tpu.barrier barrier_id(%barrier3A)
    %eq3A = arith.constant 0 : i32
    %eq3A_41 = arith.cmpi eq, %arg0, %eq3A : i32
    %convert_element_type3A = arith.extui %eq3A_41 : i1 to i32
    %cond3A = arith.constant 0 : i32
    %cond3A_42 = arith.cmpi ne, %convert_element_type3A, %cond3A : i32
    scf.if %cond3A_42 {
      %scan3A_59 = arith.constant 0 : i32
      %scan3A_60 = arith.constant 0 : i32
      %mul3A_61 = arith.constant 250 : i32
      %mul3A_62 = arith.muli %scan3A_60, %mul3A_61 : i32
      "tpu.region"() ({
        %run_scoped3A = tpu.sem_alloc : memref<!tpu.dma_semaphore, #tpu.memory_space<semaphore_mem>>
        %dma_start3A_105 = arith.constant 0 : i32
        %dma_start3A_106 = tpu.memref_slice %arg4[%arg1, %mul3A_62, %dma_start3A_105] : memref<16x250x80xi32, #tpu.memory_space<hbm>> -> memref<1x250x80xi32, #tpu.memory_space<hbm>>
        %dma_start3A_107 = tpu.memref_squeeze %dma_start3A_106 : memref<1x250x80xi32, #tpu.memory_space<hbm>> -> memref<250x80xi32, #tpu.memory_space<hbm>>
        %dma_start3A_108 = arith.constant 0 : i32
        %dma_start3A_109 = tpu.memref_slice %arg4[%arg1, %mul3A_62, %dma_start3A_108] : memref<16x250x80xi32, #tpu.memory_space<hbm>> -> memref<1x250x80xi32, #tpu.memory_space<hbm>>
        %dma_start3A_110 = tpu.memref_squeeze %dma_start3A_109 : memref<1x250x80xi32, #tpu.memory_space<hbm>> -> memref<250x80xi32, #tpu.memory_space<hbm>>
        tpu.enqueue_dma source(%dma_start3A_110 : memref<250x80xi32, #tpu.memory_space<hbm>>) target(%arg9 : memref<250x80xi32, #tpu.memory_space<vmem>>) target_semaphore(%run_scoped3A : memref<!tpu.dma_semaphore, #tpu.memory_space<semaphore_mem>>)
        %dma_wait3A_111 = arith.constant 0 : i32
        %dma_wait3A_112 = tpu.memref_slice %arg4[%arg1, %mul3A_62, %dma_wait3A_111] : memref<16x250x80xi32, #tpu.memory_space<hbm>> -> memref<1x250x80xi32, #tpu.memory_space<hbm>>
        %dma_wait3A_113 = tpu.memref_squeeze %dma_wait3A_112 : memref<1x250x80xi32, #tpu.memory_space<hbm>> -> memref<250x80xi32, #tpu.memory_space<hbm>>
        %dma_wait3A_114 = arith.constant 0 : i32
        %dma_wait3A_115 = tpu.memref_slice %arg4[%arg1, %mul3A_62, %dma_wait3A_114] : memref<16x250x80xi32, #tpu.memory_space<hbm>> -> memref<1x250x80xi32, #tpu.memory_space<hbm>>
        %dma_wait3A_116 = tpu.memref_squeeze %dma_wait3A_115 : memref<1x250x80xi32, #tpu.memory_space<hbm>> -> memref<250x80xi32, #tpu.memory_space<hbm>>
        tpu.wait_dma2 semaphore(%run_scoped3A : memref<!tpu.dma_semaphore, #tpu.memory_space<semaphore_mem>>) src(%dma_wait3A_116 : memref<250x80xi32, #tpu.memory_space<hbm>>) dst(%arg9 : memref<250x80xi32, #tpu.memory_space<vmem>>)
        tpu.yield
      }) : () -> ()
      %mul3A_63 = arith.constant 250 : i32
      %mul3A_64 = arith.muli %scan3A_60, %mul3A_63 : i32
      "tpu.region"() ({
        %run_scoped3A = tpu.sem_alloc : memref<!tpu.dma_semaphore, #tpu.memory_space<semaphore_mem>>
        %dma_start3A_105 = arith.constant 0 : i32
        %dma_start3A_106 = tpu.memref_slice %arg5[%arg1, %mul3A_64, %dma_start3A_105] : memref<16x250x80xi32, #tpu.memory_space<hbm>> -> memref<1x250x80xi32, #tpu.memory_space<hbm>>
        %dma_start3A_107 = tpu.memref_squeeze %dma_start3A_106 : memref<1x250x80xi32, #tpu.memory_space<hbm>> -> memref<250x80xi32, #tpu.memory_space<hbm>>
        %dma_start3A_108 = arith.constant 0 : i32
        %dma_start3A_109 = tpu.memref_slice %arg5[%arg1, %mul3A_64, %dma_start3A_108] : memref<16x250x80xi32, #tpu.memory_space<hbm>> -> memref<1x250x80xi32, #tpu.memory_space<hbm>>
        %dma_start3A_110 = tpu.memref_squeeze %dma_start3A_109 : memref<1x250x80xi32, #tpu.memory_space<hbm>> -> memref<250x80xi32, #tpu.memory_space<hbm>>
        tpu.enqueue_dma source(%dma_start3A_110 : memref<250x80xi32, #tpu.memory_space<hbm>>) target(%arg10 : memref<250x80xi32, #tpu.memory_space<vmem>>) target_semaphore(%run_scoped3A : memref<!tpu.dma_semaphore, #tpu.memory_space<semaphore_mem>>)
        %dma_wait3A_111 = arith.constant 0 : i32
        %dma_wait3A_112 = tpu.memref_slice %arg5[%arg1, %mul3A_64, %dma_wait3A_111] : memref<16x250x80xi32, #tpu.memory_space<hbm>> -> memref<1x250x80xi32, #tpu.memory_space<hbm>>
        %dma_wait3A_113 = tpu.memref_squeeze %dma_wait3A_112 : memref<1x250x80xi32, #tpu.memory_space<hbm>> -> memref<250x80xi32, #tpu.memory_space<hbm>>
        %dma_wait3A_114 = arith.constant 0 : i32
        %dma_wait3A_115 = tpu.memref_slice %arg5[%arg1, %mul3A_64, %dma_wait3A_114] : memref<16x250x80xi32, #tpu.memory_space<hbm>> -> memref<1x250x80xi32, #tpu.memory_space<hbm>>
        %dma_wait3A_116 = tpu.memref_squeeze %dma_wait3A_115 : memref<1x250x80xi32, #tpu.memory_space<hbm>> -> memref<250x80xi32, #tpu.memory_space<hbm>>
        tpu.wait_dma2 semaphore(%run_scoped3A : memref<!tpu.dma_semaphore, #tpu.memory_space<semaphore_mem>>) src(%dma_wait3A_116 : memref<250x80xi32, #tpu.memory_space<hbm>>) dst(%arg10 : memref<250x80xi32, #tpu.memory_space<vmem>>)
        tpu.yield
      }) : () -> ()
      %dma_start3A = arith.constant 0 : i32
      %dma_start3A_65 = arith.constant 0 : i32
      %dma_start3A_66 = tpu.memref_slice %arg9[%dma_start3A, %dma_start3A_65] : memref<250x80xi32, #tpu.memory_space<vmem>> -> memref<1x80xi32, #tpu.memory_space<vmem>>
      %dma_start3A_67 = tpu.memref_squeeze %dma_start3A_66 : memref<1x80xi32, #tpu.memory_space<vmem>> -> memref<80xi32, #tpu.memory_space<vmem>>
      %dma_start3A_68 = arith.constant 0 : i32
      %dma_start3A_69 = arith.constant 0 : i32
      %dma_start3A_70 = tpu.memref_slice %arg2[%dma_start3A_68, %dma_start3A_69] : memref<10000x64xf32, #tpu.memory_space<hbm>> -> memref<10000x64xf32, #tpu.memory_space<hbm>>
      tpu.enqueue_indirect_dma source(%dma_start3A_70 : memref<10000x64xf32, #tpu.memory_space<hbm>>) target(%arg11 : memref<80x64xf32, #tpu.memory_space<vmem>>) offsets(%dma_start3A_67 : memref<80xi32, #tpu.memory_space<vmem>>) semaphore(%arg17 : memref<!tpu.dma_semaphore, #tpu.memory_space<semaphore_mem>>)
      %dma_start3A_71 = arith.constant 1 : i32
      %dma_start3A_72 = arith.constant 0 : i32
      %dma_start3A_73 = tpu.memref_slice %arg9[%dma_start3A_71, %dma_start3A_72] : memref<250x80xi32, #tpu.memory_space<vmem>> -> memref<1x80xi32, #tpu.memory_space<vmem>>
      %dma_start3A_74 = tpu.memref_squeeze %dma_start3A_73 : memref<1x80xi32, #tpu.memory_space<vmem>> -> memref<80xi32, #tpu.memory_space<vmem>>
      %dma_start3A_75 = arith.constant 0 : i32
      %dma_start3A_76 = arith.constant 0 : i32
      %dma_start3A_77 = tpu.memref_slice %arg2[%dma_start3A_75, %dma_start3A_76] : memref<10000x64xf32, #tpu.memory_space<hbm>> -> memref<10000x64xf32, #tpu.memory_space<hbm>>
      tpu.enqueue_indirect_dma source(%dma_start3A_77 : memref<10000x64xf32, #tpu.memory_space<hbm>>) target(%arg12 : memref<80x64xf32, #tpu.memory_space<vmem>>) offsets(%dma_start3A_74 : memref<80xi32, #tpu.memory_space<vmem>>) semaphore(%arg18 : memref<!tpu.dma_semaphore, #tpu.memory_space<semaphore_mem>>)
      %dma_start3A_78 = arith.constant 2 : i32
      %dma_start3A_79 = arith.constant 0 : i32
      %dma_start3A_80 = tpu.memref_slice %arg9[%dma_start3A_78, %dma_start3A_79] : memref<250x80xi32, #tpu.memory_space<vmem>> -> memref<1x80xi32, #tpu.memory_space<vmem>>
      %dma_start3A_81 = tpu.memref_squeeze %dma_start3A_80 : memref<1x80xi32, #tpu.memory_space<vmem>> -> memref<80xi32, #tpu.memory_space<vmem>>
      %dma_start3A_82 = arith.constant 0 : i32
      %dma_start3A_83 = arith.constant 0 : i32
      %dma_start3A_84 = tpu.memref_slice %arg2[%dma_start3A_82, %dma_start3A_83] : memref<10000x64xf32, #tpu.memory_space<hbm>> -> memref<10000x64xf32, #tpu.memory_space<hbm>>
      tpu.enqueue_indirect_dma source(%dma_start3A_84 : memref<10000x64xf32, #tpu.memory_space<hbm>>) target(%arg13 : memref<80x64xf32, #tpu.memory_space<vmem>>) offsets(%dma_start3A_81 : memref<80xi32, #tpu.memory_space<vmem>>) semaphore(%arg19 : memref<!tpu.dma_semaphore, #tpu.memory_space<semaphore_mem>>)
      %dma_start3A_85 = arith.constant 3 : i32
      %dma_start3A_86 = arith.constant 0 : i32
      %dma_start3A_87 = tpu.memref_slice %arg9[%dma_start3A_85, %dma_start3A_86] : memref<250x80xi32, #tpu.memory_space<vmem>> -> memref<1x80xi32, #tpu.memory_space<vmem>>
      %dma_start3A_88 = tpu.memref_squeeze %dma_start3A_87 : memref<1x80xi32, #tpu.memory_space<vmem>> -> memref<80xi32, #tpu.memory_space<vmem>>
      %dma_start3A_89 = arith.constant 0 : i32
      %dma_start3A_90 = arith.constant 0 : i32
      %dma_start3A_91 = tpu.memref_slice %arg2[%dma_start3A_89, %dma_start3A_90] : memref<10000x64xf32, #tpu.memory_space<hbm>> -> memref<10000x64xf32, #tpu.memory_space<hbm>>
      tpu.enqueue_indirect_dma source(%dma_start3A_91 : memref<10000x64xf32, #tpu.memory_space<hbm>>) target(%arg14 : memref<80x64xf32, #tpu.memory_space<vmem>>) offsets(%dma_start3A_88 : memref<80xi32, #tpu.memory_space<vmem>>) semaphore(%arg20 : memref<!tpu.dma_semaphore, #tpu.memory_space<semaphore_mem>>)
      %scan3A_92 = arith.constant 0 : i32
      %scan3A_93 = arith.constant 0 : i32
      %scan3A_94 = arith.constant 25 : i32
      %scan3A_95 = arith.addi %scan3A_93, %scan3A_94 : i32
      %scan3A_96 = arith.constant 1 : i32
      scf.for %scan3A_105 = %scan3A_93 to %scan3A_95 step %scan3A_96  : i32 {
        %mul3A_106 = arith.constant 10 : i32
        %mul3A_107 = arith.muli %scan3A_105, %mul3A_106 : i32
        %add3A_108 = arith.constant 0 : i32
        %add3A_109 = arith.addi %mul3A_107, %add3A_108 : i32
        %dma_wait3A_110 = arith.constant 0 : i32
        %dma_wait3A_111 = tpu.memref_slice %arg9[%add3A_109, %dma_wait3A_110] : memref<250x80xi32, #tpu.memory_space<vmem>> -> memref<1x80xi32, #tpu.memory_space<vmem>>
        %dma_wait3A_112 = tpu.memref_squeeze %dma_wait3A_111 : memref<1x80xi32, #tpu.memory_space<vmem>> -> memref<80xi32, #tpu.memory_space<vmem>>
        %dma_wait3A_113 = arith.constant 0 : i32
        %dma_wait3A_114 = arith.constant 0 : i32
        %dma_wait3A_115 = tpu.memref_slice %arg2[%dma_wait3A_113, %dma_wait3A_114] : memref<10000x64xf32, #tpu.memory_space<hbm>> -> memref<10000x64xf32, #tpu.memory_space<hbm>>
        tpu.wait_indirect_dma semaphore(%arg17 : memref<!tpu.dma_semaphore, #tpu.memory_space<semaphore_mem>>) src(%dma_wait3A_115 : memref<10000x64xf32, #tpu.memory_space<hbm>>) dst(%arg11 : memref<80x64xf32, #tpu.memory_space<vmem>>)
        %dma_start3A_116 = arith.constant 0 : i32
        %dma_start3A_117 = tpu.memref_slice %arg10[%add3A_109, %dma_start3A_116] : memref<250x80xi32, #tpu.memory_space<vmem>> -> memref<1x80xi32, #tpu.memory_space<vmem>>
        %dma_start3A_118 = tpu.memref_squeeze %dma_start3A_117 : memref<1x80xi32, #tpu.memory_space<vmem>> -> memref<80xi32, #tpu.memory_space<vmem>>
        %dma_start3A_119 = arith.constant 0 : i32
        %dma_start3A_120 = arith.constant 0 : i32
        %dma_start3A_121 = tpu.memref_slice %arg8[%dma_start3A_119, %dma_start3A_120] : memref<10240x64xf32, #tpu.memory_space<vmem_shared>> -> memref<10240x64xf32, #tpu.memory_space<vmem_shared>>
        tpu.enqueue_indirect_dma source(%arg11 : memref<80x64xf32, #tpu.memory_space<vmem>>) target(%dma_start3A_121 : memref<10240x64xf32, #tpu.memory_space<vmem_shared>>) offsets(%dma_start3A_118 : memref<80xi32, #tpu.memory_space<vmem>>) semaphore(%arg22 : memref<!tpu.dma_semaphore, #tpu.memory_space<semaphore_mem>>) {add = true}
        %gt3A = arith.constant 0 : i32
        %gt3A_122 = arith.cmpi sgt, %scan3A_105, %gt3A : i32
        %convert_element_type3A_123 = arith.extui %gt3A_122 : i1 to i32
        %cond3A_124 = arith.constant 0 : i32
        %cond3A_125 = arith.cmpi ne, %convert_element_type3A_123, %cond3A_124 : i32
        scf.if %cond3A_125 {
          %sub3A_408 = arith.constant 1 : i32
          %sub3A_409 = arith.subi %add3A_109, %sub3A_408 : i32
          %dma_wait3A_410 = arith.constant 0 : i32
          %dma_wait3A_411 = tpu.memref_slice %arg10[%sub3A_409, %dma_wait3A_410] : memref<250x80xi32, #tpu.memory_space<vmem>> -> memref<1x80xi32, #tpu.memory_space<vmem>>
          %dma_wait3A_412 = tpu.memref_squeeze %dma_wait3A_411 : memref<1x80xi32, #tpu.memory_space<vmem>> -> memref<80xi32, #tpu.memory_space<vmem>>
          %dma_wait3A_413 = arith.constant 0 : i32
          %dma_wait3A_414 = arith.constant 0 : i32
          %dma_wait3A_415 = tpu.memref_slice %arg8[%dma_wait3A_413, %dma_wait3A_414] : memref<10240x64xf32, #tpu.memory_space<vmem_shared>> -> memref<10240x64xf32, #tpu.memory_space<vmem_shared>>
          tpu.wait_indirect_dma semaphore(%arg26 : memref<!tpu.dma_semaphore, #tpu.memory_space<semaphore_mem>>) src(%arg15 : memref<80x64xf32, #tpu.memory_space<vmem>>) dst(%dma_wait3A_415 : memref<10240x64xf32, #tpu.memory_space<vmem_shared>>)
        } else {
        }
        %add3A_126 = arith.constant 4 : i32
        %add3A_127 = arith.addi %add3A_109, %add3A_126 : i32
        %dma_start3A_128 = arith.constant 0 : i32
        %dma_start3A_129 = tpu.memref_slice %arg9[%add3A_127, %dma_start3A_128] : memref<250x80xi32, #tpu.memory_space<vmem>> -> memref<1x80xi32, #tpu.memory_space<vmem>>
        %dma_start3A_130 = tpu.memref_squeeze %dma_start3A_129 : memref<1x80xi32, #tpu.memory_space<vmem>> -> memref<80xi32, #tpu.memory_space<vmem>>
        %dma_start3A_131 = arith.constant 0 : i32
        %dma_start3A_132 = arith.constant 0 : i32
        %dma_start3A_133 = tpu.memref_slice %arg2[%dma_start3A_131, %dma_start3A_132] : memref<10000x64xf32, #tpu.memory_space<hbm>> -> memref<10000x64xf32, #tpu.memory_space<hbm>>
        tpu.enqueue_indirect_dma source(%dma_start3A_133 : memref<10000x64xf32, #tpu.memory_space<hbm>>) target(%arg15 : memref<80x64xf32, #tpu.memory_space<vmem>>) offsets(%dma_start3A_130 : memref<80xi32, #tpu.memory_space<vmem>>) semaphore(%arg21 : memref<!tpu.dma_semaphore, #tpu.memory_space<semaphore_mem>>)
        %mul3A_134 = arith.constant 10 : i32
        %mul3A_135 = arith.muli %scan3A_105, %mul3A_134 : i32
        %add3A_136 = arith.constant 1 : i32
        %add3A_137 = arith.addi %mul3A_135, %add3A_136 : i32
        %dma_wait3A_138 = arith.constant 0 : i32
        %dma_wait3A_139 = tpu.memref_slice %arg9[%add3A_137, %dma_wait3A_138] : memref<250x80xi32, #tpu.memory_space<vmem>> -> memref<1x80xi32, #tpu.memory_space<vmem>>
        %dma_wait3A_140 = tpu.memref_squeeze %dma_wait3A_139 : memref<1x80xi32, #tpu.memory_space<vmem>> -> memref<80xi32, #tpu.memory_space<vmem>>
        %dma_wait3A_141 = arith.constant 0 : i32
        %dma_wait3A_142 = arith.constant 0 : i32
        %dma_wait3A_143 = tpu.memref_slice %arg2[%dma_wait3A_141, %dma_wait3A_142] : memref<10000x64xf32, #tpu.memory_space<hbm>> -> memref<10000x64xf32, #tpu.memory_space<hbm>>
        tpu.wait_indirect_dma semaphore(%arg18 : memref<!tpu.dma_semaphore, #tpu.memory_space<semaphore_mem>>) src(%dma_wait3A_143 : memref<10000x64xf32, #tpu.memory_space<hbm>>) dst(%arg12 : memref<80x64xf32, #tpu.memory_space<vmem>>)
        %dma_start3A_144 = arith.constant 0 : i32
        %dma_start3A_145 = tpu.memref_slice %arg10[%add3A_137, %dma_start3A_144] : memref<250x80xi32, #tpu.memory_space<vmem>> -> memref<1x80xi32, #tpu.memory_space<vmem>>
        %dma_start3A_146 = tpu.memref_squeeze %dma_start3A_145 : memref<1x80xi32, #tpu.memory_space<vmem>> -> memref<80xi32, #tpu.memory_space<vmem>>
        %dma_start3A_147 = arith.constant 0 : i32
        %dma_start3A_148 = arith.constant 0 : i32
        %dma_start3A_149 = tpu.memref_slice %arg8[%dma_start3A_147, %dma_start3A_148] : memref<10240x64xf32, #tpu.memory_space<vmem_shared>> -> memref<10240x64xf32, #tpu.memory_space<vmem_shared>>
        tpu.enqueue_indirect_dma source(%arg12 : memref<80x64xf32, #tpu.memory_space<vmem>>) target(%dma_start3A_149 : memref<10240x64xf32, #tpu.memory_space<vmem_shared>>) offsets(%dma_start3A_146 : memref<80xi32, #tpu.memory_space<vmem>>) semaphore(%arg23 : memref<!tpu.dma_semaphore, #tpu.memory_space<semaphore_mem>>) {add = true}
        %sub3A = arith.constant 1 : i32
        %sub3A_150 = arith.subi %add3A_137, %sub3A : i32
        %dma_wait3A_151 = arith.constant 0 : i32
        %dma_wait3A_152 = tpu.memref_slice %arg10[%sub3A_150, %dma_wait3A_151] : memref<250x80xi32, #tpu.memory_space<vmem>> -> memref<1x80xi32, #tpu.memory_space<vmem>>
        %dma_wait3A_153 = tpu.memref_squeeze %dma_wait3A_152 : memref<1x80xi32, #tpu.memory_space<vmem>> -> memref<80xi32, #tpu.memory_space<vmem>>
        %dma_wait3A_154 = arith.constant 0 : i32
        %dma_wait3A_155 = arith.constant 0 : i32
        %dma_wait3A_156 = tpu.memref_slice %arg8[%dma_wait3A_154, %dma_wait3A_155] : memref<10240x64xf32, #tpu.memory_space<vmem_shared>> -> memref<10240x64xf32, #tpu.memory_space<vmem_shared>>
        tpu.wait_indirect_dma semaphore(%arg22 : memref<!tpu.dma_semaphore, #tpu.memory_space<semaphore_mem>>) src(%arg11 : memref<80x64xf32, #tpu.memory_space<vmem>>) dst(%dma_wait3A_156 : memref<10240x64xf32, #tpu.memory_space<vmem_shared>>)
        %add3A_157 = arith.constant 4 : i32
        %add3A_158 = arith.addi %add3A_137, %add3A_157 : i32
        %dma_start3A_159 = arith.constant 0 : i32
        %dma_start3A_160 = tpu.memref_slice %arg9[%add3A_158, %dma_start3A_159] : memref<250x80xi32, #tpu.memory_space<vmem>> -> memref<1x80xi32, #tpu.memory_space<vmem>>
        %dma_start3A_161 = tpu.memref_squeeze %dma_start3A_160 : memref<1x80xi32, #tpu.memory_space<vmem>> -> memref<80xi32, #tpu.memory_space<vmem>>
        %dma_start3A_162 = arith.constant 0 : i32
        %dma_start3A_163 = arith.constant 0 : i32
        %dma_start3A_164 = tpu.memref_slice %arg2[%dma_start3A_162, %dma_start3A_163] : memref<10000x64xf32, #tpu.memory_space<hbm>> -> memref<10000x64xf32, #tpu.memory_space<hbm>>
        tpu.enqueue_indirect_dma source(%dma_start3A_164 : memref<10000x64xf32, #tpu.memory_space<hbm>>) target(%arg11 : memref<80x64xf32, #tpu.memory_space<vmem>>) offsets(%dma_start3A_161 : memref<80xi32, #tpu.memory_space<vmem>>) semaphore(%arg17 : memref<!tpu.dma_semaphore, #tpu.memory_space<semaphore_mem>>)
        %mul3A_165 = arith.constant 10 : i32
        %mul3A_166 = arith.muli %scan3A_105, %mul3A_165 : i32
        %add3A_167 = arith.constant 2 : i32
        %add3A_168 = arith.addi %mul3A_166, %add3A_167 : i32
        %dma_wait3A_169 = arith.constant 0 : i32
        %dma_wait3A_170 = tpu.memref_slice %arg9[%add3A_168, %dma_wait3A_169] : memref<250x80xi32, #tpu.memory_space<vmem>> -> memref<1x80xi32, #tpu.memory_space<vmem>>
        %dma_wait3A_171 = tpu.memref_squeeze %dma_wait3A_170 : memref<1x80xi32, #tpu.memory_space<vmem>> -> memref<80xi32, #tpu.memory_space<vmem>>
        %dma_wait3A_172 = arith.constant 0 : i32
        %dma_wait3A_173 = arith.constant 0 : i32
        %dma_wait3A_174 = tpu.memref_slice %arg2[%dma_wait3A_172, %dma_wait3A_173] : memref<10000x64xf32, #tpu.memory_space<hbm>> -> memref<10000x64xf32, #tpu.memory_space<hbm>>
        tpu.wait_indirect_dma semaphore(%arg19 : memref<!tpu.dma_semaphore, #tpu.memory_space<semaphore_mem>>) src(%dma_wait3A_174 : memref<10000x64xf32, #tpu.memory_space<hbm>>) dst(%arg13 : memref<80x64xf32, #tpu.memory_space<vmem>>)
        %dma_start3A_175 = arith.constant 0 : i32
        %dma_start3A_176 = tpu.memref_slice %arg10[%add3A_168, %dma_start3A_175] : memref<250x80xi32, #tpu.memory_space<vmem>> -> memref<1x80xi32, #tpu.memory_space<vmem>>
        %dma_start3A_177 = tpu.memref_squeeze %dma_start3A_176 : memref<1x80xi32, #tpu.memory_space<vmem>> -> memref<80xi32, #tpu.memory_space<vmem>>
        %dma_start3A_178 = arith.constant 0 : i32
        %dma_start3A_179 = arith.constant 0 : i32
        %dma_start3A_180 = tpu.memref_slice %arg8[%dma_start3A_178, %dma_start3A_179] : memref<10240x64xf32, #tpu.memory_space<vmem_shared>> -> memref<10240x64xf32, #tpu.memory_space<vmem_shared>>
        tpu.enqueue_indirect_dma source(%arg13 : memref<80x64xf32, #tpu.memory_space<vmem>>) target(%dma_start3A_180 : memref<10240x64xf32, #tpu.memory_space<vmem_shared>>) offsets(%dma_start3A_177 : memref<80xi32, #tpu.memory_space<vmem>>) semaphore(%arg24 : memref<!tpu.dma_semaphore, #tpu.memory_space<semaphore_mem>>) {add = true}
        %sub3A_181 = arith.constant 1 : i32
        %sub3A_182 = arith.subi %add3A_168, %sub3A_181 : i32
        %dma_wait3A_183 = arith.constant 0 : i32
        %dma_wait3A_184 = tpu.memref_slice %arg10[%sub3A_182, %dma_wait3A_183] : memref<250x80xi32, #tpu.memory_space<vmem>> -> memref<1x80xi32, #tpu.memory_space<vmem>>
        %dma_wait3A_185 = tpu.memref_squeeze %dma_wait3A_184 : memref<1x80xi32, #tpu.memory_space<vmem>> -> memref<80xi32, #tpu.memory_space<vmem>>
        %dma_wait3A_186 = arith.constant 0 : i32
        %dma_wait3A_187 = arith.constant 0 : i32
        %dma_wait3A_188 = tpu.memref_slice %arg8[%dma_wait3A_186, %dma_wait3A_187] : memref<10240x64xf32, #tpu.memory_space<vmem_shared>> -> memref<10240x64xf32, #tpu.memory_space<vmem_shared>>
        tpu.wait_indirect_dma semaphore(%arg23 : memref<!tpu.dma_semaphore, #tpu.memory_space<semaphore_mem>>) src(%arg12 : memref<80x64xf32, #tpu.memory_space<vmem>>) dst(%dma_wait3A_188 : memref<10240x64xf32, #tpu.memory_space<vmem_shared>>)
        %add3A_189 = arith.constant 4 : i32
        %add3A_190 = arith.addi %add3A_168, %add3A_189 : i32
        %dma_start3A_191 = arith.constant 0 : i32
        %dma_start3A_192 = tpu.memref_slice %arg9[%add3A_190, %dma_start3A_191] : memref<250x80xi32, #tpu.memory_space<vmem>> -> memref<1x80xi32, #tpu.memory_space<vmem>>
        %dma_start3A_193 = tpu.memref_squeeze %dma_start3A_192 : memref<1x80xi32, #tpu.memory_space<vmem>> -> memref<80xi32, #tpu.memory_space<vmem>>
        %dma_start3A_194 = arith.constant 0 : i32
        %dma_start3A_195 = arith.constant 0 : i32
        %dma_start3A_196 = tpu.memref_slice %arg2[%dma_start3A_194, %dma_start3A_195] : memref<10000x64xf32, #tpu.memory_space<hbm>> -> memref<10000x64xf32, #tpu.memory_space<hbm>>
        tpu.enqueue_indirect_dma source(%dma_start3A_196 : memref<10000x64xf32, #tpu.memory_space<hbm>>) target(%arg12 : memref<80x64xf32, #tpu.memory_space<vmem>>) offsets(%dma_start3A_193 : memref<80xi32, #tpu.memory_space<vmem>>) semaphore(%arg18 : memref<!tpu.dma_semaphore, #tpu.memory_space<semaphore_mem>>)
        %mul3A_197 = arith.constant 10 : i32
        %mul3A_198 = arith.muli %scan3A_105, %mul3A_197 : i32
        %add3A_199 = arith.constant 3 : i32
        %add3A_200 = arith.addi %mul3A_198, %add3A_199 : i32
        %dma_wait3A_201 = arith.constant 0 : i32
        %dma_wait3A_202 = tpu.memref_slice %arg9[%add3A_200, %dma_wait3A_201] : memref<250x80xi32, #tpu.memory_space<vmem>> -> memref<1x80xi32, #tpu.memory_space<vmem>>
        %dma_wait3A_203 = tpu.memref_squeeze %dma_wait3A_202 : memref<1x80xi32, #tpu.memory_space<vmem>> -> memref<80xi32, #tpu.memory_space<vmem>>
        %dma_wait3A_204 = arith.constant 0 : i32
        %dma_wait3A_205 = arith.constant 0 : i32
        %dma_wait3A_206 = tpu.memref_slice %arg2[%dma_wait3A_204, %dma_wait3A_205] : memref<10000x64xf32, #tpu.memory_space<hbm>> -> memref<10000x64xf32, #tpu.memory_space<hbm>>
        tpu.wait_indirect_dma semaphore(%arg20 : memref<!tpu.dma_semaphore, #tpu.memory_space<semaphore_mem>>) src(%dma_wait3A_206 : memref<10000x64xf32, #tpu.memory_space<hbm>>) dst(%arg14 : memref<80x64xf32, #tpu.memory_space<vmem>>)
        %dma_start3A_207 = arith.constant 0 : i32
        %dma_start3A_208 = tpu.memref_slice %arg10[%add3A_200, %dma_start3A_207] : memref<250x80xi32, #tpu.memory_space<vmem>> -> memref<1x80xi32, #tpu.memory_space<vmem>>
        %dma_start3A_209 = tpu.memref_squeeze %dma_start3A_208 : memref<1x80xi32, #tpu.memory_space<vmem>> -> memref<80xi32, #tpu.memory_space<vmem>>
        %dma_start3A_210 = arith.constant 0 : i32
        %dma_start3A_211 = arith.constant 0 : i32
        %dma_start3A_212 = tpu.memref_slice %arg8[%dma_start3A_210, %dma_start3A_211] : memref<10240x64xf32, #tpu.memory_space<vmem_shared>> -> memref<10240x64xf32, #tpu.memory_space<vmem_shared>>
        tpu.enqueue_indirect_dma source(%arg14 : memref<80x64xf32, #tpu.memory_space<vmem>>) target(%dma_start3A_212 : memref<10240x64xf32, #tpu.memory_space<vmem_shared>>) offsets(%dma_start3A_209 : memref<80xi32, #tpu.memory_space<vmem>>) semaphore(%arg25 : memref<!tpu.dma_semaphore, #tpu.memory_space<semaphore_mem>>) {add = true}
        %sub3A_213 = arith.constant 1 : i32
        %sub3A_214 = arith.subi %add3A_200, %sub3A_213 : i32
        %dma_wait3A_215 = arith.constant 0 : i32
        %dma_wait3A_216 = tpu.memref_slice %arg10[%sub3A_214, %dma_wait3A_215] : memref<250x80xi32, #tpu.memory_space<vmem>> -> memref<1x80xi32, #tpu.memory_space<vmem>>
        %dma_wait3A_217 = tpu.memref_squeeze %dma_wait3A_216 : memref<1x80xi32, #tpu.memory_space<vmem>> -> memref<80xi32, #tpu.memory_space<vmem>>
        %dma_wait3A_218 = arith.constant 0 : i32
        %dma_wait3A_219 = arith.constant 0 : i32
        %dma_wait3A_220 = tpu.memref_slice %arg8[%dma_wait3A_218, %dma_wait3A_219] : memref<10240x64xf32, #tpu.memory_space<vmem_shared>> -> memref<10240x64xf32, #tpu.memory_space<vmem_shared>>
        tpu.wait_indirect_dma semaphore(%arg24 : memref<!tpu.dma_semaphore, #tpu.memory_space<semaphore_mem>>) src(%arg13 : memref<80x64xf32, #tpu.memory_space<vmem>>) dst(%dma_wait3A_220 : memref<10240x64xf32, #tpu.memory_space<vmem_shared>>)
        %add3A_221 = arith.constant 4 : i32
        %add3A_222 = arith.addi %add3A_200, %add3A_221 : i32
        %dma_start3A_223 = arith.constant 0 : i32
        %dma_start3A_224 = tpu.memref_slice %arg9[%add3A_222, %dma_start3A_223] : memref<250x80xi32, #tpu.memory_space<vmem>> -> memref<1x80xi32, #tpu.memory_space<vmem>>
        %dma_start3A_225 = tpu.memref_squeeze %dma_start3A_224 : memref<1x80xi32, #tpu.memory_space<vmem>> -> memref<80xi32, #tpu.memory_space<vmem>>
        %dma_start3A_226 = arith.constant 0 : i32
        %dma_start3A_227 = arith.constant 0 : i32
        %dma_start3A_228 = tpu.memref_slice %arg2[%dma_start3A_226, %dma_start3A_227] : memref<10000x64xf32, #tpu.memory_space<hbm>> -> memref<10000x64xf32, #tpu.memory_space<hbm>>
        tpu.enqueue_indirect_dma source(%dma_start3A_228 : memref<10000x64xf32, #tpu.memory_space<hbm>>) target(%arg13 : memref<80x64xf32, #tpu.memory_space<vmem>>) offsets(%dma_start3A_225 : memref<80xi32, #tpu.memory_space<vmem>>) semaphore(%arg19 : memref<!tpu.dma_semaphore, #tpu.memory_space<semaphore_mem>>)
        %mul3A_229 = arith.constant 10 : i32
        %mul3A_230 = arith.muli %scan3A_105, %mul3A_229 : i32
        %add3A_231 = arith.constant 4 : i32
        %add3A_232 = arith.addi %mul3A_230, %add3A_231 : i32
        %dma_wait3A_233 = arith.constant 0 : i32
        %dma_wait3A_234 = tpu.memref_slice %arg9[%add3A_232, %dma_wait3A_233] : memref<250x80xi32, #tpu.memory_space<vmem>> -> memref<1x80xi32, #tpu.memory_space<vmem>>
        %dma_wait3A_235 = tpu.memref_squeeze %dma_wait3A_234 : memref<1x80xi32, #tpu.memory_space<vmem>> -> memref<80xi32, #tpu.memory_space<vmem>>
        %dma_wait3A_236 = arith.constant 0 : i32
        %dma_wait3A_237 = arith.constant 0 : i32
        %dma_wait3A_238 = tpu.memref_slice %arg2[%dma_wait3A_236, %dma_wait3A_237] : memref<10000x64xf32, #tpu.memory_space<hbm>> -> memref<10000x64xf32, #tpu.memory_space<hbm>>
        tpu.wait_indirect_dma semaphore(%arg21 : memref<!tpu.dma_semaphore, #tpu.memory_space<semaphore_mem>>) src(%dma_wait3A_238 : memref<10000x64xf32, #tpu.memory_space<hbm>>) dst(%arg15 : memref<80x64xf32, #tpu.memory_space<vmem>>)
        %dma_start3A_239 = arith.constant 0 : i32
        %dma_start3A_240 = tpu.memref_slice %arg10[%add3A_232, %dma_start3A_239] : memref<250x80xi32, #tpu.memory_space<vmem>> -> memref<1x80xi32, #tpu.memory_space<vmem>>
        %dma_start3A_241 = tpu.memref_squeeze %dma_start3A_240 : memref<1x80xi32, #tpu.memory_space<vmem>> -> memref<80xi32, #tpu.memory_space<vmem>>
        %dma_start3A_242 = arith.constant 0 : i32
        %dma_start3A_243 = arith.constant 0 : i32
        %dma_start3A_244 = tpu.memref_slice %arg8[%dma_start3A_242, %dma_start3A_243] : memref<10240x64xf32, #tpu.memory_space<vmem_shared>> -> memref<10240x64xf32, #tpu.memory_space<vmem_shared>>
        tpu.enqueue_indirect_dma source(%arg15 : memref<80x64xf32, #tpu.memory_space<vmem>>) target(%dma_start3A_244 : memref<10240x64xf32, #tpu.memory_space<vmem_shared>>) offsets(%dma_start3A_241 : memref<80xi32, #tpu.memory_space<vmem>>) semaphore(%arg26 : memref<!tpu.dma_semaphore, #tpu.memory_space<semaphore_mem>>) {add = true}
        %sub3A_245 = arith.constant 1 : i32
        %sub3A_246 = arith.subi %add3A_232, %sub3A_245 : i32
        %dma_wait3A_247 = arith.constant 0 : i32
        %dma_wait3A_248 = tpu.memref_slice %arg10[%sub3A_246, %dma_wait3A_247] : memref<250x80xi32, #tpu.memory_space<vmem>> -> memref<1x80xi32, #tpu.memory_space<vmem>>
        %dma_wait3A_249 = tpu.memref_squeeze %dma_wait3A_248 : memref<1x80xi32, #tpu.memory_space<vmem>> -> memref<80xi32, #tpu.memory_space<vmem>>
        %dma_wait3A_250 = arith.constant 0 : i32
        %dma_wait3A_251 = arith.constant 0 : i32
        %dma_wait3A_252 = tpu.memref_slice %arg8[%dma_wait3A_250, %dma_wait3A_251] : memref<10240x64xf32, #tpu.memory_space<vmem_shared>> -> memref<10240x64xf32, #tpu.memory_space<vmem_shared>>
        tpu.wait_indirect_dma semaphore(%arg25 : memref<!tpu.dma_semaphore, #tpu.memory_space<semaphore_mem>>) src(%arg14 : memref<80x64xf32, #tpu.memory_space<vmem>>) dst(%dma_wait3A_252 : memref<10240x64xf32, #tpu.memory_space<vmem_shared>>)
        %add3A_253 = arith.constant 4 : i32
        %add3A_254 = arith.addi %add3A_232, %add3A_253 : i32
        %dma_start3A_255 = arith.constant 0 : i32
        %dma_start3A_256 = tpu.memref_slice %arg9[%add3A_254, %dma_start3A_255] : memref<250x80xi32, #tpu.memory_space<vmem>> -> memref<1x80xi32, #tpu.memory_space<vmem>>
        %dma_start3A_257 = tpu.memref_squeeze %dma_start3A_256 : memref<1x80xi32, #tpu.memory_space<vmem>> -> memref<80xi32, #tpu.memory_space<vmem>>
        %dma_start3A_258 = arith.constant 0 : i32
        %dma_start3A_259 = arith.constant 0 : i32
        %dma_start3A_260 = tpu.memref_slice %arg2[%dma_start3A_258, %dma_start3A_259] : memref<10000x64xf32, #tpu.memory_space<hbm>> -> memref<10000x64xf32, #tpu.memory_space<hbm>>
        tpu.enqueue_indirect_dma source(%dma_start3A_260 : memref<10000x64xf32, #tpu.memory_space<hbm>>) target(%arg14 : memref<80x64xf32, #tpu.memory_space<vmem>>) offsets(%dma_start3A_257 : memref<80xi32, #tpu.memory_space<vmem>>) semaphore(%arg20 : memref<!tpu.dma_semaphore, #tpu.memory_space<semaphore_mem>>)
        %mul3A_261 = arith.constant 10 : i32
        %mul3A_262 = arith.muli %scan3A_105, %mul3A_261 : i32
        %add3A_263 = arith.constant 5 : i32
        %add3A_264 = arith.addi %mul3A_262, %add3A_263 : i32
        %dma_wait3A_265 = arith.constant 0 : i32
        %dma_wait3A_266 = tpu.memref_slice %arg9[%add3A_264, %dma_wait3A_265] : memref<250x80xi32, #tpu.memory_space<vmem>> -> memref<1x80xi32, #tpu.memory_space<vmem>>
        %dma_wait3A_267 = tpu.memref_squeeze %dma_wait3A_266 : memref<1x80xi32, #tpu.memory_space<vmem>> -> memref<80xi32, #tpu.memory_space<vmem>>
        %dma_wait3A_268 = arith.constant 0 : i32
        %dma_wait3A_269 = arith.constant 0 : i32
        %dma_wait3A_270 = tpu.memref_slice %arg2[%dma_wait3A_268, %dma_wait3A_269] : memref<10000x64xf32, #tpu.memory_space<hbm>> -> memref<10000x64xf32, #tpu.memory_space<hbm>>
        tpu.wait_indirect_dma semaphore(%arg17 : memref<!tpu.dma_semaphore, #tpu.memory_space<semaphore_mem>>) src(%dma_wait3A_270 : memref<10000x64xf32, #tpu.memory_space<hbm>>) dst(%arg11 : memref<80x64xf32, #tpu.memory_space<vmem>>)
        %dma_start3A_271 = arith.constant 0 : i32
        %dma_start3A_272 = tpu.memref_slice %arg10[%add3A_264, %dma_start3A_271] : memref<250x80xi32, #tpu.memory_space<vmem>> -> memref<1x80xi32, #tpu.memory_space<vmem>>
        %dma_start3A_273 = tpu.memref_squeeze %dma_start3A_272 : memref<1x80xi32, #tpu.memory_space<vmem>> -> memref<80xi32, #tpu.memory_space<vmem>>
        %dma_start3A_274 = arith.constant 0 : i32
        %dma_start3A_275 = arith.constant 0 : i32
        %dma_start3A_276 = tpu.memref_slice %arg8[%dma_start3A_274, %dma_start3A_275] : memref<10240x64xf32, #tpu.memory_space<vmem_shared>> -> memref<10240x64xf32, #tpu.memory_space<vmem_shared>>
        tpu.enqueue_indirect_dma source(%arg11 : memref<80x64xf32, #tpu.memory_space<vmem>>) target(%dma_start3A_276 : memref<10240x64xf32, #tpu.memory_space<vmem_shared>>) offsets(%dma_start3A_273 : memref<80xi32, #tpu.memory_space<vmem>>) semaphore(%arg22 : memref<!tpu.dma_semaphore, #tpu.memory_space<semaphore_mem>>) {add = true}
        %sub3A_277 = arith.constant 1 : i32
        %sub3A_278 = arith.subi %add3A_264, %sub3A_277 : i32
        %dma_wait3A_279 = arith.constant 0 : i32
        %dma_wait3A_280 = tpu.memref_slice %arg10[%sub3A_278, %dma_wait3A_279] : memref<250x80xi32, #tpu.memory_space<vmem>> -> memref<1x80xi32, #tpu.memory_space<vmem>>
        %dma_wait3A_281 = tpu.memref_squeeze %dma_wait3A_280 : memref<1x80xi32, #tpu.memory_space<vmem>> -> memref<80xi32, #tpu.memory_space<vmem>>
        %dma_wait3A_282 = arith.constant 0 : i32
        %dma_wait3A_283 = arith.constant 0 : i32
        %dma_wait3A_284 = tpu.memref_slice %arg8[%dma_wait3A_282, %dma_wait3A_283] : memref<10240x64xf32, #tpu.memory_space<vmem_shared>> -> memref<10240x64xf32, #tpu.memory_space<vmem_shared>>
        tpu.wait_indirect_dma semaphore(%arg26 : memref<!tpu.dma_semaphore, #tpu.memory_space<semaphore_mem>>) src(%arg15 : memref<80x64xf32, #tpu.memory_space<vmem>>) dst(%dma_wait3A_284 : memref<10240x64xf32, #tpu.memory_space<vmem_shared>>)
        %add3A_285 = arith.constant 4 : i32
        %add3A_286 = arith.addi %add3A_264, %add3A_285 : i32
        %dma_start3A_287 = arith.constant 0 : i32
        %dma_start3A_288 = tpu.memref_slice %arg9[%add3A_286, %dma_start3A_287] : memref<250x80xi32, #tpu.memory_space<vmem>> -> memref<1x80xi32, #tpu.memory_space<vmem>>
        %dma_start3A_289 = tpu.memref_squeeze %dma_start3A_288 : memref<1x80xi32, #tpu.memory_space<vmem>> -> memref<80xi32, #tpu.memory_space<vmem>>
        %dma_start3A_290 = arith.constant 0 : i32
        %dma_start3A_291 = arith.constant 0 : i32
        %dma_start3A_292 = tpu.memref_slice %arg2[%dma_start3A_290, %dma_start3A_291] : memref<10000x64xf32, #tpu.memory_space<hbm>> -> memref<10000x64xf32, #tpu.memory_space<hbm>>
        tpu.enqueue_indirect_dma source(%dma_start3A_292 : memref<10000x64xf32, #tpu.memory_space<hbm>>) target(%arg15 : memref<80x64xf32, #tpu.memory_space<vmem>>) offsets(%dma_start3A_289 : memref<80xi32, #tpu.memory_space<vmem>>) semaphore(%arg21 : memref<!tpu.dma_semaphore, #tpu.memory_space<semaphore_mem>>)
        %mul3A_293 = arith.constant 10 : i32
        %mul3A_294 = arith.muli %scan3A_105, %mul3A_293 : i32
        %add3A_295 = arith.constant 6 : i32
        %add3A_296 = arith.addi %mul3A_294, %add3A_295 : i32
        %dma_wait3A_297 = arith.constant 0 : i32
        %dma_wait3A_298 = tpu.memref_slice %arg9[%add3A_296, %dma_wait3A_297] : memref<250x80xi32, #tpu.memory_space<vmem>> -> memref<1x80xi32, #tpu.memory_space<vmem>>
        %dma_wait3A_299 = tpu.memref_squeeze %dma_wait3A_298 : memref<1x80xi32, #tpu.memory_space<vmem>> -> memref<80xi32, #tpu.memory_space<vmem>>
        %dma_wait3A_300 = arith.constant 0 : i32
        %dma_wait3A_301 = arith.constant 0 : i32
        %dma_wait3A_302 = tpu.memref_slice %arg2[%dma_wait3A_300, %dma_wait3A_301] : memref<10000x64xf32, #tpu.memory_space<hbm>> -> memref<10000x64xf32, #tpu.memory_space<hbm>>
        tpu.wait_indirect_dma semaphore(%arg18 : memref<!tpu.dma_semaphore, #tpu.memory_space<semaphore_mem>>) src(%dma_wait3A_302 : memref<10000x64xf32, #tpu.memory_space<hbm>>) dst(%arg12 : memref<80x64xf32, #tpu.memory_space<vmem>>)
        %dma_start3A_303 = arith.constant 0 : i32
        %dma_start3A_304 = tpu.memref_slice %arg10[%add3A_296, %dma_start3A_303] : memref<250x80xi32, #tpu.memory_space<vmem>> -> memref<1x80xi32, #tpu.memory_space<vmem>>
        %dma_start3A_305 = tpu.memref_squeeze %dma_start3A_304 : memref<1x80xi32, #tpu.memory_space<vmem>> -> memref<80xi32, #tpu.memory_space<vmem>>
        %dma_start3A_306 = arith.constant 0 : i32
        %dma_start3A_307 = arith.constant 0 : i32
        %dma_start3A_308 = tpu.memref_slice %arg8[%dma_start3A_306, %dma_start3A_307] : memref<10240x64xf32, #tpu.memory_space<vmem_shared>> -> memref<10240x64xf32, #tpu.memory_space<vmem_shared>>
        tpu.enqueue_indirect_dma source(%arg12 : memref<80x64xf32, #tpu.memory_space<vmem>>) target(%dma_start3A_308 : memref<10240x64xf32, #tpu.memory_space<vmem_shared>>) offsets(%dma_start3A_305 : memref<80xi32, #tpu.memory_space<vmem>>) semaphore(%arg23 : memref<!tpu.dma_semaphore, #tpu.memory_space<semaphore_mem>>) {add = true}
        %sub3A_309 = arith.constant 1 : i32
        %sub3A_310 = arith.subi %add3A_296, %sub3A_309 : i32
        %dma_wait3A_311 = arith.constant 0 : i32
        %dma_wait3A_312 = tpu.memref_slice %arg10[%sub3A_310, %dma_wait3A_311] : memref<250x80xi32, #tpu.memory_space<vmem>> -> memref<1x80xi32, #tpu.memory_space<vmem>>
        %dma_wait3A_313 = tpu.memref_squeeze %dma_wait3A_312 : memref<1x80xi32, #tpu.memory_space<vmem>> -> memref<80xi32, #tpu.memory_space<vmem>>
        %dma_wait3A_314 = arith.constant 0 : i32
        %dma_wait3A_315 = arith.constant 0 : i32
        %dma_wait3A_316 = tpu.memref_slice %arg8[%dma_wait3A_314, %dma_wait3A_315] : memref<10240x64xf32, #tpu.memory_space<vmem_shared>> -> memref<10240x64xf32, #tpu.memory_space<vmem_shared>>
        tpu.wait_indirect_dma semaphore(%arg22 : memref<!tpu.dma_semaphore, #tpu.memory_space<semaphore_mem>>) src(%arg11 : memref<80x64xf32, #tpu.memory_space<vmem>>) dst(%dma_wait3A_316 : memref<10240x64xf32, #tpu.memory_space<vmem_shared>>)
        %lt3A = arith.constant 24 : i32
        %lt3A_317 = arith.cmpi slt, %scan3A_105, %lt3A : i32
        %convert_element_type3A_318 = arith.extui %lt3A_317 : i1 to i32
        %cond3A_319 = arith.constant 0 : i32
        %cond3A_320 = arith.cmpi ne, %convert_element_type3A_318, %cond3A_319 : i32
        scf.if %cond3A_320 {
          %add3A_408 = arith.constant 4 : i32
          %add3A_409 = arith.addi %add3A_296, %add3A_408 : i32
          %dma_start3A_410 = arith.constant 0 : i32
          %dma_start3A_411 = tpu.memref_slice %arg9[%add3A_409, %dma_start3A_410] : memref<250x80xi32, #tpu.memory_space<vmem>> -> memref<1x80xi32, #tpu.memory_space<vmem>>
          %dma_start3A_412 = tpu.memref_squeeze %dma_start3A_411 : memref<1x80xi32, #tpu.memory_space<vmem>> -> memref<80xi32, #tpu.memory_space<vmem>>
          %dma_start3A_413 = arith.constant 0 : i32
          %dma_start3A_414 = arith.constant 0 : i32
          %dma_start3A_415 = tpu.memref_slice %arg2[%dma_start3A_413, %dma_start3A_414] : memref<10000x64xf32, #tpu.memory_space<hbm>> -> memref<10000x64xf32, #tpu.memory_space<hbm>>
          tpu.enqueue_indirect_dma source(%dma_start3A_415 : memref<10000x64xf32, #tpu.memory_space<hbm>>) target(%arg11 : memref<80x64xf32, #tpu.memory_space<vmem>>) offsets(%dma_start3A_412 : memref<80xi32, #tpu.memory_space<vmem>>) semaphore(%arg17 : memref<!tpu.dma_semaphore, #tpu.memory_space<semaphore_mem>>)
        } else {
        }
        %mul3A_321 = arith.constant 10 : i32
        %mul3A_322 = arith.muli %scan3A_105, %mul3A_321 : i32
        %add3A_323 = arith.constant 7 : i32
        %add3A_324 = arith.addi %mul3A_322, %add3A_323 : i32
        %dma_wait3A_325 = arith.constant 0 : i32
        %dma_wait3A_326 = tpu.memref_slice %arg9[%add3A_324, %dma_wait3A_325] : memref<250x80xi32, #tpu.memory_space<vmem>> -> memref<1x80xi32, #tpu.memory_space<vmem>>
        %dma_wait3A_327 = tpu.memref_squeeze %dma_wait3A_326 : memref<1x80xi32, #tpu.memory_space<vmem>> -> memref<80xi32, #tpu.memory_space<vmem>>
        %dma_wait3A_328 = arith.constant 0 : i32
        %dma_wait3A_329 = arith.constant 0 : i32
        %dma_wait3A_330 = tpu.memref_slice %arg2[%dma_wait3A_328, %dma_wait3A_329] : memref<10000x64xf32, #tpu.memory_space<hbm>> -> memref<10000x64xf32, #tpu.memory_space<hbm>>
        tpu.wait_indirect_dma semaphore(%arg19 : memref<!tpu.dma_semaphore, #tpu.memory_space<semaphore_mem>>) src(%dma_wait3A_330 : memref<10000x64xf32, #tpu.memory_space<hbm>>) dst(%arg13 : memref<80x64xf32, #tpu.memory_space<vmem>>)
        %dma_start3A_331 = arith.constant 0 : i32
        %dma_start3A_332 = tpu.memref_slice %arg10[%add3A_324, %dma_start3A_331] : memref<250x80xi32, #tpu.memory_space<vmem>> -> memref<1x80xi32, #tpu.memory_space<vmem>>
        %dma_start3A_333 = tpu.memref_squeeze %dma_start3A_332 : memref<1x80xi32, #tpu.memory_space<vmem>> -> memref<80xi32, #tpu.memory_space<vmem>>
        %dma_start3A_334 = arith.constant 0 : i32
        %dma_start3A_335 = arith.constant 0 : i32
        %dma_start3A_336 = tpu.memref_slice %arg8[%dma_start3A_334, %dma_start3A_335] : memref<10240x64xf32, #tpu.memory_space<vmem_shared>> -> memref<10240x64xf32, #tpu.memory_space<vmem_shared>>
        tpu.enqueue_indirect_dma source(%arg13 : memref<80x64xf32, #tpu.memory_space<vmem>>) target(%dma_start3A_336 : memref<10240x64xf32, #tpu.memory_space<vmem_shared>>) offsets(%dma_start3A_333 : memref<80xi32, #tpu.memory_space<vmem>>) semaphore(%arg24 : memref<!tpu.dma_semaphore, #tpu.memory_space<semaphore_mem>>) {add = true}
        %sub3A_337 = arith.constant 1 : i32
        %sub3A_338 = arith.subi %add3A_324, %sub3A_337 : i32
        %dma_wait3A_339 = arith.constant 0 : i32
        %dma_wait3A_340 = tpu.memref_slice %arg10[%sub3A_338, %dma_wait3A_339] : memref<250x80xi32, #tpu.memory_space<vmem>> -> memref<1x80xi32, #tpu.memory_space<vmem>>
        %dma_wait3A_341 = tpu.memref_squeeze %dma_wait3A_340 : memref<1x80xi32, #tpu.memory_space<vmem>> -> memref<80xi32, #tpu.memory_space<vmem>>
        %dma_wait3A_342 = arith.constant 0 : i32
        %dma_wait3A_343 = arith.constant 0 : i32
        %dma_wait3A_344 = tpu.memref_slice %arg8[%dma_wait3A_342, %dma_wait3A_343] : memref<10240x64xf32, #tpu.memory_space<vmem_shared>> -> memref<10240x64xf32, #tpu.memory_space<vmem_shared>>
        tpu.wait_indirect_dma semaphore(%arg23 : memref<!tpu.dma_semaphore, #tpu.memory_space<semaphore_mem>>) src(%arg12 : memref<80x64xf32, #tpu.memory_space<vmem>>) dst(%dma_wait3A_344 : memref<10240x64xf32, #tpu.memory_space<vmem_shared>>)
        %lt3A_345 = arith.constant 24 : i32
        %lt3A_346 = arith.cmpi slt, %scan3A_105, %lt3A_345 : i32
        %convert_element_type3A_347 = arith.extui %lt3A_346 : i1 to i32
        %cond3A_348 = arith.constant 0 : i32
        %cond3A_349 = arith.cmpi ne, %convert_element_type3A_347, %cond3A_348 : i32
        scf.if %cond3A_349 {
          %add3A_408 = arith.constant 4 : i32
          %add3A_409 = arith.addi %add3A_324, %add3A_408 : i32
          %dma_start3A_410 = arith.constant 0 : i32
          %dma_start3A_411 = tpu.memref_slice %arg9[%add3A_409, %dma_start3A_410] : memref<250x80xi32, #tpu.memory_space<vmem>> -> memref<1x80xi32, #tpu.memory_space<vmem>>
          %dma_start3A_412 = tpu.memref_squeeze %dma_start3A_411 : memref<1x80xi32, #tpu.memory_space<vmem>> -> memref<80xi32, #tpu.memory_space<vmem>>
          %dma_start3A_413 = arith.constant 0 : i32
          %dma_start3A_414 = arith.constant 0 : i32
          %dma_start3A_415 = tpu.memref_slice %arg2[%dma_start3A_413, %dma_start3A_414] : memref<10000x64xf32, #tpu.memory_space<hbm>> -> memref<10000x64xf32, #tpu.memory_space<hbm>>
          tpu.enqueue_indirect_dma source(%dma_start3A_415 : memref<10000x64xf32, #tpu.memory_space<hbm>>) target(%arg12 : memref<80x64xf32, #tpu.memory_space<vmem>>) offsets(%dma_start3A_412 : memref<80xi32, #tpu.memory_space<vmem>>) semaphore(%arg18 : memref<!tpu.dma_semaphore, #tpu.memory_space<semaphore_mem>>)
        } else {
        }
        %mul3A_350 = arith.constant 10 : i32
        %mul3A_351 = arith.muli %scan3A_105, %mul3A_350 : i32
        %add3A_352 = arith.constant 8 : i32
        %add3A_353 = arith.addi %mul3A_351, %add3A_352 : i32
        %dma_wait3A_354 = arith.constant 0 : i32
        %dma_wait3A_355 = tpu.memref_slice %arg9[%add3A_353, %dma_wait3A_354] : memref<250x80xi32, #tpu.memory_space<vmem>> -> memref<1x80xi32, #tpu.memory_space<vmem>>
        %dma_wait3A_356 = tpu.memref_squeeze %dma_wait3A_355 : memref<1x80xi32, #tpu.memory_space<vmem>> -> memref<80xi32, #tpu.memory_space<vmem>>
        %dma_wait3A_357 = arith.constant 0 : i32
        %dma_wait3A_358 = arith.constant 0 : i32
        %dma_wait3A_359 = tpu.memref_slice %arg2[%dma_wait3A_357, %dma_wait3A_358] : memref<10000x64xf32, #tpu.memory_space<hbm>> -> memref<10000x64xf32, #tpu.memory_space<hbm>>
        tpu.wait_indirect_dma semaphore(%arg20 : memref<!tpu.dma_semaphore, #tpu.memory_space<semaphore_mem>>) src(%dma_wait3A_359 : memref<10000x64xf32, #tpu.memory_space<hbm>>) dst(%arg14 : memref<80x64xf32, #tpu.memory_space<vmem>>)
        %dma_start3A_360 = arith.constant 0 : i32
        %dma_start3A_361 = tpu.memref_slice %arg10[%add3A_353, %dma_start3A_360] : memref<250x80xi32, #tpu.memory_space<vmem>> -> memref<1x80xi32, #tpu.memory_space<vmem>>
        %dma_start3A_362 = tpu.memref_squeeze %dma_start3A_361 : memref<1x80xi32, #tpu.memory_space<vmem>> -> memref<80xi32, #tpu.memory_space<vmem>>
        %dma_start3A_363 = arith.constant 0 : i32
        %dma_start3A_364 = arith.constant 0 : i32
        %dma_start3A_365 = tpu.memref_slice %arg8[%dma_start3A_363, %dma_start3A_364] : memref<10240x64xf32, #tpu.memory_space<vmem_shared>> -> memref<10240x64xf32, #tpu.memory_space<vmem_shared>>
        tpu.enqueue_indirect_dma source(%arg14 : memref<80x64xf32, #tpu.memory_space<vmem>>) target(%dma_start3A_365 : memref<10240x64xf32, #tpu.memory_space<vmem_shared>>) offsets(%dma_start3A_362 : memref<80xi32, #tpu.memory_space<vmem>>) semaphore(%arg25 : memref<!tpu.dma_semaphore, #tpu.memory_space<semaphore_mem>>) {add = true}
        %sub3A_366 = arith.constant 1 : i32
        %sub3A_367 = arith.subi %add3A_353, %sub3A_366 : i32
        %dma_wait3A_368 = arith.constant 0 : i32
        %dma_wait3A_369 = tpu.memref_slice %arg10[%sub3A_367, %dma_wait3A_368] : memref<250x80xi32, #tpu.memory_space<vmem>> -> memref<1x80xi32, #tpu.memory_space<vmem>>
        %dma_wait3A_370 = tpu.memref_squeeze %dma_wait3A_369 : memref<1x80xi32, #tpu.memory_space<vmem>> -> memref<80xi32, #tpu.memory_space<vmem>>
        %dma_wait3A_371 = arith.constant 0 : i32
        %dma_wait3A_372 = arith.constant 0 : i32
        %dma_wait3A_373 = tpu.memref_slice %arg8[%dma_wait3A_371, %dma_wait3A_372] : memref<10240x64xf32, #tpu.memory_space<vmem_shared>> -> memref<10240x64xf32, #tpu.memory_space<vmem_shared>>
        tpu.wait_indirect_dma semaphore(%arg24 : memref<!tpu.dma_semaphore, #tpu.memory_space<semaphore_mem>>) src(%arg13 : memref<80x64xf32, #tpu.memory_space<vmem>>) dst(%dma_wait3A_373 : memref<10240x64xf32, #tpu.memory_space<vmem_shared>>)
        %lt3A_374 = arith.constant 24 : i32
        %lt3A_375 = arith.cmpi slt, %scan3A_105, %lt3A_374 : i32
        %convert_element_type3A_376 = arith.extui %lt3A_375 : i1 to i32
        %cond3A_377 = arith.constant 0 : i32
        %cond3A_378 = arith.cmpi ne, %convert_element_type3A_376, %cond3A_377 : i32
        scf.if %cond3A_378 {
          %add3A_408 = arith.constant 4 : i32
          %add3A_409 = arith.addi %add3A_353, %add3A_408 : i32
          %dma_start3A_410 = arith.constant 0 : i32
          %dma_start3A_411 = tpu.memref_slice %arg9[%add3A_409, %dma_start3A_410] : memref<250x80xi32, #tpu.memory_space<vmem>> -> memref<1x80xi32, #tpu.memory_space<vmem>>
          %dma_start3A_412 = tpu.memref_squeeze %dma_start3A_411 : memref<1x80xi32, #tpu.memory_space<vmem>> -> memref<80xi32, #tpu.memory_space<vmem>>
          %dma_start3A_413 = arith.constant 0 : i32
          %dma_start3A_414 = arith.constant 0 : i32
          %dma_start3A_415 = tpu.memref_slice %arg2[%dma_start3A_413, %dma_start3A_414] : memref<10000x64xf32, #tpu.memory_space<hbm>> -> memref<10000x64xf32, #tpu.memory_space<hbm>>
          tpu.enqueue_indirect_dma source(%dma_start3A_415 : memref<10000x64xf32, #tpu.memory_space<hbm>>) target(%arg13 : memref<80x64xf32, #tpu.memory_space<vmem>>) offsets(%dma_start3A_412 : memref<80xi32, #tpu.memory_space<vmem>>) semaphore(%arg19 : memref<!tpu.dma_semaphore, #tpu.memory_space<semaphore_mem>>)
        } else {
        }
        %mul3A_379 = arith.constant 10 : i32
        %mul3A_380 = arith.muli %scan3A_105, %mul3A_379 : i32
        %add3A_381 = arith.constant 9 : i32
        %add3A_382 = arith.addi %mul3A_380, %add3A_381 : i32
        %dma_wait3A_383 = arith.constant 0 : i32
        %dma_wait3A_384 = tpu.memref_slice %arg9[%add3A_382, %dma_wait3A_383] : memref<250x80xi32, #tpu.memory_space<vmem>> -> memref<1x80xi32, #tpu.memory_space<vmem>>
        %dma_wait3A_385 = tpu.memref_squeeze %dma_wait3A_384 : memref<1x80xi32, #tpu.memory_space<vmem>> -> memref<80xi32, #tpu.memory_space<vmem>>
        %dma_wait3A_386 = arith.constant 0 : i32
        %dma_wait3A_387 = arith.constant 0 : i32
        %dma_wait3A_388 = tpu.memref_slice %arg2[%dma_wait3A_386, %dma_wait3A_387] : memref<10000x64xf32, #tpu.memory_space<hbm>> -> memref<10000x64xf32, #tpu.memory_space<hbm>>
        tpu.wait_indirect_dma semaphore(%arg21 : memref<!tpu.dma_semaphore, #tpu.memory_space<semaphore_mem>>) src(%dma_wait3A_388 : memref<10000x64xf32, #tpu.memory_space<hbm>>) dst(%arg15 : memref<80x64xf32, #tpu.memory_space<vmem>>)
        %dma_start3A_389 = arith.constant 0 : i32
        %dma_start3A_390 = tpu.memref_slice %arg10[%add3A_382, %dma_start3A_389] : memref<250x80xi32, #tpu.memory_space<vmem>> -> memref<1x80xi32, #tpu.memory_space<vmem>>
        %dma_start3A_391 = tpu.memref_squeeze %dma_start3A_390 : memref<1x80xi32, #tpu.memory_space<vmem>> -> memref<80xi32, #tpu.memory_space<vmem>>
        %dma_start3A_392 = arith.constant 0 : i32
        %dma_start3A_393 = arith.constant 0 : i32
        %dma_start3A_394 = tpu.memref_slice %arg8[%dma_start3A_392, %dma_start3A_393] : memref<10240x64xf32, #tpu.memory_space<vmem_shared>> -> memref<10240x64xf32, #tpu.memory_space<vmem_shared>>
        tpu.enqueue_indirect_dma source(%arg15 : memref<80x64xf32, #tpu.memory_space<vmem>>) target(%dma_start3A_394 : memref<10240x64xf32, #tpu.memory_space<vmem_shared>>) offsets(%dma_start3A_391 : memref<80xi32, #tpu.memory_space<vmem>>) semaphore(%arg26 : memref<!tpu.dma_semaphore, #tpu.memory_space<semaphore_mem>>) {add = true}
        %sub3A_395 = arith.constant 1 : i32
        %sub3A_396 = arith.subi %add3A_382, %sub3A_395 : i32
        %dma_wait3A_397 = arith.constant 0 : i32
        %dma_wait3A_398 = tpu.memref_slice %arg10[%sub3A_396, %dma_wait3A_397] : memref<250x80xi32, #tpu.memory_space<vmem>> -> memref<1x80xi32, #tpu.memory_space<vmem>>
        %dma_wait3A_399 = tpu.memref_squeeze %dma_wait3A_398 : memref<1x80xi32, #tpu.memory_space<vmem>> -> memref<80xi32, #tpu.memory_space<vmem>>
        %dma_wait3A_400 = arith.constant 0 : i32
        %dma_wait3A_401 = arith.constant 0 : i32
        %dma_wait3A_402 = tpu.memref_slice %arg8[%dma_wait3A_400, %dma_wait3A_401] : memref<10240x64xf32, #tpu.memory_space<vmem_shared>> -> memref<10240x64xf32, #tpu.memory_space<vmem_shared>>
        tpu.wait_indirect_dma semaphore(%arg25 : memref<!tpu.dma_semaphore, #tpu.memory_space<semaphore_mem>>) src(%arg14 : memref<80x64xf32, #tpu.memory_space<vmem>>) dst(%dma_wait3A_402 : memref<10240x64xf32, #tpu.memory_space<vmem_shared>>)
        %lt3A_403 = arith.constant 24 : i32
        %lt3A_404 = arith.cmpi slt, %scan3A_105, %lt3A_403 : i32
        %convert_element_type3A_405 = arith.extui %lt3A_404 : i1 to i32
        %cond3A_406 = arith.constant 0 : i32
        %cond3A_407 = arith.cmpi ne, %convert_element_type3A_405, %cond3A_406 : i32
        scf.if %cond3A_407 {
          %add3A_408 = arith.constant 4 : i32
          %add3A_409 = arith.addi %add3A_382, %add3A_408 : i32
          %dma_start3A_410 = arith.constant 0 : i32
          %dma_start3A_411 = tpu.memref_slice %arg9[%add3A_409, %dma_start3A_410] : memref<250x80xi32, #tpu.memory_space<vmem>> -> memref<1x80xi32, #tpu.memory_space<vmem>>
          %dma_start3A_412 = tpu.memref_squeeze %dma_start3A_411 : memref<1x80xi32, #tpu.memory_space<vmem>> -> memref<80xi32, #tpu.memory_space<vmem>>
          %dma_start3A_413 = arith.constant 0 : i32
          %dma_start3A_414 = arith.constant 0 : i32
          %dma_start3A_415 = tpu.memref_slice %arg2[%dma_start3A_413, %dma_start3A_414] : memref<10000x64xf32, #tpu.memory_space<hbm>> -> memref<10000x64xf32, #tpu.memory_space<hbm>>
          tpu.enqueue_indirect_dma source(%dma_start3A_415 : memref<10000x64xf32, #tpu.memory_space<hbm>>) target(%arg14 : memref<80x64xf32, #tpu.memory_space<vmem>>) offsets(%dma_start3A_412 : memref<80xi32, #tpu.memory_space<vmem>>) semaphore(%arg20 : memref<!tpu.dma_semaphore, #tpu.memory_space<semaphore_mem>>)
        } else {
        }
      }
      %scan3A_97 = arith.constant 25 : i32
      %dma_wait3A = arith.constant 249 : i32
      %dma_wait3A_98 = arith.constant 0 : i32
      %dma_wait3A_99 = tpu.memref_slice %arg10[%dma_wait3A, %dma_wait3A_98] : memref<250x80xi32, #tpu.memory_space<vmem>> -> memref<1x80xi32, #tpu.memory_space<vmem>>
      %dma_wait3A_100 = tpu.memref_squeeze %dma_wait3A_99 : memref<1x80xi32, #tpu.memory_space<vmem>> -> memref<80xi32, #tpu.memory_space<vmem>>
      %dma_wait3A_101 = arith.constant 0 : i32
      %dma_wait3A_102 = arith.constant 0 : i32
      %dma_wait3A_103 = tpu.memref_slice %arg8[%dma_wait3A_101, %dma_wait3A_102] : memref<10240x64xf32, #tpu.memory_space<vmem_shared>> -> memref<10240x64xf32, #tpu.memory_space<vmem_shared>>
      tpu.wait_indirect_dma semaphore(%arg26 : memref<!tpu.dma_semaphore, #tpu.memory_space<semaphore_mem>>) src(%arg15 : memref<80x64xf32, #tpu.memory_space<vmem>>) dst(%dma_wait3A_103 : memref<10240x64xf32, #tpu.memory_space<vmem_shared>>)
      %scan3A_104 = arith.constant 1 : i32
    } else {
    }
    %eq3A_43 = arith.constant 1 : i32
    %eq3A_44 = arith.cmpi eq, %arg0, %eq3A_43 : i32
    %convert_element_type3A_45 = arith.extui %eq3A_44 : i1 to i32
    %cond3A_46 = arith.constant 0 : i32
    %cond3A_47 = arith.cmpi ne, %convert_element_type3A_45, %cond3A_46 : i32
    scf.if %cond3A_47 {
      %scan3A_59 = arith.constant 0 : i32
      %scan3A_60 = arith.constant 0 : i32
      %mul3A_61 = arith.constant 250 : i32
      %mul3A_62 = arith.muli %scan3A_60, %mul3A_61 : i32
      "tpu.region"() ({
        %run_scoped3A = tpu.sem_alloc : memref<!tpu.dma_semaphore, #tpu.memory_space<semaphore_mem>>
        %dma_start3A_105 = arith.constant 0 : i32
        %dma_start3A_106 = tpu.memref_slice %arg4[%arg1, %mul3A_62, %dma_start3A_105] : memref<16x250x80xi32, #tpu.memory_space<hbm>> -> memref<1x250x80xi32, #tpu.memory_space<hbm>>
        %dma_start3A_107 = tpu.memref_squeeze %dma_start3A_106 : memref<1x250x80xi32, #tpu.memory_space<hbm>> -> memref<250x80xi32, #tpu.memory_space<hbm>>
        %dma_start3A_108 = arith.constant 0 : i32
        %dma_start3A_109 = tpu.memref_slice %arg4[%arg1, %mul3A_62, %dma_start3A_108] : memref<16x250x80xi32, #tpu.memory_space<hbm>> -> memref<1x250x80xi32, #tpu.memory_space<hbm>>
        %dma_start3A_110 = tpu.memref_squeeze %dma_start3A_109 : memref<1x250x80xi32, #tpu.memory_space<hbm>> -> memref<250x80xi32, #tpu.memory_space<hbm>>
        tpu.enqueue_dma source(%dma_start3A_110 : memref<250x80xi32, #tpu.memory_space<hbm>>) target(%arg9 : memref<250x80xi32, #tpu.memory_space<vmem>>) target_semaphore(%run_scoped3A : memref<!tpu.dma_semaphore, #tpu.memory_space<semaphore_mem>>)
        %dma_wait3A_111 = arith.constant 0 : i32
        %dma_wait3A_112 = tpu.memref_slice %arg4[%arg1, %mul3A_62, %dma_wait3A_111] : memref<16x250x80xi32, #tpu.memory_space<hbm>> -> memref<1x250x80xi32, #tpu.memory_space<hbm>>
        %dma_wait3A_113 = tpu.memref_squeeze %dma_wait3A_112 : memref<1x250x80xi32, #tpu.memory_space<hbm>> -> memref<250x80xi32, #tpu.memory_space<hbm>>
        %dma_wait3A_114 = arith.constant 0 : i32
        %dma_wait3A_115 = tpu.memref_slice %arg4[%arg1, %mul3A_62, %dma_wait3A_114] : memref<16x250x80xi32, #tpu.memory_space<hbm>> -> memref<1x250x80xi32, #tpu.memory_space<hbm>>
        %dma_wait3A_116 = tpu.memref_squeeze %dma_wait3A_115 : memref<1x250x80xi32, #tpu.memory_space<hbm>> -> memref<250x80xi32, #tpu.memory_space<hbm>>
        tpu.wait_dma2 semaphore(%run_scoped3A : memref<!tpu.dma_semaphore, #tpu.memory_space<semaphore_mem>>) src(%dma_wait3A_116 : memref<250x80xi32, #tpu.memory_space<hbm>>) dst(%arg9 : memref<250x80xi32, #tpu.memory_space<vmem>>)
        tpu.yield
      }) : () -> ()
      %mul3A_63 = arith.constant 250 : i32
      %mul3A_64 = arith.muli %scan3A_60, %mul3A_63 : i32
      "tpu.region"() ({
        %run_scoped3A = tpu.sem_alloc : memref<!tpu.dma_semaphore, #tpu.memory_space<semaphore_mem>>
        %dma_start3A_105 = arith.constant 0 : i32
        %dma_start3A_106 = tpu.memref_slice %arg5[%arg1, %mul3A_64, %dma_start3A_105] : memref<16x250x80xi32, #tpu.memory_space<hbm>> -> memref<1x250x80xi32, #tpu.memory_space<hbm>>
        %dma_start3A_107 = tpu.memref_squeeze %dma_start3A_106 : memref<1x250x80xi32, #tpu.memory_space<hbm>> -> memref<250x80xi32, #tpu.memory_space<hbm>>
        %dma_start3A_108 = arith.constant 0 : i32
        %dma_start3A_109 = tpu.memref_slice %arg5[%arg1, %mul3A_64, %dma_start3A_108] : memref<16x250x80xi32, #tpu.memory_space<hbm>> -> memref<1x250x80xi32, #tpu.memory_space<hbm>>
        %dma_start3A_110 = tpu.memref_squeeze %dma_start3A_109 : memref<1x250x80xi32, #tpu.memory_space<hbm>> -> memref<250x80xi32, #tpu.memory_space<hbm>>
        tpu.enqueue_dma source(%dma_start3A_110 : memref<250x80xi32, #tpu.memory_space<hbm>>) target(%arg10 : memref<250x80xi32, #tpu.memory_space<vmem>>) target_semaphore(%run_scoped3A : memref<!tpu.dma_semaphore, #tpu.memory_space<semaphore_mem>>)
        %dma_wait3A_111 = arith.constant 0 : i32
        %dma_wait3A_112 = tpu.memref_slice %arg5[%arg1, %mul3A_64, %dma_wait3A_111] : memref<16x250x80xi32, #tpu.memory_space<hbm>> -> memref<1x250x80xi32, #tpu.memory_space<hbm>>
        %dma_wait3A_113 = tpu.memref_squeeze %dma_wait3A_112 : memref<1x250x80xi32, #tpu.memory_space<hbm>> -> memref<250x80xi32, #tpu.memory_space<hbm>>
        %dma_wait3A_114 = arith.constant 0 : i32
        %dma_wait3A_115 = tpu.memref_slice %arg5[%arg1, %mul3A_64, %dma_wait3A_114] : memref<16x250x80xi32, #tpu.memory_space<hbm>> -> memref<1x250x80xi32, #tpu.memory_space<hbm>>
        %dma_wait3A_116 = tpu.memref_squeeze %dma_wait3A_115 : memref<1x250x80xi32, #tpu.memory_space<hbm>> -> memref<250x80xi32, #tpu.memory_space<hbm>>
        tpu.wait_dma2 semaphore(%run_scoped3A : memref<!tpu.dma_semaphore, #tpu.memory_space<semaphore_mem>>) src(%dma_wait3A_116 : memref<250x80xi32, #tpu.memory_space<hbm>>) dst(%arg10 : memref<250x80xi32, #tpu.memory_space<vmem>>)
        tpu.yield
      }) : () -> ()
      %dma_start3A = arith.constant 0 : i32
      %dma_start3A_65 = arith.constant 0 : i32
      %dma_start3A_66 = tpu.memref_slice %arg9[%dma_start3A, %dma_start3A_65] : memref<250x80xi32, #tpu.memory_space<vmem>> -> memref<1x80xi32, #tpu.memory_space<vmem>>
      %dma_start3A_67 = tpu.memref_squeeze %dma_start3A_66 : memref<1x80xi32, #tpu.memory_space<vmem>> -> memref<80xi32, #tpu.memory_space<vmem>>
      %dma_start3A_68 = arith.constant 0 : i32
      %dma_start3A_69 = arith.constant 0 : i32
      %dma_start3A_70 = tpu.memref_slice %arg3[%dma_start3A_68, %dma_start3A_69] : memref<10000x64xf32, #tpu.memory_space<hbm>> -> memref<10000x64xf32, #tpu.memory_space<hbm>>
      tpu.enqueue_indirect_dma source(%dma_start3A_70 : memref<10000x64xf32, #tpu.memory_space<hbm>>) target(%arg11 : memref<80x64xf32, #tpu.memory_space<vmem>>) offsets(%dma_start3A_67 : memref<80xi32, #tpu.memory_space<vmem>>) semaphore(%arg17 : memref<!tpu.dma_semaphore, #tpu.memory_space<semaphore_mem>>)
      %dma_start3A_71 = arith.constant 1 : i32
      %dma_start3A_72 = arith.constant 0 : i32
      %dma_start3A_73 = tpu.memref_slice %arg9[%dma_start3A_71, %dma_start3A_72] : memref<250x80xi32, #tpu.memory_space<vmem>> -> memref<1x80xi32, #tpu.memory_space<vmem>>
      %dma_start3A_74 = tpu.memref_squeeze %dma_start3A_73 : memref<1x80xi32, #tpu.memory_space<vmem>> -> memref<80xi32, #tpu.memory_space<vmem>>
      %dma_start3A_75 = arith.constant 0 : i32
      %dma_start3A_76 = arith.constant 0 : i32
      %dma_start3A_77 = tpu.memref_slice %arg3[%dma_start3A_75, %dma_start3A_76] : memref<10000x64xf32, #tpu.memory_space<hbm>> -> memref<10000x64xf32, #tpu.memory_space<hbm>>
      tpu.enqueue_indirect_dma source(%dma_start3A_77 : memref<10000x64xf32, #tpu.memory_space<hbm>>) target(%arg12 : memref<80x64xf32, #tpu.memory_space<vmem>>) offsets(%dma_start3A_74 : memref<80xi32, #tpu.memory_space<vmem>>) semaphore(%arg18 : memref<!tpu.dma_semaphore, #tpu.memory_space<semaphore_mem>>)
      %dma_start3A_78 = arith.constant 2 : i32
      %dma_start3A_79 = arith.constant 0 : i32
      %dma_start3A_80 = tpu.memref_slice %arg9[%dma_start3A_78, %dma_start3A_79] : memref<250x80xi32, #tpu.memory_space<vmem>> -> memref<1x80xi32, #tpu.memory_space<vmem>>
      %dma_start3A_81 = tpu.memref_squeeze %dma_start3A_80 : memref<1x80xi32, #tpu.memory_space<vmem>> -> memref<80xi32, #tpu.memory_space<vmem>>
      %dma_start3A_82 = arith.constant 0 : i32
      %dma_start3A_83 = arith.constant 0 : i32
      %dma_start3A_84 = tpu.memref_slice %arg3[%dma_start3A_82, %dma_start3A_83] : memref<10000x64xf32, #tpu.memory_space<hbm>> -> memref<10000x64xf32, #tpu.memory_space<hbm>>
      tpu.enqueue_indirect_dma source(%dma_start3A_84 : memref<10000x64xf32, #tpu.memory_space<hbm>>) target(%arg13 : memref<80x64xf32, #tpu.memory_space<vmem>>) offsets(%dma_start3A_81 : memref<80xi32, #tpu.memory_space<vmem>>) semaphore(%arg19 : memref<!tpu.dma_semaphore, #tpu.memory_space<semaphore_mem>>)
      %dma_start3A_85 = arith.constant 3 : i32
      %dma_start3A_86 = arith.constant 0 : i32
      %dma_start3A_87 = tpu.memref_slice %arg9[%dma_start3A_85, %dma_start3A_86] : memref<250x80xi32, #tpu.memory_space<vmem>> -> memref<1x80xi32, #tpu.memory_space<vmem>>
      %dma_start3A_88 = tpu.memref_squeeze %dma_start3A_87 : memref<1x80xi32, #tpu.memory_space<vmem>> -> memref<80xi32, #tpu.memory_space<vmem>>
      %dma_start3A_89 = arith.constant 0 : i32
      %dma_start3A_90 = arith.constant 0 : i32
      %dma_start3A_91 = tpu.memref_slice %arg3[%dma_start3A_89, %dma_start3A_90] : memref<10000x64xf32, #tpu.memory_space<hbm>> -> memref<10000x64xf32, #tpu.memory_space<hbm>>
      tpu.enqueue_indirect_dma source(%dma_start3A_91 : memref<10000x64xf32, #tpu.memory_space<hbm>>) target(%arg14 : memref<80x64xf32, #tpu.memory_space<vmem>>) offsets(%dma_start3A_88 : memref<80xi32, #tpu.memory_space<vmem>>) semaphore(%arg20 : memref<!tpu.dma_semaphore, #tpu.memory_space<semaphore_mem>>)
      %scan3A_92 = arith.constant 0 : i32
      %scan3A_93 = arith.constant 0 : i32
      %scan3A_94 = arith.constant 25 : i32
      %scan3A_95 = arith.addi %scan3A_93, %scan3A_94 : i32
      %scan3A_96 = arith.constant 1 : i32
      scf.for %scan3A_105 = %scan3A_93 to %scan3A_95 step %scan3A_96  : i32 {
        %mul3A_106 = arith.constant 10 : i32
        %mul3A_107 = arith.muli %scan3A_105, %mul3A_106 : i32
        %add3A_108 = arith.constant 0 : i32
        %add3A_109 = arith.addi %mul3A_107, %add3A_108 : i32
        %dma_wait3A_110 = arith.constant 0 : i32
        %dma_wait3A_111 = tpu.memref_slice %arg9[%add3A_109, %dma_wait3A_110] : memref<250x80xi32, #tpu.memory_space<vmem>> -> memref<1x80xi32, #tpu.memory_space<vmem>>
        %dma_wait3A_112 = tpu.memref_squeeze %dma_wait3A_111 : memref<1x80xi32, #tpu.memory_space<vmem>> -> memref<80xi32, #tpu.memory_space<vmem>>
        %dma_wait3A_113 = arith.constant 0 : i32
        %dma_wait3A_114 = arith.constant 0 : i32
        %dma_wait3A_115 = tpu.memref_slice %arg3[%dma_wait3A_113, %dma_wait3A_114] : memref<10000x64xf32, #tpu.memory_space<hbm>> -> memref<10000x64xf32, #tpu.memory_space<hbm>>
        tpu.wait_indirect_dma semaphore(%arg17 : memref<!tpu.dma_semaphore, #tpu.memory_space<semaphore_mem>>) src(%dma_wait3A_115 : memref<10000x64xf32, #tpu.memory_space<hbm>>) dst(%arg11 : memref<80x64xf32, #tpu.memory_space<vmem>>)
        %dma_start3A_116 = arith.constant 0 : i32
        %dma_start3A_117 = tpu.memref_slice %arg10[%add3A_109, %dma_start3A_116] : memref<250x80xi32, #tpu.memory_space<vmem>> -> memref<1x80xi32, #tpu.memory_space<vmem>>
        %dma_start3A_118 = tpu.memref_squeeze %dma_start3A_117 : memref<1x80xi32, #tpu.memory_space<vmem>> -> memref<80xi32, #tpu.memory_space<vmem>>
        %dma_start3A_119 = arith.constant 0 : i32
        %dma_start3A_120 = arith.constant 0 : i32
        %dma_start3A_121 = tpu.memref_slice %arg8[%dma_start3A_119, %dma_start3A_120] : memref<10240x64xf32, #tpu.memory_space<vmem_shared>> -> memref<10240x64xf32, #tpu.memory_space<vmem_shared>>
        tpu.enqueue_indirect_dma source(%arg11 : memref<80x64xf32, #tpu.memory_space<vmem>>) target(%dma_start3A_121 : memref<10240x64xf32, #tpu.memory_space<vmem_shared>>) offsets(%dma_start3A_118 : memref<80xi32, #tpu.memory_space<vmem>>) semaphore(%arg22 : memref<!tpu.dma_semaphore, #tpu.memory_space<semaphore_mem>>) {add = true}
        %gt3A = arith.constant 0 : i32
        %gt3A_122 = arith.cmpi sgt, %scan3A_105, %gt3A : i32
        %convert_element_type3A_123 = arith.extui %gt3A_122 : i1 to i32
        %cond3A_124 = arith.constant 0 : i32
        %cond3A_125 = arith.cmpi ne, %convert_element_type3A_123, %cond3A_124 : i32
        scf.if %cond3A_125 {
          %sub3A_408 = arith.constant 1 : i32
          %sub3A_409 = arith.subi %add3A_109, %sub3A_408 : i32
          %dma_wait3A_410 = arith.constant 0 : i32
          %dma_wait3A_411 = tpu.memref_slice %arg10[%sub3A_409, %dma_wait3A_410] : memref<250x80xi32, #tpu.memory_space<vmem>> -> memref<1x80xi32, #tpu.memory_space<vmem>>
          %dma_wait3A_412 = tpu.memref_squeeze %dma_wait3A_411 : memref<1x80xi32, #tpu.memory_space<vmem>> -> memref<80xi32, #tpu.memory_space<vmem>>
          %dma_wait3A_413 = arith.constant 0 : i32
          %dma_wait3A_414 = arith.constant 0 : i32
          %dma_wait3A_415 = tpu.memref_slice %arg8[%dma_wait3A_413, %dma_wait3A_414] : memref<10240x64xf32, #tpu.memory_space<vmem_shared>> -> memref<10240x64xf32, #tpu.memory_space<vmem_shared>>
          tpu.wait_indirect_dma semaphore(%arg26 : memref<!tpu.dma_semaphore, #tpu.memory_space<semaphore_mem>>) src(%arg15 : memref<80x64xf32, #tpu.memory_space<vmem>>) dst(%dma_wait3A_415 : memref<10240x64xf32, #tpu.memory_space<vmem_shared>>)
        } else {
        }
        %add3A_126 = arith.constant 4 : i32
        %add3A_127 = arith.addi %add3A_109, %add3A_126 : i32
        %dma_start3A_128 = arith.constant 0 : i32
        %dma_start3A_129 = tpu.memref_slice %arg9[%add3A_127, %dma_start3A_128] : memref<250x80xi32, #tpu.memory_space<vmem>> -> memref<1x80xi32, #tpu.memory_space<vmem>>
        %dma_start3A_130 = tpu.memref_squeeze %dma_start3A_129 : memref<1x80xi32, #tpu.memory_space<vmem>> -> memref<80xi32, #tpu.memory_space<vmem>>
        %dma_start3A_131 = arith.constant 0 : i32
        %dma_start3A_132 = arith.constant 0 : i32
        %dma_start3A_133 = tpu.memref_slice %arg3[%dma_start3A_131, %dma_start3A_132] : memref<10000x64xf32, #tpu.memory_space<hbm>> -> memref<10000x64xf32, #tpu.memory_space<hbm>>
        tpu.enqueue_indirect_dma source(%dma_start3A_133 : memref<10000x64xf32, #tpu.memory_space<hbm>>) target(%arg15 : memref<80x64xf32, #tpu.memory_space<vmem>>) offsets(%dma_start3A_130 : memref<80xi32, #tpu.memory_space<vmem>>) semaphore(%arg21 : memref<!tpu.dma_semaphore, #tpu.memory_space<semaphore_mem>>)
        %mul3A_134 = arith.constant 10 : i32
        %mul3A_135 = arith.muli %scan3A_105, %mul3A_134 : i32
        %add3A_136 = arith.constant 1 : i32
        %add3A_137 = arith.addi %mul3A_135, %add3A_136 : i32
        %dma_wait3A_138 = arith.constant 0 : i32
        %dma_wait3A_139 = tpu.memref_slice %arg9[%add3A_137, %dma_wait3A_138] : memref<250x80xi32, #tpu.memory_space<vmem>> -> memref<1x80xi32, #tpu.memory_space<vmem>>
        %dma_wait3A_140 = tpu.memref_squeeze %dma_wait3A_139 : memref<1x80xi32, #tpu.memory_space<vmem>> -> memref<80xi32, #tpu.memory_space<vmem>>
        %dma_wait3A_141 = arith.constant 0 : i32
        %dma_wait3A_142 = arith.constant 0 : i32
        %dma_wait3A_143 = tpu.memref_slice %arg3[%dma_wait3A_141, %dma_wait3A_142] : memref<10000x64xf32, #tpu.memory_space<hbm>> -> memref<10000x64xf32, #tpu.memory_space<hbm>>
        tpu.wait_indirect_dma semaphore(%arg18 : memref<!tpu.dma_semaphore, #tpu.memory_space<semaphore_mem>>) src(%dma_wait3A_143 : memref<10000x64xf32, #tpu.memory_space<hbm>>) dst(%arg12 : memref<80x64xf32, #tpu.memory_space<vmem>>)
        %dma_start3A_144 = arith.constant 0 : i32
        %dma_start3A_145 = tpu.memref_slice %arg10[%add3A_137, %dma_start3A_144] : memref<250x80xi32, #tpu.memory_space<vmem>> -> memref<1x80xi32, #tpu.memory_space<vmem>>
        %dma_start3A_146 = tpu.memref_squeeze %dma_start3A_145 : memref<1x80xi32, #tpu.memory_space<vmem>> -> memref<80xi32, #tpu.memory_space<vmem>>
        %dma_start3A_147 = arith.constant 0 : i32
        %dma_start3A_148 = arith.constant 0 : i32
        %dma_start3A_149 = tpu.memref_slice %arg8[%dma_start3A_147, %dma_start3A_148] : memref<10240x64xf32, #tpu.memory_space<vmem_shared>> -> memref<10240x64xf32, #tpu.memory_space<vmem_shared>>
        tpu.enqueue_indirect_dma source(%arg12 : memref<80x64xf32, #tpu.memory_space<vmem>>) target(%dma_start3A_149 : memref<10240x64xf32, #tpu.memory_space<vmem_shared>>) offsets(%dma_start3A_146 : memref<80xi32, #tpu.memory_space<vmem>>) semaphore(%arg23 : memref<!tpu.dma_semaphore, #tpu.memory_space<semaphore_mem>>) {add = true}
        %sub3A = arith.constant 1 : i32
        %sub3A_150 = arith.subi %add3A_137, %sub3A : i32
        %dma_wait3A_151 = arith.constant 0 : i32
        %dma_wait3A_152 = tpu.memref_slice %arg10[%sub3A_150, %dma_wait3A_151] : memref<250x80xi32, #tpu.memory_space<vmem>> -> memref<1x80xi32, #tpu.memory_space<vmem>>
        %dma_wait3A_153 = tpu.memref_squeeze %dma_wait3A_152 : memref<1x80xi32, #tpu.memory_space<vmem>> -> memref<80xi32, #tpu.memory_space<vmem>>
        %dma_wait3A_154 = arith.constant 0 : i32
        %dma_wait3A_155 = arith.constant 0 : i32
        %dma_wait3A_156 = tpu.memref_slice %arg8[%dma_wait3A_154, %dma_wait3A_155] : memref<10240x64xf32, #tpu.memory_space<vmem_shared>> -> memref<10240x64xf32, #tpu.memory_space<vmem_shared>>
        tpu.wait_indirect_dma semaphore(%arg22 : memref<!tpu.dma_semaphore, #tpu.memory_space<semaphore_mem>>) src(%arg11 : memref<80x64xf32, #tpu.memory_space<vmem>>) dst(%dma_wait3A_156 : memref<10240x64xf32, #tpu.memory_space<vmem_shared>>)
        %add3A_157 = arith.constant 4 : i32
        %add3A_158 = arith.addi %add3A_137, %add3A_157 : i32
        %dma_start3A_159 = arith.constant 0 : i32
        %dma_start3A_160 = tpu.memref_slice %arg9[%add3A_158, %dma_start3A_159] : memref<250x80xi32, #tpu.memory_space<vmem>> -> memref<1x80xi32, #tpu.memory_space<vmem>>
        %dma_start3A_161 = tpu.memref_squeeze %dma_start3A_160 : memref<1x80xi32, #tpu.memory_space<vmem>> -> memref<80xi32, #tpu.memory_space<vmem>>
        %dma_start3A_162 = arith.constant 0 : i32
        %dma_start3A_163 = arith.constant 0 : i32
        %dma_start3A_164 = tpu.memref_slice %arg3[%dma_start3A_162, %dma_start3A_163] : memref<10000x64xf32, #tpu.memory_space<hbm>> -> memref<10000x64xf32, #tpu.memory_space<hbm>>
        tpu.enqueue_indirect_dma source(%dma_start3A_164 : memref<10000x64xf32, #tpu.memory_space<hbm>>) target(%arg11 : memref<80x64xf32, #tpu.memory_space<vmem>>) offsets(%dma_start3A_161 : memref<80xi32, #tpu.memory_space<vmem>>) semaphore(%arg17 : memref<!tpu.dma_semaphore, #tpu.memory_space<semaphore_mem>>)
        %mul3A_165 = arith.constant 10 : i32
        %mul3A_166 = arith.muli %scan3A_105, %mul3A_165 : i32
        %add3A_167 = arith.constant 2 : i32
        %add3A_168 = arith.addi %mul3A_166, %add3A_167 : i32
        %dma_wait3A_169 = arith.constant 0 : i32
        %dma_wait3A_170 = tpu.memref_slice %arg9[%add3A_168, %dma_wait3A_169] : memref<250x80xi32, #tpu.memory_space<vmem>> -> memref<1x80xi32, #tpu.memory_space<vmem>>
        %dma_wait3A_171 = tpu.memref_squeeze %dma_wait3A_170 : memref<1x80xi32, #tpu.memory_space<vmem>> -> memref<80xi32, #tpu.memory_space<vmem>>
        %dma_wait3A_172 = arith.constant 0 : i32
        %dma_wait3A_173 = arith.constant 0 : i32
        %dma_wait3A_174 = tpu.memref_slice %arg3[%dma_wait3A_172, %dma_wait3A_173] : memref<10000x64xf32, #tpu.memory_space<hbm>> -> memref<10000x64xf32, #tpu.memory_space<hbm>>
        tpu.wait_indirect_dma semaphore(%arg19 : memref<!tpu.dma_semaphore, #tpu.memory_space<semaphore_mem>>) src(%dma_wait3A_174 : memref<10000x64xf32, #tpu.memory_space<hbm>>) dst(%arg13 : memref<80x64xf32, #tpu.memory_space<vmem>>)
        %dma_start3A_175 = arith.constant 0 : i32
        %dma_start3A_176 = tpu.memref_slice %arg10[%add3A_168, %dma_start3A_175] : memref<250x80xi32, #tpu.memory_space<vmem>> -> memref<1x80xi32, #tpu.memory_space<vmem>>
        %dma_start3A_177 = tpu.memref_squeeze %dma_start3A_176 : memref<1x80xi32, #tpu.memory_space<vmem>> -> memref<80xi32, #tpu.memory_space<vmem>>
        %dma_start3A_178 = arith.constant 0 : i32
        %dma_start3A_179 = arith.constant 0 : i32
        %dma_start3A_180 = tpu.memref_slice %arg8[%dma_start3A_178, %dma_start3A_179] : memref<10240x64xf32, #tpu.memory_space<vmem_shared>> -> memref<10240x64xf32, #tpu.memory_space<vmem_shared>>
        tpu.enqueue_indirect_dma source(%arg13 : memref<80x64xf32, #tpu.memory_space<vmem>>) target(%dma_start3A_180 : memref<10240x64xf32, #tpu.memory_space<vmem_shared>>) offsets(%dma_start3A_177 : memref<80xi32, #tpu.memory_space<vmem>>) semaphore(%arg24 : memref<!tpu.dma_semaphore, #tpu.memory_space<semaphore_mem>>) {add = true}
        %sub3A_181 = arith.constant 1 : i32
        %sub3A_182 = arith.subi %add3A_168, %sub3A_181 : i32
        %dma_wait3A_183 = arith.constant 0 : i32
        %dma_wait3A_184 = tpu.memref_slice %arg10[%sub3A_182, %dma_wait3A_183] : memref<250x80xi32, #tpu.memory_space<vmem>> -> memref<1x80xi32, #tpu.memory_space<vmem>>
        %dma_wait3A_185 = tpu.memref_squeeze %dma_wait3A_184 : memref<1x80xi32, #tpu.memory_space<vmem>> -> memref<80xi32, #tpu.memory_space<vmem>>
        %dma_wait3A_186 = arith.constant 0 : i32
        %dma_wait3A_187 = arith.constant 0 : i32
        %dma_wait3A_188 = tpu.memref_slice %arg8[%dma_wait3A_186, %dma_wait3A_187] : memref<10240x64xf32, #tpu.memory_space<vmem_shared>> -> memref<10240x64xf32, #tpu.memory_space<vmem_shared>>
        tpu.wait_indirect_dma semaphore(%arg23 : memref<!tpu.dma_semaphore, #tpu.memory_space<semaphore_mem>>) src(%arg12 : memref<80x64xf32, #tpu.memory_space<vmem>>) dst(%dma_wait3A_188 : memref<10240x64xf32, #tpu.memory_space<vmem_shared>>)
        %add3A_189 = arith.constant 4 : i32
        %add3A_190 = arith.addi %add3A_168, %add3A_189 : i32
        %dma_start3A_191 = arith.constant 0 : i32
        %dma_start3A_192 = tpu.memref_slice %arg9[%add3A_190, %dma_start3A_191] : memref<250x80xi32, #tpu.memory_space<vmem>> -> memref<1x80xi32, #tpu.memory_space<vmem>>
        %dma_start3A_193 = tpu.memref_squeeze %dma_start3A_192 : memref<1x80xi32, #tpu.memory_space<vmem>> -> memref<80xi32, #tpu.memory_space<vmem>>
        %dma_start3A_194 = arith.constant 0 : i32
        %dma_start3A_195 = arith.constant 0 : i32
        %dma_start3A_196 = tpu.memref_slice %arg3[%dma_start3A_194, %dma_start3A_195] : memref<10000x64xf32, #tpu.memory_space<hbm>> -> memref<10000x64xf32, #tpu.memory_space<hbm>>
        tpu.enqueue_indirect_dma source(%dma_start3A_196 : memref<10000x64xf32, #tpu.memory_space<hbm>>) target(%arg12 : memref<80x64xf32, #tpu.memory_space<vmem>>) offsets(%dma_start3A_193 : memref<80xi32, #tpu.memory_space<vmem>>) semaphore(%arg18 : memref<!tpu.dma_semaphore, #tpu.memory_space<semaphore_mem>>)
        %mul3A_197 = arith.constant 10 : i32
        %mul3A_198 = arith.muli %scan3A_105, %mul3A_197 : i32
        %add3A_199 = arith.constant 3 : i32
        %add3A_200 = arith.addi %mul3A_198, %add3A_199 : i32
        %dma_wait3A_201 = arith.constant 0 : i32
        %dma_wait3A_202 = tpu.memref_slice %arg9[%add3A_200, %dma_wait3A_201] : memref<250x80xi32, #tpu.memory_space<vmem>> -> memref<1x80xi32, #tpu.memory_space<vmem>>
        %dma_wait3A_203 = tpu.memref_squeeze %dma_wait3A_202 : memref<1x80xi32, #tpu.memory_space<vmem>> -> memref<80xi32, #tpu.memory_space<vmem>>
        %dma_wait3A_204 = arith.constant 0 : i32
        %dma_wait3A_205 = arith.constant 0 : i32
        %dma_wait3A_206 = tpu.memref_slice %arg3[%dma_wait3A_204, %dma_wait3A_205] : memref<10000x64xf32, #tpu.memory_space<hbm>> -> memref<10000x64xf32, #tpu.memory_space<hbm>>
        tpu.wait_indirect_dma semaphore(%arg20 : memref<!tpu.dma_semaphore, #tpu.memory_space<semaphore_mem>>) src(%dma_wait3A_206 : memref<10000x64xf32, #tpu.memory_space<hbm>>) dst(%arg14 : memref<80x64xf32, #tpu.memory_space<vmem>>)
        %dma_start3A_207 = arith.constant 0 : i32
        %dma_start3A_208 = tpu.memref_slice %arg10[%add3A_200, %dma_start3A_207] : memref<250x80xi32, #tpu.memory_space<vmem>> -> memref<1x80xi32, #tpu.memory_space<vmem>>
        %dma_start3A_209 = tpu.memref_squeeze %dma_start3A_208 : memref<1x80xi32, #tpu.memory_space<vmem>> -> memref<80xi32, #tpu.memory_space<vmem>>
        %dma_start3A_210 = arith.constant 0 : i32
        %dma_start3A_211 = arith.constant 0 : i32
        %dma_start3A_212 = tpu.memref_slice %arg8[%dma_start3A_210, %dma_start3A_211] : memref<10240x64xf32, #tpu.memory_space<vmem_shared>> -> memref<10240x64xf32, #tpu.memory_space<vmem_shared>>
        tpu.enqueue_indirect_dma source(%arg14 : memref<80x64xf32, #tpu.memory_space<vmem>>) target(%dma_start3A_212 : memref<10240x64xf32, #tpu.memory_space<vmem_shared>>) offsets(%dma_start3A_209 : memref<80xi32, #tpu.memory_space<vmem>>) semaphore(%arg25 : memref<!tpu.dma_semaphore, #tpu.memory_space<semaphore_mem>>) {add = true}
        %sub3A_213 = arith.constant 1 : i32
        %sub3A_214 = arith.subi %add3A_200, %sub3A_213 : i32
        %dma_wait3A_215 = arith.constant 0 : i32
        %dma_wait3A_216 = tpu.memref_slice %arg10[%sub3A_214, %dma_wait3A_215] : memref<250x80xi32, #tpu.memory_space<vmem>> -> memref<1x80xi32, #tpu.memory_space<vmem>>
        %dma_wait3A_217 = tpu.memref_squeeze %dma_wait3A_216 : memref<1x80xi32, #tpu.memory_space<vmem>> -> memref<80xi32, #tpu.memory_space<vmem>>
        %dma_wait3A_218 = arith.constant 0 : i32
        %dma_wait3A_219 = arith.constant 0 : i32
        %dma_wait3A_220 = tpu.memref_slice %arg8[%dma_wait3A_218, %dma_wait3A_219] : memref<10240x64xf32, #tpu.memory_space<vmem_shared>> -> memref<10240x64xf32, #tpu.memory_space<vmem_shared>>
        tpu.wait_indirect_dma semaphore(%arg24 : memref<!tpu.dma_semaphore, #tpu.memory_space<semaphore_mem>>) src(%arg13 : memref<80x64xf32, #tpu.memory_space<vmem>>) dst(%dma_wait3A_220 : memref<10240x64xf32, #tpu.memory_space<vmem_shared>>)
        %add3A_221 = arith.constant 4 : i32
        %add3A_222 = arith.addi %add3A_200, %add3A_221 : i32
        %dma_start3A_223 = arith.constant 0 : i32
        %dma_start3A_224 = tpu.memref_slice %arg9[%add3A_222, %dma_start3A_223] : memref<250x80xi32, #tpu.memory_space<vmem>> -> memref<1x80xi32, #tpu.memory_space<vmem>>
        %dma_start3A_225 = tpu.memref_squeeze %dma_start3A_224 : memref<1x80xi32, #tpu.memory_space<vmem>> -> memref<80xi32, #tpu.memory_space<vmem>>
        %dma_start3A_226 = arith.constant 0 : i32
        %dma_start3A_227 = arith.constant 0 : i32
        %dma_start3A_228 = tpu.memref_slice %arg3[%dma_start3A_226, %dma_start3A_227] : memref<10000x64xf32, #tpu.memory_space<hbm>> -> memref<10000x64xf32, #tpu.memory_space<hbm>>
        tpu.enqueue_indirect_dma source(%dma_start3A_228 : memref<10000x64xf32, #tpu.memory_space<hbm>>) target(%arg13 : memref<80x64xf32, #tpu.memory_space<vmem>>) offsets(%dma_start3A_225 : memref<80xi32, #tpu.memory_space<vmem>>) semaphore(%arg19 : memref<!tpu.dma_semaphore, #tpu.memory_space<semaphore_mem>>)
        %mul3A_229 = arith.constant 10 : i32
        %mul3A_230 = arith.muli %scan3A_105, %mul3A_229 : i32
        %add3A_231 = arith.constant 4 : i32
        %add3A_232 = arith.addi %mul3A_230, %add3A_231 : i32
        %dma_wait3A_233 = arith.constant 0 : i32
        %dma_wait3A_234 = tpu.memref_slice %arg9[%add3A_232, %dma_wait3A_233] : memref<250x80xi32, #tpu.memory_space<vmem>> -> memref<1x80xi32, #tpu.memory_space<vmem>>
        %dma_wait3A_235 = tpu.memref_squeeze %dma_wait3A_234 : memref<1x80xi32, #tpu.memory_space<vmem>> -> memref<80xi32, #tpu.memory_space<vmem>>
        %dma_wait3A_236 = arith.constant 0 : i32
        %dma_wait3A_237 = arith.constant 0 : i32
        %dma_wait3A_238 = tpu.memref_slice %arg3[%dma_wait3A_236, %dma_wait3A_237] : memref<10000x64xf32, #tpu.memory_space<hbm>> -> memref<10000x64xf32, #tpu.memory_space<hbm>>
        tpu.wait_indirect_dma semaphore(%arg21 : memref<!tpu.dma_semaphore, #tpu.memory_space<semaphore_mem>>) src(%dma_wait3A_238 : memref<10000x64xf32, #tpu.memory_space<hbm>>) dst(%arg15 : memref<80x64xf32, #tpu.memory_space<vmem>>)
        %dma_start3A_239 = arith.constant 0 : i32
        %dma_start3A_240 = tpu.memref_slice %arg10[%add3A_232, %dma_start3A_239] : memref<250x80xi32, #tpu.memory_space<vmem>> -> memref<1x80xi32, #tpu.memory_space<vmem>>
        %dma_start3A_241 = tpu.memref_squeeze %dma_start3A_240 : memref<1x80xi32, #tpu.memory_space<vmem>> -> memref<80xi32, #tpu.memory_space<vmem>>
        %dma_start3A_242 = arith.constant 0 : i32
        %dma_start3A_243 = arith.constant 0 : i32
        %dma_start3A_244 = tpu.memref_slice %arg8[%dma_start3A_242, %dma_start3A_243] : memref<10240x64xf32, #tpu.memory_space<vmem_shared>> -> memref<10240x64xf32, #tpu.memory_space<vmem_shared>>
        tpu.enqueue_indirect_dma source(%arg15 : memref<80x64xf32, #tpu.memory_space<vmem>>) target(%dma_start3A_244 : memref<10240x64xf32, #tpu.memory_space<vmem_shared>>) offsets(%dma_start3A_241 : memref<80xi32, #tpu.memory_space<vmem>>) semaphore(%arg26 : memref<!tpu.dma_semaphore, #tpu.memory_space<semaphore_mem>>) {add = true}
        %sub3A_245 = arith.constant 1 : i32
        %sub3A_246 = arith.subi %add3A_232, %sub3A_245 : i32
        %dma_wait3A_247 = arith.constant 0 : i32
        %dma_wait3A_248 = tpu.memref_slice %arg10[%sub3A_246, %dma_wait3A_247] : memref<250x80xi32, #tpu.memory_space<vmem>> -> memref<1x80xi32, #tpu.memory_space<vmem>>
        %dma_wait3A_249 = tpu.memref_squeeze %dma_wait3A_248 : memref<1x80xi32, #tpu.memory_space<vmem>> -> memref<80xi32, #tpu.memory_space<vmem>>
        %dma_wait3A_250 = arith.constant 0 : i32
        %dma_wait3A_251 = arith.constant 0 : i32
        %dma_wait3A_252 = tpu.memref_slice %arg8[%dma_wait3A_250, %dma_wait3A_251] : memref<10240x64xf32, #tpu.memory_space<vmem_shared>> -> memref<10240x64xf32, #tpu.memory_space<vmem_shared>>
        tpu.wait_indirect_dma semaphore(%arg25 : memref<!tpu.dma_semaphore, #tpu.memory_space<semaphore_mem>>) src(%arg14 : memref<80x64xf32, #tpu.memory_space<vmem>>) dst(%dma_wait3A_252 : memref<10240x64xf32, #tpu.memory_space<vmem_shared>>)
        %add3A_253 = arith.constant 4 : i32
        %add3A_254 = arith.addi %add3A_232, %add3A_253 : i32
        %dma_start3A_255 = arith.constant 0 : i32
        %dma_start3A_256 = tpu.memref_slice %arg9[%add3A_254, %dma_start3A_255] : memref<250x80xi32, #tpu.memory_space<vmem>> -> memref<1x80xi32, #tpu.memory_space<vmem>>
        %dma_start3A_257 = tpu.memref_squeeze %dma_start3A_256 : memref<1x80xi32, #tpu.memory_space<vmem>> -> memref<80xi32, #tpu.memory_space<vmem>>
        %dma_start3A_258 = arith.constant 0 : i32
        %dma_start3A_259 = arith.constant 0 : i32
        %dma_start3A_260 = tpu.memref_slice %arg3[%dma_start3A_258, %dma_start3A_259] : memref<10000x64xf32, #tpu.memory_space<hbm>> -> memref<10000x64xf32, #tpu.memory_space<hbm>>
        tpu.enqueue_indirect_dma source(%dma_start3A_260 : memref<10000x64xf32, #tpu.memory_space<hbm>>) target(%arg14 : memref<80x64xf32, #tpu.memory_space<vmem>>) offsets(%dma_start3A_257 : memref<80xi32, #tpu.memory_space<vmem>>) semaphore(%arg20 : memref<!tpu.dma_semaphore, #tpu.memory_space<semaphore_mem>>)
        %mul3A_261 = arith.constant 10 : i32
        %mul3A_262 = arith.muli %scan3A_105, %mul3A_261 : i32
        %add3A_263 = arith.constant 5 : i32
        %add3A_264 = arith.addi %mul3A_262, %add3A_263 : i32
        %dma_wait3A_265 = arith.constant 0 : i32
        %dma_wait3A_266 = tpu.memref_slice %arg9[%add3A_264, %dma_wait3A_265] : memref<250x80xi32, #tpu.memory_space<vmem>> -> memref<1x80xi32, #tpu.memory_space<vmem>>
        %dma_wait3A_267 = tpu.memref_squeeze %dma_wait3A_266 : memref<1x80xi32, #tpu.memory_space<vmem>> -> memref<80xi32, #tpu.memory_space<vmem>>
        %dma_wait3A_268 = arith.constant 0 : i32
        %dma_wait3A_269 = arith.constant 0 : i32
        %dma_wait3A_270 = tpu.memref_slice %arg3[%dma_wait3A_268, %dma_wait3A_269] : memref<10000x64xf32, #tpu.memory_space<hbm>> -> memref<10000x64xf32, #tpu.memory_space<hbm>>
        tpu.wait_indirect_dma semaphore(%arg17 : memref<!tpu.dma_semaphore, #tpu.memory_space<semaphore_mem>>) src(%dma_wait3A_270 : memref<10000x64xf32, #tpu.memory_space<hbm>>) dst(%arg11 : memref<80x64xf32, #tpu.memory_space<vmem>>)
        %dma_start3A_271 = arith.constant 0 : i32
        %dma_start3A_272 = tpu.memref_slice %arg10[%add3A_264, %dma_start3A_271] : memref<250x80xi32, #tpu.memory_space<vmem>> -> memref<1x80xi32, #tpu.memory_space<vmem>>
        %dma_start3A_273 = tpu.memref_squeeze %dma_start3A_272 : memref<1x80xi32, #tpu.memory_space<vmem>> -> memref<80xi32, #tpu.memory_space<vmem>>
        %dma_start3A_274 = arith.constant 0 : i32
        %dma_start3A_275 = arith.constant 0 : i32
        %dma_start3A_276 = tpu.memref_slice %arg8[%dma_start3A_274, %dma_start3A_275] : memref<10240x64xf32, #tpu.memory_space<vmem_shared>> -> memref<10240x64xf32, #tpu.memory_space<vmem_shared>>
        tpu.enqueue_indirect_dma source(%arg11 : memref<80x64xf32, #tpu.memory_space<vmem>>) target(%dma_start3A_276 : memref<10240x64xf32, #tpu.memory_space<vmem_shared>>) offsets(%dma_start3A_273 : memref<80xi32, #tpu.memory_space<vmem>>) semaphore(%arg22 : memref<!tpu.dma_semaphore, #tpu.memory_space<semaphore_mem>>) {add = true}
        %sub3A_277 = arith.constant 1 : i32
        %sub3A_278 = arith.subi %add3A_264, %sub3A_277 : i32
        %dma_wait3A_279 = arith.constant 0 : i32
        %dma_wait3A_280 = tpu.memref_slice %arg10[%sub3A_278, %dma_wait3A_279] : memref<250x80xi32, #tpu.memory_space<vmem>> -> memref<1x80xi32, #tpu.memory_space<vmem>>
        %dma_wait3A_281 = tpu.memref_squeeze %dma_wait3A_280 : memref<1x80xi32, #tpu.memory_space<vmem>> -> memref<80xi32, #tpu.memory_space<vmem>>
        %dma_wait3A_282 = arith.constant 0 : i32
        %dma_wait3A_283 = arith.constant 0 : i32
        %dma_wait3A_284 = tpu.memref_slice %arg8[%dma_wait3A_282, %dma_wait3A_283] : memref<10240x64xf32, #tpu.memory_space<vmem_shared>> -> memref<10240x64xf32, #tpu.memory_space<vmem_shared>>
        tpu.wait_indirect_dma semaphore(%arg26 : memref<!tpu.dma_semaphore, #tpu.memory_space<semaphore_mem>>) src(%arg15 : memref<80x64xf32, #tpu.memory_space<vmem>>) dst(%dma_wait3A_284 : memref<10240x64xf32, #tpu.memory_space<vmem_shared>>)
        %add3A_285 = arith.constant 4 : i32
        %add3A_286 = arith.addi %add3A_264, %add3A_285 : i32
        %dma_start3A_287 = arith.constant 0 : i32
        %dma_start3A_288 = tpu.memref_slice %arg9[%add3A_286, %dma_start3A_287] : memref<250x80xi32, #tpu.memory_space<vmem>> -> memref<1x80xi32, #tpu.memory_space<vmem>>
        %dma_start3A_289 = tpu.memref_squeeze %dma_start3A_288 : memref<1x80xi32, #tpu.memory_space<vmem>> -> memref<80xi32, #tpu.memory_space<vmem>>
        %dma_start3A_290 = arith.constant 0 : i32
        %dma_start3A_291 = arith.constant 0 : i32
        %dma_start3A_292 = tpu.memref_slice %arg3[%dma_start3A_290, %dma_start3A_291] : memref<10000x64xf32, #tpu.memory_space<hbm>> -> memref<10000x64xf32, #tpu.memory_space<hbm>>
        tpu.enqueue_indirect_dma source(%dma_start3A_292 : memref<10000x64xf32, #tpu.memory_space<hbm>>) target(%arg15 : memref<80x64xf32, #tpu.memory_space<vmem>>) offsets(%dma_start3A_289 : memref<80xi32, #tpu.memory_space<vmem>>) semaphore(%arg21 : memref<!tpu.dma_semaphore, #tpu.memory_space<semaphore_mem>>)
        %mul3A_293 = arith.constant 10 : i32
        %mul3A_294 = arith.muli %scan3A_105, %mul3A_293 : i32
        %add3A_295 = arith.constant 6 : i32
        %add3A_296 = arith.addi %mul3A_294, %add3A_295 : i32
        %dma_wait3A_297 = arith.constant 0 : i32
        %dma_wait3A_298 = tpu.memref_slice %arg9[%add3A_296, %dma_wait3A_297] : memref<250x80xi32, #tpu.memory_space<vmem>> -> memref<1x80xi32, #tpu.memory_space<vmem>>
        %dma_wait3A_299 = tpu.memref_squeeze %dma_wait3A_298 : memref<1x80xi32, #tpu.memory_space<vmem>> -> memref<80xi32, #tpu.memory_space<vmem>>
        %dma_wait3A_300 = arith.constant 0 : i32
        %dma_wait3A_301 = arith.constant 0 : i32
        %dma_wait3A_302 = tpu.memref_slice %arg3[%dma_wait3A_300, %dma_wait3A_301] : memref<10000x64xf32, #tpu.memory_space<hbm>> -> memref<10000x64xf32, #tpu.memory_space<hbm>>
        tpu.wait_indirect_dma semaphore(%arg18 : memref<!tpu.dma_semaphore, #tpu.memory_space<semaphore_mem>>) src(%dma_wait3A_302 : memref<10000x64xf32, #tpu.memory_space<hbm>>) dst(%arg12 : memref<80x64xf32, #tpu.memory_space<vmem>>)
        %dma_start3A_303 = arith.constant 0 : i32
        %dma_start3A_304 = tpu.memref_slice %arg10[%add3A_296, %dma_start3A_303] : memref<250x80xi32, #tpu.memory_space<vmem>> -> memref<1x80xi32, #tpu.memory_space<vmem>>
        %dma_start3A_305 = tpu.memref_squeeze %dma_start3A_304 : memref<1x80xi32, #tpu.memory_space<vmem>> -> memref<80xi32, #tpu.memory_space<vmem>>
        %dma_start3A_306 = arith.constant 0 : i32
        %dma_start3A_307 = arith.constant 0 : i32
        %dma_start3A_308 = tpu.memref_slice %arg8[%dma_start3A_306, %dma_start3A_307] : memref<10240x64xf32, #tpu.memory_space<vmem_shared>> -> memref<10240x64xf32, #tpu.memory_space<vmem_shared>>
        tpu.enqueue_indirect_dma source(%arg12 : memref<80x64xf32, #tpu.memory_space<vmem>>) target(%dma_start3A_308 : memref<10240x64xf32, #tpu.memory_space<vmem_shared>>) offsets(%dma_start3A_305 : memref<80xi32, #tpu.memory_space<vmem>>) semaphore(%arg23 : memref<!tpu.dma_semaphore, #tpu.memory_space<semaphore_mem>>) {add = true}
        %sub3A_309 = arith.constant 1 : i32
        %sub3A_310 = arith.subi %add3A_296, %sub3A_309 : i32
        %dma_wait3A_311 = arith.constant 0 : i32
        %dma_wait3A_312 = tpu.memref_slice %arg10[%sub3A_310, %dma_wait3A_311] : memref<250x80xi32, #tpu.memory_space<vmem>> -> memref<1x80xi32, #tpu.memory_space<vmem>>
        %dma_wait3A_313 = tpu.memref_squeeze %dma_wait3A_312 : memref<1x80xi32, #tpu.memory_space<vmem>> -> memref<80xi32, #tpu.memory_space<vmem>>
        %dma_wait3A_314 = arith.constant 0 : i32
        %dma_wait3A_315 = arith.constant 0 : i32
        %dma_wait3A_316 = tpu.memref_slice %arg8[%dma_wait3A_314, %dma_wait3A_315] : memref<10240x64xf32, #tpu.memory_space<vmem_shared>> -> memref<10240x64xf32, #tpu.memory_space<vmem_shared>>
        tpu.wait_indirect_dma semaphore(%arg22 : memref<!tpu.dma_semaphore, #tpu.memory_space<semaphore_mem>>) src(%arg11 : memref<80x64xf32, #tpu.memory_space<vmem>>) dst(%dma_wait3A_316 : memref<10240x64xf32, #tpu.memory_space<vmem_shared>>)
        %lt3A = arith.constant 24 : i32
        %lt3A_317 = arith.cmpi slt, %scan3A_105, %lt3A : i32
        %convert_element_type3A_318 = arith.extui %lt3A_317 : i1 to i32
        %cond3A_319 = arith.constant 0 : i32
        %cond3A_320 = arith.cmpi ne, %convert_element_type3A_318, %cond3A_319 : i32
        scf.if %cond3A_320 {
          %add3A_408 = arith.constant 4 : i32
          %add3A_409 = arith.addi %add3A_296, %add3A_408 : i32
          %dma_start3A_410 = arith.constant 0 : i32
          %dma_start3A_411 = tpu.memref_slice %arg9[%add3A_409, %dma_start3A_410] : memref<250x80xi32, #tpu.memory_space<vmem>> -> memref<1x80xi32, #tpu.memory_space<vmem>>
          %dma_start3A_412 = tpu.memref_squeeze %dma_start3A_411 : memref<1x80xi32, #tpu.memory_space<vmem>> -> memref<80xi32, #tpu.memory_space<vmem>>
          %dma_start3A_413 = arith.constant 0 : i32
          %dma_start3A_414 = arith.constant 0 : i32
          %dma_start3A_415 = tpu.memref_slice %arg3[%dma_start3A_413, %dma_start3A_414] : memref<10000x64xf32, #tpu.memory_space<hbm>> -> memref<10000x64xf32, #tpu.memory_space<hbm>>
          tpu.enqueue_indirect_dma source(%dma_start3A_415 : memref<10000x64xf32, #tpu.memory_space<hbm>>) target(%arg11 : memref<80x64xf32, #tpu.memory_space<vmem>>) offsets(%dma_start3A_412 : memref<80xi32, #tpu.memory_space<vmem>>) semaphore(%arg17 : memref<!tpu.dma_semaphore, #tpu.memory_space<semaphore_mem>>)
        } else {
        }
        %mul3A_321 = arith.constant 10 : i32
        %mul3A_322 = arith.muli %scan3A_105, %mul3A_321 : i32
        %add3A_323 = arith.constant 7 : i32
        %add3A_324 = arith.addi %mul3A_322, %add3A_323 : i32
        %dma_wait3A_325 = arith.constant 0 : i32
        %dma_wait3A_326 = tpu.memref_slice %arg9[%add3A_324, %dma_wait3A_325] : memref<250x80xi32, #tpu.memory_space<vmem>> -> memref<1x80xi32, #tpu.memory_space<vmem>>
        %dma_wait3A_327 = tpu.memref_squeeze %dma_wait3A_326 : memref<1x80xi32, #tpu.memory_space<vmem>> -> memref<80xi32, #tpu.memory_space<vmem>>
        %dma_wait3A_328 = arith.constant 0 : i32
        %dma_wait3A_329 = arith.constant 0 : i32
        %dma_wait3A_330 = tpu.memref_slice %arg3[%dma_wait3A_328, %dma_wait3A_329] : memref<10000x64xf32, #tpu.memory_space<hbm>> -> memref<10000x64xf32, #tpu.memory_space<hbm>>
        tpu.wait_indirect_dma semaphore(%arg19 : memref<!tpu.dma_semaphore, #tpu.memory_space<semaphore_mem>>) src(%dma_wait3A_330 : memref<10000x64xf32, #tpu.memory_space<hbm>>) dst(%arg13 : memref<80x64xf32, #tpu.memory_space<vmem>>)
        %dma_start3A_331 = arith.constant 0 : i32
        %dma_start3A_332 = tpu.memref_slice %arg10[%add3A_324, %dma_start3A_331] : memref<250x80xi32, #tpu.memory_space<vmem>> -> memref<1x80xi32, #tpu.memory_space<vmem>>
        %dma_start3A_333 = tpu.memref_squeeze %dma_start3A_332 : memref<1x80xi32, #tpu.memory_space<vmem>> -> memref<80xi32, #tpu.memory_space<vmem>>
        %dma_start3A_334 = arith.constant 0 : i32
        %dma_start3A_335 = arith.constant 0 : i32
        %dma_start3A_336 = tpu.memref_slice %arg8[%dma_start3A_334, %dma_start3A_335] : memref<10240x64xf32, #tpu.memory_space<vmem_shared>> -> memref<10240x64xf32, #tpu.memory_space<vmem_shared>>
        tpu.enqueue_indirect_dma source(%arg13 : memref<80x64xf32, #tpu.memory_space<vmem>>) target(%dma_start3A_336 : memref<10240x64xf32, #tpu.memory_space<vmem_shared>>) offsets(%dma_start3A_333 : memref<80xi32, #tpu.memory_space<vmem>>) semaphore(%arg24 : memref<!tpu.dma_semaphore, #tpu.memory_space<semaphore_mem>>) {add = true}
        %sub3A_337 = arith.constant 1 : i32
        %sub3A_338 = arith.subi %add3A_324, %sub3A_337 : i32
        %dma_wait3A_339 = arith.constant 0 : i32
        %dma_wait3A_340 = tpu.memref_slice %arg10[%sub3A_338, %dma_wait3A_339] : memref<250x80xi32, #tpu.memory_space<vmem>> -> memref<1x80xi32, #tpu.memory_space<vmem>>
        %dma_wait3A_341 = tpu.memref_squeeze %dma_wait3A_340 : memref<1x80xi32, #tpu.memory_space<vmem>> -> memref<80xi32, #tpu.memory_space<vmem>>
        %dma_wait3A_342 = arith.constant 0 : i32
        %dma_wait3A_343 = arith.constant 0 : i32
        %dma_wait3A_344 = tpu.memref_slice %arg8[%dma_wait3A_342, %dma_wait3A_343] : memref<10240x64xf32, #tpu.memory_space<vmem_shared>> -> memref<10240x64xf32, #tpu.memory_space<vmem_shared>>
        tpu.wait_indirect_dma semaphore(%arg23 : memref<!tpu.dma_semaphore, #tpu.memory_space<semaphore_mem>>) src(%arg12 : memref<80x64xf32, #tpu.memory_space<vmem>>) dst(%dma_wait3A_344 : memref<10240x64xf32, #tpu.memory_space<vmem_shared>>)
        %lt3A_345 = arith.constant 24 : i32
        %lt3A_346 = arith.cmpi slt, %scan3A_105, %lt3A_345 : i32
        %convert_element_type3A_347 = arith.extui %lt3A_346 : i1 to i32
        %cond3A_348 = arith.constant 0 : i32
        %cond3A_349 = arith.cmpi ne, %convert_element_type3A_347, %cond3A_348 : i32
        scf.if %cond3A_349 {
          %add3A_408 = arith.constant 4 : i32
          %add3A_409 = arith.addi %add3A_324, %add3A_408 : i32
          %dma_start3A_410 = arith.constant 0 : i32
          %dma_start3A_411 = tpu.memref_slice %arg9[%add3A_409, %dma_start3A_410] : memref<250x80xi32, #tpu.memory_space<vmem>> -> memref<1x80xi32, #tpu.memory_space<vmem>>
          %dma_start3A_412 = tpu.memref_squeeze %dma_start3A_411 : memref<1x80xi32, #tpu.memory_space<vmem>> -> memref<80xi32, #tpu.memory_space<vmem>>
          %dma_start3A_413 = arith.constant 0 : i32
          %dma_start3A_414 = arith.constant 0 : i32
          %dma_start3A_415 = tpu.memref_slice %arg3[%dma_start3A_413, %dma_start3A_414] : memref<10000x64xf32, #tpu.memory_space<hbm>> -> memref<10000x64xf32, #tpu.memory_space<hbm>>
          tpu.enqueue_indirect_dma source(%dma_start3A_415 : memref<10000x64xf32, #tpu.memory_space<hbm>>) target(%arg12 : memref<80x64xf32, #tpu.memory_space<vmem>>) offsets(%dma_start3A_412 : memref<80xi32, #tpu.memory_space<vmem>>) semaphore(%arg18 : memref<!tpu.dma_semaphore, #tpu.memory_space<semaphore_mem>>)
        } else {
        }
        %mul3A_350 = arith.constant 10 : i32
        %mul3A_351 = arith.muli %scan3A_105, %mul3A_350 : i32
        %add3A_352 = arith.constant 8 : i32
        %add3A_353 = arith.addi %mul3A_351, %add3A_352 : i32
        %dma_wait3A_354 = arith.constant 0 : i32
        %dma_wait3A_355 = tpu.memref_slice %arg9[%add3A_353, %dma_wait3A_354] : memref<250x80xi32, #tpu.memory_space<vmem>> -> memref<1x80xi32, #tpu.memory_space<vmem>>
        %dma_wait3A_356 = tpu.memref_squeeze %dma_wait3A_355 : memref<1x80xi32, #tpu.memory_space<vmem>> -> memref<80xi32, #tpu.memory_space<vmem>>
        %dma_wait3A_357 = arith.constant 0 : i32
        %dma_wait3A_358 = arith.constant 0 : i32
        %dma_wait3A_359 = tpu.memref_slice %arg3[%dma_wait3A_357, %dma_wait3A_358] : memref<10000x64xf32, #tpu.memory_space<hbm>> -> memref<10000x64xf32, #tpu.memory_space<hbm>>
        tpu.wait_indirect_dma semaphore(%arg20 : memref<!tpu.dma_semaphore, #tpu.memory_space<semaphore_mem>>) src(%dma_wait3A_359 : memref<10000x64xf32, #tpu.memory_space<hbm>>) dst(%arg14 : memref<80x64xf32, #tpu.memory_space<vmem>>)
        %dma_start3A_360 = arith.constant 0 : i32
        %dma_start3A_361 = tpu.memref_slice %arg10[%add3A_353, %dma_start3A_360] : memref<250x80xi32, #tpu.memory_space<vmem>> -> memref<1x80xi32, #tpu.memory_space<vmem>>
        %dma_start3A_362 = tpu.memref_squeeze %dma_start3A_361 : memref<1x80xi32, #tpu.memory_space<vmem>> -> memref<80xi32, #tpu.memory_space<vmem>>
        %dma_start3A_363 = arith.constant 0 : i32
        %dma_start3A_364 = arith.constant 0 : i32
        %dma_start3A_365 = tpu.memref_slice %arg8[%dma_start3A_363, %dma_start3A_364] : memref<10240x64xf32, #tpu.memory_space<vmem_shared>> -> memref<10240x64xf32, #tpu.memory_space<vmem_shared>>
        tpu.enqueue_indirect_dma source(%arg14 : memref<80x64xf32, #tpu.memory_space<vmem>>) target(%dma_start3A_365 : memref<10240x64xf32, #tpu.memory_space<vmem_shared>>) offsets(%dma_start3A_362 : memref<80xi32, #tpu.memory_space<vmem>>) semaphore(%arg25 : memref<!tpu.dma_semaphore, #tpu.memory_space<semaphore_mem>>) {add = true}
        %sub3A_366 = arith.constant 1 : i32
        %sub3A_367 = arith.subi %add3A_353, %sub3A_366 : i32
        %dma_wait3A_368 = arith.constant 0 : i32
        %dma_wait3A_369 = tpu.memref_slice %arg10[%sub3A_367, %dma_wait3A_368] : memref<250x80xi32, #tpu.memory_space<vmem>> -> memref<1x80xi32, #tpu.memory_space<vmem>>
        %dma_wait3A_370 = tpu.memref_squeeze %dma_wait3A_369 : memref<1x80xi32, #tpu.memory_space<vmem>> -> memref<80xi32, #tpu.memory_space<vmem>>
        %dma_wait3A_371 = arith.constant 0 : i32
        %dma_wait3A_372 = arith.constant 0 : i32
        %dma_wait3A_373 = tpu.memref_slice %arg8[%dma_wait3A_371, %dma_wait3A_372] : memref<10240x64xf32, #tpu.memory_space<vmem_shared>> -> memref<10240x64xf32, #tpu.memory_space<vmem_shared>>
        tpu.wait_indirect_dma semaphore(%arg24 : memref<!tpu.dma_semaphore, #tpu.memory_space<semaphore_mem>>) src(%arg13 : memref<80x64xf32, #tpu.memory_space<vmem>>) dst(%dma_wait3A_373 : memref<10240x64xf32, #tpu.memory_space<vmem_shared>>)
        %lt3A_374 = arith.constant 24 : i32
        %lt3A_375 = arith.cmpi slt, %scan3A_105, %lt3A_374 : i32
        %convert_element_type3A_376 = arith.extui %lt3A_375 : i1 to i32
        %cond3A_377 = arith.constant 0 : i32
        %cond3A_378 = arith.cmpi ne, %convert_element_type3A_376, %cond3A_377 : i32
        scf.if %cond3A_378 {
          %add3A_408 = arith.constant 4 : i32
          %add3A_409 = arith.addi %add3A_353, %add3A_408 : i32
          %dma_start3A_410 = arith.constant 0 : i32
          %dma_start3A_411 = tpu.memref_slice %arg9[%add3A_409, %dma_start3A_410] : memref<250x80xi32, #tpu.memory_space<vmem>> -> memref<1x80xi32, #tpu.memory_space<vmem>>
          %dma_start3A_412 = tpu.memref_squeeze %dma_start3A_411 : memref<1x80xi32, #tpu.memory_space<vmem>> -> memref<80xi32, #tpu.memory_space<vmem>>
          %dma_start3A_413 = arith.constant 0 : i32
          %dma_start3A_414 = arith.constant 0 : i32
          %dma_start3A_415 = tpu.memref_slice %arg3[%dma_start3A_413, %dma_start3A_414] : memref<10000x64xf32, #tpu.memory_space<hbm>> -> memref<10000x64xf32, #tpu.memory_space<hbm>>
          tpu.enqueue_indirect_dma source(%dma_start3A_415 : memref<10000x64xf32, #tpu.memory_space<hbm>>) target(%arg13 : memref<80x64xf32, #tpu.memory_space<vmem>>) offsets(%dma_start3A_412 : memref<80xi32, #tpu.memory_space<vmem>>) semaphore(%arg19 : memref<!tpu.dma_semaphore, #tpu.memory_space<semaphore_mem>>)
        } else {
        }
        %mul3A_379 = arith.constant 10 : i32
        %mul3A_380 = arith.muli %scan3A_105, %mul3A_379 : i32
        %add3A_381 = arith.constant 9 : i32
        %add3A_382 = arith.addi %mul3A_380, %add3A_381 : i32
        %dma_wait3A_383 = arith.constant 0 : i32
        %dma_wait3A_384 = tpu.memref_slice %arg9[%add3A_382, %dma_wait3A_383] : memref<250x80xi32, #tpu.memory_space<vmem>> -> memref<1x80xi32, #tpu.memory_space<vmem>>
        %dma_wait3A_385 = tpu.memref_squeeze %dma_wait3A_384 : memref<1x80xi32, #tpu.memory_space<vmem>> -> memref<80xi32, #tpu.memory_space<vmem>>
        %dma_wait3A_386 = arith.constant 0 : i32
        %dma_wait3A_387 = arith.constant 0 : i32
        %dma_wait3A_388 = tpu.memref_slice %arg3[%dma_wait3A_386, %dma_wait3A_387] : memref<10000x64xf32, #tpu.memory_space<hbm>> -> memref<10000x64xf32, #tpu.memory_space<hbm>>
        tpu.wait_indirect_dma semaphore(%arg21 : memref<!tpu.dma_semaphore, #tpu.memory_space<semaphore_mem>>) src(%dma_wait3A_388 : memref<10000x64xf32, #tpu.memory_space<hbm>>) dst(%arg15 : memref<80x64xf32, #tpu.memory_space<vmem>>)
        %dma_start3A_389 = arith.constant 0 : i32
        %dma_start3A_390 = tpu.memref_slice %arg10[%add3A_382, %dma_start3A_389] : memref<250x80xi32, #tpu.memory_space<vmem>> -> memref<1x80xi32, #tpu.memory_space<vmem>>
        %dma_start3A_391 = tpu.memref_squeeze %dma_start3A_390 : memref<1x80xi32, #tpu.memory_space<vmem>> -> memref<80xi32, #tpu.memory_space<vmem>>
        %dma_start3A_392 = arith.constant 0 : i32
        %dma_start3A_393 = arith.constant 0 : i32
        %dma_start3A_394 = tpu.memref_slice %arg8[%dma_start3A_392, %dma_start3A_393] : memref<10240x64xf32, #tpu.memory_space<vmem_shared>> -> memref<10240x64xf32, #tpu.memory_space<vmem_shared>>
        tpu.enqueue_indirect_dma source(%arg15 : memref<80x64xf32, #tpu.memory_space<vmem>>) target(%dma_start3A_394 : memref<10240x64xf32, #tpu.memory_space<vmem_shared>>) offsets(%dma_start3A_391 : memref<80xi32, #tpu.memory_space<vmem>>) semaphore(%arg26 : memref<!tpu.dma_semaphore, #tpu.memory_space<semaphore_mem>>) {add = true}
        %sub3A_395 = arith.constant 1 : i32
        %sub3A_396 = arith.subi %add3A_382, %sub3A_395 : i32
        %dma_wait3A_397 = arith.constant 0 : i32
        %dma_wait3A_398 = tpu.memref_slice %arg10[%sub3A_396, %dma_wait3A_397] : memref<250x80xi32, #tpu.memory_space<vmem>> -> memref<1x80xi32, #tpu.memory_space<vmem>>
        %dma_wait3A_399 = tpu.memref_squeeze %dma_wait3A_398 : memref<1x80xi32, #tpu.memory_space<vmem>> -> memref<80xi32, #tpu.memory_space<vmem>>
        %dma_wait3A_400 = arith.constant 0 : i32
        %dma_wait3A_401 = arith.constant 0 : i32
        %dma_wait3A_402 = tpu.memref_slice %arg8[%dma_wait3A_400, %dma_wait3A_401] : memref<10240x64xf32, #tpu.memory_space<vmem_shared>> -> memref<10240x64xf32, #tpu.memory_space<vmem_shared>>
        tpu.wait_indirect_dma semaphore(%arg25 : memref<!tpu.dma_semaphore, #tpu.memory_space<semaphore_mem>>) src(%arg14 : memref<80x64xf32, #tpu.memory_space<vmem>>) dst(%dma_wait3A_402 : memref<10240x64xf32, #tpu.memory_space<vmem_shared>>)
        %lt3A_403 = arith.constant 24 : i32
        %lt3A_404 = arith.cmpi slt, %scan3A_105, %lt3A_403 : i32
        %convert_element_type3A_405 = arith.extui %lt3A_404 : i1 to i32
        %cond3A_406 = arith.constant 0 : i32
        %cond3A_407 = arith.cmpi ne, %convert_element_type3A_405, %cond3A_406 : i32
        scf.if %cond3A_407 {
          %add3A_408 = arith.constant 4 : i32
          %add3A_409 = arith.addi %add3A_382, %add3A_408 : i32
          %dma_start3A_410 = arith.constant 0 : i32
          %dma_start3A_411 = tpu.memref_slice %arg9[%add3A_409, %dma_start3A_410] : memref<250x80xi32, #tpu.memory_space<vmem>> -> memref<1x80xi32, #tpu.memory_space<vmem>>
          %dma_start3A_412 = tpu.memref_squeeze %dma_start3A_411 : memref<1x80xi32, #tpu.memory_space<vmem>> -> memref<80xi32, #tpu.memory_space<vmem>>
          %dma_start3A_413 = arith.constant 0 : i32
          %dma_start3A_414 = arith.constant 0 : i32
          %dma_start3A_415 = tpu.memref_slice %arg3[%dma_start3A_413, %dma_start3A_414] : memref<10000x64xf32, #tpu.memory_space<hbm>> -> memref<10000x64xf32, #tpu.memory_space<hbm>>
          tpu.enqueue_indirect_dma source(%dma_start3A_415 : memref<10000x64xf32, #tpu.memory_space<hbm>>) target(%arg14 : memref<80x64xf32, #tpu.memory_space<vmem>>) offsets(%dma_start3A_412 : memref<80xi32, #tpu.memory_space<vmem>>) semaphore(%arg20 : memref<!tpu.dma_semaphore, #tpu.memory_space<semaphore_mem>>)
        } else {
        }
      }
      %scan3A_97 = arith.constant 25 : i32
      %dma_wait3A = arith.constant 249 : i32
      %dma_wait3A_98 = arith.constant 0 : i32
      %dma_wait3A_99 = tpu.memref_slice %arg10[%dma_wait3A, %dma_wait3A_98] : memref<250x80xi32, #tpu.memory_space<vmem>> -> memref<1x80xi32, #tpu.memory_space<vmem>>
      %dma_wait3A_100 = tpu.memref_squeeze %dma_wait3A_99 : memref<1x80xi32, #tpu.memory_space<vmem>> -> memref<80xi32, #tpu.memory_space<vmem>>
      %dma_wait3A_101 = arith.constant 0 : i32
      %dma_wait3A_102 = arith.constant 0 : i32
      %dma_wait3A_103 = tpu.memref_slice %arg8[%dma_wait3A_101, %dma_wait3A_102] : memref<10240x64xf32, #tpu.memory_space<vmem_shared>> -> memref<10240x64xf32, #tpu.memory_space<vmem_shared>>
      tpu.wait_indirect_dma semaphore(%arg26 : memref<!tpu.dma_semaphore, #tpu.memory_space<semaphore_mem>>) src(%arg15 : memref<80x64xf32, #tpu.memory_space<vmem>>) dst(%dma_wait3A_103 : memref<10240x64xf32, #tpu.memory_space<vmem_shared>>)
      %scan3A_104 = arith.constant 1 : i32
    } else {
    }
    %barrier3A_48 = arith.constant 0 : index
    tpu.barrier barrier_id(%barrier3A_48)
    %eq3A_49 = arith.constant 0 : i32
    %eq3A_50 = arith.cmpi eq, %arg0, %eq3A_49 : i32
    %convert_element_type3A_51 = arith.extui %eq3A_50 : i1 to i32
    %cond3A_52 = arith.constant 0 : i32
    %cond3A_53 = arith.cmpi ne, %convert_element_type3A_51, %cond3A_52 : i32
    scf.if %cond3A_53 {
      %mul3A_59 = arith.constant 640 : i32
      %mul3A_60 = arith.muli %arg1, %mul3A_59 : i32
      %mul3A_61 = arith.constant 640 : i32
      %mul3A_62 = arith.muli %arg1, %mul3A_61 : i32
      "tpu.region"() ({
        %run_scoped3A = tpu.sem_alloc : memref<!tpu.dma_semaphore, #tpu.memory_space<semaphore_mem>>
        %dma_start3A = arith.constant 0 : i32
        %dma_start3A_63 = tpu.memref_slice %arg6[%mul3A_62, %dma_start3A] : memref<10240x64xf32, #tpu.memory_space<hbm>> -> memref<640x64xf32, #tpu.memory_space<hbm>>
        %dma_start3A_64 = arith.constant 0 : i32
        %dma_start3A_65 = tpu.memref_slice %arg8[%mul3A_60, %dma_start3A_64] : memref<10240x64xf32, #tpu.memory_space<vmem_shared>> -> memref<640x64xf32, #tpu.memory_space<vmem_shared>>
        tpu.enqueue_dma source(%dma_start3A_65 : memref<640x64xf32, #tpu.memory_space<vmem_shared>>) target(%dma_start3A_63 : memref<640x64xf32, #tpu.memory_space<hbm>>) target_semaphore(%run_scoped3A : memref<!tpu.dma_semaphore, #tpu.memory_space<semaphore_mem>>)
        %dma_wait3A = arith.constant 0 : i32
        %dma_wait3A_66 = tpu.memref_slice %arg6[%mul3A_62, %dma_wait3A] : memref<10240x64xf32, #tpu.memory_space<hbm>> -> memref<640x64xf32, #tpu.memory_space<hbm>>
        %dma_wait3A_67 = arith.constant 0 : i32
        %dma_wait3A_68 = tpu.memref_slice %arg8[%mul3A_60, %dma_wait3A_67] : memref<10240x64xf32, #tpu.memory_space<vmem_shared>> -> memref<640x64xf32, #tpu.memory_space<vmem_shared>>
        tpu.wait_dma2 semaphore(%run_scoped3A : memref<!tpu.dma_semaphore, #tpu.memory_space<semaphore_mem>>) src(%dma_wait3A_68 : memref<640x64xf32, #tpu.memory_space<vmem_shared>>) dst(%dma_wait3A_66 : memref<640x64xf32, #tpu.memory_space<hbm>>)
        tpu.yield
      }) : () -> ()
    } else {
    }
    %eq3A_54 = arith.constant 1 : i32
    %eq3A_55 = arith.cmpi eq, %arg0, %eq3A_54 : i32
    %convert_element_type3A_56 = arith.extui %eq3A_55 : i1 to i32
    %cond3A_57 = arith.constant 0 : i32
    %cond3A_58 = arith.cmpi ne, %convert_element_type3A_56, %cond3A_57 : i32
    scf.if %cond3A_58 {
      %mul3A_59 = arith.constant 640 : i32
      %mul3A_60 = arith.muli %arg1, %mul3A_59 : i32
      %mul3A_61 = arith.constant 640 : i32
      %mul3A_62 = arith.muli %arg1, %mul3A_61 : i32
      "tpu.region"() ({
        %run_scoped3A = tpu.sem_alloc : memref<!tpu.dma_semaphore, #tpu.memory_space<semaphore_mem>>
        %dma_start3A = arith.constant 0 : i32
        %dma_start3A_63 = tpu.memref_slice %arg7[%mul3A_62, %dma_start3A] : memref<10240x64xf32, #tpu.memory_space<hbm>> -> memref<640x64xf32, #tpu.memory_space<hbm>>
        %dma_start3A_64 = arith.constant 0 : i32
        %dma_start3A_65 = tpu.memref_slice %arg8[%mul3A_60, %dma_start3A_64] : memref<10240x64xf32, #tpu.memory_space<vmem_shared>> -> memref<640x64xf32, #tpu.memory_space<vmem_shared>>
        tpu.enqueue_dma source(%dma_start3A_65 : memref<640x64xf32, #tpu.memory_space<vmem_shared>>) target(%dma_start3A_63 : memref<640x64xf32, #tpu.memory_space<hbm>>) target_semaphore(%run_scoped3A : memref<!tpu.dma_semaphore, #tpu.memory_space<semaphore_mem>>)
        %dma_wait3A = arith.constant 0 : i32
        %dma_wait3A_66 = tpu.memref_slice %arg7[%mul3A_62, %dma_wait3A] : memref<10240x64xf32, #tpu.memory_space<hbm>> -> memref<640x64xf32, #tpu.memory_space<hbm>>
        %dma_wait3A_67 = arith.constant 0 : i32
        %dma_wait3A_68 = tpu.memref_slice %arg8[%mul3A_60, %dma_wait3A_67] : memref<10240x64xf32, #tpu.memory_space<vmem_shared>> -> memref<640x64xf32, #tpu.memory_space<vmem_shared>>
        tpu.wait_dma2 semaphore(%run_scoped3A : memref<!tpu.dma_semaphore, #tpu.memory_space<semaphore_mem>>) src(%dma_wait3A_68 : memref<640x64xf32, #tpu.memory_space<vmem_shared>>) dst(%dma_wait3A_66 : memref<640x64xf32, #tpu.memory_space<hbm>>)
        tpu.yield
      }) : () -> ()
    } else {
    }
    return
  }
}

module attributes {stable_mosaic.version = 14 : i64} {
  func.func @body(%arg0: i32, %arg1: memref<1000x64xf32, #tpu.memory_space<vmem>>, %arg2: memref<1000x64xf32, #tpu.memory_space<vmem>>, %arg3: memref<128x128xf32, #tpu.memory_space<vmem>>, %arg4: memref<1x128xf32, #tpu.memory_space<vmem>>, %arg5: memref<1000x128xf32, #tpu.memory_space<vmem>>) attributes {dimension_semantics = [#tpu.dimension_semantics<arbitrary>], iteration_bounds = array<i64: 10>, scalar_prefetch = 0 : i64, scratch_operands = 0 : i64, tpu.core_type = #tpu.core_type<tc>, window_params = [{transform_indices = @transform_0, window_bounds = array<i64: 1000, 64>}, {transform_indices = @transform_1, window_bounds = array<i64: 1000, 64>}, {pipeline_mode = #tpu.pipeline_mode<synchronous>, transform_indices = @transform_2, window_bounds = array<i64: 128, 128>}, {pipeline_mode = #tpu.pipeline_mode<synchronous>, transform_indices = @transform_3, window_bounds = array<i64: 1, 128>}, {transform_indices = @transform_4, window_bounds = array<i64: 1000, 128>}]} {
    %get3A = arith.constant 0 : index
    %get3A_0 = arith.constant 0 : index
    %get3A_1 = vector.load %arg1[%get3A, %get3A_0] : memref<1000x64xf32, #tpu.memory_space<vmem>>, vector<1000x64xf32>
    %get3A_2 = arith.constant 0 : index
    %get3A_3 = arith.constant 0 : index
    %get3A_4 = vector.load %arg2[%get3A_2, %get3A_3] : memref<1000x64xf32, #tpu.memory_space<vmem>>, vector<1000x64xf32>
    %concatenate3A = tpu.concatenate %get3A_1, %get3A_4 in 1 : vector<1000x64xf32>, vector<1000x64xf32> -> vector<1000x128xf32>
    %get3A_5 = arith.constant 0 : index
    %get3A_6 = arith.constant 0 : index
    %get3A_7 = vector.load %arg3[%get3A_5, %get3A_6] : memref<128x128xf32, #tpu.memory_space<vmem>>, vector<128x128xf32>
    %dot_general3A = arith.constant dense<0.000000e+00> : vector<1000x128xf32>
    %dot_general3A_8 = tpu.matmul %concatenate3A, %get3A_7, %dot_general3A {dimension_numbers = #tpu.dot_dimension_numbers<[1], [0], [0], [1], [0, 0, 1, 1], [], []>, transpose_lhs_hint = false} : vector<1000x128xf32>, vector<128x128xf32>, vector<1000x128xf32> -> vector<1000x128xf32>
    %get3A_9 = arith.constant 0 : index
    %get3A_10 = arith.constant 0 : index
    %get3A_11 = vector.load %arg4[%get3A_9, %get3A_10] : memref<1x128xf32, #tpu.memory_space<vmem>>, vector<1x128xf32>
    %add3A = vector.broadcast %get3A_11 : vector<1x128xf32> to vector<1000x128xf32>
    %add3A_12 = arith.addf %dot_general3A_8, %add3A : vector<1000x128xf32>
    %swap3A = arith.constant 0 : index
    %swap3A_13 = arith.constant 0 : index
    %swap3A_14 = vector.load %arg5[%swap3A, %swap3A_13] : memref<1000x128xf32, #tpu.memory_space<vmem>>, vector<1000x128xf32>
    tpu.vector_store %arg5[%swap3A, %swap3A_13], %add3A_12 {strides = array<i32>} : memref<1000x128xf32, #tpu.memory_space<vmem>>, vector<1000x128xf32>,
    return
  }
  func.func @transform_0(%arg0: i32) -> (i32, i32) {
    %c0_i32 = arith.constant 0 : i32
    %c0_i32_0 = arith.constant 0 : i32
    return %arg0, %c0_i32 : i32, i32
  }
  func.func @transform_1(%arg0: i32) -> (i32, i32) {
    %c0_i32 = arith.constant 0 : i32
    %c0_i32_0 = arith.constant 0 : i32
    return %arg0, %c0_i32 : i32, i32
  }
  func.func @transform_2(%arg0: i32) -> (i32, i32) {
    %c0_i32 = arith.constant 0 : i32
    %c0_i32_0 = arith.constant 0 : i32
    %c0_i32_1 = arith.constant 0 : i32
    return %c0_i32, %c0_i32_0 : i32, i32
  }
  func.func @transform_3(%arg0: i32) -> (i32, i32) {
    %c0_i32 = arith.constant 0 : i32
    %c0_i32_0 = arith.constant 0 : i32
    %c0_i32_1 = arith.constant 0 : i32
    return %c0_i32, %c0_i32_0 : i32, i32
  }
  func.func @transform_4(%arg0: i32) -> (i32, i32) {
    %c0_i32 = arith.constant 0 : i32
    %c0_i32_0 = arith.constant 0 : i32
    return %arg0, %c0_i32 : i32, i32
  }
}

module attributes {stable_mosaic.version = 14 : i64} {
  func.func @body(%arg0: memref<32x10240xf32, #tpu.memory_space<vmem>>, %arg1: memref<10240x1xf32, #tpu.memory_space<vmem>>) attributes {dimension_semantics = [], scalar_prefetch = 0 : i64, scratch_operands = 0 : i64, tpu.core_type = #tpu.core_type<tc>} {
    %get3A = arith.constant 0 : index
    %get3A_0 = arith.constant 0 : index
    %get3A_1 = vector.load %arg0[%get3A, %get3A_0] : memref<32x10240xf32, #tpu.memory_space<vmem>>, vector<32x10240xf32>
    %reduce_sum3A = arith.constant dense<0.000000e+00> : vector<10240xf32>
    %reduce_sum3A_2 = vector.multi_reduction <add>, %get3A_1, %reduce_sum3A [0] : vector<32x10240xf32> to vector<10240xf32>
    %max3A = arith.constant 1.000000e+00 : f32
    %max3A_3 = vector.broadcast %max3A : f32 to vector<10240xf32>
    %max3A_4 = arith.maximumf %reduce_sum3A_2, %max3A_3 : vector<10240xf32>
    %div3A = arith.constant 1.000000e+00 : f32
    %div3A_5 = vector.broadcast %div3A : f32 to vector<10240xf32>
    %div3A_6 = arith.divf %div3A_5, %max3A_4 : vector<10240xf32>
    %broadcast_in_dim3A = vector.shape_cast %div3A_6 : vector<10240xf32> to vector<10240x1xf32>
    %swap3A = arith.constant 0 : index
    %swap3A_7 = arith.constant 0 : index
    %swap3A_8 = vector.load %arg1[%swap3A, %swap3A_7] : memref<10240x1xf32, #tpu.memory_space<vmem>>, vector<10240x1xf32>
    tpu.vector_store %arg1[%swap3A, %swap3A_7], %broadcast_in_dim3A {strides = array<i32>} : memref<10240x1xf32, #tpu.memory_space<vmem>>, vector<10240x1xf32>,
    return
  }
}

module attributes {stable_mosaic.version = 14 : i64} {
  func.func @body(%arg0: i32, %arg1: memref<1000x64xf32, #tpu.memory_space<vmem>>, %arg2: memref<1000x64xf32, #tpu.memory_space<vmem>>, %arg3: memref<1000x1xf32, #tpu.memory_space<vmem>>, %arg4: memref<1000x128xf32, #tpu.memory_space<vmem>>, %arg5: memref<128x128xf32, #tpu.memory_space<vmem>>, %arg6: memref<1000x64xf32, #tpu.memory_space<vmem>>, %arg7: memref<1000x64xf32, #tpu.memory_space<vmem>>) attributes {dimension_semantics = [#tpu.dimension_semantics<arbitrary>], iteration_bounds = array<i64: 10>, scalar_prefetch = 0 : i64, scratch_operands = 0 : i64, tpu.core_type = #tpu.core_type<tc>, window_params = [{transform_indices = @transform_0, window_bounds = array<i64: 1000, 64>}, {transform_indices = @transform_1, window_bounds = array<i64: 1000, 64>}, {transform_indices = @transform_2, window_bounds = array<i64: 1000, 1>}, {transform_indices = @transform_3, window_bounds = array<i64: 1000, 128>}, {pipeline_mode = #tpu.pipeline_mode<synchronous>, transform_indices = @transform_4, window_bounds = array<i64: 128, 128>}, {transform_indices = @transform_5, window_bounds = array<i64: 1000, 64>}, {transform_indices = @transform_6, window_bounds = array<i64: 1000, 64>}]} {
    %get3A = arith.constant 0 : index
    %get3A_0 = arith.constant 0 : index
    %get3A_1 = vector.load %arg1[%get3A, %get3A_0] : memref<1000x64xf32, #tpu.memory_space<vmem>>, vector<1000x64xf32>
    %get3A_2 = arith.constant 0 : index
    %get3A_3 = arith.constant 0 : index
    %get3A_4 = vector.load %arg2[%get3A_2, %get3A_3] : memref<1000x64xf32, #tpu.memory_space<vmem>>, vector<1000x64xf32>
    %concatenate3A = tpu.concatenate %get3A_1, %get3A_4 in 1 : vector<1000x64xf32>, vector<1000x64xf32> -> vector<1000x128xf32>
    %get3A_5 = arith.constant 0 : index
    %get3A_6 = arith.constant 0 : index
    %get3A_7 = vector.load %arg3[%get3A_5, %get3A_6] : memref<1000x1xf32, #tpu.memory_space<vmem>>, vector<1000x1xf32>
    %mul3A = vector.broadcast %get3A_7 : vector<1000x1xf32> to vector<1000x128xf32>
    %mul3A_8 = arith.mulf %concatenate3A, %mul3A : vector<1000x128xf32>
    %get3A_9 = arith.constant 0 : index
    %get3A_10 = arith.constant 0 : index
    %get3A_11 = vector.load %arg5[%get3A_9, %get3A_10] : memref<128x128xf32, #tpu.memory_space<vmem>>, vector<128x128xf32>
    %dot_general3A = arith.constant dense<0.000000e+00> : vector<1000x128xf32>
    %dot_general3A_12 = tpu.matmul %mul3A_8, %get3A_11, %dot_general3A {dimension_numbers = #tpu.dot_dimension_numbers<[1], [0], [0], [1], [0, 0, 1, 1], [], []>, transpose_lhs_hint = false} : vector<1000x128xf32>, vector<128x128xf32>, vector<1000x128xf32> -> vector<1000x128xf32>
    %get3A_13 = arith.constant 0 : index
    %get3A_14 = arith.constant 0 : index
    %get3A_15 = vector.load %arg4[%get3A_13, %get3A_14] : memref<1000x128xf32, #tpu.memory_space<vmem>>, vector<1000x128xf32>
    %add3A = arith.addf %dot_general3A_12, %get3A_15 : vector<1000x128xf32>
    %max3A = arith.constant 0.000000e+00 : f32
    %max3A_16 = vector.broadcast %max3A : f32 to vector<1000x128xf32>
    %max3A_17 = arith.maximumf %add3A, %max3A_16 : vector<1000x128xf32>
    %slice3A = vector.extract_strided_slice %max3A_17 {offsets = [0, 0], sizes = [1000, 64], strides = [1, 1]} : vector<1000x128xf32> to vector<1000x64xf32>
    %swap3A = arith.constant 0 : index
    %swap3A_18 = arith.constant 0 : index
    %swap3A_19 = vector.load %arg6[%swap3A, %swap3A_18] : memref<1000x64xf32, #tpu.memory_space<vmem>>, vector<1000x64xf32>
    tpu.vector_store %arg6[%swap3A, %swap3A_18], %slice3A {strides = array<i32>} : memref<1000x64xf32, #tpu.memory_space<vmem>>, vector<1000x64xf32>,
    %slice3A_20 = vector.extract_strided_slice %max3A_17 {offsets = [0, 64], sizes = [1000, 64], strides = [1, 1]} : vector<1000x128xf32> to vector<1000x64xf32>
    %swap3A_21 = arith.constant 0 : index
    %swap3A_22 = arith.constant 0 : index
    %swap3A_23 = vector.load %arg7[%swap3A_21, %swap3A_22] : memref<1000x64xf32, #tpu.memory_space<vmem>>, vector<1000x64xf32>
    tpu.vector_store %arg7[%swap3A_21, %swap3A_22], %slice3A_20 {strides = array<i32>} : memref<1000x64xf32, #tpu.memory_space<vmem>>, vector<1000x64xf32>,
    return
  }
  func.func @transform_0(%arg0: i32) -> (i32, i32) {
    %c0_i32 = arith.constant 0 : i32
    %c0_i32_0 = arith.constant 0 : i32
    return %arg0, %c0_i32 : i32, i32
  }
  func.func @transform_1(%arg0: i32) -> (i32, i32) {
    %c0_i32 = arith.constant 0 : i32
    %c0_i32_0 = arith.constant 0 : i32
    return %arg0, %c0_i32 : i32, i32
  }
  func.func @transform_2(%arg0: i32) -> (i32, i32) {
    %c0_i32 = arith.constant 0 : i32
    %c0_i32_0 = arith.constant 0 : i32
    return %arg0, %c0_i32 : i32, i32
  }
  func.func @transform_3(%arg0: i32) -> (i32, i32) {
    %c0_i32 = arith.constant 0 : i32
    %c0_i32_0 = arith.constant 0 : i32
    return %arg0, %c0_i32 : i32, i32
  }
  func.func @transform_4(%arg0: i32) -> (i32, i32) {
    %c0_i32 = arith.constant 0 : i32
    %c0_i32_0 = arith.constant 0 : i32
    %c0_i32_1 = arith.constant 0 : i32
    return %c0_i32, %c0_i32_0 : i32, i32
  }
  func.func @transform_5(%arg0: i32) -> (i32, i32) {
    %c0_i32 = arith.constant 0 : i32
    %c0_i32_0 = arith.constant 0 : i32
    return %arg0, %c0_i32 : i32, i32
  }
  func.func @transform_6(%arg0: i32) -> (i32, i32) {
    %c0_i32 = arith.constant 0 : i32
    %c0_i32_0 = arith.constant 0 : i32
    return %arg0, %c0_i32 : i32, i32
  }
}

module attributes {stable_mosaic.version = 14 : i64} {
  func.func @body(%arg0: i32, %arg1: memref<1000x64xf32, #tpu.memory_space<vmem>>, %arg2: memref<1000x64xf32, #tpu.memory_space<vmem>>, %arg3: memref<1000x1xf32, #tpu.memory_space<vmem>>, %arg4: memref<1000x128xf32, #tpu.memory_space<vmem>>, %arg5: memref<128x128xf32, #tpu.memory_space<vmem>>, %arg6: memref<1000x128xf32, #tpu.memory_space<vmem>>) attributes {dimension_semantics = [#tpu.dimension_semantics<arbitrary>], iteration_bounds = array<i64: 10>, scalar_prefetch = 0 : i64, scratch_operands = 0 : i64, tpu.core_type = #tpu.core_type<tc>, window_params = [{transform_indices = @transform_0, window_bounds = array<i64: 1000, 64>}, {transform_indices = @transform_1, window_bounds = array<i64: 1000, 64>}, {transform_indices = @transform_2, window_bounds = array<i64: 1000, 1>}, {transform_indices = @transform_3, window_bounds = array<i64: 1000, 128>}, {pipeline_mode = #tpu.pipeline_mode<synchronous>, transform_indices = @transform_4, window_bounds = array<i64: 128, 128>}, {transform_indices = @transform_5, window_bounds = array<i64: 1000, 128>}]} {
    %get3A = arith.constant 0 : index
    %get3A_0 = arith.constant 0 : index
    %get3A_1 = vector.load %arg1[%get3A, %get3A_0] : memref<1000x64xf32, #tpu.memory_space<vmem>>, vector<1000x64xf32>
    %get3A_2 = arith.constant 0 : index
    %get3A_3 = arith.constant 0 : index
    %get3A_4 = vector.load %arg2[%get3A_2, %get3A_3] : memref<1000x64xf32, #tpu.memory_space<vmem>>, vector<1000x64xf32>
    %concatenate3A = tpu.concatenate %get3A_1, %get3A_4 in 1 : vector<1000x64xf32>, vector<1000x64xf32> -> vector<1000x128xf32>
    %get3A_5 = arith.constant 0 : index
    %get3A_6 = arith.constant 0 : index
    %get3A_7 = vector.load %arg3[%get3A_5, %get3A_6] : memref<1000x1xf32, #tpu.memory_space<vmem>>, vector<1000x1xf32>
    %mul3A = vector.broadcast %get3A_7 : vector<1000x1xf32> to vector<1000x128xf32>
    %mul3A_8 = arith.mulf %concatenate3A, %mul3A : vector<1000x128xf32>
    %get3A_9 = arith.constant 0 : index
    %get3A_10 = arith.constant 0 : index
    %get3A_11 = vector.load %arg5[%get3A_9, %get3A_10] : memref<128x128xf32, #tpu.memory_space<vmem>>, vector<128x128xf32>
    %dot_general3A = arith.constant dense<0.000000e+00> : vector<1000x128xf32>
    %dot_general3A_12 = tpu.matmul %mul3A_8, %get3A_11, %dot_general3A {dimension_numbers = #tpu.dot_dimension_numbers<[1], [0], [0], [1], [0, 0, 1, 1], [], []>, transpose_lhs_hint = false} : vector<1000x128xf32>, vector<128x128xf32>, vector<1000x128xf32> -> vector<1000x128xf32>
    %get3A_13 = arith.constant 0 : index
    %get3A_14 = arith.constant 0 : index
    %get3A_15 = vector.load %arg4[%get3A_13, %get3A_14] : memref<1000x128xf32, #tpu.memory_space<vmem>>, vector<1000x128xf32>
    %add3A = arith.addf %dot_general3A_12, %get3A_15 : vector<1000x128xf32>
    %swap3A = arith.constant 0 : index
    %swap3A_16 = arith.constant 0 : index
    %swap3A_17 = vector.load %arg6[%swap3A, %swap3A_16] : memref<1000x128xf32, #tpu.memory_space<vmem>>, vector<1000x128xf32>
    tpu.vector_store %arg6[%swap3A, %swap3A_16], %add3A {strides = array<i32>} : memref<1000x128xf32, #tpu.memory_space<vmem>>, vector<1000x128xf32>,
    return
  }
  func.func @transform_0(%arg0: i32) -> (i32, i32) {
    %c0_i32 = arith.constant 0 : i32
    %c0_i32_0 = arith.constant 0 : i32
    return %arg0, %c0_i32 : i32, i32
  }
  func.func @transform_1(%arg0: i32) -> (i32, i32) {
    %c0_i32 = arith.constant 0 : i32
    %c0_i32_0 = arith.constant 0 : i32
    return %arg0, %c0_i32 : i32, i32
  }
  func.func @transform_2(%arg0: i32) -> (i32, i32) {
    %c0_i32 = arith.constant 0 : i32
    %c0_i32_0 = arith.constant 0 : i32
    return %arg0, %c0_i32 : i32, i32
  }
  func.func @transform_3(%arg0: i32) -> (i32, i32) {
    %c0_i32 = arith.constant 0 : i32
    %c0_i32_0 = arith.constant 0 : i32
    return %arg0, %c0_i32 : i32, i32
  }
  func.func @transform_4(%arg0: i32) -> (i32, i32) {
    %c0_i32 = arith.constant 0 : i32
    %c0_i32_0 = arith.constant 0 : i32
    %c0_i32_1 = arith.constant 0 : i32
    return %c0_i32, %c0_i32_0 : i32, i32
  }
  func.func @transform_5(%arg0: i32) -> (i32, i32) {
    %c0_i32 = arith.constant 0 : i32
    %c0_i32_0 = arith.constant 0 : i32
    return %arg0, %c0_i32 : i32, i32
  }
}

</mosaic_0001>

<sc_bundles>
// kernel: kernel.12.cloned.1.call-start
scs
__scs_entry_jumppad:
0x0: {  	(pc) =	sbr.rel $0x88, $3  }
0x1: {  	(tag) =	ssettag $0x0;
	lr =	simm.s32 $0x1  }
0x2: {  	[smem:$0x3F99] =	sst lr;
	_ =	strace $0xD0000000  }
0x3: {  	_ = 	snop  }
0x4: {  	_ = 	snop  }
0x5: {  	_ = 	snop  }
0x6: {  	_ = 	snop  }
0x7: {  	_ = 	snop  }
__scs_overlays_trampoline_lowered:
0x8: {  	[smem:$0x3FA8] =	sst s0  }
0x9: {  	[smem:$0x3FA9] =	sst s1  }
0xa: {  	[smem:$0x3FAA] =	sst s2  }
0xb: {  	[smem:$0x3FAB] =	sst s3  }
0xc: {  	[smem:$0x3FAC] =	sst s4  }
0xd: {  	[smem:$0x3FAD] =	sst s5  }
0xe: {  	[smem:$0x3FAE] =	sst s6  }
0xf: {  	[smem:$0x3FAF] =	sst s7  }
0x10: {  	[smem:$0x3FB0] =	sst s8  }
0x11: {  	[smem:$0x3FB1] =	sst s9;
	s0 =	simm.s32 @!p0 $0x0  }
0x12: {  	s1 =	sld [smem:$0x3F97];
	s0 =	simm.s32 @p0 $0x1  }
0x13: {  	[smem:$0x3FB2] =	sst s0;
	s0 =	simm.s32 @!p1 $0x0  }
0x14: {  	s2 =	sld [smem:$0x3F96];
	s0 =	simm.s32 @p1 $0x1  }
0x15: {  	[smem:$0x3FB3] =	sst s0;
	s0 =	simm.s32 @!p2 $0x0  }
0x16: {  	s3 =	sld [smem:$0x3FDB];
	s0 =	simm.s32 @p2 $0x1  }
0x17: {  	s4 =	simm.s32 $0x1BF5;
	[smem:$0x3FB5] =	sst s0  }
0x18: {  	s0 =	sld [smem:$0x3F98];
	_ =	swait.ge [sflag:s4], $0x0  }
0x19: {  	s7 =	sld [smem:$0x3F99]  }
0x1a: {  	s8 =	sadd.s32 $0xFFFFE003, lr  }
0x1b: {  	s9 =	sadd.s32 $0xFFFFFEF7, lr;
	s5 =	simm.s32 $0xFFFFFFFF;
	p2 =	slt.u32 s8, $0xFFFFF086  }
0x1c: {  	p1 =	slt.u32 s9, $0xF7A;
	s5 =	simm.s32 @!p2 $0x0  }
0x1d: {  	s5 =	simm.s32 @p1 $0x1;
	p0 =	seq.s32 s7, s2  }
0x1e: {  	s7 =	smul.u32 @!p0 $0xF7A, s2;
	p2 =	seq.s32 @!p0 s5, $0x0  }
0x1f: {  	s9 =	smul.u32 $0xF7A, s1;
	s8 =	simm.s32 @!p0 $0x1BF5;
	p2 =	por !p2, p0  }
0x20: {  	[sflag:s8] =	ssyncset.s32 @!p0 $0xFFFFF086;
	s6 =	sadd.s32 @!p0 s3, s7;
	s7 =	simm.s32 @!p0 $0x108  }
0x21: {  	s3 =	sadd.s32 s3, s9;
	s6 =	sadd.s32 @!p0 $0x88, s6;
	s7 =	simm.s32 @p2 $0x1082  }
0x22: {  	[simem:s7], [sflag:s8] =	dma.local @!p0 [hbm:s6], $0xF7A  }
0x23: {  	s9 =	sor.u32 $0xD0000000, s2;
	s6 =	simm.s32 $0x108;
	_ =	swait.ge @!p0 [sflag:s8], $0x0  }
0x24: {  	s3 =	sadd.s32 $0x88, s3;
	s6 =	simm.s32 @!p1 $0x1082;
	[sflag:s4] =	ssyncset.s32 $0xFFFFF086  }
0x25: {  	[simem:s6], [sflag:s4] =	dma.local [hbm:s3], $0xF7A  }
0x26: {  	[smem:$0x3F99] =	sst s1;
	(tag) =	ssettag s2;
	_ =	strace s9  }
0x27: {  	s1 =	sld [smem:$0x3FA9]  }
0x28: {  	s2 =	sld [smem:$0x3FAA]  }
0x29: {  	s4 =	sld [smem:$0x3FAC]  }
0x2a: {  	p0 =	seq.s32 s5, $0x0;
	s5 =	sld [smem:$0x3FAD]  }
0x2b: {  	s6 =	sld [smem:$0x3FAE]  }
0x2c: {  	s7 =	sld [smem:$0x3FAF]  }
0x2d: {  	s3 =	simm.s32 $0x108;
	s8 =	sld [smem:$0x3FB0]  }
0x2e: {  	s3 =	simm.s32 @!p0 $0x1082;
	s9 =	sld [smem:$0x3FB1]  }
0x2f: {  	lr =	sadd.s32 s0, s3;
	s0 =	sld [smem:$0x3FA8]  }
0x30: {  	s3 =	sld [smem:$0x3FAB]  }
0x31: {  	[smem:$0x3FB4] =	sst s10  }
0x32: {  	s10 =	sld [smem:$0x3FB2];
	_ =	sdelay $0x3  }
0x33: {  	p0 =	seq.s32 s10, $0x1;
	s10 =	sld [smem:$0x3FB4];
	_ =	sdelay $0x3  }
0x34: {  	[smem:$0x3FB4] =	sst s10  }
0x35: {  	s10 =	sld [smem:$0x3FB3];
	_ =	sdelay $0x3  }
0x36: {  	p1 =	seq.s32 s10, $0x1;
	s10 =	sld [smem:$0x3FB4];
	_ =	sdelay $0x3  }
0x37: {  	[smem:$0x3FB4] =	sst s10  }
0x38: {  	s10 =	sld [smem:$0x3FB5]  }
0x39: {  	_ = 	snop;
	(pc) =	sbr.ind lr, $3  }
0x3a: {  	_ = 	snop  }
0x3b: {  	_ = 	snop  }
0x3c: {  	p2 =	seq.s32 s10, $0x1;
	s10 =	sld [smem:$0x3FB4]  }
0x3d: {  	_ =	shalt  }
0x3e: {  	_ =	shalt  }
0x3f: {  	_ =	shalt  }
0x40: {  	_ =	shalt  }
0x41: {  	_ =	shalt  }
0x42: {  	_ =	shalt  }
0x43: {  	_ =	shalt  }
0x44: {  	_ =	shalt  }
0x45: {  	_ =	shalt  }
0x46: {  	_ =	shalt  }
0x47: {  	_ =	shalt  }
0x48: {  	_ =	shalt  }
0x49: {  	_ =	shalt  }
0x4a: {  	_ =	shalt  }
0x4b: {  	_ =	shalt  }
0x4c: {  	_ =	shalt  }
0x4d: {  	_ =	shalt  }
0x4e: {  	_ =	shalt  }
0x4f: {  	_ =	shalt  }
0x50: {  	_ =	shalt  }
0x51: {  	_ =	shalt  }
0x52: {  	_ =	shalt  }
0x53: {  	_ =	shalt  }
0x54: {  	_ =	shalt  }
0x55: {  	_ =	shalt  }
0x56: {  	_ =	shalt  }
0x57: {  	_ =	shalt  }
0x58: {  	_ =	shalt  }
0x59: {  	_ =	shalt  }
0x5a: {  	_ =	shalt  }
0x5b: {  	_ =	shalt  }
0x5c: {  	_ =	shalt  }
0x5d: {  	_ =	shalt  }
0x5e: {  	_ =	shalt  }
0x5f: {  	_ =	shalt  }
0x60: {  	_ =	shalt  }
0x61: {  	_ =	shalt  }
0x62: {  	_ =	shalt  }
0x63: {  	_ =	shalt  }
0x64: {  	_ =	shalt  }
0x65: {  	_ =	shalt  }
0x66: {  	_ =	shalt  }
0x67: {  	_ =	shalt  }
0x68: {  	_ =	shalt  }
0x69: {  	_ =	shalt  }
0x6a: {  	_ =	shalt  }
0x6b: {  	_ =	shalt  }
0x6c: {  	_ =	shalt  }
0x6d: {  	_ =	shalt  }
0x6e: {  	_ =	shalt  }
0x6f: {  	_ =	shalt  }
0x70: {  	_ =	shalt  }
0x71: {  	_ =	shalt  }
0x72: {  	_ =	shalt  }
0x73: {  	_ =	shalt  }
0x74: {  	_ =	shalt  }
0x75: {  	_ =	shalt  }
0x76: {  	_ =	shalt  }
0x77: {  	_ =	shalt  }
0x78: {  	_ =	shalt  }
0x79: {  	_ =	shalt  }
0x7a: {  	_ =	shalt  }
0x7b: {  	_ =	shalt  }
0x7c: {  	_ =	shalt  }
0x7d: {  	_ =	shalt  }
0x7e: {  	_ =	shalt  }
0x7f: {  	_ =	shalt  }
0x80: {  	_ =	shalt  }
0x81: {  	_ =	shalt  }
0x82: {  	_ =	shalt  }
0x83: {  	_ =	shalt  }
0x84: {  	_ =	shalt  }
0x85: {  	_ =	shalt  }
0x86: {  	_ =	shalt  }
0x87: {  	_ =	shalt  }
.Lfunc_end0:
.L_simem_size_0:
called_computation.1_lowered:
.L_overlay_start_0:
0x88: {  	s2 =	sld [smem:$0x3FD9]  }
0x89: {  	s3 =	sld [smem:$0x3FFE];
	_ =	sdelay $0x1  }
0x8a: {  	s1 =	srdreg.scid  }
0x8b: {  	s0 =	sand.u32 $0x1, s1  }
0x8c: {  	s16 =	sshll.u32 s0, $0xA;
	s2 =	sadd.s32 s3, s2  }
0x8d: {  	s2 =	sadd.s32 s2, s16  }
0x8e: {  	[smem:$0x3FC0] =	sst s2  }
0x8f: {  	_ = 	snop  }
0x90: {  	(tm) =	ssettm $0x1  }
0x91: {  	s17 =	sld [smem:$0x3FFB];
	_ =	sdelay $0x3  }
0x92: {  	_ =	strace s17  }
0x93: {  	s2 =	sld [smem:$0x3FFC];
	_ =	sdelay $0x3  }
0x94: {  	_ =	strace s2  }
0x95: {  	s2 =	sld [smem:$0x3FFD];
	_ =	sdelay $0x3  }
0x96: {  	_ =	strace s2  }
0x97: {  	_ =	strace $0x8FFFFFFF  }
0x98: {  	s18 =	sld [smem:$0x3FDB];
	_ =	sdelay $0x1  }
0x99: {  	s19 =	simm.s32 $_scs_section_size  }
0x9a: {  	s4 =	simm.s32 $_size__tile_overlayer_lowered;
	s5 =	simm.s32 $_tile_overlayer_lowered  }
0x9b: {  	s22 =	simm.s32 $0x1BFF;
	s21 =	sshll.u32 s5, $0x1;
	s2 =	sadd.s32 s19, s18  }
0x9c: {  	s6 =	simm.s32 $0x0;
	s20 =	sshll.u32 s4, $0x1;
	s4 =	sadd.s32 s21, s2  }
0x9d: {  	[timem:s6], [sflag:s22] =	dma.local [hbm:s4], s20  }
0x9e: {  	_ =	swait.ge [sflag:s22], s20  }
0x9f: {  	s3 =	ssub.s32 $0x0, s20;
	[sflag:s22] =	ssyncset.done $0x0  }
0xa0: {  	[sflag:s22] =	ssyncadd.s32 s3;
	_ =	sdelay $0x1  }
0xa1: {  	s23 =	simm.s32 $0x1B8B  }
0xa2: {  	_ =	swait.ge [sflag:s23], $0x1  }
0xa3: {  	[sflag:s23] =	ssyncset.done $0x0  }
0xa4: {  	s25 =	simm.s32 $0x1B8E;
	s24 =	sld [smem:$0x3FFE];
	[sflag:s23] =	ssyncadd.s32 $0xFFFFFFFF  }
0xa5: {  	s26 =	simm.s32 $execute0_lowered;
	[smem:$0x3FD2] =	sst s25  }
0xa6: {  	s4 =	sshll.u32 s26, $0x1;
	_ =	strace $0x80000049;
	[dreg:$0x1] =	wrdreg $0xFFFFFFFF  }
0xa7: {  	s28 =	simm.s32 $_size_execute0_lowered;
	s2 =	sadd.s32 s2, s4;
	[dreg:$0x0] =	wrdreg $0x0  }
0xa8: {  	s4 =	sshll.u32 s28, $0x1;
	[dreg:$0x2] =	wrdreg s2  }
0xa9: {  	[dreg:$0x3] =	wrdreg s4  }
0xaa: {  	[dreg:$0x4] =	wrdreg $0xC0  }
0xab: {  	_ =	task [dreg:s6], $0x5FFFF  }
0xac: {  	[dreg:$0x1] =	wrdreg $0xFFFFFFFF  }
0xad: {  	[dreg:$0x0] =	wrdreg $0x60  }
0xae: {  	[dreg:$0x2] =	wrdreg s24  }
0xaf: {  	[dreg:$0x3] =	wrdreg $0x0  }
0xb0: {  	[dreg:$0x4] =	wrdreg $0x9  }
0xb1: {  	_ =	task.clear_ibuf [dreg:s6], $0x5FFFF;
	_ =	strace $0x90000049  }
0xb2: {  	s29 =	simm.s32 $0x9;
	_ =	strace $0x8000004B  }
0xb3: {  	_ =	swait.ge [sflag:s29], $0x1  }
0xb4: {  	[sflag:s29] =	ssyncadd.s32 $0xFFFFFFFF  }
0xb5: {  	_ =	strace $0x9000004B  }
0xb6: {  	_ =	sfence  }
0xb7: {  	s30 =	sld [smem:$0x0];
	_ =	sdelay $0x2  }
0xb8: {  	s31 =	sshll.u32 s1, $0xD;
	s1 =	sshrl.u32 s1, $0x2  }
0xb9: {  	s3 =	sand.u32 $0x4000, s31;
	s1 =	sadd.s32 s1, s30  }
0xba: {  	s0 =	sor.u32 s3, s0;
	s1 =	sshll.u32 s1, $0x11  }
0xbb: {  	s0 =	sor.u32 s1, s0  }
0xbc: {  	s0 =	sadd.s32 $0x8F2B, s0  }
0xbd: {  	[sflag:s0] =	ssyncadd.remote.s32 $0x1  }
0xbe: {  	_ =	sfence.sel $0xFFFF  }
0xbf: {  	[dreg:$0x0] =	wrdreg $0xFFFFFFFF;
	(pc) =	sbr.abs _section_cstart, $3  }
0xc0: {  	[dreg:$0x1] =	wrdreg $0xFFFFFFFF  }
0xc1: {  	_ =	task.clear_ibuf [dreg:s6], $0x2FFFF;
	_ =	strace $0x9FFFFFFF  }
0xc2: {  	(tm) =	ssettm $0x7FFFFFFF  }
0xc3: {  	_ =	shalt  }
tec
execute0_lowered:
.L_overlay_start_1:
0x0: {  	(tag) =	ssettag $0x1  }
0x1: {  	s0 =	rddreg [dreg:$0x0]  }
0x2: {  	s2 =	rddreg [dreg:$0x1]  }
0x3: {  	s3 =	simm.s32 $0x0;
	s9 =	stileid.u32;
	s6 =	srdreg.scid  }
0x4: {  	s15 =	simm.s32 $0xA000;
	s29 =	simm.s32 $0x16440;
	s31 =	simm.s32 $0x17840  }
0x5: {  	s28 =	simm.s32 $0x7;
	s30 =	simm.s32 $0x4;
	s11 =	simm.s32 $0xA  }
0x6: {  	s12 =	simm.s32 $0x0;
	[smem:$0x7FF] =	sst s3;
	s1 =	smul.u32 $0x9C4, s9  }
0x7: {  	s4 =	sadd.s32 $0x17000, s0;
	s5 =	sadd.s32 $0x2AA00, s0;
	s7 =	smul.u32 $0x28000, s9  }
0x8: {  	s6 =	sand.u32 $0x1, s6;
	s8 =	sadd.s32 $0x7B000, s0;
	s9 =	smul.u32 $0xA000, s9  }
0x9: {  	_ =	strace $0x8000004A;
	[dreg:$0x3] =	wrdreg s8;
	s19 =	ssub.s32 $0x2, s6  }
0xa: {  	p0 =	sne.s32 s6, $0x0;
	s6 =	simm.s32 $0x18C40;
	s1 =	sadd.s32 s1, s0  }
0xb: {  	s0 =	sadd.s32 $0x67000, s0;
	s20 =	sshrl.u32 s19, $0x1;
	s7 =	sshrl.u32 s7, $0x2  }
0xc: {  	s8 =	sadd.s32 s9, s2;
	[dreg:$0x4] =	wrdreg s0;
	s26 =	sadd.s32 $0xD200, s1  }
0xd: {  	s7 =	sadd.s32 s7, s2;
	s1 =	sadd.s32 $0x3400, s1;
	[dreg:$0xc] =	wrdreg s26  }
0xe: {  	s18 =	sshrl.u32 s9, $0x3;
	s10 =	sadd.s32 $0x1400, s7;
	[dreg:$0xd] =	wrdreg s1  }
0xf: {  	s9 =	simm.s32 $0x5;
	s21 =	sadd.s32 $0x2800, s7;
	[dreg:$0x5] =	wrdreg s10  }
0x10: {  	s0 =	ssub.s32 s19, s20;
	s22 =	sadd.s32 $0x3C00, s7;
	[dreg:$0x6] =	wrdreg s21  }
0x11: {  	s20 =	simm.s32 $0x13C40;
	s23 =	sadd.s32 $0x5000, s7;
	[dreg:$0x7] =	wrdreg s22  }
0x12: {  	s24 =	sadd.s32 $0x6400, s7;
	s25 =	sadd.s32 $0x7800, s7;
	[dreg:$0x8] =	wrdreg s23  }
.Ltmp0:
0x13: {  	s7 =	sadd.s32 $0x8C00, s7;
	[dreg:$0x9] =	wrdreg s24;
	(pc) =	sbr.rel .LBB2_1-.Ltmp0, $4  }
0x14: {  	s19 =	smax.u32 s0, $0x1;
	s26 =	simm.s32 $0x15040;
	[dreg:$0xa] =	wrdreg s25  }
0x15: {  	s0 =	simm.s32 $0x1;
	s1 =	simm.s32 $0x8;
	[dreg:$0xb] =	wrdreg s7  }
0x16: {  	s21 =	simm.s32 $0xB;
	s24 =	simm.s32 $0x50;
	s7 =	simm.s32 $0x2  }
0x17: {  	v0 =	vimm.f32 $0.0e+00;
	s23 =	simm.s32 $0x6;
	s25 =	simm.s32 $0x3;
	s10 =	simm.s32 $0x9  }
.LBB2_10:
0x18: {  	s13 =	rddreg [dreg:$0x4]  }
.LBB2_11:
0x19: {  	_ =	swait.ge [sflag:s9], $0x1400  }
0x1a: {  	[sflag:s9] =	ssyncset.done $0x0  }
0x1b: {  	s14 =	simm.s32 $0x13BF0;
	[sflag:s9] =	ssyncadd.s32 $0xFFFFEC00  }
0x1c: {  	[spmem:s2] =	stream.indirect.scatter.add.f32 [tilespmem:s6], [sflag:$0xA], $0x40, s14, s24, $0xb8;
	[tilespmem:$0x1A040] =	vst v63  }
0x1d: {  	_ =	swait.ge [sflag:s10], $0x1400  }
0x1e: {  	[sflag:s10] =	ssyncset.done $0x0  }
0x1f: {  	[sflag:s10] =	ssyncadd.s32 $0xFFFFEC00  }
0x20: {  	s13 =	sadd.s32 s13, s18;
	s22 =	stileid.u32;
	_ =	swait.ge [sflag:s11], $0x1400  }
0x21: {  	s15 =	sshrl.u32 s8, $0x3;
	s12 =	sadd.s32 $0x1, s12;
	[sflag:s11] =	ssyncset.done $0x0  }
0x22: {  	p1 =	sne.s32 s12, s19;
	s14 =	sshll.u32 s22, $0x6;
	[sflag:s11] =	ssyncadd.s32 $0xFFFFEC00  }
.Ltmp1:
0x23: {  	s14 =	sor.u32 $0x1C0B, s14;
	[bflag:$0x0] =	sbarrier.arrive $0xFFFF;
	(pc) =	sbr.rel @!p1 .LBB2_12-.Ltmp1, $4  }
0x24: {  	[hbm:s13], [sflag:s14] =	dma.local [spmem:s15], $0x1400  }
0x25: {  	_ =	swait.ge [sflag:s21], $0x1400  }
0x26: {  	[sflag:s21] =	ssyncset.done $0x0  }
0x27: {  	s15 =	simm.s32 $0xA000;
	[sflag:s21] =	ssyncadd.s32 $0xFFFFEC00  }
.LBB2_1:
0x28: {  	s14 =	sand.u32 $0x7FC0, s3  }
0x29: {  	s13 =	simm.s32 $0x40;
	s14 =	sshrl.u32 s14, $0x2  }
.LBB2_2:
0x2a: {  	p1 =	sne.s32 s13, $0x4FC0;
	[tilespmem:s14+$0x13C40] =	vst v0;
	s14 =	smov.u32 s13;
	s13 =	sadd.s32 $0x40, s13  }
.Ltmp2:
0x2b: {  	(pc) =	sbr.rel @p1 .LBB2_2-.Ltmp2, $3  }
0x2c: {  	_ =	sdelay $0x1  }
0x2d: {  	s14 =	sand.u32 $0x7FC0, s14  }
0x2e: {  	s14 =	sshrl.u32 s14, $0x2  }
0x2f: {  	[tilespmem:s14+$0x13C40] =	vst v0  }
0x30: {  	[spmem:s8] =	stream.linear.scatter [tilespmem:s20], [sflag:$0xB], $0x1400, $0x38;
	[tilespmem:$0x1A040] =	vst v63  }
0x31: {  	_ =	swait.ge [sflag:s21], $0x1400  }
0x32: {  	[sflag:s21] =	ssyncset.done $0x0  }
0x33: {  	s13 =	rddreg [dreg:$0x5];
	[sflag:s21] =	ssyncadd.s32 $0xFFFFEC00  }
0x34: {  	[spmem:s13] =	stream.linear.scatter [tilespmem:s20], [sflag:$0xB], $0x1400, $0x38;
	[tilespmem:$0x1A040] =	vst v63  }
0x35: {  	_ =	swait.ge [sflag:s21], $0x1400  }
0x36: {  	[sflag:s21] =	ssyncset.done $0x0  }
0x37: {  	s22 =	rddreg [dreg:$0x6];
	[sflag:s21] =	ssyncadd.s32 $0xFFFFEC00  }
0x38: {  	[spmem:s22] =	stream.linear.scatter [tilespmem:s20], [sflag:$0xB], $0x1400, $0x38;
	[tilespmem:$0x1A040] =	vst v63  }
0x39: {  	_ =	swait.ge [sflag:s21], $0x1400  }
0x3a: {  	[sflag:s21] =	ssyncset.done $0x0  }
0x3b: {  	s14 =	rddreg [dreg:$0x7];
	[sflag:s21] =	ssyncadd.s32 $0xFFFFEC00  }
0x3c: {  	[spmem:s14] =	stream.linear.scatter [tilespmem:s20], [sflag:$0xB], $0x1400, $0x38;
	[tilespmem:$0x1A040] =	vst v63  }
0x3d: {  	_ =	swait.ge [sflag:s21], $0x1400  }
0x3e: {  	[sflag:s21] =	ssyncset.done $0x0  }
0x3f: {  	s16 =	rddreg [dreg:$0x8];
	[sflag:s21] =	ssyncadd.s32 $0xFFFFEC00  }
0x40: {  	[spmem:s16] =	stream.linear.scatter [tilespmem:s20], [sflag:$0xB], $0x1400, $0x38;
	[tilespmem:$0x1A040] =	vst v63  }
0x41: {  	_ =	swait.ge [sflag:s21], $0x1400  }
0x42: {  	[sflag:s21] =	ssyncset.done $0x0  }
0x43: {  	s17 =	rddreg [dreg:$0x9];
	[sflag:s21] =	ssyncadd.s32 $0xFFFFEC00  }
0x44: {  	[spmem:s17] =	stream.linear.scatter [tilespmem:s20], [sflag:$0xB], $0x1400, $0x38;
	[tilespmem:$0x1A040] =	vst v63  }
0x45: {  	_ =	swait.ge [sflag:s21], $0x1400  }
0x46: {  	[sflag:s21] =	ssyncset.done $0x0  }
0x47: {  	s22 =	rddreg [dreg:$0xa];
	[sflag:s21] =	ssyncadd.s32 $0xFFFFEC00  }
0x48: {  	[spmem:s22] =	stream.linear.scatter [tilespmem:s20], [sflag:$0xB], $0x1400, $0x38;
	[tilespmem:$0x1A040] =	vst v63  }
0x49: {  	_ =	swait.ge [sflag:s21], $0x1400  }
0x4a: {  	[sflag:s21] =	ssyncset.done $0x0  }
0x4b: {  	s14 =	rddreg [dreg:$0xb];
	[sflag:s21] =	ssyncadd.s32 $0xFFFFEC00  }
0x4c: {  	[spmem:s14] =	stream.linear.scatter [tilespmem:s20], [sflag:$0xB], $0x1400, $0x38;
	[tilespmem:$0x1A040] =	vst v63  }
0x4d: {  	_ =	swait.ge [sflag:s21], $0x1400  }
0x4e: {  	[sflag:s21] =	ssyncset.done $0x0  }
0x4f: {  	[sflag:s21] =	ssyncadd.s32 $0xFFFFEC00  }
0x50: {  	[bflag:$0x0] =	sbarrier.arrive $0xFFFF  }
0x51: {  	s16 =	rddreg [dreg:$0xc]  }
0x52: {  	[tilespmem:s15], [sflag:$0xB] =	stream.linear.gather [hbm4b:s16+s3], $0x4E20, $0x38;
	[tilespmem:$0x1A040] =	vst v63  }
0x53: {  	_ =	swait.ge [sflag:s21], $0x4E20  }
0x54: {  	s22 =	simm.s32 $0xEE20;
	[sflag:s21] =	ssyncset.done $0x0  }
.Ltmp3:
0x55: {  	s17 =	rddreg [dreg:$0xd];
	[sflag:s21] =	ssyncadd.s32 $0xFFFFB1E0;
	(pc) =	sbr.rel @p0 .LBB2_8-.Ltmp3, $4  }
0x56: {  	[tilespmem:s22], [sflag:$0xB] =	stream.linear.gather [hbm4b:s17+s3], $0x4E20, $0x38;
	[tilespmem:$0x1A040] =	vst v63  }
0x57: {  	_ =	swait.ge [sflag:s21], $0x4E20  }
0x58: {  	[sflag:s21] =	ssyncset.done $0x0  }
0x59: {  	[sflag:s21] =	ssyncadd.s32 $0xFFFFB1E0  }
0x5a: {  	[tilespmem:s20], [sflag:$0x1] =	stream.indirect.gather [hbm4b:s4+s24], $0x40, s15, s24, $0xb8;
	[tilespmem:$0x1A040] =	vst v63  }
0x5b: {  	s13 =	simm.s32 $0xA050  }
0x5c: {  	[tilespmem:s26], [sflag:$0x2] =	stream.indirect.gather [hbm4b:s4+s24], $0x40, s13, s24, $0xb8;
	[tilespmem:$0x1A040] =	vst v63  }
0x5d: {  	s17 =	simm.s32 $0xA0A0  }
0x5e: {  	[tilespmem:s29], [sflag:$0x3] =	stream.indirect.gather [hbm4b:s4+s24], $0x40, s17, s24, $0xb8;
	[tilespmem:$0x1A040] =	vst v63  }
0x5f: {  	s22 =	simm.s32 $0xA0F0;
	s13 =	simm.s32 $0x0  }
0x60: {  	[tilespmem:s31], [sflag:$0x4] =	stream.indirect.gather [hbm4b:s4+s24], $0x40, s22, s24, $0xb8;
	[tilespmem:$0x1A040] =	vst v63  }
.LBB2_5:
0x61: {  	_ =	swait.ge [sflag:s0], $0x1400  }
0x62: {  	s14 =	sshra.s32 s13, $0x2;
	[sflag:s0] =	ssyncset.done $0x0  }
0x63: {  	p1 =	seq.s32 s13, $0x0;
	s15 =	sadd.s32 $0xEE20, s14;
	[sflag:s0] =	ssyncadd.s32 $0xFFFFEC00  }
0x64: {  	[spmem:s2] =	stream.indirect.scatter.add.f32 [tilespmem:s20], [sflag:$0x6], $0x40, s15, s24, $0xb8;
	[tilespmem:$0x1A040] =	vst v63  }
0x65: {  	s15 =	simm.s32 @!p1 $0xA  }
0x66: {  	_ =	swait.ge @!p1 [sflag:s15], $0x1400  }
0x67: {  	[sflag:s15] =	ssyncset.done @!p1 $0x0  }
0x68: {  	s22 =	sadd.s32 $0xA140, s14;
	[sflag:s15] =	ssyncadd.s32 @!p1 $0xFFFFEC00  }
0x69: {  	[tilespmem:s6], [sflag:$0x5] =	stream.indirect.gather [hbm4b:s4+s24], $0x40, s22, s24, $0xb8;
	[tilespmem:$0x1A040] =	vst v63  }
0x6a: {  	_ =	swait.ge [sflag:s7], $0x1400  }
0x6b: {  	[sflag:s7] =	ssyncset.done $0x0  }
0x6c: {  	s16 =	sadd.s32 $0xEE70, s14;
	[sflag:s7] =	ssyncadd.s32 $0xFFFFEC00  }
0x6d: {  	[spmem:s2] =	stream.indirect.scatter.add.f32 [tilespmem:s26], [sflag:$0x7], $0x40, s16, s24, $0xb8;
	[tilespmem:$0x1A040] =	vst v63  }
0x6e: {  	_ =	swait.ge [sflag:s23], $0x1400  }
0x6f: {  	[sflag:s23] =	ssyncset.done $0x0  }
0x70: {  	s17 =	sadd.s32 $0xA190, s14;
	[sflag:s23] =	ssyncadd.s32 $0xFFFFEC00  }
0x71: {  	[tilespmem:s20], [sflag:$0x1] =	stream.indirect.gather [hbm4b:s4+s24], $0x40, s17, s24, $0xb8;
	[tilespmem:$0x1A040] =	vst v63  }
0x72: {  	_ =	swait.ge [sflag:s25], $0x1400  }
0x73: {  	[sflag:s25] =	ssyncset.done $0x0  }
0x74: {  	s22 =	sadd.s32 $0xEEC0, s14;
	[sflag:s25] =	ssyncadd.s32 $0xFFFFEC00  }
0x75: {  	[spmem:s2] =	stream.indirect.scatter.add.f32 [tilespmem:s29], [sflag:$0x8], $0x40, s22, s24, $0xb8;
	[tilespmem:$0x1A040] =	vst v63  }
0x76: {  	_ =	swait.ge [sflag:s28], $0x1400  }
0x77: {  	[sflag:s28] =	ssyncset.done $0x0  }
0x78: {  	s16 =	sadd.s32 $0xA1E0, s14;
	[sflag:s28] =	ssyncadd.s32 $0xFFFFEC00  }
0x79: {  	[tilespmem:s26], [sflag:$0x2] =	stream.indirect.gather [hbm4b:s4+s24], $0x40, s16, s24, $0xb8;
	[tilespmem:$0x1A040] =	vst v63  }
0x7a: {  	_ =	swait.ge [sflag:s30], $0x1400  }
0x7b: {  	[sflag:s30] =	ssyncset.done $0x0  }
0x7c: {  	s17 =	sadd.s32 $0xEF10, s14;
	[sflag:s30] =	ssyncadd.s32 $0xFFFFEC00  }
0x7d: {  	[spmem:s2] =	stream.indirect.scatter.add.f32 [tilespmem:s31], [sflag:$0x9], $0x40, s17, s24, $0xb8;
	[tilespmem:$0x1A040] =	vst v63  }
0x7e: {  	_ =	swait.ge [sflag:s1], $0x1400  }
0x7f: {  	[sflag:s1] =	ssyncset.done $0x0  }
0x80: {  	s22 =	sadd.s32 $0xA230, s14;
	[sflag:s1] =	ssyncadd.s32 $0xFFFFEC00  }
0x81: {  	[tilespmem:s29], [sflag:$0x3] =	stream.indirect.gather [hbm4b:s4+s24], $0x40, s22, s24, $0xb8;
	[tilespmem:$0x1A040] =	vst v63  }
0x82: {  	_ =	swait.ge [sflag:s9], $0x1400  }
0x83: {  	[sflag:s9] =	ssyncset.done $0x0  }
0x84: {  	s16 =	sadd.s32 $0xEF60, s14;
	[sflag:s9] =	ssyncadd.s32 $0xFFFFEC00  }
0x85: {  	[spmem:s2] =	stream.indirect.scatter.add.f32 [tilespmem:s6], [sflag:$0xA], $0x40, s16, s24, $0xb8;
	[tilespmem:$0x1A040] =	vst v63  }
0x86: {  	_ =	swait.ge [sflag:s10], $0x1400  }
0x87: {  	[sflag:s10] =	ssyncset.done $0x0  }
0x88: {  	s17 =	sadd.s32 $0xA280, s14;
	[sflag:s10] =	ssyncadd.s32 $0xFFFFEC00  }
0x89: {  	[tilespmem:s31], [sflag:$0x4] =	stream.indirect.gather [hbm4b:s4+s24], $0x40, s17, s24, $0xb8;
	[tilespmem:$0x1A040] =	vst v63  }
0x8a: {  	_ =	swait.ge [sflag:s0], $0x1400  }
0x8b: {  	[sflag:s0] =	ssyncset.done $0x0  }
0x8c: {  	s22 =	sadd.s32 $0xEFB0, s14;
	[sflag:s0] =	ssyncadd.s32 $0xFFFFEC00  }
0x8d: {  	[spmem:s2] =	stream.indirect.scatter.add.f32 [tilespmem:s20], [sflag:$0x6], $0x40, s22, s24, $0xb8;
	[tilespmem:$0x1A040] =	vst v63  }
0x8e: {  	_ =	swait.ge [sflag:s11], $0x1400  }
0x8f: {  	[sflag:s11] =	ssyncset.done $0x0  }
0x90: {  	s16 =	sadd.s32 $0xA2D0, s14;
	[sflag:s11] =	ssyncadd.s32 $0xFFFFEC00  }
0x91: {  	[tilespmem:s6], [sflag:$0x5] =	stream.indirect.gather [hbm4b:s4+s24], $0x40, s16, s24, $0xb8;
	[tilespmem:$0x1A040] =	vst v63  }
0x92: {  	_ =	swait.ge [sflag:s7], $0x1400  }
0x93: {  	[sflag:s7] =	ssyncset.done $0x0  }
0x94: {  	s17 =	sadd.s32 $0xF000, s14;
	[sflag:s7] =	ssyncadd.s32 $0xFFFFEC00  }
0x95: {  	[spmem:s2] =	stream.indirect.scatter.add.f32 [tilespmem:s26], [sflag:$0x7], $0x40, s17, s24, $0xb8;
	[tilespmem:$0x1A040] =	vst v63  }
0x96: {  	_ =	swait.ge [sflag:s23], $0x1400  }
0x97: {  	p1 =	seq.s32 s13, $0x12C00;
	[sflag:s23] =	ssyncset.done $0x0  }
0x98: {  	s15 =	simm.s32 @p1 $0x3;
	[sflag:s23] =	ssyncadd.s32 $0xFFFFEC00  }
0x99: {  	_ =	swait.ge @p1 [sflag:s15], $0x1400  }
0x9a: {  	[sflag:s15] =	ssyncset.done @p1 $0x0  }
0x9b: {  	[sflag:s15] =	ssyncadd.s32 @p1 $0xFFFFEC00;
	s15 =	sshra.s32 @p1 s13, $0x2  }
0x9c: {  	s22 =	simm.s32 @p1 $0x16440;
	s16 =	simm.s32 @p1 $0x50;
	s15 =	sadd.s32 @p1 $0xF050, s15  }
0x9d: {  	[spmem:s2] =	stream.indirect.scatter.add.f32 @p1 [tilespmem:s22], [sflag:$0x8], $0x40, s15, s16, $0xb8;
	[tilespmem:$0x1A040] =	vst v63  }
0x9e: {  	s15 =	simm.s32 @p1 $0x7  }
0x9f: {  	_ =	swait.ge @p1 [sflag:s15], $0x1400  }
0xa0: {  	[sflag:s15] =	ssyncset.done @p1 $0x0  }
0xa1: {  	[sflag:s15] =	ssyncadd.s32 @p1 $0xFFFFEC00;
	s15 =	sshra.s32 @!p1 s13, $0x2  }
0xa2: {  	s17 =	simm.s32 @!p1 $0x13C40;
	s22 =	simm.s32 @!p1 $0x50;
	s16 =	sadd.s32 @!p1 $0xA320, s15  }
0xa3: {  	[tilespmem:s17], [sflag:$0x1] =	stream.indirect.gather @!p1 [hbm4b:s4+s22], $0x40, s16, s22, $0xb8;
	[tilespmem:$0x1A040] =	vst v63  }
0xa4: {  	s16 =	simm.s32 @!p1 $0x3  }
0xa5: {  	_ =	swait.ge @!p1 [sflag:s16], $0x1400  }
0xa6: {  	[sflag:s16] =	ssyncset.done @!p1 $0x0  }
0xa7: {  	s17 =	simm.s32 @!p1 $0x16440;
	[sflag:s16] =	ssyncadd.s32 @!p1 $0xFFFFEC00;
	s16 =	sadd.s32 @!p1 $0xF050, s15  }
0xa8: {  	[spmem:s2] =	stream.indirect.scatter.add.f32 @!p1 [tilespmem:s17], [sflag:$0x8], $0x40, s16, s22, $0xb8;
	[tilespmem:$0x1A040] =	vst v63  }
0xa9: {  	s16 =	simm.s32 @!p1 $0x7  }
0xaa: {  	_ =	swait.ge @!p1 [sflag:s16], $0x1400  }
0xab: {  	[sflag:s16] =	ssyncset.done @!p1 $0x0  }
0xac: {  	s15 =	sadd.s32 @!p1 $0xA370, s15;
	[sflag:s16] =	ssyncadd.s32 @!p1 $0xFFFFEC00;
	s16 =	simm.s32 @!p1 $0x15040  }
0xad: {  	[tilespmem:s16], [sflag:$0x2] =	stream.indirect.gather @!p1 [hbm4b:s4+s22], $0x40, s15, s22, $0xb8;
	[tilespmem:$0x1A040] =	vst v63  }
0xae: {  	_ =	swait.ge [sflag:s30], $0x1400  }
0xaf: {  	[sflag:s30] =	ssyncset.done $0x0  }
.Ltmp4:
0xb0: {  	s22 =	sadd.s32 $0xF0A0, s14;
	[sflag:s30] =	ssyncadd.s32 $0xFFFFEC00;
	(pc) =	sbr.rel @p1 .LBB2_6-.Ltmp4, $4  }
0xb1: {  	[spmem:s2] =	stream.indirect.scatter.add.f32 [tilespmem:s31], [sflag:$0x9], $0x40, s22, s24, $0xb8;
	[tilespmem:$0x1A040] =	vst v63  }
0xb2: {  	_ =	swait.ge [sflag:s1], $0x1400  }
0xb3: {  	[sflag:s1] =	ssyncset.done $0x0  }
0xb4: {  	[sflag:s1] =	ssyncadd.s32 $0xFFFFEC00  }
0xb5: {  	s15 =	sadd.s32 $0xA3C0, s14  }
0xb6: {  	[tilespmem:s29], [sflag:$0x3] =	stream.indirect.gather [hbm4b:s4+s24], $0x40, s15, s24, $0xb8;
	[tilespmem:$0x1A040] =	vst v63  }
0xb7: {  	_ =	swait.ge [sflag:s9], $0x1400  }
0xb8: {  	[sflag:s9] =	ssyncset.done $0x0  }
0xb9: {  	s17 =	sadd.s32 $0xF0F0, s14;
	[sflag:s9] =	ssyncadd.s32 $0xFFFFEC00  }
0xba: {  	[spmem:s2] =	stream.indirect.scatter.add.f32 [tilespmem:s6], [sflag:$0xA], $0x40, s17, s24, $0xb8;
	[tilespmem:$0x1A040] =	vst v63  }
.Ltmp5:
0xbb: {  	_ = 	snop;
	(pc) =	sbr.rel .LBB2_5-.Ltmp5, $4  }
0xbc: {  	_ =	swait.ge [sflag:s10], $0x1400  }
0xbd: {  	[sflag:s10] =	ssyncset.done $0x0  }
0xbe: {  	s22 =	sadd.s32 $0xA410, s14;
	s13 =	sadd.s32 $0xC80, s13;
	[sflag:s10] =	ssyncadd.s32 $0xFFFFEC00  }
0xbf: {  	[tilespmem:s31], [sflag:$0x4] =	stream.indirect.gather [hbm4b:s4+s24], $0x40, s22, s24, $0xb8;
	[tilespmem:$0x1A040] =	vst v63  }
.LBB2_8:
0xc0: {  	[tilespmem:s20], [sflag:$0x1] =	stream.indirect.gather [hbm4b:s5+s24], $0x40, s15, s24, $0xb8;
	[tilespmem:$0x1A040] =	vst v63  }
0xc1: {  	s13 =	simm.s32 $0xA050  }
0xc2: {  	[tilespmem:s26], [sflag:$0x2] =	stream.indirect.gather [hbm4b:s5+s24], $0x40, s13, s24, $0xb8;
	[tilespmem:$0x1A040] =	vst v63  }
0xc3: {  	s17 =	simm.s32 $0xA0A0  }
0xc4: {  	[tilespmem:s29], [sflag:$0x3] =	stream.indirect.gather [hbm4b:s5+s24], $0x40, s17, s24, $0xb8;
	[tilespmem:$0x1A040] =	vst v63  }
0xc5: {  	s22 =	simm.s32 $0xA0F0;
	s13 =	simm.s32 $0x0  }
0xc6: {  	[tilespmem:s31], [sflag:$0x4] =	stream.indirect.gather [hbm4b:s5+s24], $0x40, s22, s24, $0xb8;
	[tilespmem:$0x1A040] =	vst v63  }
.LBB2_9:
0xc7: {  	_ =	swait.ge [sflag:s0], $0x1400  }
0xc8: {  	s14 =	sshra.s32 s13, $0x2;
	[sflag:s0] =	ssyncset.done $0x0  }
0xc9: {  	p1 =	seq.s32 s13, $0x0;
	s15 =	sadd.s32 $0xEE20, s14;
	[sflag:s0] =	ssyncadd.s32 $0xFFFFEC00  }
0xca: {  	[spmem:s2] =	stream.indirect.scatter.add.f32 [tilespmem:s20], [sflag:$0x6], $0x40, s15, s24, $0xb8;
	[tilespmem:$0x1A040] =	vst v63  }
0xcb: {  	s15 =	simm.s32 @!p1 $0xA  }
0xcc: {  	_ =	swait.ge @!p1 [sflag:s15], $0x1400  }
0xcd: {  	[sflag:s15] =	ssyncset.done @!p1 $0x0  }
0xce: {  	s22 =	sadd.s32 $0xA140, s14;
	[sflag:s15] =	ssyncadd.s32 @!p1 $0xFFFFEC00  }
0xcf: {  	[tilespmem:s6], [sflag:$0x5] =	stream.indirect.gather [hbm4b:s5+s24], $0x40, s22, s24, $0xb8;
	[tilespmem:$0x1A040] =	vst v63  }
0xd0: {  	_ =	swait.ge [sflag:s7], $0x1400  }
0xd1: {  	[sflag:s7] =	ssyncset.done $0x0  }
0xd2: {  	s16 =	sadd.s32 $0xEE70, s14;
	[sflag:s7] =	ssyncadd.s32 $0xFFFFEC00  }
0xd3: {  	[spmem:s2] =	stream.indirect.scatter.add.f32 [tilespmem:s26], [sflag:$0x7], $0x40, s16, s24, $0xb8;
	[tilespmem:$0x1A040] =	vst v63  }
0xd4: {  	_ =	swait.ge [sflag:s23], $0x1400  }
0xd5: {  	[sflag:s23] =	ssyncset.done $0x0  }
0xd6: {  	s17 =	sadd.s32 $0xA190, s14;
	[sflag:s23] =	ssyncadd.s32 $0xFFFFEC00  }
0xd7: {  	[tilespmem:s20], [sflag:$0x1] =	stream.indirect.gather [hbm4b:s5+s24], $0x40, s17, s24, $0xb8;
	[tilespmem:$0x1A040] =	vst v63  }
0xd8: {  	_ =	swait.ge [sflag:s25], $0x1400  }
0xd9: {  	[sflag:s25] =	ssyncset.done $0x0  }
0xda: {  	s22 =	sadd.s32 $0xEEC0, s14;
	[sflag:s25] =	ssyncadd.s32 $0xFFFFEC00  }
0xdb: {  	[spmem:s2] =	stream.indirect.scatter.add.f32 [tilespmem:s29], [sflag:$0x8], $0x40, s22, s24, $0xb8;
	[tilespmem:$0x1A040] =	vst v63  }
0xdc: {  	_ =	swait.ge [sflag:s28], $0x1400  }
0xdd: {  	[sflag:s28] =	ssyncset.done $0x0  }
0xde: {  	s16 =	sadd.s32 $0xA1E0, s14;
	[sflag:s28] =	ssyncadd.s32 $0xFFFFEC00  }
0xdf: {  	[tilespmem:s26], [sflag:$0x2] =	stream.indirect.gather [hbm4b:s5+s24], $0x40, s16, s24, $0xb8;
	[tilespmem:$0x1A040] =	vst v63  }
0xe0: {  	_ =	swait.ge [sflag:s30], $0x1400  }
0xe1: {  	[sflag:s30] =	ssyncset.done $0x0  }
0xe2: {  	s17 =	sadd.s32 $0xEF10, s14;
	[sflag:s30] =	ssyncadd.s32 $0xFFFFEC00  }
0xe3: {  	[spmem:s2] =	stream.indirect.scatter.add.f32 [tilespmem:s31], [sflag:$0x9], $0x40, s17, s24, $0xb8;
	[tilespmem:$0x1A040] =	vst v63  }
0xe4: {  	_ =	swait.ge [sflag:s1], $0x1400  }
0xe5: {  	[sflag:s1] =	ssyncset.done $0x0  }
0xe6: {  	s22 =	sadd.s32 $0xA230, s14;
	[sflag:s1] =	ssyncadd.s32 $0xFFFFEC00  }
0xe7: {  	[tilespmem:s29], [sflag:$0x3] =	stream.indirect.gather [hbm4b:s5+s24], $0x40, s22, s24, $0xb8;
	[tilespmem:$0x1A040] =	vst v63  }
0xe8: {  	_ =	swait.ge [sflag:s9], $0x1400  }
0xe9: {  	[sflag:s9] =	ssyncset.done $0x0  }
0xea: {  	s16 =	sadd.s32 $0xEF60, s14;
	[sflag:s9] =	ssyncadd.s32 $0xFFFFEC00  }
0xeb: {  	[spmem:s2] =	stream.indirect.scatter.add.f32 [tilespmem:s6], [sflag:$0xA], $0x40, s16, s24, $0xb8;
	[tilespmem:$0x1A040] =	vst v63  }
0xec: {  	_ =	swait.ge [sflag:s10], $0x1400  }
0xed: {  	[sflag:s10] =	ssyncset.done $0x0  }
0xee: {  	s17 =	sadd.s32 $0xA280, s14;
	[sflag:s10] =	ssyncadd.s32 $0xFFFFEC00  }
0xef: {  	[tilespmem:s31], [sflag:$0x4] =	stream.indirect.gather [hbm4b:s5+s24], $0x40, s17, s24, $0xb8;
	[tilespmem:$0x1A040] =	vst v63  }
0xf0: {  	_ =	swait.ge [sflag:s0], $0x1400  }
0xf1: {  	[sflag:s0] =	ssyncset.done $0x0  }
0xf2: {  	s22 =	sadd.s32 $0xEFB0, s14;
	[sflag:s0] =	ssyncadd.s32 $0xFFFFEC00  }
0xf3: {  	[spmem:s2] =	stream.indirect.scatter.add.f32 [tilespmem:s20], [sflag:$0x6], $0x40, s22, s24, $0xb8;
	[tilespmem:$0x1A040] =	vst v63  }
0xf4: {  	_ =	swait.ge [sflag:s11], $0x1400  }
0xf5: {  	[sflag:s11] =	ssyncset.done $0x0  }
0xf6: {  	s16 =	sadd.s32 $0xA2D0, s14;
	[sflag:s11] =	ssyncadd.s32 $0xFFFFEC00  }
0xf7: {  	[tilespmem:s6], [sflag:$0x5] =	stream.indirect.gather [hbm4b:s5+s24], $0x40, s16, s24, $0xb8;
	[tilespmem:$0x1A040] =	vst v63  }
0xf8: {  	_ =	swait.ge [sflag:s7], $0x1400  }
0xf9: {  	[sflag:s7] =	ssyncset.done $0x0  }
0xfa: {  	s17 =	sadd.s32 $0xF000, s14;
	[sflag:s7] =	ssyncadd.s32 $0xFFFFEC00  }
0xfb: {  	[spmem:s2] =	stream.indirect.scatter.add.f32 [tilespmem:s26], [sflag:$0x7], $0x40, s17, s24, $0xb8;
	[tilespmem:$0x1A040] =	vst v63  }
0xfc: {  	_ =	swait.ge [sflag:s23], $0x1400  }
0xfd: {  	p1 =	seq.s32 s13, $0x12C00;
	[sflag:s23] =	ssyncset.done $0x0  }
0xfe: {  	s15 =	simm.s32 @p1 $0x3;
	[sflag:s23] =	ssyncadd.s32 $0xFFFFEC00  }
0xff: {  	_ =	swait.ge @p1 [sflag:s15], $0x1400  }
0x100: {  	[sflag:s15] =	ssyncset.done @p1 $0x0  }
0x101: {  	[sflag:s15] =	ssyncadd.s32 @p1 $0xFFFFEC00;
	s15 =	sshra.s32 @p1 s13, $0x2  }
0x102: {  	s16 =	simm.s32 @p1 $0x50;
	s17 =	simm.s32 @p1 $0x16440;
	s15 =	sadd.s32 @p1 $0xF050, s15  }
0x103: {  	[spmem:s2] =	stream.indirect.scatter.add.f32 @p1 [tilespmem:s17], [sflag:$0x8], $0x40, s15, s16, $0xb8;
	[tilespmem:$0x1A040] =	vst v63  }
0x104: {  	s15 =	simm.s32 @p1 $0x7  }
0x105: {  	_ =	swait.ge @p1 [sflag:s15], $0x1400  }
0x106: {  	[sflag:s15] =	ssyncset.done @p1 $0x0  }
0x107: {  	[sflag:s15] =	ssyncadd.s32 @p1 $0xFFFFEC00;
	s15 =	sshra.s32 @!p1 s13, $0x2  }
0x108: {  	s22 =	simm.s32 @!p1 $0x13C40;
	s17 =	simm.s32 @!p1 $0x50;
	s16 =	sadd.s32 @!p1 $0xA320, s15  }
0x109: {  	[tilespmem:s22], [sflag:$0x1] =	stream.indirect.gather @!p1 [hbm4b:s5+s17], $0x40, s16, s17, $0xb8;
	[tilespmem:$0x1A040] =	vst v63  }
0x10a: {  	s16 =	simm.s32 @!p1 $0x3  }
0x10b: {  	_ =	swait.ge @!p1 [sflag:s16], $0x1400  }
0x10c: {  	[sflag:s16] =	ssyncset.done @!p1 $0x0  }
0x10d: {  	s22 =	simm.s32 @!p1 $0x16440;
	[sflag:s16] =	ssyncadd.s32 @!p1 $0xFFFFEC00;
	s16 =	sadd.s32 @!p1 $0xF050, s15  }
0x10e: {  	[spmem:s2] =	stream.indirect.scatter.add.f32 @!p1 [tilespmem:s22], [sflag:$0x8], $0x40, s16, s17, $0xb8;
	[tilespmem:$0x1A040] =	vst v63  }
0x10f: {  	s16 =	simm.s32 @!p1 $0x7  }
0x110: {  	_ =	swait.ge @!p1 [sflag:s16], $0x1400  }
0x111: {  	[sflag:s16] =	ssyncset.done @!p1 $0x0  }
0x112: {  	s15 =	sadd.s32 @!p1 $0xA370, s15;
	[sflag:s16] =	ssyncadd.s32 @!p1 $0xFFFFEC00;
	s16 =	simm.s32 @!p1 $0x15040  }
0x113: {  	[tilespmem:s16], [sflag:$0x2] =	stream.indirect.gather @!p1 [hbm4b:s5+s17], $0x40, s15, s17, $0xb8;
	[tilespmem:$0x1A040] =	vst v63  }
0x114: {  	_ =	swait.ge [sflag:s30], $0x1400  }
0x115: {  	[sflag:s30] =	ssyncset.done $0x0  }
.Ltmp6:
0x116: {  	s22 =	sadd.s32 $0xF0A0, s14;
	[sflag:s30] =	ssyncadd.s32 $0xFFFFEC00;
	(pc) =	sbr.rel @p1 .LBB2_10-.Ltmp6, $4  }
0x117: {  	[spmem:s2] =	stream.indirect.scatter.add.f32 [tilespmem:s31], [sflag:$0x9], $0x40, s22, s24, $0xb8;
	[tilespmem:$0x1A040] =	vst v63  }
0x118: {  	_ =	swait.ge [sflag:s1], $0x1400  }
0x119: {  	[sflag:s1] =	ssyncset.done $0x0  }
0x11a: {  	[sflag:s1] =	ssyncadd.s32 $0xFFFFEC00  }
0x11b: {  	s15 =	sadd.s32 $0xA3C0, s14  }
0x11c: {  	[tilespmem:s29], [sflag:$0x3] =	stream.indirect.gather [hbm4b:s5+s24], $0x40, s15, s24, $0xb8;
	[tilespmem:$0x1A040] =	vst v63  }
0x11d: {  	_ =	swait.ge [sflag:s9], $0x1400  }
0x11e: {  	[sflag:s9] =	ssyncset.done $0x0  }
0x11f: {  	s17 =	sadd.s32 $0xF0F0, s14;
	[sflag:s9] =	ssyncadd.s32 $0xFFFFEC00  }
0x120: {  	[spmem:s2] =	stream.indirect.scatter.add.f32 [tilespmem:s6], [sflag:$0xA], $0x40, s17, s24, $0xb8;
	[tilespmem:$0x1A040] =	vst v63  }
.Ltmp7:
0x121: {  	_ = 	snop;
	(pc) =	sbr.rel .LBB2_9-.Ltmp7, $4  }
0x122: {  	_ =	swait.ge [sflag:s10], $0x1400  }
0x123: {  	[sflag:s10] =	ssyncset.done $0x0  }
0x124: {  	s22 =	sadd.s32 $0xA410, s14;
	s13 =	sadd.s32 $0xC80, s13;
	[sflag:s10] =	ssyncadd.s32 $0xFFFFEC00  }
0x125: {  	[tilespmem:s31], [sflag:$0x4] =	stream.indirect.gather [hbm4b:s5+s24], $0x40, s22, s24, $0xb8;
	[tilespmem:$0x1A040] =	vst v63  }
.LBB2_6:
.Ltmp8:
0x126: {  	(pc) =	sbr.rel .LBB2_11-.Ltmp8, $2  }
0x127: {  	_ =	sdelay $0x2  }
0x128: {  	s13 =	rddreg [dreg:$0x3]  }
.LBB2_12:
0x129: {  	_ =	sfence.sel $0x180000  }
0x12a: {  	[bflag:$0x0] =	sbarrier.arrive $0xFFFF  }
0x12b: {  	_ =	strace $0x9000004A  }
0x12c: {  	s0 =	stileid.u32;
	[bflag:$0x2] =	sbarrier.arrive $0xFFFF  }
0x12d: {  	p0 =	sne.s32 s0, $0x0;
	s0 =	rddreg [dreg:$0x2]  }
0x12e: {  	s0 =	sadd.s32 @!p0 $0x100000, s0  }
0x12f: {  	[sflag:s0] =	ssyncadd.tile.s32 @!p0 $0x1;
	_ =	shalt  }
.Lfunc_end2:
_tile_overlayer_lowered:
.L_overlay_start_2:
0x130: {  	(tag) =	ssettag $0x2  }
0x131: {  	s0 =	rddreg [dreg:$0x0];
	s2 =	stileid.u32  }
0x132: {  	s1 =	rddreg [dreg:$0x1];
	p0 =	sne.s32 s2, $0x0  }
0x133: {  	s3 =	rddreg [dreg:$0x2];
	[bflag:$0x3] =	sbarrier.arrive $0xFFFF;
	s2 =	simm.s32 @!p0 $0x1C0B  }
0x134: {  	[timem:s3], [sflag:s2] =	dma.local @!p0 [hbm:s0], s1  }
0x135: {  	s0 =	simm.s32 @!p0 $0xB  }
0x136: {  	_ =	swait.ge @!p0 [sflag:s0], s1  }
0x137: {  	s1 =	ssub.s32 @!p0 $0x0, s1;
	[sflag:s0] =	ssyncset.done @!p0 $0x0  }
0x138: {  	[sflag:s0] =	ssyncadd.s32 @!p0 s1  }
0x139: {  	[bflag:$0x3] =	sbarrier.arrive $0xFFFF  }
0x13a: {  	_ =	shalt  }

// kernel: kernel.9.cloned.1.call-start
scs
__scs_entry_jumppad:
0x0: {  	(pc) =	sbr.rel $0x88, $3  }
0x1: {  	(tag) =	ssettag $0x0;
	lr =	simm.s32 $0x1  }
0x2: {  	[smem:$0x3F99] =	sst lr;
	_ =	strace $0xD0000000  }
0x3: {  	_ = 	snop  }
0x4: {  	_ = 	snop  }
0x5: {  	_ = 	snop  }
0x6: {  	_ = 	snop  }
0x7: {  	_ = 	snop  }
__scs_overlays_trampoline_lowered:
0x8: {  	[smem:$0x3FA8] =	sst s0  }
0x9: {  	[smem:$0x3FA9] =	sst s1  }
0xa: {  	[smem:$0x3FAA] =	sst s2  }
0xb: {  	[smem:$0x3FAB] =	sst s3  }
0xc: {  	[smem:$0x3FAC] =	sst s4  }
0xd: {  	[smem:$0x3FAD] =	sst s5  }
0xe: {  	[smem:$0x3FAE] =	sst s6  }
0xf: {  	[smem:$0x3FAF] =	sst s7  }
0x10: {  	[smem:$0x3FB0] =	sst s8  }
0x11: {  	[smem:$0x3FB1] =	sst s9;
	s0 =	simm.s32 @!p0 $0x0  }
0x12: {  	s1 =	sld [smem:$0x3F97];
	s0 =	simm.s32 @p0 $0x1  }
0x13: {  	[smem:$0x3FB2] =	sst s0;
	s0 =	simm.s32 @!p1 $0x0  }
0x14: {  	s2 =	sld [smem:$0x3F96];
	s0 =	simm.s32 @p1 $0x1  }
0x15: {  	[smem:$0x3FB3] =	sst s0;
	s0 =	simm.s32 @!p2 $0x0  }
0x16: {  	s3 =	sld [smem:$0x3FDB];
	s0 =	simm.s32 @p2 $0x1  }
0x17: {  	s4 =	simm.s32 $0x1BF5;
	[smem:$0x3FB5] =	sst s0  }
0x18: {  	s0 =	sld [smem:$0x3F98];
	_ =	swait.ge [sflag:s4], $0x0  }
0x19: {  	s7 =	sld [smem:$0x3F99]  }
0x1a: {  	s8 =	sadd.s32 $0xFFFFE003, lr  }
0x1b: {  	s9 =	sadd.s32 $0xFFFFFEF7, lr;
	s5 =	simm.s32 $0xFFFFFFFF;
	p2 =	slt.u32 s8, $0xFFFFF086  }
0x1c: {  	p1 =	slt.u32 s9, $0xF7A;
	s5 =	simm.s32 @!p2 $0x0  }
0x1d: {  	s5 =	simm.s32 @p1 $0x1;
	p0 =	seq.s32 s7, s2  }
0x1e: {  	s7 =	smul.u32 @!p0 $0xF7A, s2;
	p2 =	seq.s32 @!p0 s5, $0x0  }
0x1f: {  	s9 =	smul.u32 $0xF7A, s1;
	s8 =	simm.s32 @!p0 $0x1BF5;
	p2 =	por !p2, p0  }
0x20: {  	[sflag:s8] =	ssyncset.s32 @!p0 $0xFFFFF086;
	s6 =	sadd.s32 @!p0 s3, s7;
	s7 =	simm.s32 @!p0 $0x108  }
0x21: {  	s3 =	sadd.s32 s3, s9;
	s6 =	sadd.s32 @!p0 $0x88, s6;
	s7 =	simm.s32 @p2 $0x1082  }
0x22: {  	[simem:s7], [sflag:s8] =	dma.local @!p0 [hbm:s6], $0xF7A  }
0x23: {  	s9 =	sor.u32 $0xD0000000, s2;
	s6 =	simm.s32 $0x108;
	_ =	swait.ge @!p0 [sflag:s8], $0x0  }
0x24: {  	s3 =	sadd.s32 $0x88, s3;
	s6 =	simm.s32 @!p1 $0x1082;
	[sflag:s4] =	ssyncset.s32 $0xFFFFF086  }
0x25: {  	[simem:s6], [sflag:s4] =	dma.local [hbm:s3], $0xF7A  }
0x26: {  	[smem:$0x3F99] =	sst s1;
	(tag) =	ssettag s2;
	_ =	strace s9  }
0x27: {  	s1 =	sld [smem:$0x3FA9]  }
0x28: {  	s2 =	sld [smem:$0x3FAA]  }
0x29: {  	s4 =	sld [smem:$0x3FAC]  }
0x2a: {  	p0 =	seq.s32 s5, $0x0;
	s5 =	sld [smem:$0x3FAD]  }
0x2b: {  	s6 =	sld [smem:$0x3FAE]  }
0x2c: {  	s7 =	sld [smem:$0x3FAF]  }
0x2d: {  	s3 =	simm.s32 $0x108;
	s8 =	sld [smem:$0x3FB0]  }
0x2e: {  	s3 =	simm.s32 @!p0 $0x1082;
	s9 =	sld [smem:$0x3FB1]  }
0x2f: {  	lr =	sadd.s32 s0, s3;
	s0 =	sld [smem:$0x3FA8]  }
0x30: {  	s3 =	sld [smem:$0x3FAB]  }
0x31: {  	[smem:$0x3FB4] =	sst s10  }
0x32: {  	s10 =	sld [smem:$0x3FB2];
	_ =	sdelay $0x3  }
0x33: {  	p0 =	seq.s32 s10, $0x1;
	s10 =	sld [smem:$0x3FB4];
	_ =	sdelay $0x3  }
0x34: {  	[smem:$0x3FB4] =	sst s10  }
0x35: {  	s10 =	sld [smem:$0x3FB3];
	_ =	sdelay $0x3  }
0x36: {  	p1 =	seq.s32 s10, $0x1;
	s10 =	sld [smem:$0x3FB4];
	_ =	sdelay $0x3  }
0x37: {  	[smem:$0x3FB4] =	sst s10  }
0x38: {  	s10 =	sld [smem:$0x3FB5]  }
0x39: {  	_ = 	snop;
	(pc) =	sbr.ind lr, $3  }
0x3a: {  	_ = 	snop  }
0x3b: {  	_ = 	snop  }
0x3c: {  	p2 =	seq.s32 s10, $0x1;
	s10 =	sld [smem:$0x3FB4]  }
0x3d: {  	_ =	shalt  }
0x3e: {  	_ =	shalt  }
0x3f: {  	_ =	shalt  }
0x40: {  	_ =	shalt  }
0x41: {  	_ =	shalt  }
0x42: {  	_ =	shalt  }
0x43: {  	_ =	shalt  }
0x44: {  	_ =	shalt  }
0x45: {  	_ =	shalt  }
0x46: {  	_ =	shalt  }
0x47: {  	_ =	shalt  }
0x48: {  	_ =	shalt  }
0x49: {  	_ =	shalt  }
0x4a: {  	_ =	shalt  }
0x4b: {  	_ =	shalt  }
0x4c: {  	_ =	shalt  }
0x4d: {  	_ =	shalt  }
0x4e: {  	_ =	shalt  }
0x4f: {  	_ =	shalt  }
0x50: {  	_ =	shalt  }
0x51: {  	_ =	shalt  }
0x52: {  	_ =	shalt  }
0x53: {  	_ =	shalt  }
0x54: {  	_ =	shalt  }
0x55: {  	_ =	shalt  }
0x56: {  	_ =	shalt  }
0x57: {  	_ =	shalt  }
0x58: {  	_ =	shalt  }
0x59: {  	_ =	shalt  }
0x5a: {  	_ =	shalt  }
0x5b: {  	_ =	shalt  }
0x5c: {  	_ =	shalt  }
0x5d: {  	_ =	shalt  }
0x5e: {  	_ =	shalt  }
0x5f: {  	_ =	shalt  }
0x60: {  	_ =	shalt  }
0x61: {  	_ =	shalt  }
0x62: {  	_ =	shalt  }
0x63: {  	_ =	shalt  }
0x64: {  	_ =	shalt  }
0x65: {  	_ =	shalt  }
0x66: {  	_ =	shalt  }
0x67: {  	_ =	shalt  }
0x68: {  	_ =	shalt  }
0x69: {  	_ =	shalt  }
0x6a: {  	_ =	shalt  }
0x6b: {  	_ =	shalt  }
0x6c: {  	_ =	shalt  }
0x6d: {  	_ =	shalt  }
0x6e: {  	_ =	shalt  }
0x6f: {  	_ =	shalt  }
0x70: {  	_ =	shalt  }
0x71: {  	_ =	shalt  }
0x72: {  	_ =	shalt  }
0x73: {  	_ =	shalt  }
0x74: {  	_ =	shalt  }
0x75: {  	_ =	shalt  }
0x76: {  	_ =	shalt  }
0x77: {  	_ =	shalt  }
0x78: {  	_ =	shalt  }
0x79: {  	_ =	shalt  }
0x7a: {  	_ =	shalt  }
0x7b: {  	_ =	shalt  }
0x7c: {  	_ =	shalt  }
0x7d: {  	_ =	shalt  }
0x7e: {  	_ =	shalt  }
0x7f: {  	_ =	shalt  }
0x80: {  	_ =	shalt  }
0x81: {  	_ =	shalt  }
0x82: {  	_ =	shalt  }
0x83: {  	_ =	shalt  }
0x84: {  	_ =	shalt  }
0x85: {  	_ =	shalt  }
0x86: {  	_ =	shalt  }
0x87: {  	_ =	shalt  }
.Lfunc_end0:
.L_simem_size_0:
called_computation_lowered:
.L_overlay_start_0:
0x88: {  	s2 =	sld [smem:$0x3FD9]  }
0x89: {  	s3 =	sld [smem:$0x3FFE];
	_ =	sdelay $0x1  }
0x8a: {  	s1 =	srdreg.scid  }
0x8b: {  	s0 =	sand.u32 $0x1, s1  }
0x8c: {  	s17 =	sshll.u32 s0, $0xA;
	s2 =	sadd.s32 s3, s2  }
0x8d: {  	s2 =	sadd.s32 s2, s17  }
0x8e: {  	[smem:$0x3FC0] =	sst s2  }
0x8f: {  	_ = 	snop  }
0x90: {  	s2 =	sld [smem:$0x3FD0];
	(tm) =	ssettm $0x1  }
0x91: {  	s18 =	sld [smem:$0x3FFB];
	_ =	sdelay $0x3  }
0x92: {  	_ =	strace s18  }
0x93: {  	s3 =	sld [smem:$0x3FFC];
	_ =	sdelay $0x3  }
0x94: {  	_ =	strace s3  }
0x95: {  	s3 =	sld [smem:$0x3FFD];
	_ =	sdelay $0x3  }
0x96: {  	_ =	strace s3  }
0x97: {  	_ =	strace $0x8FFFFFFF  }
0x98: {  	s19 =	sld [smem:$0x3FDB];
	_ =	sdelay $0x1  }
0x99: {  	s4 =	simm.s32 $_scs_section_size  }
0x9a: {  	s5 =	simm.s32 $_size__tile_overlayer_lowered;
	s6 =	simm.s32 $_tile_overlayer_lowered  }
0x9b: {  	s22 =	simm.s32 $0x1BFF;
	s21 =	sshll.u32 s6, $0x1;
	s3 =	sadd.s32 s4, s19  }
0x9c: {  	s7 =	simm.s32 $0x0;
	s20 =	sshll.u32 s5, $0x1;
	s5 =	sadd.s32 s21, s3  }
0x9d: {  	[timem:s7], [sflag:s22] =	dma.local [hbm:s5], s20  }
0x9e: {  	_ =	swait.ge [sflag:s22], s20  }
0x9f: {  	s4 =	ssub.s32 $0x0, s20;
	[sflag:s22] =	ssyncset.done $0x0  }
0xa0: {  	[sflag:s22] =	ssyncadd.s32 s4;
	_ =	sdelay $0x1  }
0xa1: {  	s23 =	simm.s32 $0x1B8B  }
0xa2: {  	_ =	swait.ge [sflag:s23], $0x1  }
0xa3: {  	[sflag:s23] =	ssyncset.done $0x0  }
0xa4: {  	s25 =	simm.s32 $0x1B8E;
	s24 =	sld [smem:$0x3FFE];
	[sflag:s23] =	ssyncadd.s32 $0xFFFFFFFF  }
0xa5: {  	s26 =	simm.s32 $execute0_lowered;
	[smem:$0x3FD2] =	sst s25  }
0xa6: {  	s5 =	sshll.u32 s26, $0x1;
	_ =	strace $0x80000046;
	[dreg:$0x1] =	wrdreg $0xFFFFFFFF  }
0xa7: {  	s28 =	simm.s32 $_size_execute0_lowered;
	s3 =	sadd.s32 s3, s5;
	[dreg:$0x0] =	wrdreg $0x0  }
0xa8: {  	s5 =	sshll.u32 s28, $0x1;
	[dreg:$0x2] =	wrdreg s3  }
0xa9: {  	[dreg:$0x3] =	wrdreg s5  }
0xaa: {  	[dreg:$0x4] =	wrdreg $0xC0  }
0xab: {  	_ =	task [dreg:s7], $0x5FFFF  }
0xac: {  	[dreg:$0x1] =	wrdreg $0xFFFFFFFF  }
0xad: {  	[dreg:$0x0] =	wrdreg $0x60  }
0xae: {  	[dreg:$0x2] =	wrdreg s24  }
0xaf: {  	[dreg:$0x3] =	wrdreg s2  }
0xb0: {  	[dreg:$0x4] =	wrdreg $0x0  }
0xb1: {  	[dreg:$0x5] =	wrdreg $0x9  }
0xb2: {  	_ =	task.clear_ibuf [dreg:s7], $0x6FFFF;
	_ =	strace $0x90000046  }
0xb3: {  	s29 =	simm.s32 $0x9;
	_ =	strace $0x80000048  }
0xb4: {  	_ =	swait.ge [sflag:s29], $0x1  }
0xb5: {  	[sflag:s29] =	ssyncadd.s32 $0xFFFFFFFF  }
0xb6: {  	_ =	strace $0x90000048  }
0xb7: {  	_ =	sfence  }
0xb8: {  	s30 =	sld [smem:$0x0];
	_ =	sdelay $0x2  }
0xb9: {  	s31 =	sshll.u32 s1, $0xD;
	s1 =	sshrl.u32 s1, $0x2  }
0xba: {  	s3 =	sand.u32 $0x4000, s31;
	s1 =	sadd.s32 s1, s30  }
0xbb: {  	s0 =	sor.u32 s3, s0;
	s1 =	sshll.u32 s1, $0x11  }
0xbc: {  	s0 =	sor.u32 s1, s0  }
0xbd: {  	s0 =	sadd.s32 $0x8F2B, s0  }
0xbe: {  	[sflag:s0] =	ssyncadd.remote.s32 $0x1  }
0xbf: {  	_ =	sfence.sel $0xFFFF  }
0xc0: {  	[dreg:$0x0] =	wrdreg $0xFFFFFFFF;
	(pc) =	sbr.abs _section_cstart, $3  }
0xc1: {  	[dreg:$0x1] =	wrdreg $0xFFFFFFFF  }
0xc2: {  	_ =	task.clear_ibuf [dreg:s7], $0x2FFFF;
	_ =	strace $0x9FFFFFFF  }
0xc3: {  	(tm) =	ssettm $0x7FFFFFFF  }
tec
execute0_lowered:
.L_overlay_start_1:
0x0: {  	(tag) =	ssettag $0x1  }
0x1: {  	s0 =	rddreg [dreg:$0x0]  }
0x2: {  	s2 =	rddreg [dreg:$0x2];
	s17 =	simm.s32 $0x0;
	s4 =	stileid.u32  }
0x3: {  	s3 =	srdreg.scid;
	s28 =	simm.s32 $0x15040;
	s30 =	simm.s32 $0x16440  }
0x4: {  	s29 =	simm.s32 $0x1A040;
	s31 =	simm.s32 $0x6;
	[smem:$0x7FF] =	sst s17  }
0x5: {  	s5 =	sadd.s32 $0x2AA00, s0;
	s1 =	smul.u32 $0x9C4, s4;
	s6 =	sadd.s32 $0x17000, s0  }
0x6: {  	s3 =	sand.u32 $0x1, s3;
	s7 =	sshll.u32 s4, $0x1;
	s8 =	smul.u32 $0x28000, s4  }
0x7: {  	s9 =	sadd.s32 $0x48400, s0;
	s11 =	smul.u32 $0xA000, s4;
	s4 =	simm.s32 $0x0  }
0x8: {  	_ =	strace $0x80000047;
	s7 =	sor.u32 s3, s7;
	[dreg:$0x4] =	wrdreg s9  }
0x9: {  	s12 =	ssub.s32 $0x2, s3;
	p0 =	sne.s32 s3, $0x0;
	s3 =	simm.s32 $0x3  }
0xa: {  	s9 =	simm.s32 $0x7;
	s1 =	sadd.s32 s1, s0;
	s7 =	smul.u32 $0x500, s7  }
0xb: {  	s10 =	sshrl.u32 s12, $0x1;
	s8 =	sshrl.u32 s8, $0x2;
	s25 =	sshrl.u32 s11, $0x3  }
0xc: {  	s18 =	sadd.s32 s11, s2;
	s11 =	simm.s32 $0x8;
	[dreg:$0x10] =	wrdreg s25  }
0xd: {  	s13 =	ssub.s32 s12, s10;
	s24 =	sadd.s32 $0xD200, s1;
	[dreg:$0x5] =	wrdreg s18  }
0xe: {  	s14 =	sadd.s32 s8, s2;
	s1 =	sadd.s32 $0x3400, s1;
	[dreg:$0xd] =	wrdreg s24  }
0xf: {  	s8 =	simm.s32 $0xA000;
	s15 =	sadd.s32 $0x1400, s14;
	[dreg:$0xe] =	wrdreg s1  }
0x10: {  	s25 =	simm.s32 $0x50;
	s16 =	sadd.s32 $0x2800, s14;
	[dreg:$0x6] =	wrdreg s15  }
0x11: {  	s10 =	simm.s32 $0x4;
	s19 =	sadd.s32 $0x3C00, s14;
	[dreg:$0x7] =	wrdreg s16  }
0x12: {  	s12 =	simm.s32 $0x5;
	s20 =	sadd.s32 $0x5000, s14;
	[dreg:$0x8] =	wrdreg s19  }
0x13: {  	s0 =	sadd.s32 s7, s0;
	s21 =	sadd.s32 $0x6400, s14;
	[dreg:$0x9] =	wrdreg s20  }
0x14: {  	s22 =	sadd.s32 $0x7800, s14;
	s23 =	sadd.s32 $0x8C00, s14;
	[dreg:$0xa] =	wrdreg s21  }
.Ltmp0:
0x15: {  	s26 =	smax.u32 s13, $0x1;
	[dreg:$0xb] =	wrdreg s22;
	(pc) =	sbr.rel .LBB2_1-.Ltmp0, $4  }
0x16: {  	s1 =	simm.s32 $0x1;
	s7 =	simm.s32 $0x2;
	[dreg:$0xc] =	wrdreg s23  }
0x17: {  	s13 =	simm.s32 $0xA;
	s0 =	sadd.s32 $0x3E400, s0;
	[dreg:$0x11] =	wrdreg s26  }
0x18: {  	s21 =	simm.s32 $0x13C40;
	s19 =	simm.s32 $0xB;
	s22 =	simm.s32 $0x18C40  }
0x19: {  	v0 =	vimm.f32 $0.0e+00;
	v1 =	vimm.f32 $1.000000000e+00;
	s23 =	simm.s32 $0x9;
	[dreg:$0xf] =	wrdreg s0;
	s0 =	simm.s32 $0x17840  }
.LBB2_19:
0x1a: {  	_ =	swait.ge [sflag:s12], $0x1400  }
0x1b: {  	[sflag:s12] =	ssyncset.done $0x0  }
0x1c: {  	s4 =	sadd.s32 $0xF0F0, s19;
	s22 =	simm.s32 $0x18C40;
	[sflag:s12] =	ssyncadd.s32 $0xFFFFEC00  }
0x1d: {  	[spmem:s2] =	stream.indirect.scatter.add.f32 [tilespmem:s22], [sflag:$0xA], $0x40, s4, s25, $0xb8;
	[tilespmem:$0x1C840] =	vst v63  }
0x1e: {  	_ =	swait.ge [sflag:s23], $0x1400  }
0x1f: {  	[sflag:s23] =	ssyncset.done $0x0  }
0x20: {  	s16 =	rddreg [dreg:$0x12];
	[sflag:s23] =	ssyncadd.s32 $0xFFFFEC00  }
0x21: {  	s15 =	rddreg [dreg:$0x1]  }
.LBB2_17:
0x22: {  	_ =	swait.ge [sflag:s13], $0x1400  }
0x23: {  	s17 =	simm.s32 $0x0;
	[sflag:s13] =	ssyncset.done $0x0  }
0x24: {  	s19 =	simm.s32 $0xB;
	s4 =	rddreg [dreg:$0xf];
	[sflag:s13] =	ssyncadd.s32 $0xFFFFEC00  }
0x25: {  	[hbm4b:s4+s17] =	stream.linear.scatter [tilespmem:s29], [sflag:$0xB], $0x2800, $0x38;
	[tilespmem:$0x1C840] =	vst v63  }
0x26: {  	_ =	swait.ge [sflag:s19], $0x2800  }
0x27: {  	[sflag:s19] =	ssyncset.done $0x0  }
0x28: {  	[sflag:s19] =	ssyncadd.s32 $0xFFFFD800  }
0x29: {  	s8 =	stileid.u32;
	s24 =	rddreg [dreg:$0x10];
	[bflag:$0x0] =	sbarrier.arrive $0xFFFF  }
0x2a: {  	s8 =	sshll.u32 s8, $0x6;
	s18 =	rddreg [dreg:$0x5]  }
0x2b: {  	s8 =	sor.u32 $0x1C0B, s8;
	s4 =	sadd.s32 s15, s24;
	s14 =	sshrl.u32 s18, $0x3  }
0x2c: {  	[hbm:s4], [sflag:s8] =	dma.local [spmem:s14], $0x1400  }
0x2d: {  	_ =	swait.ge [sflag:s19], $0x1400  }
0x2e: {  	s16 =	sadd.s32 $0x1, s16;
	s26 =	rddreg [dreg:$0x11]  }
0x2f: {  	p1 =	sne.s32 s16, s26  }
.Ltmp1:
0x30: {  	_ = 	snop;
	(pc) =	sbr.rel @!p1 .LBB2_18-.Ltmp1, $3  }
0x31: {  	_ =	sdelay $0x1  }
0x32: {  	[sflag:s19] =	ssyncset.done $0x0  }
0x33: {  	s8 =	simm.s32 $0xA000;
	s4 =	smov.u32 s16;
	[sflag:s19] =	ssyncadd.s32 $0xFFFFEC00  }
.LBB2_1:
0x34: {  	s16 =	sand.u32 $0x7FC0, s17  }
0x35: {  	s15 =	simm.s32 $0x40;
	s16 =	sshrl.u32 s16, $0x2  }
.LBB2_2:
0x36: {  	p1 =	sne.s32 s15, $0x4FC0;
	[tilespmem:s16+$0x13C40] =	vst v0;
	s16 =	smov.u32 s15;
	s15 =	sadd.s32 $0x40, s15  }
.Ltmp2:
0x37: {  	(pc) =	sbr.rel @p1 .LBB2_2-.Ltmp2, $3  }
0x38: {  	_ =	sdelay $0x1  }
0x39: {  	s16 =	sand.u32 $0x7FC0, s16  }
0x3a: {  	s16 =	sshrl.u32 s16, $0x2  }
0x3b: {  	[dreg:$0x12] =	wrdreg s4;
	[tilespmem:s16+$0x13C40] =	vst v0  }
0x3c: {  	[spmem:s18] =	stream.linear.scatter [tilespmem:s21], [sflag:$0xB], $0x1400, $0x38;
	[tilespmem:$0x1C840] =	vst v63  }
0x3d: {  	_ =	swait.ge [sflag:s19], $0x1400  }
0x3e: {  	[sflag:s19] =	ssyncset.done $0x0  }
0x3f: {  	s14 =	rddreg [dreg:$0x6];
	[sflag:s19] =	ssyncadd.s32 $0xFFFFEC00  }
0x40: {  	[spmem:s14] =	stream.linear.scatter [tilespmem:s21], [sflag:$0xB], $0x1400, $0x38;
	[tilespmem:$0x1C840] =	vst v63  }
0x41: {  	_ =	swait.ge [sflag:s19], $0x1400  }
0x42: {  	[sflag:s19] =	ssyncset.done $0x0  }
0x43: {  	s15 =	rddreg [dreg:$0x7];
	[sflag:s19] =	ssyncadd.s32 $0xFFFFEC00  }
0x44: {  	[spmem:s15] =	stream.linear.scatter [tilespmem:s21], [sflag:$0xB], $0x1400, $0x38;
	[tilespmem:$0x1C840] =	vst v63  }
0x45: {  	_ =	swait.ge [sflag:s19], $0x1400  }
0x46: {  	[sflag:s19] =	ssyncset.done $0x0  }
0x47: {  	s16 =	rddreg [dreg:$0x8];
	[sflag:s19] =	ssyncadd.s32 $0xFFFFEC00  }
0x48: {  	[spmem:s16] =	stream.linear.scatter [tilespmem:s21], [sflag:$0xB], $0x1400, $0x38;
	[tilespmem:$0x1C840] =	vst v63  }
0x49: {  	_ =	swait.ge [sflag:s19], $0x1400  }
0x4a: {  	[sflag:s19] =	ssyncset.done $0x0  }
0x4b: {  	s18 =	rddreg [dreg:$0x9];
	[sflag:s19] =	ssyncadd.s32 $0xFFFFEC00  }
0x4c: {  	[spmem:s18] =	stream.linear.scatter [tilespmem:s21], [sflag:$0xB], $0x1400, $0x38;
	[tilespmem:$0x1C840] =	vst v63  }
0x4d: {  	_ =	swait.ge [sflag:s19], $0x1400  }
0x4e: {  	[sflag:s19] =	ssyncset.done $0x0  }
0x4f: {  	s20 =	rddreg [dreg:$0xa];
	[sflag:s19] =	ssyncadd.s32 $0xFFFFEC00  }
0x50: {  	[spmem:s20] =	stream.linear.scatter [tilespmem:s21], [sflag:$0xB], $0x1400, $0x38;
	[tilespmem:$0x1C840] =	vst v63  }
0x51: {  	_ =	swait.ge [sflag:s19], $0x1400  }
0x52: {  	[sflag:s19] =	ssyncset.done $0x0  }
0x53: {  	s24 =	rddreg [dreg:$0xb];
	[sflag:s19] =	ssyncadd.s32 $0xFFFFEC00  }
0x54: {  	[spmem:s24] =	stream.linear.scatter [tilespmem:s21], [sflag:$0xB], $0x1400, $0x38;
	[tilespmem:$0x1C840] =	vst v63  }
0x55: {  	_ =	swait.ge [sflag:s19], $0x1400  }
0x56: {  	[sflag:s19] =	ssyncset.done $0x0  }
0x57: {  	s26 =	rddreg [dreg:$0xc];
	[sflag:s19] =	ssyncadd.s32 $0xFFFFEC00  }
0x58: {  	[spmem:s26] =	stream.linear.scatter [tilespmem:s21], [sflag:$0xB], $0x1400, $0x38;
	[tilespmem:$0x1C840] =	vst v63  }
0x59: {  	_ =	swait.ge [sflag:s19], $0x1400  }
0x5a: {  	[sflag:s19] =	ssyncset.done $0x0  }
0x5b: {  	s15 =	simm.s32 $0x40;
	s16 =	simm.s32 $0x0;
	[sflag:s19] =	ssyncadd.s32 $0xFFFFEC00  }
.LBB2_4:
0x5c: {  	p1 =	sne.s32 s15, $0x9FC0;
	[tilespmem:s16+$0x1A040] =	vst v0;
	s16 =	smov.u32 s15;
	s15 =	sadd.s32 $0x40, s15  }
.Ltmp3:
0x5d: {  	(pc) =	sbr.rel @p1 .LBB2_4-.Ltmp3, $2  }
0x5e: {  	_ =	sdelay $0x2  }
0x5f: {  	s16 =	sshra.s32 s16, $0x2  }
0x60: {  	[tilespmem:s16+$0x1A040] =	vst v0  }
0x61: {  	[bflag:$0x0] =	sbarrier.arrive $0xFFFF  }
0x62: {  	s4 =	rddreg [dreg:$0xd]  }
0x63: {  	[tilespmem:s8], [sflag:$0xB] =	stream.linear.gather [hbm4b:s4+s17], $0x4E20, $0x38;
	[tilespmem:$0x1C840] =	vst v63  }
0x64: {  	_ =	swait.ge [sflag:s19], $0x4E20  }
0x65: {  	s14 =	simm.s32 $0xEE20;
	[sflag:s19] =	ssyncset.done $0x0  }
.Ltmp4:
0x66: {  	s26 =	rddreg [dreg:$0xe];
	[sflag:s19] =	ssyncadd.s32 $0xFFFFB1E0;
	(pc) =	sbr.rel @p0 .LBB2_14-.Ltmp4, $4  }
0x67: {  	[tilespmem:s14], [sflag:$0xB] =	stream.linear.gather [hbm4b:s26+s17], $0x4E20, $0x38;
	[tilespmem:$0x1C840] =	vst v63  }
0x68: {  	_ =	swait.ge [sflag:s19], $0x4E20  }
0x69: {  	[sflag:s19] =	ssyncset.done $0x0  }
0x6a: {  	[sflag:s19] =	ssyncadd.s32 $0xFFFFB1E0  }
0x6b: {  	[tilespmem:s21], [sflag:$0x1] =	stream.indirect.gather [hbm4b:s5+s25], $0x40, s8, s25, $0xb8;
	[tilespmem:$0x1C840] =	vst v63  }
0x6c: {  	s4 =	simm.s32 $0xA050  }
0x6d: {  	[tilespmem:s28], [sflag:$0x2] =	stream.indirect.gather [hbm4b:s5+s25], $0x40, s4, s25, $0xb8;
	[tilespmem:$0x1C840] =	vst v63  }
0x6e: {  	s24 =	simm.s32 $0xA0A0;
	s26 =	simm.s32 $0xA0F0;
	s15 =	simm.s32 $0x0  }
0x6f: {  	[tilespmem:s30], [sflag:$0x3] =	stream.indirect.gather [hbm4b:s5+s25], $0x40, s24, s25, $0xb8;
	[tilespmem:$0x1C840] =	vst v63  }
0x70: {  	s16 =	simm.s32 $0x1;
	s17 =	simm.s32 $0x140;
	s18 =	simm.s32 $0x0  }
0x71: {  	[tilespmem:s0], [sflag:$0x4] =	stream.indirect.gather [hbm4b:s5+s25], $0x40, s26, s25, $0xb8;
	[tilespmem:$0x1C840] =	vst v63  }
.LBB2_7:
0x72: {  	p1 =	sne.s32 s15, $0x0  }
.Ltmp5:
0x73: {  	_ = 	snop;
	(pc) =	sbr.rel @!p1 .LBB2_8-.Ltmp5, $4  }
0x74: {  	_ =	swait.ge [sflag:s1], $0x1400  }
0x75: {  	s19 =	sshra.s32 s15, $0x2;
	[sflag:s1] =	ssyncset.done $0x0  }
0x76: {  	s20 =	sadd.s32 $0xEE20, s19;
	[sflag:s1] =	ssyncadd.s32 $0xFFFFEC00  }
0x77: {  	[spmem:s2] =	stream.indirect.scatter.add.f32 [tilespmem:s21], [sflag:$0x6], $0x40, s20, s25, $0xb8;
	[tilespmem:$0x1C840] =	vst v63  }
0x78: {  	p2 =	sgt.u32 s18, $0xC  }
.Ltmp6:
0x79: {  	_ =	swait.ge [sflag:s13], $0x1400;
	(pc) =	sbr.rel @p2 .LBB2_11-.Ltmp6, $4  }
.Ltmp7:
0x7a: {  	[sflag:s13] =	ssyncset.done $0x0;
	(pc) =	sbr.rel @!p2 .LBB2_10-.Ltmp7, $4  }
0x7b: {  	s20 =	sadd.s32 $0xA140, s19;
	[sflag:s13] =	ssyncadd.s32 $0xFFFFEC00  }
0x7c: {  	[tilespmem:s22], [sflag:$0x5] =	stream.indirect.gather [hbm4b:s5+s25], $0x40, s20, s25, $0xb8;
	[tilespmem:$0x1C840] =	vst v63  }
0x7d: {  	p1 =	por $0x0, $0x0;
	s20 =	smov.u32 s17  }
0x7e: {  	_ = 	snop  }
.LBB2_8:
0x7f: {  	s4 =	simm.s32 $0xA140;
	s20 =	simm.s32 $0x140  }
0x80: {  	[tilespmem:s22], [sflag:$0x5] =	stream.indirect.gather [hbm4b:s5+s25], $0x40, s4, s25, $0xb8;
	[tilespmem:$0x1C840] =	vst v63  }
.LBB2_10:
0x81: {  	v2 =	vld [tilespmem:s19+$0xEE20];
	_ =	sdelay $0x7  }
0x82: {  	[tilespmem:v2+s29+$0x0] =	vst.idx.add.f32.msk $0xffff, v1  }
0x83: {  	v2 =	vld [tilespmem:s19+$0xEE30];
	_ =	sdelay $0x7  }
0x84: {  	[tilespmem:v2+s29+$0x0] =	vst.idx.add.f32.msk $0xffff, v1  }
0x85: {  	v2 =	vld [tilespmem:s19+$0xEE40];
	_ =	sdelay $0x7  }
0x86: {  	[tilespmem:v2+s29+$0x0] =	vst.idx.add.f32.msk $0xffff, v1  }
0x87: {  	v2 =	vld [tilespmem:s19+$0xEE50];
	_ =	sdelay $0x7  }
0x88: {  	[tilespmem:v2+s29+$0x0] =	vst.idx.add.f32.msk $0xffff, v1  }
0x89: {  	v2 =	vld [tilespmem:s19+$0xEE60];
	_ =	sdelay $0x7  }
0x8a: {  	p1 =	por $0x1, $0x1;
	[tilespmem:v2+s29+$0x0] =	vst.idx.add.f32.msk $0xffff, v1  }
.LBB2_11:
0x8b: {  	_ =	swait.ge [sflag:s7], $0x1400  }
0x8c: {  	[sflag:s7] =	ssyncset.done $0x0  }
0x8d: {  	s24 =	sadd.s32 $0xEE70, s19;
	[sflag:s7] =	ssyncadd.s32 $0xFFFFEC00  }
0x8e: {  	[spmem:s2] =	stream.indirect.scatter.add.f32 [tilespmem:s28], [sflag:$0x7], $0x40, s24, s25, $0xb8;
	[tilespmem:$0x1C840] =	vst v63  }
0x8f: {  	_ =	swait.ge [sflag:s31], $0x1400  }
0x90: {  	[sflag:s31] =	ssyncset.done $0x0  }
0x91: {  	s14 =	sadd.s32 $0xA190, s19;
	p2 =	sgt.u32 s16, $0x7C;
	[sflag:s31] =	ssyncadd.s32 $0xFFFFEC00  }
0x92: {  	[tilespmem:s21], [sflag:$0x1] =	stream.indirect.gather [hbm4b:s5+s25], $0x40, s14, s25, $0xb8;
	[tilespmem:$0x1C840] =	vst v63  }
0x93: {  	v2 =	vld @!p2 [tilespmem:s19+$0xEE70];
	_ =	sdelay $0x6  }
0x94: {  	v3 =	vimm.f32 @!p2 $1.000000000e+00;
	s24 =	simm.s32 @!p2 $0x1A040  }
0x95: {  	s4 =	sshra.s32 @!p2 s15, $0x2;
	[tilespmem:v2+s24+$0x0] =	vst.idx.add.f32.msk @!p2 $0xffff, v3  }
0x96: {  	v2 =	vld @!p2 [tilespmem:s4+$0xEE80];
	_ =	sdelay $0x7  }
0x97: {  	[tilespmem:v2+s24+$0x0] =	vst.idx.add.f32.msk @!p2 $0xffff, v3  }
0x98: {  	v2 =	vld @!p2 [tilespmem:s4+$0xEE90];
	_ =	sdelay $0x7  }
0x99: {  	[tilespmem:v2+s24+$0x0] =	vst.idx.add.f32.msk @!p2 $0xffff, v3  }
0x9a: {  	v2 =	vld @!p2 [tilespmem:s4+$0xEEA0];
	_ =	sdelay $0x7  }
0x9b: {  	[tilespmem:v2+s24+$0x0] =	vst.idx.add.f32.msk @!p2 $0xffff, v3  }
0x9c: {  	v2 =	vld @!p2 [tilespmem:s4+$0xEEB0];
	_ =	sdelay $0x7  }
0x9d: {  	[tilespmem:v2+s24+$0x0] =	vst.idx.add.f32.msk @!p2 $0xffff, v3  }
0x9e: {  	_ =	swait.ge [sflag:s3], $0x1400  }
0x9f: {  	[sflag:s3] =	ssyncset.done $0x0  }
0xa0: {  	s26 =	sadd.s32 $0xEEC0, s19;
	[sflag:s3] =	ssyncadd.s32 $0xFFFFEC00  }
0xa1: {  	[spmem:s2] =	stream.indirect.scatter.add.f32 [tilespmem:s30], [sflag:$0x8], $0x40, s26, s25, $0xb8;
	[tilespmem:$0x1C840] =	vst v63  }
0xa2: {  	_ =	swait.ge [sflag:s9], $0x1400  }
0xa3: {  	[sflag:s9] =	ssyncset.done $0x0  }
0xa4: {  	s8 =	sadd.s32 $0xA1E0, s19;
	[sflag:s9] =	ssyncadd.s32 $0xFFFFEC00  }
0xa5: {  	[tilespmem:s28], [sflag:$0x2] =	stream.indirect.gather [hbm4b:s5+s25], $0x40, s8, s25, $0xb8;
	[tilespmem:$0x1C840] =	vst v63  }
0xa6: {  	v2 =	vld @p1 [tilespmem:s19+$0xEEC0];
	_ =	sdelay $0x6  }
0xa7: {  	s4 =	simm.s32 @p1 $0x1A040;
	v3 =	vimm.f32 @p1 $1.000000000e+00  }
0xa8: {  	s24 =	sshra.s32 @p1 s15, $0x2;
	[tilespmem:v2+s4+$0x0] =	vst.idx.add.f32.msk @p1 $0xffff, v3  }
0xa9: {  	v2 =	vld @p1 [tilespmem:s24+$0xEED0];
	_ =	sdelay $0x7  }
0xaa: {  	[tilespmem:v2+s4+$0x0] =	vst.idx.add.f32.msk @p1 $0xffff, v3  }
0xab: {  	v2 =	vld @p1 [tilespmem:s24+$0xEEE0];
	_ =	sdelay $0x7  }
0xac: {  	[tilespmem:v2+s4+$0x0] =	vst.idx.add.f32.msk @p1 $0xffff, v3  }
0xad: {  	v2 =	vld @p1 [tilespmem:s24+$0xEEF0];
	_ =	sdelay $0x7  }
0xae: {  	[tilespmem:v2+s4+$0x0] =	vst.idx.add.f32.msk @p1 $0xffff, v3  }
0xaf: {  	v2 =	vld @p1 [tilespmem:s24+$0xEF00];
	_ =	sdelay $0x7  }
0xb0: {  	[tilespmem:v2+s4+$0x0] =	vst.idx.add.f32.msk @p1 $0xffff, v3  }
0xb1: {  	_ =	swait.ge [sflag:s10], $0x1400  }
0xb2: {  	[sflag:s10] =	ssyncset.done $0x0  }
0xb3: {  	s8 =	sadd.s32 $0xEF10, s19;
	[sflag:s10] =	ssyncadd.s32 $0xFFFFEC00  }
0xb4: {  	[spmem:s2] =	stream.indirect.scatter.add.f32 [tilespmem:s0], [sflag:$0x9], $0x40, s8, s25, $0xb8;
	[tilespmem:$0x1C840] =	vst v63  }
0xb5: {  	_ =	swait.ge [sflag:s11], $0x1400  }
0xb6: {  	[sflag:s11] =	ssyncset.done $0x0  }
0xb7: {  	s14 =	sadd.s32 $0xA230, s19;
	[sflag:s11] =	ssyncadd.s32 $0xFFFFEC00  }
0xb8: {  	[tilespmem:s30], [sflag:$0x3] =	stream.indirect.gather [hbm4b:s5+s25], $0x40, s14, s25, $0xb8;
	[tilespmem:$0x1C840] =	vst v63  }
0xb9: {  	v2 =	vld @p1 [tilespmem:s19+$0xEF10];
	_ =	sdelay $0x7  }
0xba: {  	[tilespmem:v2+s4+$0x0] =	vst.idx.add.f32.msk @p1 $0xffff, v3  }
0xbb: {  	v2 =	vld @p1 [tilespmem:s24+$0xEF20];
	_ =	sdelay $0x7  }
0xbc: {  	[tilespmem:v2+s4+$0x0] =	vst.idx.add.f32.msk @p1 $0xffff, v3  }
0xbd: {  	v2 =	vld @p1 [tilespmem:s24+$0xEF30];
	_ =	sdelay $0x7  }
0xbe: {  	[tilespmem:v2+s4+$0x0] =	vst.idx.add.f32.msk @p1 $0xffff, v3  }
0xbf: {  	v2 =	vld @p1 [tilespmem:s24+$0xEF40];
	_ =	sdelay $0x7  }
0xc0: {  	[tilespmem:v2+s4+$0x0] =	vst.idx.add.f32.msk @p1 $0xffff, v3  }
0xc1: {  	v2 =	vld @p1 [tilespmem:s24+$0xEF50];
	_ =	sdelay $0x7  }
0xc2: {  	[tilespmem:v2+s4+$0x0] =	vst.idx.add.f32.msk @p1 $0xffff, v3  }
0xc3: {  	_ =	swait.ge [sflag:s12], $0x1400  }
0xc4: {  	[sflag:s12] =	ssyncset.done $0x0  }
0xc5: {  	s24 =	sadd.s32 $0xEE20, s20;
	[sflag:s12] =	ssyncadd.s32 $0xFFFFEC00  }
0xc6: {  	[spmem:s2] =	stream.indirect.scatter.add.f32 [tilespmem:s22], [sflag:$0xA], $0x40, s24, s25, $0xb8;
	[tilespmem:$0x1C840] =	vst v63  }
0xc7: {  	_ =	swait.ge [sflag:s23], $0x1400  }
0xc8: {  	[sflag:s23] =	ssyncset.done $0x0  }
0xc9: {  	s26 =	sadd.s32 $0xA280, s19;
	[sflag:s23] =	ssyncadd.s32 $0xFFFFEC00  }
0xca: {  	[tilespmem:s0], [sflag:$0x4] =	stream.indirect.gather [hbm4b:s5+s25], $0x40, s26, s25, $0xb8;
	[tilespmem:$0x1C840] =	vst v63  }
0xcb: {  	v2 =	vld @p1 [tilespmem:s20+$0xEE20];
	_ =	sdelay $0x7  }
0xcc: {  	[tilespmem:v2+s4+$0x0] =	vst.idx.add.f32.msk @p1 $0xffff, v3  }
0xcd: {  	v2 =	vld @p1 [tilespmem:s20+$0xEE30];
	_ =	sdelay $0x7  }
0xce: {  	[tilespmem:v2+s4+$0x0] =	vst.idx.add.f32.msk @p1 $0xffff, v3  }
0xcf: {  	v2 =	vld @p1 [tilespmem:s20+$0xEE40];
	_ =	sdelay $0x7  }
0xd0: {  	[tilespmem:v2+s4+$0x0] =	vst.idx.add.f32.msk @p1 $0xffff, v3  }
0xd1: {  	v2 =	vld @p1 [tilespmem:s20+$0xEE50];
	_ =	sdelay $0x7  }
0xd2: {  	[tilespmem:v2+s4+$0x0] =	vst.idx.add.f32.msk @p1 $0xffff, v3  }
0xd3: {  	v2 =	vld @p1 [tilespmem:s20+$0xEE60];
	_ =	sdelay $0x7  }
0xd4: {  	[tilespmem:v2+s4+$0x0] =	vst.idx.add.f32.msk @p1 $0xffff, v3  }
0xd5: {  	_ =	swait.ge [sflag:s1], $0x1400  }
0xd6: {  	[sflag:s1] =	ssyncset.done $0x0  }
0xd7: {  	s14 =	sadd.s32 $0xEFB0, s19;
	[sflag:s1] =	ssyncadd.s32 $0xFFFFEC00  }
0xd8: {  	[spmem:s2] =	stream.indirect.scatter.add.f32 [tilespmem:s21], [sflag:$0x6], $0x40, s14, s25, $0xb8;
	[tilespmem:$0x1C840] =	vst v63  }
0xd9: {  	_ =	swait.ge [sflag:s13], $0x1400  }
0xda: {  	[sflag:s13] =	ssyncset.done $0x0  }
0xdb: {  	s20 =	sadd.s32 $0xA2D0, s19;
	p1 =	sgt.u32 s18, $0xB;
	[sflag:s13] =	ssyncadd.s32 $0xFFFFEC00  }
0xdc: {  	[tilespmem:s22], [sflag:$0x5] =	stream.indirect.gather [hbm4b:s5+s25], $0x40, s20, s25, $0xb8;
	[tilespmem:$0x1C840] =	vst v63  }
0xdd: {  	v3 =	vld @!p1 [tilespmem:s19+$0xEFB0];
	_ =	sdelay $0x6  }
0xde: {  	v2 =	vimm.f32 @!p1 $1.000000000e+00;
	s20 =	simm.s32 @!p1 $0x1A040  }
0xdf: {  	s24 =	sshra.s32 @!p1 s15, $0x2;
	[tilespmem:v3+s20+$0x0] =	vst.idx.add.f32.msk @!p1 $0xffff, v2  }
0xe0: {  	v3 =	vld @!p1 [tilespmem:s24+$0xEFC0];
	_ =	sdelay $0x7  }
0xe1: {  	[tilespmem:v3+s20+$0x0] =	vst.idx.add.f32.msk @!p1 $0xffff, v2  }
0xe2: {  	v3 =	vld @!p1 [tilespmem:s24+$0xEFD0];
	_ =	sdelay $0x7  }
0xe3: {  	[tilespmem:v3+s20+$0x0] =	vst.idx.add.f32.msk @!p1 $0xffff, v2  }
0xe4: {  	v3 =	vld @!p1 [tilespmem:s24+$0xEFE0];
	_ =	sdelay $0x7  }
0xe5: {  	[tilespmem:v3+s20+$0x0] =	vst.idx.add.f32.msk @!p1 $0xffff, v2  }
0xe6: {  	v3 =	vld @!p1 [tilespmem:s24+$0xEFF0];
	_ =	sdelay $0x7  }
0xe7: {  	[tilespmem:v3+s20+$0x0] =	vst.idx.add.f32.msk @!p1 $0xffff, v2  }
0xe8: {  	_ =	swait.ge [sflag:s7], $0x1400  }
0xe9: {  	[sflag:s7] =	ssyncset.done $0x0  }
0xea: {  	s22 =	sadd.s32 $0xF000, s19;
	[sflag:s7] =	ssyncadd.s32 $0xFFFFEC00  }
0xeb: {  	[spmem:s2] =	stream.indirect.scatter.add.f32 [tilespmem:s28], [sflag:$0x7], $0x40, s22, s25, $0xb8;
	[tilespmem:$0x1C840] =	vst v63  }
0xec: {  	_ =	swait.ge [sflag:s31], $0x1400  }
0xed: {  	p2 =	seq.s32 s15, $0x12C00;
	[sflag:s31] =	ssyncset.done $0x0  }
0xee: {  	s4 =	simm.s32 @p2 $0x3;
	[sflag:s31] =	ssyncadd.s32 $0xFFFFEC00  }
0xef: {  	_ =	swait.ge @p2 [sflag:s4], $0x1400  }
0xf0: {  	[sflag:s4] =	ssyncset.done @p2 $0x0  }
0xf1: {  	[sflag:s4] =	ssyncadd.s32 @p2 $0xFFFFEC00;
	s4 =	sshra.s32 @p2 s15, $0x2  }
0xf2: {  	s8 =	simm.s32 @p2 $0x50;
	s14 =	simm.s32 @p2 $0x16440;
	s4 =	sadd.s32 @p2 $0xF050, s4  }
0xf3: {  	[spmem:s2] =	stream.indirect.scatter.add.f32 @p2 [tilespmem:s14], [sflag:$0x8], $0x40, s4, s8, $0xb8;
	[tilespmem:$0x1C840] =	vst v63  }
0xf4: {  	s4 =	simm.s32 @p2 $0x7  }
0xf5: {  	_ =	swait.ge @p2 [sflag:s4], $0x1400  }
0xf6: {  	p3 =	sgt.u32 @!p2 s18, $0xB;
	[sflag:s4] =	ssyncset.done @p2 $0x0  }
0xf7: {  	p4 =	por !p3, p2;
	[sflag:s4] =	ssyncadd.s32 @p2 $0xFFFFEC00;
	s4 =	sshra.s32 @!p2 s15, $0x2  }
0xf8: {  	s8 =	simm.s32 @!p2 $0x50;
	s14 =	simm.s32 @!p2 $0x13C40;
	s4 =	sadd.s32 @!p2 $0xA320, s4  }
0xf9: {  	[tilespmem:s14], [sflag:$0x1] =	stream.indirect.gather @!p2 [hbm4b:s5+s8], $0x40, s4, s8, $0xb8;
	[tilespmem:$0x1C840] =	vst v63  }
0xfa: {  	s4 =	simm.s32 @!p4 $0x3  }
0xfb: {  	_ =	swait.ge @!p4 [sflag:s4], $0x1400  }
0xfc: {  	[sflag:s4] =	ssyncset.done @!p4 $0x0  }
0xfd: {  	[sflag:s4] =	ssyncadd.s32 @!p4 $0xFFFFEC00;
	s4 =	sshra.s32 @!p4 s15, $0x2  }
0xfe: {  	s22 =	simm.s32 @!p4 $0x16440;
	s14 =	simm.s32 @!p4 $0x50;
	s8 =	sadd.s32 @!p4 $0xF050, s4  }
0xff: {  	[spmem:s2] =	stream.indirect.scatter.add.f32 @!p4 [tilespmem:s22], [sflag:$0x8], $0x40, s8, s14, $0xb8;
	[tilespmem:$0x1C840] =	vst v63  }
0x100: {  	s8 =	simm.s32 @!p4 $0x7  }
0x101: {  	_ =	swait.ge @!p4 [sflag:s8], $0x1400  }
0x102: {  	p3 =	por p3, p2;
	[sflag:s8] =	ssyncset.done @!p4 $0x0  }
0x103: {  	s4 =	sadd.s32 @!p4 $0xA370, s4;
	[sflag:s8] =	ssyncadd.s32 @!p4 $0xFFFFEC00;
	s8 =	simm.s32 @!p4 $0x15040  }
0x104: {  	[tilespmem:s8], [sflag:$0x2] =	stream.indirect.gather @!p4 [hbm4b:s5+s14], $0x40, s4, s14, $0xb8;
	[tilespmem:$0x1C840] =	vst v63  }
0x105: {  	v3 =	vld @!p3 [tilespmem:s19+$0xF000];
	_ =	sdelay $0x6  }
0x106: {  	v4 =	vimm.f32 @!p3 $1.000000000e+00;
	s4 =	simm.s32 @!p3 $0x1A040  }
0x107: {  	s8 =	sshra.s32 @!p3 s15, $0x2;
	[tilespmem:v3+s4+$0x0] =	vst.idx.add.f32.msk @!p3 $0xffff, v4  }
0x108: {  	v3 =	vld @!p3 [tilespmem:s8+$0xF010];
	_ =	sdelay $0x7  }
0x109: {  	[tilespmem:v3+s4+$0x0] =	vst.idx.add.f32.msk @!p3 $0xffff, v4  }
0x10a: {  	v3 =	vld @!p3 [tilespmem:s8+$0xF020];
	_ =	sdelay $0x7  }
0x10b: {  	[tilespmem:v3+s4+$0x0] =	vst.idx.add.f32.msk @!p3 $0xffff, v4  }
0x10c: {  	v3 =	vld @!p3 [tilespmem:s8+$0xF030];
	_ =	sdelay $0x7  }
0x10d: {  	[tilespmem:v3+s4+$0x0] =	vst.idx.add.f32.msk @!p3 $0xffff, v4  }
0x10e: {  	v3 =	vld @!p3 [tilespmem:s8+$0xF040];
	_ =	sdelay $0x7  }
0x10f: {  	s14 =	simm.s32 @!p3 $0x3;
	[tilespmem:v3+s4+$0x0] =	vst.idx.add.f32.msk @!p3 $0xffff, v4  }
0x110: {  	_ =	swait.ge @!p3 [sflag:s14], $0x1400  }
0x111: {  	s26 =	simm.s32 @!p3 $0x16440;
	[sflag:s14] =	ssyncset.done @!p3 $0x0  }
0x112: {  	s22 =	simm.s32 @!p3 $0x50;
	[sflag:s14] =	ssyncadd.s32 @!p3 $0xFFFFEC00;
	s14 =	sadd.s32 @!p3 $0xF050, s8  }
0x113: {  	[spmem:s2] =	stream.indirect.scatter.add.f32 @!p3 [tilespmem:s26], [sflag:$0x8], $0x40, s14, s22, $0xb8;
	[tilespmem:$0x1C840] =	vst v63  }
0x114: {  	s14 =	simm.s32 @!p3 $0x7  }
0x115: {  	_ =	swait.ge @!p3 [sflag:s14], $0x1400  }
0x116: {  	[sflag:s14] =	ssyncset.done @!p3 $0x0  }
0x117: {  	s26 =	simm.s32 @!p3 $0x15040;
	[sflag:s14] =	ssyncadd.s32 @!p3 $0xFFFFEC00;
	s14 =	sadd.s32 @!p3 $0xA370, s8  }
0x118: {  	[tilespmem:s26], [sflag:$0x2] =	stream.indirect.gather @!p3 [hbm4b:s5+s22], $0x40, s14, s22, $0xb8;
	[tilespmem:$0x1C840] =	vst v63  }
0x119: {  	v3 =	vld @!p3 [tilespmem:s8+$0xF050];
	_ =	sdelay $0x7  }
0x11a: {  	[tilespmem:v3+s4+$0x0] =	vst.idx.add.f32.msk @!p3 $0xffff, v4  }
0x11b: {  	v3 =	vld @!p3 [tilespmem:s8+$0xF060];
	_ =	sdelay $0x7  }
0x11c: {  	[tilespmem:v3+s4+$0x0] =	vst.idx.add.f32.msk @!p3 $0xffff, v4  }
0x11d: {  	v3 =	vld @!p3 [tilespmem:s8+$0xF070];
	_ =	sdelay $0x7  }
0x11e: {  	[tilespmem:v3+s4+$0x0] =	vst.idx.add.f32.msk @!p3 $0xffff, v4  }
0x11f: {  	v3 =	vld @!p3 [tilespmem:s8+$0xF080];
	_ =	sdelay $0x7  }
0x120: {  	[tilespmem:v3+s4+$0x0] =	vst.idx.add.f32.msk @!p3 $0xffff, v4  }
0x121: {  	v3 =	vld @!p3 [tilespmem:s8+$0xF090];
	_ =	sdelay $0x7  }
0x122: {  	[tilespmem:v3+s4+$0x0] =	vst.idx.add.f32.msk @!p3 $0xffff, v4  }
0x123: {  	_ =	swait.ge [sflag:s10], $0x1400  }
0x124: {  	[sflag:s10] =	ssyncset.done $0x0  }
.Ltmp8:
0x125: {  	s26 =	sadd.s32 $0xF0A0, s19;
	[sflag:s10] =	ssyncadd.s32 $0xFFFFEC00;
	(pc) =	sbr.rel @p2 .LBB2_19-.Ltmp8, $4  }
0x126: {  	[spmem:s2] =	stream.indirect.scatter.add.f32 [tilespmem:s0], [sflag:$0x9], $0x40, s26, s25, $0xb8;
	[tilespmem:$0x1C840] =	vst v63  }
0x127: {  	_ =	swait.ge [sflag:s11], $0x1400  }
0x128: {  	[sflag:s11] =	ssyncset.done $0x0  }
0x129: {  	[sflag:s11] =	ssyncadd.s32 $0xFFFFEC00  }
0x12a: {  	s4 =	sadd.s32 $0xA3C0, s19  }
0x12b: {  	[tilespmem:s30], [sflag:$0x3] =	stream.indirect.gather [hbm4b:s5+s25], $0x40, s4, s25, $0xb8;
	[tilespmem:$0x1C840] =	vst v63  }
0x12c: {  	s4 =	simm.s32 @p1 $0x5  }
0x12d: {  	_ =	swait.ge @p1 [sflag:s4], $0x1400  }
0x12e: {  	[sflag:s4] =	ssyncset.done @p1 $0x0  }
0x12f: {  	[sflag:s4] =	ssyncadd.s32 @p1 $0xFFFFEC00;
	s4 =	sshra.s32 @p1 s15, $0x2  }
0x130: {  	s14 =	simm.s32 @p1 $0x50;
	s22 =	simm.s32 @p1 $0x18C40;
	s8 =	sadd.s32 @p1 $0xF0F0, s4  }
0x131: {  	[spmem:s2] =	stream.indirect.scatter.add.f32 @p1 [tilespmem:s22], [sflag:$0xA], $0x40, s8, s14, $0xb8;
	[tilespmem:$0x1C840] =	vst v63  }
0x132: {  	s8 =	simm.s32 @p1 $0x9  }
0x133: {  	_ =	swait.ge @p1 [sflag:s8], $0x1400  }
0x134: {  	[sflag:s8] =	ssyncset.done @p1 $0x0  }
0x135: {  	s4 =	sadd.s32 @p1 $0xA410, s4;
	[sflag:s8] =	ssyncadd.s32 @p1 $0xFFFFEC00;
	s8 =	simm.s32 @p1 $0x17840  }
0x136: {  	[tilespmem:s8], [sflag:$0x4] =	stream.indirect.gather @p1 [hbm4b:s5+s14], $0x40, s4, s14, $0xb8;
	[tilespmem:$0x1C840] =	vst v63  }
0x137: {  	v3 =	vld @!p1 [tilespmem:s19+$0xF0A0];
	_ =	sdelay $0x7  }
0x138: {  	[tilespmem:v3+s20+$0x0] =	vst.idx.add.f32.msk @!p1 $0xffff, v2  }
0x139: {  	v3 =	vld @!p1 [tilespmem:s24+$0xF0B0];
	_ =	sdelay $0x7  }
0x13a: {  	[tilespmem:v3+s20+$0x0] =	vst.idx.add.f32.msk @!p1 $0xffff, v2  }
0x13b: {  	v3 =	vld @!p1 [tilespmem:s24+$0xF0C0];
	_ =	sdelay $0x7  }
0x13c: {  	[tilespmem:v3+s20+$0x0] =	vst.idx.add.f32.msk @!p1 $0xffff, v2  }
0x13d: {  	v3 =	vld @!p1 [tilespmem:s24+$0xF0D0];
	_ =	sdelay $0x7  }
0x13e: {  	[tilespmem:v3+s20+$0x0] =	vst.idx.add.f32.msk @!p1 $0xffff, v2  }
0x13f: {  	v3 =	vld @!p1 [tilespmem:s24+$0xF0E0];
	_ =	sdelay $0x7  }
0x140: {  	s4 =	simm.s32 @!p1 $0x5;
	[tilespmem:v3+s20+$0x0] =	vst.idx.add.f32.msk @!p1 $0xffff, v2  }
0x141: {  	_ =	swait.ge @!p1 [sflag:s4], $0x1400  }
0x142: {  	s8 =	simm.s32 @!p1 $0x50;
	[sflag:s4] =	ssyncset.done @!p1 $0x0  }
0x143: {  	s14 =	simm.s32 @!p1 $0x18C40;
	[sflag:s4] =	ssyncadd.s32 @!p1 $0xFFFFEC00;
	s4 =	sadd.s32 @!p1 $0xF0F0, s24  }
0x144: {  	[spmem:s2] =	stream.indirect.scatter.add.f32 @!p1 [tilespmem:s14], [sflag:$0xA], $0x40, s4, s8, $0xb8;
	[tilespmem:$0x1C840] =	vst v63  }
0x145: {  	s4 =	simm.s32 @!p1 $0x9  }
0x146: {  	_ =	swait.ge @!p1 [sflag:s4], $0x1400  }
0x147: {  	[sflag:s4] =	ssyncset.done @!p1 $0x0  }
0x148: {  	s14 =	simm.s32 @!p1 $0x17840;
	[sflag:s4] =	ssyncadd.s32 @!p1 $0xFFFFEC00;
	s4 =	sadd.s32 @!p1 $0xA410, s24  }
0x149: {  	[tilespmem:s14], [sflag:$0x4] =	stream.indirect.gather @!p1 [hbm4b:s5+s8], $0x40, s4, s8, $0xb8;
	[tilespmem:$0x1C840] =	vst v63  }
0x14a: {  	v3 =	vld @!p1 [tilespmem:s24+$0xF0F0];
	_ =	sdelay $0x7  }
0x14b: {  	[tilespmem:v3+s20+$0x0] =	vst.idx.add.f32.msk @!p1 $0xffff, v2  }
0x14c: {  	v3 =	vld @!p1 [tilespmem:s24+$0xF100];
	_ =	sdelay $0x7  }
0x14d: {  	[tilespmem:v3+s20+$0x0] =	vst.idx.add.f32.msk @!p1 $0xffff, v2  }
0x14e: {  	v3 =	vld @!p1 [tilespmem:s24+$0xF110];
	_ =	sdelay $0x7  }
0x14f: {  	[tilespmem:v3+s20+$0x0] =	vst.idx.add.f32.msk @!p1 $0xffff, v2  }
0x150: {  	v3 =	vld @!p1 [tilespmem:s24+$0xF120];
	_ =	sdelay $0x7  }
0x151: {  	[tilespmem:v3+s20+$0x0] =	vst.idx.add.f32.msk @!p1 $0xffff, v2  }
0x152: {  	v3 =	vld @!p1 [tilespmem:s24+$0xF130];
	_ =	sdelay $0x6  }
0x153: {  	s15 =	sadd.s32 $0xC80, s15  }
0x154: {  	[tilespmem:v3+s20+$0x0] =	vst.idx.add.f32.msk @!p1 $0xffff, v2;
	p1 =	seq.s32 s15, $0x13880  }
.Ltmp9:
0x155: {  	_ = 	snop;
	(pc) =	sbr.rel @!p1 .LBB2_7-.Ltmp9, $3  }
0x156: {  	_ =	sdelay $0x1  }
0x157: {  	s18 =	sadd.s32 $0x1, s18  }
0x158: {  	s16 =	sadd.s32 $0xA, s16;
	s17 =	sadd.s32 $0x320, s17;
	s22 =	simm.s32 $0x18C40  }
.Ltmp10:
0x159: {  	(pc) =	sbr.rel .LBB2_17-.Ltmp10, $3  }
0x15a: {  	_ =	sdelay $0x1  }
0x15b: {  	s15 =	rddreg [dreg:$0x1]  }
0x15c: {  	s16 =	rddreg [dreg:$0x12]  }
.LBB2_14:
0x15d: {  	[tilespmem:s21], [sflag:$0x1] =	stream.indirect.gather [hbm4b:s6+s25], $0x40, s8, s25, $0xb8;
	[tilespmem:$0x1C840] =	vst v63  }
0x15e: {  	s4 =	simm.s32 $0xA050  }
0x15f: {  	[tilespmem:s28], [sflag:$0x2] =	stream.indirect.gather [hbm4b:s6+s25], $0x40, s4, s25, $0xb8;
	[tilespmem:$0x1C840] =	vst v63  }
0x160: {  	s24 =	simm.s32 $0xA0A0;
	s26 =	simm.s32 $0xA0F0  }
0x161: {  	[tilespmem:s30], [sflag:$0x3] =	stream.indirect.gather [hbm4b:s6+s25], $0x40, s24, s25, $0xb8;
	[tilespmem:$0x1C840] =	vst v63  }
0x162: {  	s15 =	simm.s32 $0x0;
	s16 =	simm.s32 $0xFFFFFF83;
	s17 =	simm.s32 $0x140  }
0x163: {  	[tilespmem:s0], [sflag:$0x4] =	stream.indirect.gather [hbm4b:s6+s25], $0x40, s26, s25, $0xb8;
	[tilespmem:$0x1C840] =	vst v63  }
.LBB2_15:
0x164: {  	_ =	swait.ge [sflag:s1], $0x1400  }
0x165: {  	s18 =	sshra.s32 s15, $0x2;
	[sflag:s1] =	ssyncset.done $0x0  }
0x166: {  	p1 =	sne.s32 s15, $0x0;
	s4 =	sadd.s32 $0xEE20, s18;
	[sflag:s1] =	ssyncadd.s32 $0xFFFFEC00  }
0x167: {  	[spmem:s2] =	stream.indirect.scatter.add.f32 [tilespmem:s21], [sflag:$0x6], $0x40, s4, s25, $0xb8;
	[tilespmem:$0x1C840] =	vst v63  }
0x168: {  	s4 =	simm.s32 @p1 $0xA  }
0x169: {  	_ =	swait.ge @p1 [sflag:s4], $0x1400  }
0x16a: {  	s8 =	simm.s32 @p1 $0x50;
	[sflag:s4] =	ssyncset.done @p1 $0x0  }
0x16b: {  	p2 =	sgt.u32 @p1 s16, $0x7C;
	[sflag:s4] =	ssyncadd.s32 @p1 $0xFFFFEC00;
	s4 =	sshra.s32 @p1 s15, $0x2  }
0x16c: {  	s14 =	simm.s32 @p1 $0x18C40;
	p2 =	por p2, !p1;
	s4 =	sadd.s32 @p1 $0xA140, s4  }
0x16d: {  	[tilespmem:s14], [sflag:$0x5] =	stream.indirect.gather @p1 [hbm4b:s6+s8], $0x40, s4, s8, $0xb8;
	[tilespmem:$0x1C840] =	vst v63  }
0x16e: {  	s4 =	sshra.s32 @!p2 s15, $0x2  }
0x16f: {  	v2 =	vld @!p2 [tilespmem:s4+$0xEE20];
	_ =	sdelay $0x6  }
0x170: {  	v3 =	vimm.f32 @!p2 $1.000000000e+00;
	s8 =	simm.s32 @!p2 $0x1A040  }
0x171: {  	[tilespmem:v2+s8+$0x0] =	vst.idx.add.f32.msk @!p2 $0xffff, v3  }
0x172: {  	v2 =	vld @!p2 [tilespmem:s4+$0xEE30];
	_ =	sdelay $0x7  }
0x173: {  	[tilespmem:v2+s8+$0x0] =	vst.idx.add.f32.msk @!p2 $0xffff, v3  }
0x174: {  	v2 =	vld @!p2 [tilespmem:s4+$0xEE40];
	_ =	sdelay $0x7  }
0x175: {  	[tilespmem:v2+s8+$0x0] =	vst.idx.add.f32.msk @!p2 $0xffff, v3  }
0x176: {  	v2 =	vld @!p2 [tilespmem:s4+$0xEE50];
	_ =	sdelay $0x7  }
0x177: {  	[tilespmem:v2+s8+$0x0] =	vst.idx.add.f32.msk @!p2 $0xffff, v3  }
0x178: {  	v2 =	vld @!p2 [tilespmem:s4+$0xEE60];
	_ =	sdelay $0x7  }
0x179: {  	s14 =	simm.s32 @!p1 $0x18C40;
	s4 =	simm.s32 @!p1 $0x50;
	[tilespmem:v2+s8+$0x0] =	vst.idx.add.f32.msk @!p2 $0xffff, v3;
	s8 =	simm.s32 @!p1 $0xA140  }
0x17a: {  	[tilespmem:s14], [sflag:$0x5] =	stream.indirect.gather @!p1 [hbm4b:s6+s4], $0x40, s8, s4, $0xb8;
	[tilespmem:$0x1C840] =	vst v63  }
0x17b: {  	_ =	swait.ge [sflag:s7], $0x1400  }
0x17c: {  	[sflag:s7] =	ssyncset.done $0x0  }
0x17d: {  	s19 =	sadd.s32 $0xEE70, s18;
	[sflag:s7] =	ssyncadd.s32 $0xFFFFEC00  }
0x17e: {  	[spmem:s2] =	stream.indirect.scatter.add.f32 [tilespmem:s28], [sflag:$0x7], $0x40, s19, s25, $0xb8;
	[tilespmem:$0x1C840] =	vst v63  }
0x17f: {  	_ =	swait.ge [sflag:s31], $0x1400  }
0x180: {  	s24 =	sadd.s32 $0x1, s16;
	[sflag:s31] =	ssyncset.done $0x0  }
0x181: {  	s20 =	sadd.s32 $0xA190, s18;
	p2 =	sgt.u32 s24, $0x7C;
	[sflag:s31] =	ssyncadd.s32 $0xFFFFEC00  }
0x182: {  	[tilespmem:s21], [sflag:$0x1] =	stream.indirect.gather [hbm4b:s6+s25], $0x40, s20, s25, $0xb8;
	[tilespmem:$0x1C840] =	vst v63  }
0x183: {  	v2 =	vld @!p2 [tilespmem:s18+$0xEE70];
	_ =	sdelay $0x6  }
0x184: {  	v3 =	vimm.f32 @!p2 $1.000000000e+00;
	s4 =	simm.s32 @!p2 $0x1A040  }
0x185: {  	s8 =	sshra.s32 @!p2 s15, $0x2;
	[tilespmem:v2+s4+$0x0] =	vst.idx.add.f32.msk @!p2 $0xffff, v3  }
0x186: {  	v2 =	vld @!p2 [tilespmem:s8+$0xEE80];
	_ =	sdelay $0x7  }
0x187: {  	[tilespmem:v2+s4+$0x0] =	vst.idx.add.f32.msk @!p2 $0xffff, v3  }
0x188: {  	v2 =	vld @!p2 [tilespmem:s8+$0xEE90];
	_ =	sdelay $0x7  }
0x189: {  	[tilespmem:v2+s4+$0x0] =	vst.idx.add.f32.msk @!p2 $0xffff, v3  }
0x18a: {  	v2 =	vld @!p2 [tilespmem:s8+$0xEEA0];
	_ =	sdelay $0x7  }
0x18b: {  	[tilespmem:v2+s4+$0x0] =	vst.idx.add.f32.msk @!p2 $0xffff, v3  }
0x18c: {  	v2 =	vld @!p2 [tilespmem:s8+$0xEEB0];
	_ =	sdelay $0x7  }
0x18d: {  	[tilespmem:v2+s4+$0x0] =	vst.idx.add.f32.msk @!p2 $0xffff, v3  }
0x18e: {  	_ =	swait.ge [sflag:s3], $0x1400  }
0x18f: {  	[sflag:s3] =	ssyncset.done $0x0  }
0x190: {  	s26 =	sadd.s32 $0xEEC0, s18;
	[sflag:s3] =	ssyncadd.s32 $0xFFFFEC00  }
0x191: {  	[spmem:s2] =	stream.indirect.scatter.add.f32 [tilespmem:s30], [sflag:$0x8], $0x40, s26, s25, $0xb8;
	[tilespmem:$0x1C840] =	vst v63  }
0x192: {  	_ =	swait.ge [sflag:s9], $0x1400  }
0x193: {  	s14 =	sadd.s32 $0x2, s16;
	[sflag:s9] =	ssyncset.done $0x0  }
0x194: {  	s8 =	sadd.s32 $0xA1E0, s18;
	p2 =	sgt.u32 s14, $0x7C;
	[sflag:s9] =	ssyncadd.s32 $0xFFFFEC00  }
0x195: {  	[tilespmem:s28], [sflag:$0x2] =	stream.indirect.gather [hbm4b:s6+s25], $0x40, s8, s25, $0xb8;
	[tilespmem:$0x1C840] =	vst v63  }
0x196: {  	v2 =	vld @!p2 [tilespmem:s18+$0xEEC0];
	_ =	sdelay $0x6  }
0x197: {  	v3 =	vimm.f32 @!p2 $1.000000000e+00;
	s4 =	simm.s32 @!p2 $0x1A040  }
0x198: {  	s8 =	sshra.s32 @!p2 s15, $0x2;
	[tilespmem:v2+s4+$0x0] =	vst.idx.add.f32.msk @!p2 $0xffff, v3  }
0x199: {  	v2 =	vld @!p2 [tilespmem:s8+$0xEED0];
	_ =	sdelay $0x7  }
0x19a: {  	[tilespmem:v2+s4+$0x0] =	vst.idx.add.f32.msk @!p2 $0xffff, v3  }
0x19b: {  	v2 =	vld @!p2 [tilespmem:s8+$0xEEE0];
	_ =	sdelay $0x7  }
0x19c: {  	[tilespmem:v2+s4+$0x0] =	vst.idx.add.f32.msk @!p2 $0xffff, v3  }
0x19d: {  	v2 =	vld @!p2 [tilespmem:s8+$0xEEF0];
	_ =	sdelay $0x7  }
0x19e: {  	[tilespmem:v2+s4+$0x0] =	vst.idx.add.f32.msk @!p2 $0xffff, v3  }
0x19f: {  	v2 =	vld @!p2 [tilespmem:s8+$0xEF00];
	_ =	sdelay $0x7  }
0x1a0: {  	[tilespmem:v2+s4+$0x0] =	vst.idx.add.f32.msk @!p2 $0xffff, v3  }
0x1a1: {  	_ =	swait.ge [sflag:s10], $0x1400  }
0x1a2: {  	[sflag:s10] =	ssyncset.done $0x0  }
0x1a3: {  	s19 =	sadd.s32 $0xEF10, s18;
	[sflag:s10] =	ssyncadd.s32 $0xFFFFEC00  }
0x1a4: {  	[spmem:s2] =	stream.indirect.scatter.add.f32 [tilespmem:s0], [sflag:$0x9], $0x40, s19, s25, $0xb8;
	[tilespmem:$0x1C840] =	vst v63  }
0x1a5: {  	_ =	swait.ge [sflag:s11], $0x1400  }
0x1a6: {  	s24 =	sadd.s32 $0x3, s16;
	[sflag:s11] =	ssyncset.done $0x0  }
0x1a7: {  	s20 =	sadd.s32 $0xA230, s18;
	p2 =	sgt.u32 s24, $0x7C;
	[sflag:s11] =	ssyncadd.s32 $0xFFFFEC00  }
0x1a8: {  	[tilespmem:s30], [sflag:$0x3] =	stream.indirect.gather [hbm4b:s6+s25], $0x40, s20, s25, $0xb8;
	[tilespmem:$0x1C840] =	vst v63  }
0x1a9: {  	v2 =	vld @!p2 [tilespmem:s18+$0xEF10];
	_ =	sdelay $0x6  }
0x1aa: {  	v3 =	vimm.f32 @!p2 $1.000000000e+00;
	s4 =	simm.s32 @!p2 $0x1A040  }
0x1ab: {  	s8 =	sshra.s32 @!p2 s15, $0x2;
	[tilespmem:v2+s4+$0x0] =	vst.idx.add.f32.msk @!p2 $0xffff, v3  }
0x1ac: {  	v2 =	vld @!p2 [tilespmem:s8+$0xEF20];
	_ =	sdelay $0x7  }
0x1ad: {  	[tilespmem:v2+s4+$0x0] =	vst.idx.add.f32.msk @!p2 $0xffff, v3  }
0x1ae: {  	v2 =	vld @!p2 [tilespmem:s8+$0xEF30];
	_ =	sdelay $0x7  }
0x1af: {  	[tilespmem:v2+s4+$0x0] =	vst.idx.add.f32.msk @!p2 $0xffff, v3  }
0x1b0: {  	v2 =	vld @!p2 [tilespmem:s8+$0xEF40];
	_ =	sdelay $0x7  }
0x1b1: {  	[tilespmem:v2+s4+$0x0] =	vst.idx.add.f32.msk @!p2 $0xffff, v3  }
0x1b2: {  	v2 =	vld @!p2 [tilespmem:s8+$0xEF50];
	_ =	sdelay $0x7  }
0x1b3: {  	[tilespmem:v2+s4+$0x0] =	vst.idx.add.f32.msk @!p2 $0xffff, v3  }
0x1b4: {  	s4 =	smov.u32 s17;
	_ =	swait.ge [sflag:s12], $0x1400  }
0x1b5: {  	s4 =	simm.s32 @!p1 $0x140;
	[sflag:s12] =	ssyncset.done $0x0  }
0x1b6: {  	s26 =	sadd.s32 $0xEE20, s4;
	[sflag:s12] =	ssyncadd.s32 $0xFFFFEC00  }
0x1b7: {  	[spmem:s2] =	stream.indirect.scatter.add.f32 [tilespmem:s22], [sflag:$0xA], $0x40, s26, s25, $0xb8;
	[tilespmem:$0x1C840] =	vst v63  }
0x1b8: {  	_ =	swait.ge [sflag:s23], $0x1400  }
0x1b9: {  	s19 =	sadd.s32 $0x4, s16;
	[sflag:s23] =	ssyncset.done $0x0  }
0x1ba: {  	s14 =	sadd.s32 $0xA280, s18;
	p1 =	sgt.u32 s19, $0x7C;
	[sflag:s23] =	ssyncadd.s32 $0xFFFFEC00  }
0x1bb: {  	[tilespmem:s0], [sflag:$0x4] =	stream.indirect.gather [hbm4b:s6+s25], $0x40, s14, s25, $0xb8;
	[tilespmem:$0x1C840] =	vst v63  }
0x1bc: {  	v2 =	vld @!p1 [tilespmem:s4+$0xEE20];
	_ =	sdelay $0x6  }
0x1bd: {  	v3 =	vimm.f32 @!p1 $1.000000000e+00;
	s8 =	simm.s32 @!p1 $0x1A040  }
0x1be: {  	[tilespmem:v2+s8+$0x0] =	vst.idx.add.f32.msk @!p1 $0xffff, v3  }
0x1bf: {  	v2 =	vld @!p1 [tilespmem:s4+$0xEE30];
	_ =	sdelay $0x7  }
0x1c0: {  	[tilespmem:v2+s8+$0x0] =	vst.idx.add.f32.msk @!p1 $0xffff, v3  }
0x1c1: {  	v2 =	vld @!p1 [tilespmem:s4+$0xEE40];
	_ =	sdelay $0x7  }
0x1c2: {  	[tilespmem:v2+s8+$0x0] =	vst.idx.add.f32.msk @!p1 $0xffff, v3  }
0x1c3: {  	v2 =	vld @!p1 [tilespmem:s4+$0xEE50];
	_ =	sdelay $0x7  }
0x1c4: {  	[tilespmem:v2+s8+$0x0] =	vst.idx.add.f32.msk @!p1 $0xffff, v3  }
0x1c5: {  	v2 =	vld @!p1 [tilespmem:s4+$0xEE60];
	_ =	sdelay $0x7  }
0x1c6: {  	[tilespmem:v2+s8+$0x0] =	vst.idx.add.f32.msk @!p1 $0xffff, v3  }
0x1c7: {  	_ =	swait.ge [sflag:s1], $0x1400  }
0x1c8: {  	[sflag:s1] =	ssyncset.done $0x0  }
0x1c9: {  	s20 =	sadd.s32 $0xEFB0, s18;
	[sflag:s1] =	ssyncadd.s32 $0xFFFFEC00  }
0x1ca: {  	[spmem:s2] =	stream.indirect.scatter.add.f32 [tilespmem:s21], [sflag:$0x6], $0x40, s20, s25, $0xb8;
	[tilespmem:$0x1C840] =	vst v63  }
0x1cb: {  	_ =	swait.ge [sflag:s13], $0x1400  }
0x1cc: {  	s26 =	sadd.s32 $0x5, s16;
	[sflag:s13] =	ssyncset.done $0x0  }
0x1cd: {  	s24 =	sadd.s32 $0xA2D0, s18;
	p1 =	sgt.u32 s26, $0x7C;
	[sflag:s13] =	ssyncadd.s32 $0xFFFFEC00  }
0x1ce: {  	[tilespmem:s22], [sflag:$0x5] =	stream.indirect.gather [hbm4b:s6+s25], $0x40, s24, s25, $0xb8;
	[tilespmem:$0x1C840] =	vst v63  }
0x1cf: {  	v2 =	vld @!p1 [tilespmem:s18+$0xEFB0];
	_ =	sdelay $0x6  }
0x1d0: {  	v3 =	vimm.f32 @!p1 $1.000000000e+00;
	s4 =	simm.s32 @!p1 $0x1A040  }
0x1d1: {  	s8 =	sshra.s32 @!p1 s15, $0x2;
	[tilespmem:v2+s4+$0x0] =	vst.idx.add.f32.msk @!p1 $0xffff, v3  }
0x1d2: {  	v2 =	vld @!p1 [tilespmem:s8+$0xEFC0];
	_ =	sdelay $0x7  }
0x1d3: {  	[tilespmem:v2+s4+$0x0] =	vst.idx.add.f32.msk @!p1 $0xffff, v3  }
0x1d4: {  	v2 =	vld @!p1 [tilespmem:s8+$0xEFD0];
	_ =	sdelay $0x7  }
0x1d5: {  	[tilespmem:v2+s4+$0x0] =	vst.idx.add.f32.msk @!p1 $0xffff, v3  }
0x1d6: {  	v2 =	vld @!p1 [tilespmem:s8+$0xEFE0];
	_ =	sdelay $0x7  }
0x1d7: {  	[tilespmem:v2+s4+$0x0] =	vst.idx.add.f32.msk @!p1 $0xffff, v3  }
0x1d8: {  	v2 =	vld @!p1 [tilespmem:s8+$0xEFF0];
	_ =	sdelay $0x7  }
0x1d9: {  	[tilespmem:v2+s4+$0x0] =	vst.idx.add.f32.msk @!p1 $0xffff, v3  }
0x1da: {  	_ =	swait.ge [sflag:s7], $0x1400  }
0x1db: {  	[sflag:s7] =	ssyncset.done $0x0  }
0x1dc: {  	s8 =	sadd.s32 $0xF000, s18;
	[sflag:s7] =	ssyncadd.s32 $0xFFFFEC00  }
0x1dd: {  	[spmem:s2] =	stream.indirect.scatter.add.f32 [tilespmem:s28], [sflag:$0x7], $0x40, s8, s25, $0xb8;
	[tilespmem:$0x1C840] =	vst v63  }
0x1de: {  	p1 =	seq.s32 s15, $0x12C00;
	_ =	swait.ge [sflag:s31], $0x1400  }
0x1df: {  	s19 =	sshra.s32 @!p1 s15, $0x2;
	s20 =	simm.s32 @!p1 $0x50;
	[sflag:s31] =	ssyncset.done $0x0  }
0x1e0: {  	s4 =	sadd.s32 @!p1 $0xA320, s19;
	s8 =	simm.s32 @!p1 $0x13C40;
	[sflag:s31] =	ssyncadd.s32 $0xFFFFEC00  }
0x1e1: {  	[tilespmem:s8], [sflag:$0x1] =	stream.indirect.gather @!p1 [hbm4b:s6+s20], $0x40, s4, s20, $0xb8;
	[tilespmem:$0x1C840] =	vst v63  }
0x1e2: {  	s4 =	sadd.s32 @!p1 $0x6, s16  }
0x1e3: {  	p2 =	sgt.u32 @!p1 s4, $0x7C  }
0x1e4: {  	p2 =	por p1, !p2  }
0x1e5: {  	v2 =	vld @p2 [tilespmem:s18+$0xF000];
	_ =	sdelay $0x7  }
0x1e6: {  	[tilespmem:v2+s29+$0x0] =	vst.idx.add.f32.msk @p2 $0xffff, v1  }
0x1e7: {  	v2 =	vld @p2 [tilespmem:s18+$0xF010];
	_ =	sdelay $0x7  }
0x1e8: {  	[tilespmem:v2+s29+$0x0] =	vst.idx.add.f32.msk @p2 $0xffff, v1  }
0x1e9: {  	v2 =	vld @p2 [tilespmem:s18+$0xF020];
	_ =	sdelay $0x7  }
0x1ea: {  	[tilespmem:v2+s29+$0x0] =	vst.idx.add.f32.msk @p2 $0xffff, v1  }
0x1eb: {  	v2 =	vld @p2 [tilespmem:s18+$0xF030];
	_ =	sdelay $0x7  }
0x1ec: {  	[tilespmem:v2+s29+$0x0] =	vst.idx.add.f32.msk @p2 $0xffff, v1  }
0x1ed: {  	v2 =	vld @p2 [tilespmem:s18+$0xF040];
	_ =	sdelay $0x7  }
0x1ee: {  	[tilespmem:v2+s29+$0x0] =	vst.idx.add.f32.msk @p2 $0xffff, v1  }
0x1ef: {  	_ =	swait.ge [sflag:s3], $0x1400  }
0x1f0: {  	[sflag:s3] =	ssyncset.done $0x0  }
0x1f1: {  	s14 =	sadd.s32 $0xF050, s18;
	[sflag:s3] =	ssyncadd.s32 $0xFFFFEC00  }
0x1f2: {  	[spmem:s2] =	stream.indirect.scatter.add.f32 [tilespmem:s30], [sflag:$0x8], $0x40, s14, s25, $0xb8;
	[tilespmem:$0x1C840] =	vst v63  }
0x1f3: {  	_ =	swait.ge [sflag:s9], $0x1400  }
0x1f4: {  	[sflag:s9] =	ssyncset.done $0x0  }
0x1f5: {  	s8 =	simm.s32 @!p1 $0x15040;
	s4 =	sadd.s32 @!p1 $0xA370, s19;
	[sflag:s9] =	ssyncadd.s32 $0xFFFFEC00  }
0x1f6: {  	[tilespmem:s8], [sflag:$0x2] =	stream.indirect.gather @!p1 [hbm4b:s6+s20], $0x40, s4, s20, $0xb8;
	[tilespmem:$0x1C840] =	vst v63  }
0x1f7: {  	s4 =	sadd.s32 @!p1 $0x7, s16  }
0x1f8: {  	p2 =	sgt.u32 @!p1 s4, $0x7C  }
0x1f9: {  	p2 =	por p1, !p2  }
0x1fa: {  	v2 =	vld @p2 [tilespmem:s18+$0xF050];
	_ =	sdelay $0x7  }
0x1fb: {  	[tilespmem:v2+s29+$0x0] =	vst.idx.add.f32.msk @p2 $0xffff, v1  }
0x1fc: {  	v2 =	vld @p2 [tilespmem:s18+$0xF060];
	_ =	sdelay $0x7  }
0x1fd: {  	[tilespmem:v2+s29+$0x0] =	vst.idx.add.f32.msk @p2 $0xffff, v1  }
0x1fe: {  	v2 =	vld @p2 [tilespmem:s18+$0xF070];
	_ =	sdelay $0x7  }
0x1ff: {  	[tilespmem:v2+s29+$0x0] =	vst.idx.add.f32.msk @p2 $0xffff, v1  }
0x200: {  	v2 =	vld @p2 [tilespmem:s18+$0xF080];
	_ =	sdelay $0x7  }
0x201: {  	[tilespmem:v2+s29+$0x0] =	vst.idx.add.f32.msk @p2 $0xffff, v1  }
0x202: {  	v2 =	vld @p2 [tilespmem:s18+$0xF090];
	_ =	sdelay $0x7  }
0x203: {  	[tilespmem:v2+s29+$0x0] =	vst.idx.add.f32.msk @p2 $0xffff, v1  }
0x204: {  	_ =	swait.ge [sflag:s10], $0x1400  }
0x205: {  	[sflag:s10] =	ssyncset.done $0x0  }
0x206: {  	s24 =	sadd.s32 $0xF0A0, s18;
	[sflag:s10] =	ssyncadd.s32 $0xFFFFEC00  }
0x207: {  	[spmem:s2] =	stream.indirect.scatter.add.f32 [tilespmem:s0], [sflag:$0x9], $0x40, s24, s25, $0xb8;
	[tilespmem:$0x1C840] =	vst v63  }
0x208: {  	_ =	swait.ge [sflag:s11], $0x1400  }
0x209: {  	s20 =	simm.s32 @!p1 $0x50;
	[sflag:s11] =	ssyncset.done $0x0  }
0x20a: {  	s8 =	simm.s32 @!p1 $0x16440;
	s4 =	sadd.s32 @!p1 $0xA3C0, s19;
	[sflag:s11] =	ssyncadd.s32 $0xFFFFEC00  }
0x20b: {  	[tilespmem:s8], [sflag:$0x3] =	stream.indirect.gather @!p1 [hbm4b:s6+s20], $0x40, s4, s20, $0xb8;
	[tilespmem:$0x1C840] =	vst v63  }
0x20c: {  	s4 =	sadd.s32 @!p1 $0x8, s16  }
0x20d: {  	p2 =	sgt.u32 @!p1 s4, $0x7C  }
0x20e: {  	p2 =	por p1, !p2  }
0x20f: {  	v2 =	vld @p2 [tilespmem:s18+$0xF0A0];
	_ =	sdelay $0x7  }
0x210: {  	[tilespmem:v2+s29+$0x0] =	vst.idx.add.f32.msk @p2 $0xffff, v1  }
0x211: {  	v2 =	vld @p2 [tilespmem:s18+$0xF0B0];
	_ =	sdelay $0x7  }
0x212: {  	[tilespmem:v2+s29+$0x0] =	vst.idx.add.f32.msk @p2 $0xffff, v1  }
0x213: {  	v2 =	vld @p2 [tilespmem:s18+$0xF0C0];
	_ =	sdelay $0x7  }
0x214: {  	[tilespmem:v2+s29+$0x0] =	vst.idx.add.f32.msk @p2 $0xffff, v1  }
0x215: {  	v2 =	vld @p2 [tilespmem:s18+$0xF0D0];
	_ =	sdelay $0x7  }
0x216: {  	[tilespmem:v2+s29+$0x0] =	vst.idx.add.f32.msk @p2 $0xffff, v1  }
0x217: {  	v2 =	vld @p2 [tilespmem:s18+$0xF0E0];
	_ =	sdelay $0x7  }
0x218: {  	[tilespmem:v2+s29+$0x0] =	vst.idx.add.f32.msk @p2 $0xffff, v1  }
0x219: {  	_ =	swait.ge [sflag:s12], $0x1400  }
0x21a: {  	[sflag:s12] =	ssyncset.done $0x0  }
0x21b: {  	s26 =	sadd.s32 $0xF0F0, s18;
	[sflag:s12] =	ssyncadd.s32 $0xFFFFEC00  }
0x21c: {  	[spmem:s2] =	stream.indirect.scatter.add.f32 [tilespmem:s22], [sflag:$0xA], $0x40, s26, s25, $0xb8;
	[tilespmem:$0x1C840] =	vst v63  }
0x21d: {  	_ =	swait.ge [sflag:s23], $0x1400  }
0x21e: {  	[sflag:s23] =	ssyncset.done $0x0  }
0x21f: {  	s8 =	simm.s32 @!p1 $0x17840;
	s4 =	sadd.s32 @!p1 $0xA410, s19;
	[sflag:s23] =	ssyncadd.s32 $0xFFFFEC00  }
0x220: {  	[tilespmem:s8], [sflag:$0x4] =	stream.indirect.gather @!p1 [hbm4b:s6+s20], $0x40, s4, s20, $0xb8;
	[tilespmem:$0x1C840] =	vst v63  }
0x221: {  	s4 =	sadd.s32 @!p1 $0x9, s16  }
0x222: {  	p2 =	sgt.u32 @!p1 s4, $0x7C  }
0x223: {  	p1 =	por p1, !p2  }
0x224: {  	v2 =	vld @p1 [tilespmem:s18+$0xF0F0];
	_ =	sdelay $0x7  }
0x225: {  	[tilespmem:v2+s29+$0x0] =	vst.idx.add.f32.msk @p1 $0xffff, v1  }
0x226: {  	v2 =	vld @p1 [tilespmem:s18+$0xF100];
	_ =	sdelay $0x7  }
0x227: {  	[tilespmem:v2+s29+$0x0] =	vst.idx.add.f32.msk @p1 $0xffff, v1  }
0x228: {  	v2 =	vld @p1 [tilespmem:s18+$0xF110];
	_ =	sdelay $0x7  }
0x229: {  	[tilespmem:v2+s29+$0x0] =	vst.idx.add.f32.msk @p1 $0xffff, v1  }
0x22a: {  	v2 =	vld @p1 [tilespmem:s18+$0xF120];
	_ =	sdelay $0x7  }
0x22b: {  	[tilespmem:v2+s29+$0x0] =	vst.idx.add.f32.msk @p1 $0xffff, v1  }
0x22c: {  	v2 =	vld @p1 [tilespmem:s18+$0xF130];
	_ =	sdelay $0x6  }
0x22d: {  	s15 =	sadd.s32 $0xC80, s15  }
0x22e: {  	[tilespmem:v2+s29+$0x0] =	vst.idx.add.f32.msk @p1 $0xffff, v1;
	p1 =	sne.s32 s15, $0x13880  }
.Ltmp11:
0x22f: {  	_ = 	snop;
	(pc) =	sbr.rel @p1 .LBB2_15-.Ltmp11, $2  }
0x230: {  	_ =	sdelay $0x2  }
0x231: {  	s17 =	sadd.s32 $0x320, s17;
	s16 =	sadd.s32 $0xA, s16  }
.Ltmp12:
0x232: {  	(pc) =	sbr.rel .LBB2_17-.Ltmp12, $3  }
0x233: {  	_ =	sdelay $0x1  }
0x234: {  	s15 =	rddreg [dreg:$0x4]  }
0x235: {  	s16 =	rddreg [dreg:$0x12]  }
.LBB2_18:
0x236: {  	_ =	sfence.sel $0x180000  }
0x237: {  	[bflag:$0x0] =	sbarrier.arrive $0xFFFF  }
0x238: {  	_ =	strace $0x90000047  }
0x239: {  	s0 =	stileid.u32;
	[bflag:$0x2] =	sbarrier.arrive $0xFFFF  }
0x23a: {  	p0 =	sne.s32 s0, $0x0;
	s0 =	rddreg [dreg:$0x3]  }
0x23b: {  	s0 =	sadd.s32 @!p0 $0x100000, s0  }
0x23c: {  	[sflag:s0] =	ssyncadd.tile.s32 @!p0 $0x1;
	_ =	shalt  }
.Lfunc_end2:
_tile_overlayer_lowered:
.L_overlay_start_2:
0x23d: {  	(tag) =	ssettag $0x2  }
0x23e: {  	s0 =	rddreg [dreg:$0x0];
	s2 =	stileid.u32  }
0x23f: {  	s1 =	rddreg [dreg:$0x1];
	p0 =	sne.s32 s2, $0x0  }
0x240: {  	s3 =	rddreg [dreg:$0x2];
	[bflag:$0x3] =	sbarrier.arrive $0xFFFF;
	s2 =	simm.s32 @!p0 $0x1C0B  }
0x241: {  	[timem:s3], [sflag:s2] =	dma.local @!p0 [hbm:s0], s1  }
0x242: {  	s0 =	simm.s32 @!p0 $0xB  }
0x243: {  	_ =	swait.ge @!p0 [sflag:s0], s1  }
0x244: {  	s1 =	ssub.s32 @!p0 $0x0, s1;
	[sflag:s0] =	ssyncset.done @!p0 $0x0  }
0x245: {  	[sflag:s0] =	ssyncadd.s32 @!p0 s1  }
0x246: {  	[bflag:$0x3] =	sbarrier.arrive $0xFFFF  }
0x247: {  	_ =	shalt  }

</sc_bundles>
